<compile_context>
chip_gen: v7x
topology: tpu7x:2x2x1
jax: 0.10.2.dev20260603
libtpu: 0.0.44.dev20260713+nightly
codegen_flags: <defaults>
</compile_context>

<pallas_src>
import functools

import jax
import jax.numpy as jnp
from jax import lax
from jax.experimental import pallas as pl
from jax.experimental.pallas import tpu as pltpu, tpu_sc as plsc

H = 192
NA = 5
YW = NA * H
YWP = 1024
NC, NS, L = 2, 16, 16
NW = NC * NS
NCHUNK = H // L



def _prep_body(u_ref, w1_ref, b1p_ref, rmask_ref, w2_ref, b2_ref, out_ref):
    a5 = jnp.dot(u_ref[...], w1_ref[...],
                 preferred_element_type=jnp.float32) + b1p_ref[...]
    m = jnp.dot(a5.astype(jnp.bfloat16), w2_ref[...].astype(jnp.bfloat16),
                preferred_element_type=jnp.float32)
    out_ref[...] = m + rmask_ref[...] * b2_ref[...]


def _prep_layer(upad, w1, b1pad, rowmask, w2, b2row):
    nb = 4
    bc = (H * H) // nb
    return pl.pallas_call(
        _prep_body,
        grid=(nb,),
        in_specs=[
            pl.BlockSpec((8, H), lambda j: (0, 0)),
            pl.BlockSpec((H, H), lambda j: (0, 0)),
            pl.BlockSpec((8, H), lambda j: (0, 0)),
            pl.BlockSpec((8, 1), lambda j: (0, 0)),
            pl.BlockSpec((H, bc), lambda j: (0, j)),
            pl.BlockSpec((1, bc), lambda j: (0, j)),
        ],
        out_specs=pl.BlockSpec((8, bc), lambda j: (0, j)),
        out_shape=jax.ShapeDtypeStruct((8, H * H), jnp.float32),
    )(upad, w1, b1pad, rowmask, w2, b2row)



def _edge_sc(ycat, srcv, easpl, E):
    b_per_w = E // NW
    mesh = plsc.VectorSubcoreMesh(core_axis_name="c", subcore_axis_name="s")

    @functools.partial(
        pl.kernel, mesh=mesh,
        compiler_params=pltpu.CompilerParams(use_tc_tiling_on_sc=False),
        out_type=jax.ShapeDtypeStruct((E, H), jnp.float32),
        scratch_types=[
            pltpu.VMEM((b_per_w,), jnp.int32),
            pltpu.VMEM((b_per_w, NA * L), jnp.float32),
            pltpu.VMEM((b_per_w, YWP), jnp.float32),
            pltpu.VMEM((b_per_w, H), jnp.float32),
            pltpu.SemaphoreType.DMA,
        ],
    )
    def k(ycat_hbm, src_hbm, ea_hbm, out_hbm,
          src_v, eas_v, rows_v, msg_v, sem):
        cid = lax.axis_index("c")
        sid = lax.axis_index("s")
        wid = sid * NC + cid
        base = wid * b_per_w

        pltpu.sync_copy(src_hbm.at[pl.ds(base, b_per_w)], src_v)
        gather = pltpu.async_copy(ycat_hbm.at[src_v], rows_v, sem)
        pltpu.sync_copy(ea_hbm.at[pl.ds(base, b_per_w)], eas_v)
        gather.wait()

        def body(e, _):
            c0 = eas_v[e, pl.ds(0, L)]
            c1 = eas_v[e, pl.ds(L, L)]
            c2 = eas_v[e, pl.ds(2 * L, L)]
            c3 = eas_v[e, pl.ds(3 * L, L)]
            c4 = eas_v[e, pl.ds(4 * L, L)]
            for c in range(NCHUNK):
                o = c * L
                acc = (c0 * rows_v[e, pl.ds(o, L)] +
                       c1 * rows_v[e, pl.ds(H + o, L)] +
                       c2 * rows_v[e, pl.ds(2 * H + o, L)] +
                       c3 * rows_v[e, pl.ds(3 * H + o, L)] +
                       c4 * rows_v[e, pl.ds(4 * H + o, L)])
                msg_v[e, pl.ds(o, L)] = acc
            return 0

        lax.fori_loop(0, b_per_w, body, 0)
        pltpu.sync_copy(msg_v, out_hbm.at[pl.ds(base, b_per_w)])

    return k(ycat, srcv, easpl)



def _cheb_body(x_ref, src_ref, dst_ref, ea5_ref, chebw_ref, chebb_ref,
               m3_ref, root_ref, bias_ref, ycat_ref, base_ref, easpl_ref):
    E = src_ref.shape[0]
    N = x_ref.shape[0]
    f32 = jnp.float32
    col = lax.broadcasted_iota(jnp.int32, (E, N), 1)
    G = (src_ref[...] == col).astype(f32)
    S = (dst_ref[...] == col).astype(f32)

    deg = jnp.sum(G, axis=0).reshape(N, 1)
    dis = jnp.where(deg > 0, lax.rsqrt(jnp.maximum(deg, 1e-12)), 0.0)
    norm = -(jnp.dot(G, dis, preferred_element_type=f32) *
             jnp.dot(S, dis, preferred_element_type=f32))

    bf16 = jnp.bfloat16
    Gb = G.astype(bf16)
    Sb = S.astype(bf16)

    def lhat(y):
        t = norm * jnp.dot(Gb, y.astype(bf16), preferred_element_type=f32)
        return lax.dot_general(Sb, t.astype(bf16), (((0,), (0,)), ((), ())),
                               preferred_element_type=f32)

    tx0 = x_ref[...]
    tx1 = lhat(tx0)
    tx2 = 2.0 * lhat(tx1) - tx0
    tx3 = 2.0 * lhat(tx2) - tx1
    tx4 = 2.0 * lhat(tx3) - tx2
    txcat = jnp.concatenate([tx0, tx1, tx2, tx3, tx4], axis=1)
    xc = jnp.dot(txcat, chebw_ref[...],
                 preferred_element_type=f32) + chebb_ref[...]

    ycat_ref[...] = jnp.dot(xc, m3_ref[...], preferred_element_type=f32)
    base_ref[...] = jnp.dot(xc, root_ref[...],
                            preferred_element_type=f32) + bias_ref[...]
    ea5 = ea5_ref[...]
    easpl_ref[...] = jnp.concatenate(
        [jnp.broadcast_to(ea5[:, a:a + 1], (E, L)) for a in range(NA)],
        axis=1)


def _mid_body(base_ref, msg_ref, dst_ref, gamma_ref, beta_ref, m3_ref,
              root_ref, bias_ref, ycat_ref, baseo_ref):
    f32 = jnp.float32
    E = msg_ref.shape[0]
    N = base_ref.shape[0]
    col = lax.broadcasted_iota(jnp.int32, (E, N), 1)
    S = (dst_ref[...] == col).astype(f32)
    agg = lax.dot_general(S.astype(jnp.bfloat16),
                          msg_ref[...].astype(jnp.bfloat16),
                          (((0,), (0,)), ((), ())),
                          preferred_element_type=f32)
    xl = base_ref[...] + agg
    mu = jnp.mean(xl, axis=1, keepdims=True)
    var = jnp.mean((xl - mu) ** 2, axis=1, keepdims=True)
    h = jnp.maximum((xl - mu) * lax.rsqrt(var + 1e-5) * gamma_ref[...]
                    + beta_ref[...], 0.0)
    ycat_ref[...] = jnp.dot(h, m3_ref[...], preferred_element_type=f32)
    baseo_ref[...] = xl + jnp.dot(h, root_ref[...],
                                  preferred_element_type=f32) + bias_ref[...]


def _final_body(base_ref, msg_ref, dst_ref, gamma_ref, beta_ref, linw_ref,
                linb_ref, out_ref):
    f32 = jnp.float32
    E = msg_ref.shape[0]
    N = base_ref.shape[0]
    col = lax.broadcasted_iota(jnp.int32, (E, N), 1)
    S = (dst_ref[...] == col).astype(f32)
    agg = lax.dot_general(S.astype(jnp.bfloat16),
                          msg_ref[...].astype(jnp.bfloat16),
                          (((0,), (0,)), ((), ())),
                          preferred_element_type=f32)
    xl = base_ref[...] + agg
    mu = jnp.mean(xl, axis=1, keepdims=True)
    var = jnp.mean((xl - mu) ** 2, axis=1, keepdims=True)
    h = jnp.maximum((xl - mu) * lax.rsqrt(var + 1e-5) * gamma_ref[...]
                    + beta_ref[...], 0.0)
    out_ref[...] = jnp.dot(h, linw_ref[...],
                           preferred_element_type=f32) + linb_ref[...]


def kernel(x, edge_index, edge_attr, batch, params):
    N = x.shape[0]
    E = edge_index.shape[1]
    layers = params['layers']
    f32 = jnp.float32

    upad = jnp.zeros((8, H), f32)
    upad = upad.at[0:4, :].set(params['enc_W'])
    upad = upad.at[4, :].set(params['enc_b'])
    rowmask = jnp.zeros((8, 1), f32).at[4, 0].set(1.0)

    def mk_m3(l):
        b1pad = jnp.zeros((8, H), f32).at[4, :].set(l['nn_b1'])
        m = _prep_layer(upad, l['nn_W1'], b1pad, rowmask,
                        l['nn_W2'], l['nn_b2'].reshape(1, H * H))
        mt = jnp.transpose(m[:NA].reshape(NA, H, H), (1, 0, 2)).reshape(H, YW)
        return jnp.concatenate([mt, jnp.zeros((H, YWP - YW), f32)], axis=1)

    src = edge_index[0].astype(jnp.int32)
    dst2d = edge_index[1].astype(jnp.int32).reshape(E, 1)
    ea5 = jnp.concatenate([edge_attr, jnp.ones((E, 1), f32)], axis=1)
    chebw = params['cheb_W'].reshape(NA * 4, H)
    chebb = params['cheb_b'].reshape(1, H)

    l0 = layers[0]
    ycat, base, easpl = pl.pallas_call(
        _cheb_body,
        out_shape=[jax.ShapeDtypeStruct((N, YWP), f32),
                   jax.ShapeDtypeStruct((N, H), f32),
                   jax.ShapeDtypeStruct((E, NA * L), f32)],
    )(x, src.reshape(E, 1), dst2d, ea5, chebw, chebb, mk_m3(l0),
      l0['root'], l0['bias'].reshape(1, H))

    for l in (1, 2, 3):
        msg = _edge_sc(ycat, src, easpl, E)
        ll = layers[l]
        ycat, base = pl.pallas_call(
            _mid_body,
            out_shape=[jax.ShapeDtypeStruct((N, YWP), f32),
                       jax.ShapeDtypeStruct((N, H), f32)],
        )(base, msg, dst2d, ll['gamma'].reshape(1, H),
          ll['beta'].reshape(1, H), mk_m3(ll), ll['root'],
          ll['bias'].reshape(1, H))

    msg = _edge_sc(ycat, src, easpl, E)
    return pl.pallas_call(
        _final_body,
        out_shape=jax.ShapeDtypeStruct((N, 2), f32),
    )(base, msg, dst2d, l0['gamma'].reshape(1, H), l0['beta'].reshape(1, H),
      params['lin_W'], params['lin_b'].reshape(1, 2))

# --- scband reference (transcript-rebuilt; emitter-appended) ---
"""Pipeline reference for scband-gnn-81913616269585 (READ-ONLY COPY).

The authoritative reference and input builder live on the scoring server;
editing this copy changes nothing except your own understanding.
"""

import jax, jax.numpy as jnp
import numpy as np

H = 192


def _layernorm(x, g, b, eps=1e-5):
    mu = jnp.mean(x, axis=-1, keepdims=True)
    var = jnp.mean((x - mu) ** 2, axis=-1, keepdims=True)
    return (x - mu) / jnp.sqrt(var + eps) * g + b


def _cheb(x, src, dst, Ws, b, N):
    # ChebConv(4, 192, K=5), normalization='sym', lambda_max=2.0
    ew = jnp.ones(src.shape[0], x.dtype)
    deg = jax.ops.segment_sum(ew, src, num_segments=N)
    dis = jnp.where(deg > 0, 1.0 / jnp.sqrt(jnp.maximum(deg, 1e-12)), 0.0)
    # scaled Laplacian off-diagonals: 2/lambda_max * (-D^-1/2 A D^-1/2); diag nets to 0
    norm = -(dis[src] * dis[dst])

    def lhat(y):
        return jax.ops.segment_sum(norm[:, None] * y[src], dst, num_segments=N)

    Tx0 = x
    out = Tx0 @ Ws[0]
    Tx1 = lhat(Tx0)
    out = out + Tx1 @ Ws[1]
    for k in range(2, 5):
        Tx2 = 2.0 * lhat(Tx1) - Tx0
        out = out + Tx2 @ Ws[k]
        Tx0, Tx1 = Tx1, Tx2
    return out + b


def _nnconv(x, src, dst, ea, p, N):
    # MapE2NxN: linear1 -> dropout(eval: identity) -> linear2 (NO relu in forward)
    h = ea @ p['nn_W1'] + p['nn_b1']
    We = (h @ p['nn_W2'] + p['nn_b2']).reshape(-1, H, H)
    msg = jnp.einsum('ei,eio->eo', x[src], We)
    agg = jax.ops.segment_sum(msg, dst, num_segments=N)
    return agg + x @ p['root'] + p['bias']


def _forward(x, edge_index, edge_attr, params):
    src, dst = edge_index[0], edge_index[1]
    N = x.shape[0]
    x = _cheb(x, src, dst, params['cheb_W'], params['cheb_b'], N)
    ea = edge_attr @ params['enc_W'] + params['enc_b']
    layers = params['layers']
    # layers[0].conv called directly (no norm/act)
    x = _nnconv(x, src, dst, ea, layers[0], N)
    # layers[1:] full DeepGCNLayer res+: x + conv(dropout(act(norm(x))))
    for l in layers[1:]:
        h = jax.nn.relu(_layernorm(x, l['gamma'], l['beta']))
        x = x + _nnconv(h, src, dst, ea, l, N)
    l0 = layers[0]
    x = jax.nn.relu(_layernorm(x, l0['gamma'], l0['beta']))
    # F.dropout deterministic (eval) -> identity
    return x @ params['lin_W'] + params['lin_b']


def setup_inputs(seed: int = 0):
    key = jax.random.key(seed)
    ks = iter(jax.random.split(key, 64))

    def nrm(shape, s=0.05):
        return jax.random.normal(next(ks), shape, jnp.float32) * s

    N, E = 1024, 1024
    x = jax.random.normal(next(ks), (N, 4), jnp.float32)
    edge_index = jax.random.randint(next(ks), (2, E), 0, N, dtype=jnp.int32)
    edge_attr = jax.random.normal(next(ks), (E, 4), jnp.float32)
    batch = jnp.zeros((N,), jnp.int32)
    layers = []
    for i in range(4):
        layers.append({
            'nn_W1': nrm((H, H)),
            'nn_b1': jnp.zeros((H,), jnp.float32),
            'nn_W2': nrm((H, H * H), 0.01),
            'nn_b2': jnp.zeros((H * H,), jnp.float32),
            'root': nrm((H, H)),
            'bias': jnp.zeros((H,), jnp.float32),
            'gamma': jnp.ones((H,), jnp.float32),
            'beta': jnp.zeros((H,), jnp.float32),
        })
    params = {
        'cheb_W': nrm((5, 4, H)),
        'cheb_b': jnp.zeros((H,), jnp.float32),
        'enc_W': nrm((4, H)),
        'enc_b': jnp.zeros((H,), jnp.float32),
        'layers': layers,
        'lin_W': nrm((H, 2)),
        'lin_b': jnp.zeros((2,), jnp.float32),
    }
    return {'x': x, 'edge_index': edge_index, 'edge_attr': edge_attr, 'batch': batch, 'params': params}


def reference(x, edge_index, edge_attr, batch, params):
    return _forward(x, edge_index, edge_attr, params)

if __name__ == "__main__":
    import jax
    _d = setup_inputs()
    print(jax.jit(kernel)(*tuple(_d.values())))

</pallas_src>

<mosaic_0001>
#map = affine_map<(d0, d1) -> (0, 0)>
#map1 = affine_map<(d0, d1) -> (0)>
module attributes {stable_mosaic.version = 14 : i64} {
  func.func @k(%arg0: i32, %arg1: i32, %arg2: memref<1024x1024xf32, #tpu.memory_space<hbm>>, %arg3: memref<1024xi32, #tpu.memory_space<hbm>>, %arg4: memref<1024x80xf32, #tpu.memory_space<hbm>>, %arg5: memref<1024x192xf32, #tpu.memory_space<hbm>>, %arg6: memref<32xi32, #tpu.memory_space<vmem>>, %arg7: memref<32x80xf32, #tpu.memory_space<vmem>>, %arg8: memref<32x1024xf32, #tpu.memory_space<vmem>>, %arg9: memref<32x192xf32, #tpu.memory_space<vmem>>, %arg10: memref<!tpu.dma_semaphore, #tpu.memory_space<semaphore_mem>>) attributes {dimension_semantics = [#tpu.dimension_semantics<core_parallel>, #tpu.dimension_semantics<subcore_parallel>], iteration_bounds = array<i64: 2, 16>, scalar_prefetch = 0 : i64, scratch_operands = 5 : i64, tpu.core_type = #tpu.core_type<sc_vector_subcore>, window_params = [{transform_indices = #map}, {transform_indices = #map1}, {transform_indices = #map}, {transform_indices = #map}]} {
    %mul3A = arith.constant 2 : i32
    %mul3A_0 = arith.muli %arg1, %mul3A : i32
    %add3A = arith.addi %mul3A_0, %arg0 : i32
    %mul3A_1 = arith.constant 32 : i32
    %mul3A_2 = arith.muli %add3A, %mul3A_1 : i32
    "tpu.region"() ({
      %run_scoped3A = tpu.sem_alloc : memref<!tpu.dma_semaphore, #tpu.memory_space<semaphore_mem>>
      %dma_start3A_13 = tpu.memref_slice %arg3[%mul3A_2] : memref<1024xi32, #tpu.memory_space<hbm>> -> memref<32xi32, #tpu.memory_space<hbm>>
      %dma_start3A_14 = tpu.memref_slice %arg3[%mul3A_2] : memref<1024xi32, #tpu.memory_space<hbm>> -> memref<32xi32, #tpu.memory_space<hbm>>
      tpu.enqueue_dma source(%dma_start3A_14 : memref<32xi32, #tpu.memory_space<hbm>>) target(%arg6 : memref<32xi32, #tpu.memory_space<vmem>>) target_semaphore(%run_scoped3A : memref<!tpu.dma_semaphore, #tpu.memory_space<semaphore_mem>>)
      %dma_wait3A_15 = tpu.memref_slice %arg3[%mul3A_2] : memref<1024xi32, #tpu.memory_space<hbm>> -> memref<32xi32, #tpu.memory_space<hbm>>
      %dma_wait3A_16 = tpu.memref_slice %arg3[%mul3A_2] : memref<1024xi32, #tpu.memory_space<hbm>> -> memref<32xi32, #tpu.memory_space<hbm>>
      tpu.wait_dma2 semaphore(%run_scoped3A : memref<!tpu.dma_semaphore, #tpu.memory_space<semaphore_mem>>) src(%dma_wait3A_16 : memref<32xi32, #tpu.memory_space<hbm>>) dst(%arg6 : memref<32xi32, #tpu.memory_space<vmem>>)
      tpu.yield
    }) : () -> ()
    %dma_start3A = arith.constant 0 : i32
    %dma_start3A_3 = arith.constant 0 : i32
    %dma_start3A_4 = tpu.memref_slice %arg2[%dma_start3A, %dma_start3A_3] : memref<1024x1024xf32, #tpu.memory_space<hbm>> -> memref<1024x1024xf32, #tpu.memory_space<hbm>>
    tpu.enqueue_indirect_dma source(%dma_start3A_4 : memref<1024x1024xf32, #tpu.memory_space<hbm>>) target(%arg8 : memref<32x1024xf32, #tpu.memory_space<vmem>>) offsets(%arg6 : memref<32xi32, #tpu.memory_space<vmem>>) semaphore(%arg10 : memref<!tpu.dma_semaphore, #tpu.memory_space<semaphore_mem>>)
    "tpu.region"() ({
      %run_scoped3A = tpu.sem_alloc : memref<!tpu.dma_semaphore, #tpu.memory_space<semaphore_mem>>
      %dma_start3A_13 = arith.constant 0 : i32
      %dma_start3A_14 = tpu.memref_slice %arg4[%mul3A_2, %dma_start3A_13] : memref<1024x80xf32, #tpu.memory_space<hbm>> -> memref<32x80xf32, #tpu.memory_space<hbm>>
      %dma_start3A_15 = arith.constant 0 : i32
      %dma_start3A_16 = tpu.memref_slice %arg4[%mul3A_2, %dma_start3A_15] : memref<1024x80xf32, #tpu.memory_space<hbm>> -> memref<32x80xf32, #tpu.memory_space<hbm>>
      tpu.enqueue_dma source(%dma_start3A_16 : memref<32x80xf32, #tpu.memory_space<hbm>>) target(%arg7 : memref<32x80xf32, #tpu.memory_space<vmem>>) target_semaphore(%run_scoped3A : memref<!tpu.dma_semaphore, #tpu.memory_space<semaphore_mem>>)
      %dma_wait3A_17 = arith.constant 0 : i32
      %dma_wait3A_18 = tpu.memref_slice %arg4[%mul3A_2, %dma_wait3A_17] : memref<1024x80xf32, #tpu.memory_space<hbm>> -> memref<32x80xf32, #tpu.memory_space<hbm>>
      %dma_wait3A_19 = arith.constant 0 : i32
      %dma_wait3A_20 = tpu.memref_slice %arg4[%mul3A_2, %dma_wait3A_19] : memref<1024x80xf32, #tpu.memory_space<hbm>> -> memref<32x80xf32, #tpu.memory_space<hbm>>
      tpu.wait_dma2 semaphore(%run_scoped3A : memref<!tpu.dma_semaphore, #tpu.memory_space<semaphore_mem>>) src(%dma_wait3A_20 : memref<32x80xf32, #tpu.memory_space<hbm>>) dst(%arg7 : memref<32x80xf32, #tpu.memory_space<vmem>>)
      tpu.yield
    }) : () -> ()
    %dma_wait3A = arith.constant 0 : i32
    %dma_wait3A_5 = arith.constant 0 : i32
    %dma_wait3A_6 = tpu.memref_slice %arg2[%dma_wait3A, %dma_wait3A_5] : memref<1024x1024xf32, #tpu.memory_space<hbm>> -> memref<1024x1024xf32, #tpu.memory_space<hbm>>
    tpu.wait_indirect_dma semaphore(%arg10 : memref<!tpu.dma_semaphore, #tpu.memory_space<semaphore_mem>>) src(%dma_wait3A_6 : memref<1024x1024xf32, #tpu.memory_space<hbm>>) dst(%arg8 : memref<32x1024xf32, #tpu.memory_space<vmem>>)
    %scan3A = arith.constant 0 : i32
    %scan3A_7 = arith.constant 0 : i32
    %scan3A_8 = arith.constant 32 : i32
    %scan3A_9 = arith.addi %scan3A_7, %scan3A_8 : i32
    %scan3A_10 = arith.constant 1 : i32
    %scan3A_11 = scf.for %scan3A_13 = %scan3A_7 to %scan3A_9 step %scan3A_10 iter_args(%scan3A_14 = %scan3A) -> (i32)  : i32 {
      %get3A = arith.index_cast %scan3A_13 : i32 to index
      %get3A_15 = arith.constant 0 : index
      %get3A_16 = tpu.vector_load %arg7[%get3A, %get3A_15] {strides = array<i32>} : memref<32x80xf32, #tpu.memory_space<vmem>>, vector<1x16xf32>,
      %get3A_17 = vector.shape_cast %get3A_16 : vector<1x16xf32> to vector<16xf32>
      %get3A_18 = arith.index_cast %scan3A_13 : i32 to index
      %get3A_19 = arith.constant 16 : index
      %get3A_20 = tpu.vector_load %arg7[%get3A_18, %get3A_19] {strides = array<i32>} : memref<32x80xf32, #tpu.memory_space<vmem>>, vector<1x16xf32>,
      %get3A_21 = vector.shape_cast %get3A_20 : vector<1x16xf32> to vector<16xf32>
      %get3A_22 = arith.index_cast %scan3A_13 : i32 to index
      %get3A_23 = arith.constant 32 : index
      %get3A_24 = tpu.vector_load %arg7[%get3A_22, %get3A_23] {strides = array<i32>} : memref<32x80xf32, #tpu.memory_space<vmem>>, vector<1x16xf32>,
      %get3A_25 = vector.shape_cast %get3A_24 : vector<1x16xf32> to vector<16xf32>
      %get3A_26 = arith.index_cast %scan3A_13 : i32 to index
      %get3A_27 = arith.constant 48 : index
      %get3A_28 = tpu.vector_load %arg7[%get3A_26, %get3A_27] {strides = array<i32>} : memref<32x80xf32, #tpu.memory_space<vmem>>, vector<1x16xf32>,
      %get3A_29 = vector.shape_cast %get3A_28 : vector<1x16xf32> to vector<16xf32>
      %get3A_30 = arith.index_cast %scan3A_13 : i32 to index
      %get3A_31 = arith.constant 64 : index
      %get3A_32 = tpu.vector_load %arg7[%get3A_30, %get3A_31] {strides = array<i32>} : memref<32x80xf32, #tpu.memory_space<vmem>>, vector<1x16xf32>,
      %get3A_33 = vector.shape_cast %get3A_32 : vector<1x16xf32> to vector<16xf32>
      %get3A_34 = arith.index_cast %scan3A_13 : i32 to index
      %get3A_35 = arith.constant 0 : index
      %get3A_36 = tpu.vector_load %arg8[%get3A_34, %get3A_35] {strides = array<i32>} : memref<32x1024xf32, #tpu.memory_space<vmem>>, vector<1x16xf32>,
      %get3A_37 = vector.shape_cast %get3A_36 : vector<1x16xf32> to vector<16xf32>
      %mul3A_38 = arith.mulf %get3A_17, %get3A_37 : vector<16xf32>
      %get3A_39 = arith.index_cast %scan3A_13 : i32 to index
      %get3A_40 = arith.constant 192 : index
      %get3A_41 = tpu.vector_load %arg8[%get3A_39, %get3A_40] {strides = array<i32>} : memref<32x1024xf32, #tpu.memory_space<vmem>>, vector<1x16xf32>,
      %get3A_42 = vector.shape_cast %get3A_41 : vector<1x16xf32> to vector<16xf32>
      %mul3A_43 = arith.mulf %get3A_21, %get3A_42 : vector<16xf32>
      %add3A_44 = arith.addf %mul3A_38, %mul3A_43 : vector<16xf32>
      %get3A_45 = arith.index_cast %scan3A_13 : i32 to index
      %get3A_46 = arith.constant 384 : index
      %get3A_47 = tpu.vector_load %arg8[%get3A_45, %get3A_46] {strides = array<i32>} : memref<32x1024xf32, #tpu.memory_space<vmem>>, vector<1x16xf32>,
      %get3A_48 = vector.shape_cast %get3A_47 : vector<1x16xf32> to vector<16xf32>
      %mul3A_49 = arith.mulf %get3A_25, %get3A_48 : vector<16xf32>
      %add3A_50 = arith.addf %add3A_44, %mul3A_49 : vector<16xf32>
      %get3A_51 = arith.index_cast %scan3A_13 : i32 to index
      %get3A_52 = arith.constant 576 : index
      %get3A_53 = tpu.vector_load %arg8[%get3A_51, %get3A_52] {strides = array<i32>} : memref<32x1024xf32, #tpu.memory_space<vmem>>, vector<1x16xf32>,
      %get3A_54 = vector.shape_cast %get3A_53 : vector<1x16xf32> to vector<16xf32>
      %mul3A_55 = arith.mulf %get3A_29, %get3A_54 : vector<16xf32>
      %add3A_56 = arith.addf %add3A_50, %mul3A_55 : vector<16xf32>
      %get3A_57 = arith.index_cast %scan3A_13 : i32 to index
      %get3A_58 = arith.constant 768 : index
      %get3A_59 = tpu.vector_load %arg8[%get3A_57, %get3A_58] {strides = array<i32>} : memref<32x1024xf32, #tpu.memory_space<vmem>>, vector<1x16xf32>,
      %get3A_60 = vector.shape_cast %get3A_59 : vector<1x16xf32> to vector<16xf32>
      %mul3A_61 = arith.mulf %get3A_33, %get3A_60 : vector<16xf32>
      %add3A_62 = arith.addf %add3A_56, %mul3A_61 : vector<16xf32>
      %swap3A = arith.index_cast %scan3A_13 : i32 to index
      %swap3A_63 = arith.constant 0 : index
      %swap3A_64 = tpu.vector_load %arg9[%swap3A, %swap3A_63] {strides = array<i32>} : memref<32x192xf32, #tpu.memory_space<vmem>>, vector<1x16xf32>,
      %swap3A_65 = vector.shape_cast %swap3A_64 : vector<1x16xf32> to vector<16xf32>
      %swap3A_66 = vector.shape_cast %add3A_62 : vector<16xf32> to vector<1x16xf32>
      tpu.vector_store %arg9[%swap3A, %swap3A_63], %swap3A_66 {strides = array<i32>} : memref<32x192xf32, #tpu.memory_space<vmem>>, vector<1x16xf32>,
      %get3A_67 = arith.index_cast %scan3A_13 : i32 to index
      %get3A_68 = arith.constant 16 : index
      %get3A_69 = tpu.vector_load %arg8[%get3A_67, %get3A_68] {strides = array<i32>} : memref<32x1024xf32, #tpu.memory_space<vmem>>, vector<1x16xf32>,
      %get3A_70 = vector.shape_cast %get3A_69 : vector<1x16xf32> to vector<16xf32>
      %mul3A_71 = arith.mulf %get3A_17, %get3A_70 : vector<16xf32>
      %get3A_72 = arith.index_cast %scan3A_13 : i32 to index
      %get3A_73 = arith.constant 208 : index
      %get3A_74 = tpu.vector_load %arg8[%get3A_72, %get3A_73] {strides = array<i32>} : memref<32x1024xf32, #tpu.memory_space<vmem>>, vector<1x16xf32>,
      %get3A_75 = vector.shape_cast %get3A_74 : vector<1x16xf32> to vector<16xf32>
      %mul3A_76 = arith.mulf %get3A_21, %get3A_75 : vector<16xf32>
      %add3A_77 = arith.addf %mul3A_71, %mul3A_76 : vector<16xf32>
      %get3A_78 = arith.index_cast %scan3A_13 : i32 to index
      %get3A_79 = arith.constant 400 : index
      %get3A_80 = tpu.vector_load %arg8[%get3A_78, %get3A_79] {strides = array<i32>} : memref<32x1024xf32, #tpu.memory_space<vmem>>, vector<1x16xf32>,
      %get3A_81 = vector.shape_cast %get3A_80 : vector<1x16xf32> to vector<16xf32>
      %mul3A_82 = arith.mulf %get3A_25, %get3A_81 : vector<16xf32>
      %add3A_83 = arith.addf %add3A_77, %mul3A_82 : vector<16xf32>
      %get3A_84 = arith.index_cast %scan3A_13 : i32 to index
      %get3A_85 = arith.constant 592 : index
      %get3A_86 = tpu.vector_load %arg8[%get3A_84, %get3A_85] {strides = array<i32>} : memref<32x1024xf32, #tpu.memory_space<vmem>>, vector<1x16xf32>,
      %get3A_87 = vector.shape_cast %get3A_86 : vector<1x16xf32> to vector<16xf32>
      %mul3A_88 = arith.mulf %get3A_29, %get3A_87 : vector<16xf32>
      %add3A_89 = arith.addf %add3A_83, %mul3A_88 : vector<16xf32>
      %get3A_90 = arith.index_cast %scan3A_13 : i32 to index
      %get3A_91 = arith.constant 784 : index
      %get3A_92 = tpu.vector_load %arg8[%get3A_90, %get3A_91] {strides = array<i32>} : memref<32x1024xf32, #tpu.memory_space<vmem>>, vector<1x16xf32>,
      %get3A_93 = vector.shape_cast %get3A_92 : vector<1x16xf32> to vector<16xf32>
      %mul3A_94 = arith.mulf %get3A_33, %get3A_93 : vector<16xf32>
      %add3A_95 = arith.addf %add3A_89, %mul3A_94 : vector<16xf32>
      %swap3A_96 = arith.index_cast %scan3A_13 : i32 to index
      %swap3A_97 = arith.constant 16 : index
      %swap3A_98 = tpu.vector_load %arg9[%swap3A_96, %swap3A_97] {strides = array<i32>} : memref<32x192xf32, #tpu.memory_space<vmem>>, vector<1x16xf32>,
      %swap3A_99 = vector.shape_cast %swap3A_98 : vector<1x16xf32> to vector<16xf32>
      %swap3A_100 = vector.shape_cast %add3A_95 : vector<16xf32> to vector<1x16xf32>
      tpu.vector_store %arg9[%swap3A_96, %swap3A_97], %swap3A_100 {strides = array<i32>} : memref<32x192xf32, #tpu.memory_space<vmem>>, vector<1x16xf32>,
      %get3A_101 = arith.index_cast %scan3A_13 : i32 to index
      %get3A_102 = arith.constant 32 : index
      %get3A_103 = tpu.vector_load %arg8[%get3A_101, %get3A_102] {strides = array<i32>} : memref<32x1024xf32, #tpu.memory_space<vmem>>, vector<1x16xf32>,
      %get3A_104 = vector.shape_cast %get3A_103 : vector<1x16xf32> to vector<16xf32>
      %mul3A_105 = arith.mulf %get3A_17, %get3A_104 : vector<16xf32>
      %get3A_106 = arith.index_cast %scan3A_13 : i32 to index
      %get3A_107 = arith.constant 224 : index
      %get3A_108 = tpu.vector_load %arg8[%get3A_106, %get3A_107] {strides = array<i32>} : memref<32x1024xf32, #tpu.memory_space<vmem>>, vector<1x16xf32>,
      %get3A_109 = vector.shape_cast %get3A_108 : vector<1x16xf32> to vector<16xf32>
      %mul3A_110 = arith.mulf %get3A_21, %get3A_109 : vector<16xf32>
      %add3A_111 = arith.addf %mul3A_105, %mul3A_110 : vector<16xf32>
      %get3A_112 = arith.index_cast %scan3A_13 : i32 to index
      %get3A_113 = arith.constant 416 : index
      %get3A_114 = tpu.vector_load %arg8[%get3A_112, %get3A_113] {strides = array<i32>} : memref<32x1024xf32, #tpu.memory_space<vmem>>, vector<1x16xf32>,
      %get3A_115 = vector.shape_cast %get3A_114 : vector<1x16xf32> to vector<16xf32>
      %mul3A_116 = arith.mulf %get3A_25, %get3A_115 : vector<16xf32>
      %add3A_117 = arith.addf %add3A_111, %mul3A_116 : vector<16xf32>
      %get3A_118 = arith.index_cast %scan3A_13 : i32 to index
      %get3A_119 = arith.constant 608 : index
      %get3A_120 = tpu.vector_load %arg8[%get3A_118, %get3A_119] {strides = array<i32>} : memref<32x1024xf32, #tpu.memory_space<vmem>>, vector<1x16xf32>,
      %get3A_121 = vector.shape_cast %get3A_120 : vector<1x16xf32> to vector<16xf32>
      %mul3A_122 = arith.mulf %get3A_29, %get3A_121 : vector<16xf32>
      %add3A_123 = arith.addf %add3A_117, %mul3A_122 : vector<16xf32>
      %get3A_124 = arith.index_cast %scan3A_13 : i32 to index
      %get3A_125 = arith.constant 800 : index
      %get3A_126 = tpu.vector_load %arg8[%get3A_124, %get3A_125] {strides = array<i32>} : memref<32x1024xf32, #tpu.memory_space<vmem>>, vector<1x16xf32>,
      %get3A_127 = vector.shape_cast %get3A_126 : vector<1x16xf32> to vector<16xf32>
      %mul3A_128 = arith.mulf %get3A_33, %get3A_127 : vector<16xf32>
      %add3A_129 = arith.addf %add3A_123, %mul3A_128 : vector<16xf32>
      %swap3A_130 = arith.index_cast %scan3A_13 : i32 to index
      %swap3A_131 = arith.constant 32 : index
      %swap3A_132 = tpu.vector_load %arg9[%swap3A_130, %swap3A_131] {strides = array<i32>} : memref<32x192xf32, #tpu.memory_space<vmem>>, vector<1x16xf32>,
      %swap3A_133 = vector.shape_cast %swap3A_132 : vector<1x16xf32> to vector<16xf32>
      %swap3A_134 = vector.shape_cast %add3A_129 : vector<16xf32> to vector<1x16xf32>
      tpu.vector_store %arg9[%swap3A_130, %swap3A_131], %swap3A_134 {strides = array<i32>} : memref<32x192xf32, #tpu.memory_space<vmem>>, vector<1x16xf32>,
      %get3A_135 = arith.index_cast %scan3A_13 : i32 to index
      %get3A_136 = arith.constant 48 : index
      %get3A_137 = tpu.vector_load %arg8[%get3A_135, %get3A_136] {strides = array<i32>} : memref<32x1024xf32, #tpu.memory_space<vmem>>, vector<1x16xf32>,
      %get3A_138 = vector.shape_cast %get3A_137 : vector<1x16xf32> to vector<16xf32>
      %mul3A_139 = arith.mulf %get3A_17, %get3A_138 : vector<16xf32>
      %get3A_140 = arith.index_cast %scan3A_13 : i32 to index
      %get3A_141 = arith.constant 240 : index
      %get3A_142 = tpu.vector_load %arg8[%get3A_140, %get3A_141] {strides = array<i32>} : memref<32x1024xf32, #tpu.memory_space<vmem>>, vector<1x16xf32>,
      %get3A_143 = vector.shape_cast %get3A_142 : vector<1x16xf32> to vector<16xf32>
      %mul3A_144 = arith.mulf %get3A_21, %get3A_143 : vector<16xf32>
      %add3A_145 = arith.addf %mul3A_139, %mul3A_144 : vector<16xf32>
      %get3A_146 = arith.index_cast %scan3A_13 : i32 to index
      %get3A_147 = arith.constant 432 : index
      %get3A_148 = tpu.vector_load %arg8[%get3A_146, %get3A_147] {strides = array<i32>} : memref<32x1024xf32, #tpu.memory_space<vmem>>, vector<1x16xf32>,
      %get3A_149 = vector.shape_cast %get3A_148 : vector<1x16xf32> to vector<16xf32>
      %mul3A_150 = arith.mulf %get3A_25, %get3A_149 : vector<16xf32>
      %add3A_151 = arith.addf %add3A_145, %mul3A_150 : vector<16xf32>
      %get3A_152 = arith.index_cast %scan3A_13 : i32 to index
      %get3A_153 = arith.constant 624 : index
      %get3A_154 = tpu.vector_load %arg8[%get3A_152, %get3A_153] {strides = array<i32>} : memref<32x1024xf32, #tpu.memory_space<vmem>>, vector<1x16xf32>,
      %get3A_155 = vector.shape_cast %get3A_154 : vector<1x16xf32> to vector<16xf32>
      %mul3A_156 = arith.mulf %get3A_29, %get3A_155 : vector<16xf32>
      %add3A_157 = arith.addf %add3A_151, %mul3A_156 : vector<16xf32>
      %get3A_158 = arith.index_cast %scan3A_13 : i32 to index
      %get3A_159 = arith.constant 816 : index
      %get3A_160 = tpu.vector_load %arg8[%get3A_158, %get3A_159] {strides = array<i32>} : memref<32x1024xf32, #tpu.memory_space<vmem>>, vector<1x16xf32>,
      %get3A_161 = vector.shape_cast %get3A_160 : vector<1x16xf32> to vector<16xf32>
      %mul3A_162 = arith.mulf %get3A_33, %get3A_161 : vector<16xf32>
      %add3A_163 = arith.addf %add3A_157, %mul3A_162 : vector<16xf32>
      %swap3A_164 = arith.index_cast %scan3A_13 : i32 to index
      %swap3A_165 = arith.constant 48 : index
      %swap3A_166 = tpu.vector_load %arg9[%swap3A_164, %swap3A_165] {strides = array<i32>} : memref<32x192xf32, #tpu.memory_space<vmem>>, vector<1x16xf32>,
      %swap3A_167 = vector.shape_cast %swap3A_166 : vector<1x16xf32> to vector<16xf32>
      %swap3A_168 = vector.shape_cast %add3A_163 : vector<16xf32> to vector<1x16xf32>
      tpu.vector_store %arg9[%swap3A_164, %swap3A_165], %swap3A_168 {strides = array<i32>} : memref<32x192xf32, #tpu.memory_space<vmem>>, vector<1x16xf32>,
      %get3A_169 = arith.index_cast %scan3A_13 : i32 to index
      %get3A_170 = arith.constant 64 : index
      %get3A_171 = tpu.vector_load %arg8[%get3A_169, %get3A_170] {strides = array<i32>} : memref<32x1024xf32, #tpu.memory_space<vmem>>, vector<1x16xf32>,
      %get3A_172 = vector.shape_cast %get3A_171 : vector<1x16xf32> to vector<16xf32>
      %mul3A_173 = arith.mulf %get3A_17, %get3A_172 : vector<16xf32>
      %get3A_174 = arith.index_cast %scan3A_13 : i32 to index
      %get3A_175 = arith.constant 256 : index
      %get3A_176 = tpu.vector_load %arg8[%get3A_174, %get3A_175] {strides = array<i32>} : memref<32x1024xf32, #tpu.memory_space<vmem>>, vector<1x16xf32>,
      %get3A_177 = vector.shape_cast %get3A_176 : vector<1x16xf32> to vector<16xf32>
      %mul3A_178 = arith.mulf %get3A_21, %get3A_177 : vector<16xf32>
      %add3A_179 = arith.addf %mul3A_173, %mul3A_178 : vector<16xf32>
      %get3A_180 = arith.index_cast %scan3A_13 : i32 to index
      %get3A_181 = arith.constant 448 : index
      %get3A_182 = tpu.vector_load %arg8[%get3A_180, %get3A_181] {strides = array<i32>} : memref<32x1024xf32, #tpu.memory_space<vmem>>, vector<1x16xf32>,
      %get3A_183 = vector.shape_cast %get3A_182 : vector<1x16xf32> to vector<16xf32>
      %mul3A_184 = arith.mulf %get3A_25, %get3A_183 : vector<16xf32>
      %add3A_185 = arith.addf %add3A_179, %mul3A_184 : vector<16xf32>
      %get3A_186 = arith.index_cast %scan3A_13 : i32 to index
      %get3A_187 = arith.constant 640 : index
      %get3A_188 = tpu.vector_load %arg8[%get3A_186, %get3A_187] {strides = array<i32>} : memref<32x1024xf32, #tpu.memory_space<vmem>>, vector<1x16xf32>,
      %get3A_189 = vector.shape_cast %get3A_188 : vector<1x16xf32> to vector<16xf32>
      %mul3A_190 = arith.mulf %get3A_29, %get3A_189 : vector<16xf32>
      %add3A_191 = arith.addf %add3A_185, %mul3A_190 : vector<16xf32>
      %get3A_192 = arith.index_cast %scan3A_13 : i32 to index
      %get3A_193 = arith.constant 832 : index
      %get3A_194 = tpu.vector_load %arg8[%get3A_192, %get3A_193] {strides = array<i32>} : memref<32x1024xf32, #tpu.memory_space<vmem>>, vector<1x16xf32>,
      %get3A_195 = vector.shape_cast %get3A_194 : vector<1x16xf32> to vector<16xf32>
      %mul3A_196 = arith.mulf %get3A_33, %get3A_195 : vector<16xf32>
      %add3A_197 = arith.addf %add3A_191, %mul3A_196 : vector<16xf32>
      %swap3A_198 = arith.index_cast %scan3A_13 : i32 to index
      %swap3A_199 = arith.constant 64 : index
      %swap3A_200 = tpu.vector_load %arg9[%swap3A_198, %swap3A_199] {strides = array<i32>} : memref<32x192xf32, #tpu.memory_space<vmem>>, vector<1x16xf32>,
      %swap3A_201 = vector.shape_cast %swap3A_200 : vector<1x16xf32> to vector<16xf32>
      %swap3A_202 = vector.shape_cast %add3A_197 : vector<16xf32> to vector<1x16xf32>
      tpu.vector_store %arg9[%swap3A_198, %swap3A_199], %swap3A_202 {strides = array<i32>} : memref<32x192xf32, #tpu.memory_space<vmem>>, vector<1x16xf32>,
      %get3A_203 = arith.index_cast %scan3A_13 : i32 to index
      %get3A_204 = arith.constant 80 : index
      %get3A_205 = tpu.vector_load %arg8[%get3A_203, %get3A_204] {strides = array<i32>} : memref<32x1024xf32, #tpu.memory_space<vmem>>, vector<1x16xf32>,
      %get3A_206 = vector.shape_cast %get3A_205 : vector<1x16xf32> to vector<16xf32>
      %mul3A_207 = arith.mulf %get3A_17, %get3A_206 : vector<16xf32>
      %get3A_208 = arith.index_cast %scan3A_13 : i32 to index
      %get3A_209 = arith.constant 272 : index
      %get3A_210 = tpu.vector_load %arg8[%get3A_208, %get3A_209] {strides = array<i32>} : memref<32x1024xf32, #tpu.memory_space<vmem>>, vector<1x16xf32>,
      %get3A_211 = vector.shape_cast %get3A_210 : vector<1x16xf32> to vector<16xf32>
      %mul3A_212 = arith.mulf %get3A_21, %get3A_211 : vector<16xf32>
      %add3A_213 = arith.addf %mul3A_207, %mul3A_212 : vector<16xf32>
      %get3A_214 = arith.index_cast %scan3A_13 : i32 to index
      %get3A_215 = arith.constant 464 : index
      %get3A_216 = tpu.vector_load %arg8[%get3A_214, %get3A_215] {strides = array<i32>} : memref<32x1024xf32, #tpu.memory_space<vmem>>, vector<1x16xf32>,
      %get3A_217 = vector.shape_cast %get3A_216 : vector<1x16xf32> to vector<16xf32>
      %mul3A_218 = arith.mulf %get3A_25, %get3A_217 : vector<16xf32>
      %add3A_219 = arith.addf %add3A_213, %mul3A_218 : vector<16xf32>
      %get3A_220 = arith.index_cast %scan3A_13 : i32 to index
      %get3A_221 = arith.constant 656 : index
      %get3A_222 = tpu.vector_load %arg8[%get3A_220, %get3A_221] {strides = array<i32>} : memref<32x1024xf32, #tpu.memory_space<vmem>>, vector<1x16xf32>,
      %get3A_223 = vector.shape_cast %get3A_222 : vector<1x16xf32> to vector<16xf32>
      %mul3A_224 = arith.mulf %get3A_29, %get3A_223 : vector<16xf32>
      %add3A_225 = arith.addf %add3A_219, %mul3A_224 : vector<16xf32>
      %get3A_226 = arith.index_cast %scan3A_13 : i32 to index
      %get3A_227 = arith.constant 848 : index
      %get3A_228 = tpu.vector_load %arg8[%get3A_226, %get3A_227] {strides = array<i32>} : memref<32x1024xf32, #tpu.memory_space<vmem>>, vector<1x16xf32>,
      %get3A_229 = vector.shape_cast %get3A_228 : vector<1x16xf32> to vector<16xf32>
      %mul3A_230 = arith.mulf %get3A_33, %get3A_229 : vector<16xf32>
      %add3A_231 = arith.addf %add3A_225, %mul3A_230 : vector<16xf32>
      %swap3A_232 = arith.index_cast %scan3A_13 : i32 to index
      %swap3A_233 = arith.constant 80 : index
      %swap3A_234 = tpu.vector_load %arg9[%swap3A_232, %swap3A_233] {strides = array<i32>} : memref<32x192xf32, #tpu.memory_space<vmem>>, vector<1x16xf32>,
      %swap3A_235 = vector.shape_cast %swap3A_234 : vector<1x16xf32> to vector<16xf32>
      %swap3A_236 = vector.shape_cast %add3A_231 : vector<16xf32> to vector<1x16xf32>
      tpu.vector_store %arg9[%swap3A_232, %swap3A_233], %swap3A_236 {strides = array<i32>} : memref<32x192xf32, #tpu.memory_space<vmem>>, vector<1x16xf32>,
      %get3A_237 = arith.index_cast %scan3A_13 : i32 to index
      %get3A_238 = arith.constant 96 : index
      %get3A_239 = tpu.vector_load %arg8[%get3A_237, %get3A_238] {strides = array<i32>} : memref<32x1024xf32, #tpu.memory_space<vmem>>, vector<1x16xf32>,
      %get3A_240 = vector.shape_cast %get3A_239 : vector<1x16xf32> to vector<16xf32>
      %mul3A_241 = arith.mulf %get3A_17, %get3A_240 : vector<16xf32>
      %get3A_242 = arith.index_cast %scan3A_13 : i32 to index
      %get3A_243 = arith.constant 288 : index
      %get3A_244 = tpu.vector_load %arg8[%get3A_242, %get3A_243] {strides = array<i32>} : memref<32x1024xf32, #tpu.memory_space<vmem>>, vector<1x16xf32>,
      %get3A_245 = vector.shape_cast %get3A_244 : vector<1x16xf32> to vector<16xf32>
      %mul3A_246 = arith.mulf %get3A_21, %get3A_245 : vector<16xf32>
      %add3A_247 = arith.addf %mul3A_241, %mul3A_246 : vector<16xf32>
      %get3A_248 = arith.index_cast %scan3A_13 : i32 to index
      %get3A_249 = arith.constant 480 : index
      %get3A_250 = tpu.vector_load %arg8[%get3A_248, %get3A_249] {strides = array<i32>} : memref<32x1024xf32, #tpu.memory_space<vmem>>, vector<1x16xf32>,
      %get3A_251 = vector.shape_cast %get3A_250 : vector<1x16xf32> to vector<16xf32>
      %mul3A_252 = arith.mulf %get3A_25, %get3A_251 : vector<16xf32>
      %add3A_253 = arith.addf %add3A_247, %mul3A_252 : vector<16xf32>
      %get3A_254 = arith.index_cast %scan3A_13 : i32 to index
      %get3A_255 = arith.constant 672 : index
      %get3A_256 = tpu.vector_load %arg8[%get3A_254, %get3A_255] {strides = array<i32>} : memref<32x1024xf32, #tpu.memory_space<vmem>>, vector<1x16xf32>,
      %get3A_257 = vector.shape_cast %get3A_256 : vector<1x16xf32> to vector<16xf32>
      %mul3A_258 = arith.mulf %get3A_29, %get3A_257 : vector<16xf32>
      %add3A_259 = arith.addf %add3A_253, %mul3A_258 : vector<16xf32>
      %get3A_260 = arith.index_cast %scan3A_13 : i32 to index
      %get3A_261 = arith.constant 864 : index
      %get3A_262 = tpu.vector_load %arg8[%get3A_260, %get3A_261] {strides = array<i32>} : memref<32x1024xf32, #tpu.memory_space<vmem>>, vector<1x16xf32>,
      %get3A_263 = vector.shape_cast %get3A_262 : vector<1x16xf32> to vector<16xf32>
      %mul3A_264 = arith.mulf %get3A_33, %get3A_263 : vector<16xf32>
      %add3A_265 = arith.addf %add3A_259, %mul3A_264 : vector<16xf32>
      %swap3A_266 = arith.index_cast %scan3A_13 : i32 to index
      %swap3A_267 = arith.constant 96 : index
      %swap3A_268 = tpu.vector_load %arg9[%swap3A_266, %swap3A_267] {strides = array<i32>} : memref<32x192xf32, #tpu.memory_space<vmem>>, vector<1x16xf32>,
      %swap3A_269 = vector.shape_cast %swap3A_268 : vector<1x16xf32> to vector<16xf32>
      %swap3A_270 = vector.shape_cast %add3A_265 : vector<16xf32> to vector<1x16xf32>
      tpu.vector_store %arg9[%swap3A_266, %swap3A_267], %swap3A_270 {strides = array<i32>} : memref<32x192xf32, #tpu.memory_space<vmem>>, vector<1x16xf32>,
      %get3A_271 = arith.index_cast %scan3A_13 : i32 to index
      %get3A_272 = arith.constant 112 : index
      %get3A_273 = tpu.vector_load %arg8[%get3A_271, %get3A_272] {strides = array<i32>} : memref<32x1024xf32, #tpu.memory_space<vmem>>, vector<1x16xf32>,
      %get3A_274 = vector.shape_cast %get3A_273 : vector<1x16xf32> to vector<16xf32>
      %mul3A_275 = arith.mulf %get3A_17, %get3A_274 : vector<16xf32>
      %get3A_276 = arith.index_cast %scan3A_13 : i32 to index
      %get3A_277 = arith.constant 304 : index
      %get3A_278 = tpu.vector_load %arg8[%get3A_276, %get3A_277] {strides = array<i32>} : memref<32x1024xf32, #tpu.memory_space<vmem>>, vector<1x16xf32>,
      %get3A_279 = vector.shape_cast %get3A_278 : vector<1x16xf32> to vector<16xf32>
      %mul3A_280 = arith.mulf %get3A_21, %get3A_279 : vector<16xf32>
      %add3A_281 = arith.addf %mul3A_275, %mul3A_280 : vector<16xf32>
      %get3A_282 = arith.index_cast %scan3A_13 : i32 to index
      %get3A_283 = arith.constant 496 : index
      %get3A_284 = tpu.vector_load %arg8[%get3A_282, %get3A_283] {strides = array<i32>} : memref<32x1024xf32, #tpu.memory_space<vmem>>, vector<1x16xf32>,
      %get3A_285 = vector.shape_cast %get3A_284 : vector<1x16xf32> to vector<16xf32>
      %mul3A_286 = arith.mulf %get3A_25, %get3A_285 : vector<16xf32>
      %add3A_287 = arith.addf %add3A_281, %mul3A_286 : vector<16xf32>
      %get3A_288 = arith.index_cast %scan3A_13 : i32 to index
      %get3A_289 = arith.constant 688 : index
      %get3A_290 = tpu.vector_load %arg8[%get3A_288, %get3A_289] {strides = array<i32>} : memref<32x1024xf32, #tpu.memory_space<vmem>>, vector<1x16xf32>,
      %get3A_291 = vector.shape_cast %get3A_290 : vector<1x16xf32> to vector<16xf32>
      %mul3A_292 = arith.mulf %get3A_29, %get3A_291 : vector<16xf32>
      %add3A_293 = arith.addf %add3A_287, %mul3A_292 : vector<16xf32>
      %get3A_294 = arith.index_cast %scan3A_13 : i32 to index
      %get3A_295 = arith.constant 880 : index
      %get3A_296 = tpu.vector_load %arg8[%get3A_294, %get3A_295] {strides = array<i32>} : memref<32x1024xf32, #tpu.memory_space<vmem>>, vector<1x16xf32>,
      %get3A_297 = vector.shape_cast %get3A_296 : vector<1x16xf32> to vector<16xf32>
      %mul3A_298 = arith.mulf %get3A_33, %get3A_297 : vector<16xf32>
      %add3A_299 = arith.addf %add3A_293, %mul3A_298 : vector<16xf32>
      %swap3A_300 = arith.index_cast %scan3A_13 : i32 to index
      %swap3A_301 = arith.constant 112 : index
      %swap3A_302 = tpu.vector_load %arg9[%swap3A_300, %swap3A_301] {strides = array<i32>} : memref<32x192xf32, #tpu.memory_space<vmem>>, vector<1x16xf32>,
      %swap3A_303 = vector.shape_cast %swap3A_302 : vector<1x16xf32> to vector<16xf32>
      %swap3A_304 = vector.shape_cast %add3A_299 : vector<16xf32> to vector<1x16xf32>
      tpu.vector_store %arg9[%swap3A_300, %swap3A_301], %swap3A_304 {strides = array<i32>} : memref<32x192xf32, #tpu.memory_space<vmem>>, vector<1x16xf32>,
      %get3A_305 = arith.index_cast %scan3A_13 : i32 to index
      %get3A_306 = arith.constant 128 : index
      %get3A_307 = tpu.vector_load %arg8[%get3A_305, %get3A_306] {strides = array<i32>} : memref<32x1024xf32, #tpu.memory_space<vmem>>, vector<1x16xf32>,
      %get3A_308 = vector.shape_cast %get3A_307 : vector<1x16xf32> to vector<16xf32>
      %mul3A_309 = arith.mulf %get3A_17, %get3A_308 : vector<16xf32>
      %get3A_310 = arith.index_cast %scan3A_13 : i32 to index
      %get3A_311 = arith.constant 320 : index
      %get3A_312 = tpu.vector_load %arg8[%get3A_310, %get3A_311] {strides = array<i32>} : memref<32x1024xf32, #tpu.memory_space<vmem>>, vector<1x16xf32>,
      %get3A_313 = vector.shape_cast %get3A_312 : vector<1x16xf32> to vector<16xf32>
      %mul3A_314 = arith.mulf %get3A_21, %get3A_313 : vector<16xf32>
      %add3A_315 = arith.addf %mul3A_309, %mul3A_314 : vector<16xf32>
      %get3A_316 = arith.index_cast %scan3A_13 : i32 to index
      %get3A_317 = arith.constant 512 : index
      %get3A_318 = tpu.vector_load %arg8[%get3A_316, %get3A_317] {strides = array<i32>} : memref<32x1024xf32, #tpu.memory_space<vmem>>, vector<1x16xf32>,
      %get3A_319 = vector.shape_cast %get3A_318 : vector<1x16xf32> to vector<16xf32>
      %mul3A_320 = arith.mulf %get3A_25, %get3A_319 : vector<16xf32>
      %add3A_321 = arith.addf %add3A_315, %mul3A_320 : vector<16xf32>
      %get3A_322 = arith.index_cast %scan3A_13 : i32 to index
      %get3A_323 = arith.constant 704 : index
      %get3A_324 = tpu.vector_load %arg8[%get3A_322, %get3A_323] {strides = array<i32>} : memref<32x1024xf32, #tpu.memory_space<vmem>>, vector<1x16xf32>,
      %get3A_325 = vector.shape_cast %get3A_324 : vector<1x16xf32> to vector<16xf32>
      %mul3A_326 = arith.mulf %get3A_29, %get3A_325 : vector<16xf32>
      %add3A_327 = arith.addf %add3A_321, %mul3A_326 : vector<16xf32>
      %get3A_328 = arith.index_cast %scan3A_13 : i32 to index
      %get3A_329 = arith.constant 896 : index
      %get3A_330 = tpu.vector_load %arg8[%get3A_328, %get3A_329] {strides = array<i32>} : memref<32x1024xf32, #tpu.memory_space<vmem>>, vector<1x16xf32>,
      %get3A_331 = vector.shape_cast %get3A_330 : vector<1x16xf32> to vector<16xf32>
      %mul3A_332 = arith.mulf %get3A_33, %get3A_331 : vector<16xf32>
      %add3A_333 = arith.addf %add3A_327, %mul3A_332 : vector<16xf32>
      %swap3A_334 = arith.index_cast %scan3A_13 : i32 to index
      %swap3A_335 = arith.constant 128 : index
      %swap3A_336 = tpu.vector_load %arg9[%swap3A_334, %swap3A_335] {strides = array<i32>} : memref<32x192xf32, #tpu.memory_space<vmem>>, vector<1x16xf32>,
      %swap3A_337 = vector.shape_cast %swap3A_336 : vector<1x16xf32> to vector<16xf32>
      %swap3A_338 = vector.shape_cast %add3A_333 : vector<16xf32> to vector<1x16xf32>
      tpu.vector_store %arg9[%swap3A_334, %swap3A_335], %swap3A_338 {strides = array<i32>} : memref<32x192xf32, #tpu.memory_space<vmem>>, vector<1x16xf32>,
      %get3A_339 = arith.index_cast %scan3A_13 : i32 to index
      %get3A_340 = arith.constant 144 : index
      %get3A_341 = tpu.vector_load %arg8[%get3A_339, %get3A_340] {strides = array<i32>} : memref<32x1024xf32, #tpu.memory_space<vmem>>, vector<1x16xf32>,
      %get3A_342 = vector.shape_cast %get3A_341 : vector<1x16xf32> to vector<16xf32>
      %mul3A_343 = arith.mulf %get3A_17, %get3A_342 : vector<16xf32>
      %get3A_344 = arith.index_cast %scan3A_13 : i32 to index
      %get3A_345 = arith.constant 336 : index
      %get3A_346 = tpu.vector_load %arg8[%get3A_344, %get3A_345] {strides = array<i32>} : memref<32x1024xf32, #tpu.memory_space<vmem>>, vector<1x16xf32>,
      %get3A_347 = vector.shape_cast %get3A_346 : vector<1x16xf32> to vector<16xf32>
      %mul3A_348 = arith.mulf %get3A_21, %get3A_347 : vector<16xf32>
      %add3A_349 = arith.addf %mul3A_343, %mul3A_348 : vector<16xf32>
      %get3A_350 = arith.index_cast %scan3A_13 : i32 to index
      %get3A_351 = arith.constant 528 : index
      %get3A_352 = tpu.vector_load %arg8[%get3A_350, %get3A_351] {strides = array<i32>} : memref<32x1024xf32, #tpu.memory_space<vmem>>, vector<1x16xf32>,
      %get3A_353 = vector.shape_cast %get3A_352 : vector<1x16xf32> to vector<16xf32>
      %mul3A_354 = arith.mulf %get3A_25, %get3A_353 : vector<16xf32>
      %add3A_355 = arith.addf %add3A_349, %mul3A_354 : vector<16xf32>
      %get3A_356 = arith.index_cast %scan3A_13 : i32 to index
      %get3A_357 = arith.constant 720 : index
      %get3A_358 = tpu.vector_load %arg8[%get3A_356, %get3A_357] {strides = array<i32>} : memref<32x1024xf32, #tpu.memory_space<vmem>>, vector<1x16xf32>,
      %get3A_359 = vector.shape_cast %get3A_358 : vector<1x16xf32> to vector<16xf32>
      %mul3A_360 = arith.mulf %get3A_29, %get3A_359 : vector<16xf32>
      %add3A_361 = arith.addf %add3A_355, %mul3A_360 : vector<16xf32>
      %get3A_362 = arith.index_cast %scan3A_13 : i32 to index
      %get3A_363 = arith.constant 912 : index
      %get3A_364 = tpu.vector_load %arg8[%get3A_362, %get3A_363] {strides = array<i32>} : memref<32x1024xf32, #tpu.memory_space<vmem>>, vector<1x16xf32>,
      %get3A_365 = vector.shape_cast %get3A_364 : vector<1x16xf32> to vector<16xf32>
      %mul3A_366 = arith.mulf %get3A_33, %get3A_365 : vector<16xf32>
      %add3A_367 = arith.addf %add3A_361, %mul3A_366 : vector<16xf32>
      %swap3A_368 = arith.index_cast %scan3A_13 : i32 to index
      %swap3A_369 = arith.constant 144 : index
      %swap3A_370 = tpu.vector_load %arg9[%swap3A_368, %swap3A_369] {strides = array<i32>} : memref<32x192xf32, #tpu.memory_space<vmem>>, vector<1x16xf32>,
      %swap3A_371 = vector.shape_cast %swap3A_370 : vector<1x16xf32> to vector<16xf32>
      %swap3A_372 = vector.shape_cast %add3A_367 : vector<16xf32> to vector<1x16xf32>
      tpu.vector_store %arg9[%swap3A_368, %swap3A_369], %swap3A_372 {strides = array<i32>} : memref<32x192xf32, #tpu.memory_space<vmem>>, vector<1x16xf32>,
      %get3A_373 = arith.index_cast %scan3A_13 : i32 to index
      %get3A_374 = arith.constant 160 : index
      %get3A_375 = tpu.vector_load %arg8[%get3A_373, %get3A_374] {strides = array<i32>} : memref<32x1024xf32, #tpu.memory_space<vmem>>, vector<1x16xf32>,
      %get3A_376 = vector.shape_cast %get3A_375 : vector<1x16xf32> to vector<16xf32>
      %mul3A_377 = arith.mulf %get3A_17, %get3A_376 : vector<16xf32>
      %get3A_378 = arith.index_cast %scan3A_13 : i32 to index
      %get3A_379 = arith.constant 352 : index
      %get3A_380 = tpu.vector_load %arg8[%get3A_378, %get3A_379] {strides = array<i32>} : memref<32x1024xf32, #tpu.memory_space<vmem>>, vector<1x16xf32>,
      %get3A_381 = vector.shape_cast %get3A_380 : vector<1x16xf32> to vector<16xf32>
      %mul3A_382 = arith.mulf %get3A_21, %get3A_381 : vector<16xf32>
      %add3A_383 = arith.addf %mul3A_377, %mul3A_382 : vector<16xf32>
      %get3A_384 = arith.index_cast %scan3A_13 : i32 to index
      %get3A_385 = arith.constant 544 : index
      %get3A_386 = tpu.vector_load %arg8[%get3A_384, %get3A_385] {strides = array<i32>} : memref<32x1024xf32, #tpu.memory_space<vmem>>, vector<1x16xf32>,
      %get3A_387 = vector.shape_cast %get3A_386 : vector<1x16xf32> to vector<16xf32>
      %mul3A_388 = arith.mulf %get3A_25, %get3A_387 : vector<16xf32>
      %add3A_389 = arith.addf %add3A_383, %mul3A_388 : vector<16xf32>
      %get3A_390 = arith.index_cast %scan3A_13 : i32 to index
      %get3A_391 = arith.constant 736 : index
      %get3A_392 = tpu.vector_load %arg8[%get3A_390, %get3A_391] {strides = array<i32>} : memref<32x1024xf32, #tpu.memory_space<vmem>>, vector<1x16xf32>,
      %get3A_393 = vector.shape_cast %get3A_392 : vector<1x16xf32> to vector<16xf32>
      %mul3A_394 = arith.mulf %get3A_29, %get3A_393 : vector<16xf32>
      %add3A_395 = arith.addf %add3A_389, %mul3A_394 : vector<16xf32>
      %get3A_396 = arith.index_cast %scan3A_13 : i32 to index
      %get3A_397 = arith.constant 928 : index
      %get3A_398 = tpu.vector_load %arg8[%get3A_396, %get3A_397] {strides = array<i32>} : memref<32x1024xf32, #tpu.memory_space<vmem>>, vector<1x16xf32>,
      %get3A_399 = vector.shape_cast %get3A_398 : vector<1x16xf32> to vector<16xf32>
      %mul3A_400 = arith.mulf %get3A_33, %get3A_399 : vector<16xf32>
      %add3A_401 = arith.addf %add3A_395, %mul3A_400 : vector<16xf32>
      %swap3A_402 = arith.index_cast %scan3A_13 : i32 to index
      %swap3A_403 = arith.constant 160 : index
      %swap3A_404 = tpu.vector_load %arg9[%swap3A_402, %swap3A_403] {strides = array<i32>} : memref<32x192xf32, #tpu.memory_space<vmem>>, vector<1x16xf32>,
      %swap3A_405 = vector.shape_cast %swap3A_404 : vector<1x16xf32> to vector<16xf32>
      %swap3A_406 = vector.shape_cast %add3A_401 : vector<16xf32> to vector<1x16xf32>
      tpu.vector_store %arg9[%swap3A_402, %swap3A_403], %swap3A_406 {strides = array<i32>} : memref<32x192xf32, #tpu.memory_space<vmem>>, vector<1x16xf32>,
      %get3A_407 = arith.index_cast %scan3A_13 : i32 to index
      %get3A_408 = arith.constant 176 : index
      %get3A_409 = tpu.vector_load %arg8[%get3A_407, %get3A_408] {strides = array<i32>} : memref<32x1024xf32, #tpu.memory_space<vmem>>, vector<1x16xf32>,
      %get3A_410 = vector.shape_cast %get3A_409 : vector<1x16xf32> to vector<16xf32>
      %mul3A_411 = arith.mulf %get3A_17, %get3A_410 : vector<16xf32>
      %get3A_412 = arith.index_cast %scan3A_13 : i32 to index
      %get3A_413 = arith.constant 368 : index
      %get3A_414 = tpu.vector_load %arg8[%get3A_412, %get3A_413] {strides = array<i32>} : memref<32x1024xf32, #tpu.memory_space<vmem>>, vector<1x16xf32>,
      %get3A_415 = vector.shape_cast %get3A_414 : vector<1x16xf32> to vector<16xf32>
      %mul3A_416 = arith.mulf %get3A_21, %get3A_415 : vector<16xf32>
      %add3A_417 = arith.addf %mul3A_411, %mul3A_416 : vector<16xf32>
      %get3A_418 = arith.index_cast %scan3A_13 : i32 to index
      %get3A_419 = arith.constant 560 : index
      %get3A_420 = tpu.vector_load %arg8[%get3A_418, %get3A_419] {strides = array<i32>} : memref<32x1024xf32, #tpu.memory_space<vmem>>, vector<1x16xf32>,
      %get3A_421 = vector.shape_cast %get3A_420 : vector<1x16xf32> to vector<16xf32>
      %mul3A_422 = arith.mulf %get3A_25, %get3A_421 : vector<16xf32>
      %add3A_423 = arith.addf %add3A_417, %mul3A_422 : vector<16xf32>
      %get3A_424 = arith.index_cast %scan3A_13 : i32 to index
      %get3A_425 = arith.constant 752 : index
      %get3A_426 = tpu.vector_load %arg8[%get3A_424, %get3A_425] {strides = array<i32>} : memref<32x1024xf32, #tpu.memory_space<vmem>>, vector<1x16xf32>,
      %get3A_427 = vector.shape_cast %get3A_426 : vector<1x16xf32> to vector<16xf32>
      %mul3A_428 = arith.mulf %get3A_29, %get3A_427 : vector<16xf32>
      %add3A_429 = arith.addf %add3A_423, %mul3A_428 : vector<16xf32>
      %get3A_430 = arith.index_cast %scan3A_13 : i32 to index
      %get3A_431 = arith.constant 944 : index
      %get3A_432 = tpu.vector_load %arg8[%get3A_430, %get3A_431] {strides = array<i32>} : memref<32x1024xf32, #tpu.memory_space<vmem>>, vector<1x16xf32>,
      %get3A_433 = vector.shape_cast %get3A_432 : vector<1x16xf32> to vector<16xf32>
      %mul3A_434 = arith.mulf %get3A_33, %get3A_433 : vector<16xf32>
      %add3A_435 = arith.addf %add3A_429, %mul3A_434 : vector<16xf32>
      %swap3A_436 = arith.index_cast %scan3A_13 : i32 to index
      %swap3A_437 = arith.constant 176 : index
      %swap3A_438 = tpu.vector_load %arg9[%swap3A_436, %swap3A_437] {strides = array<i32>} : memref<32x192xf32, #tpu.memory_space<vmem>>, vector<1x16xf32>,
      %swap3A_439 = vector.shape_cast %swap3A_438 : vector<1x16xf32> to vector<16xf32>
      %swap3A_440 = vector.shape_cast %add3A_435 : vector<16xf32> to vector<1x16xf32>
      tpu.vector_store %arg9[%swap3A_436, %swap3A_437], %swap3A_440 {strides = array<i32>} : memref<32x192xf32, #tpu.memory_space<vmem>>, vector<1x16xf32>,
      %scan3A_441 = arith.constant 0 : i32
      scf.yield %scan3A_441 : i32
    }
    %scan3A_12 = arith.constant 32 : i32
    "tpu.region"() ({
      %run_scoped3A = tpu.sem_alloc : memref<!tpu.dma_semaphore, #tpu.memory_space<semaphore_mem>>
      %dma_start3A_13 = arith.constant 0 : i32
      %dma_start3A_14 = tpu.memref_slice %arg5[%mul3A_2, %dma_start3A_13] : memref<1024x192xf32, #tpu.memory_space<hbm>> -> memref<32x192xf32, #tpu.memory_space<hbm>>
      %dma_start3A_15 = arith.constant 0 : i32
      %dma_start3A_16 = tpu.memref_slice %arg5[%mul3A_2, %dma_start3A_15] : memref<1024x192xf32, #tpu.memory_space<hbm>> -> memref<32x192xf32, #tpu.memory_space<hbm>>
      tpu.enqueue_dma source(%arg9 : memref<32x192xf32, #tpu.memory_space<vmem>>) target(%dma_start3A_16 : memref<32x192xf32, #tpu.memory_space<hbm>>) target_semaphore(%run_scoped3A : memref<!tpu.dma_semaphore, #tpu.memory_space<semaphore_mem>>)
      %dma_wait3A_17 = arith.constant 0 : i32
      %dma_wait3A_18 = tpu.memref_slice %arg5[%mul3A_2, %dma_wait3A_17] : memref<1024x192xf32, #tpu.memory_space<hbm>> -> memref<32x192xf32, #tpu.memory_space<hbm>>
      %dma_wait3A_19 = arith.constant 0 : i32
      %dma_wait3A_20 = tpu.memref_slice %arg5[%mul3A_2, %dma_wait3A_19] : memref<1024x192xf32, #tpu.memory_space<hbm>> -> memref<32x192xf32, #tpu.memory_space<hbm>>
      tpu.wait_dma2 semaphore(%run_scoped3A : memref<!tpu.dma_semaphore, #tpu.memory_space<semaphore_mem>>) src(%arg9 : memref<32x192xf32, #tpu.memory_space<vmem>>) dst(%dma_wait3A_20 : memref<32x192xf32, #tpu.memory_space<hbm>>)
      tpu.yield
    }) : () -> ()
    return
  }
}

#map = affine_map<(d0, d1) -> (0, 0)>
#map1 = affine_map<(d0, d1) -> (0)>
module attributes {stable_mosaic.version = 14 : i64} {
  func.func @k(%arg0: i32, %arg1: i32, %arg2: memref<1024x1024xf32, #tpu.memory_space<hbm>>, %arg3: memref<1024xi32, #tpu.memory_space<hbm>>, %arg4: memref<1024x80xf32, #tpu.memory_space<hbm>>, %arg5: memref<1024x192xf32, #tpu.memory_space<hbm>>, %arg6: memref<32xi32, #tpu.memory_space<vmem>>, %arg7: memref<32x80xf32, #tpu.memory_space<vmem>>, %arg8: memref<32x1024xf32, #tpu.memory_space<vmem>>, %arg9: memref<32x192xf32, #tpu.memory_space<vmem>>, %arg10: memref<!tpu.dma_semaphore, #tpu.memory_space<semaphore_mem>>) attributes {dimension_semantics = [#tpu.dimension_semantics<core_parallel>, #tpu.dimension_semantics<subcore_parallel>], iteration_bounds = array<i64: 2, 16>, scalar_prefetch = 0 : i64, scratch_operands = 5 : i64, tpu.core_type = #tpu.core_type<sc_vector_subcore>, window_params = [{transform_indices = #map}, {transform_indices = #map1}, {transform_indices = #map}, {transform_indices = #map}]} {
    %mul3A = arith.constant 2 : i32
    %mul3A_0 = arith.muli %arg1, %mul3A : i32
    %add3A = arith.addi %mul3A_0, %arg0 : i32
    %mul3A_1 = arith.constant 32 : i32
    %mul3A_2 = arith.muli %add3A, %mul3A_1 : i32
    "tpu.region"() ({
      %run_scoped3A = tpu.sem_alloc : memref<!tpu.dma_semaphore, #tpu.memory_space<semaphore_mem>>
      %dma_start3A_13 = tpu.memref_slice %arg3[%mul3A_2] : memref<1024xi32, #tpu.memory_space<hbm>> -> memref<32xi32, #tpu.memory_space<hbm>>
      %dma_start3A_14 = tpu.memref_slice %arg3[%mul3A_2] : memref<1024xi32, #tpu.memory_space<hbm>> -> memref<32xi32, #tpu.memory_space<hbm>>
      tpu.enqueue_dma source(%dma_start3A_14 : memref<32xi32, #tpu.memory_space<hbm>>) target(%arg6 : memref<32xi32, #tpu.memory_space<vmem>>) target_semaphore(%run_scoped3A : memref<!tpu.dma_semaphore, #tpu.memory_space<semaphore_mem>>)
      %dma_wait3A_15 = tpu.memref_slice %arg3[%mul3A_2] : memref<1024xi32, #tpu.memory_space<hbm>> -> memref<32xi32, #tpu.memory_space<hbm>>
      %dma_wait3A_16 = tpu.memref_slice %arg3[%mul3A_2] : memref<1024xi32, #tpu.memory_space<hbm>> -> memref<32xi32, #tpu.memory_space<hbm>>
      tpu.wait_dma2 semaphore(%run_scoped3A : memref<!tpu.dma_semaphore, #tpu.memory_space<semaphore_mem>>) src(%dma_wait3A_16 : memref<32xi32, #tpu.memory_space<hbm>>) dst(%arg6 : memref<32xi32, #tpu.memory_space<vmem>>)
      tpu.yield
    }) : () -> ()
    %dma_start3A = arith.constant 0 : i32
    %dma_start3A_3 = arith.constant 0 : i32
    %dma_start3A_4 = tpu.memref_slice %arg2[%dma_start3A, %dma_start3A_3] : memref<1024x1024xf32, #tpu.memory_space<hbm>> -> memref<1024x1024xf32, #tpu.memory_space<hbm>>
    tpu.enqueue_indirect_dma source(%dma_start3A_4 : memref<1024x1024xf32, #tpu.memory_space<hbm>>) target(%arg8 : memref<32x1024xf32, #tpu.memory_space<vmem>>) offsets(%arg6 : memref<32xi32, #tpu.memory_space<vmem>>) semaphore(%arg10 : memref<!tpu.dma_semaphore, #tpu.memory_space<semaphore_mem>>)
    "tpu.region"() ({
      %run_scoped3A = tpu.sem_alloc : memref<!tpu.dma_semaphore, #tpu.memory_space<semaphore_mem>>
      %dma_start3A_13 = arith.constant 0 : i32
      %dma_start3A_14 = tpu.memref_slice %arg4[%mul3A_2, %dma_start3A_13] : memref<1024x80xf32, #tpu.memory_space<hbm>> -> memref<32x80xf32, #tpu.memory_space<hbm>>
      %dma_start3A_15 = arith.constant 0 : i32
      %dma_start3A_16 = tpu.memref_slice %arg4[%mul3A_2, %dma_start3A_15] : memref<1024x80xf32, #tpu.memory_space<hbm>> -> memref<32x80xf32, #tpu.memory_space<hbm>>
      tpu.enqueue_dma source(%dma_start3A_16 : memref<32x80xf32, #tpu.memory_space<hbm>>) target(%arg7 : memref<32x80xf32, #tpu.memory_space<vmem>>) target_semaphore(%run_scoped3A : memref<!tpu.dma_semaphore, #tpu.memory_space<semaphore_mem>>)
      %dma_wait3A_17 = arith.constant 0 : i32
      %dma_wait3A_18 = tpu.memref_slice %arg4[%mul3A_2, %dma_wait3A_17] : memref<1024x80xf32, #tpu.memory_space<hbm>> -> memref<32x80xf32, #tpu.memory_space<hbm>>
      %dma_wait3A_19 = arith.constant 0 : i32
      %dma_wait3A_20 = tpu.memref_slice %arg4[%mul3A_2, %dma_wait3A_19] : memref<1024x80xf32, #tpu.memory_space<hbm>> -> memref<32x80xf32, #tpu.memory_space<hbm>>
      tpu.wait_dma2 semaphore(%run_scoped3A : memref<!tpu.dma_semaphore, #tpu.memory_space<semaphore_mem>>) src(%dma_wait3A_20 : memref<32x80xf32, #tpu.memory_space<hbm>>) dst(%arg7 : memref<32x80xf32, #tpu.memory_space<vmem>>)
      tpu.yield
    }) : () -> ()
    %dma_wait3A = arith.constant 0 : i32
    %dma_wait3A_5 = arith.constant 0 : i32
    %dma_wait3A_6 = tpu.memref_slice %arg2[%dma_wait3A, %dma_wait3A_5] : memref<1024x1024xf32, #tpu.memory_space<hbm>> -> memref<1024x1024xf32, #tpu.memory_space<hbm>>
    tpu.wait_indirect_dma semaphore(%arg10 : memref<!tpu.dma_semaphore, #tpu.memory_space<semaphore_mem>>) src(%dma_wait3A_6 : memref<1024x1024xf32, #tpu.memory_space<hbm>>) dst(%arg8 : memref<32x1024xf32, #tpu.memory_space<vmem>>)
    %scan3A = arith.constant 0 : i32
    %scan3A_7 = arith.constant 0 : i32
    %scan3A_8 = arith.constant 32 : i32
    %scan3A_9 = arith.addi %scan3A_7, %scan3A_8 : i32
    %scan3A_10 = arith.constant 1 : i32
    %scan3A_11 = scf.for %scan3A_13 = %scan3A_7 to %scan3A_9 step %scan3A_10 iter_args(%scan3A_14 = %scan3A) -> (i32)  : i32 {
      %get3A = arith.index_cast %scan3A_13 : i32 to index
      %get3A_15 = arith.constant 0 : index
      %get3A_16 = tpu.vector_load %arg7[%get3A, %get3A_15] {strides = array<i32>} : memref<32x80xf32, #tpu.memory_space<vmem>>, vector<1x16xf32>,
      %get3A_17 = vector.shape_cast %get3A_16 : vector<1x16xf32> to vector<16xf32>
      %get3A_18 = arith.index_cast %scan3A_13 : i32 to index
      %get3A_19 = arith.constant 16 : index
      %get3A_20 = tpu.vector_load %arg7[%get3A_18, %get3A_19] {strides = array<i32>} : memref<32x80xf32, #tpu.memory_space<vmem>>, vector<1x16xf32>,
      %get3A_21 = vector.shape_cast %get3A_20 : vector<1x16xf32> to vector<16xf32>
      %get3A_22 = arith.index_cast %scan3A_13 : i32 to index
      %get3A_23 = arith.constant 32 : index
      %get3A_24 = tpu.vector_load %arg7[%get3A_22, %get3A_23] {strides = array<i32>} : memref<32x80xf32, #tpu.memory_space<vmem>>, vector<1x16xf32>,
      %get3A_25 = vector.shape_cast %get3A_24 : vector<1x16xf32> to vector<16xf32>
      %get3A_26 = arith.index_cast %scan3A_13 : i32 to index
      %get3A_27 = arith.constant 48 : index
      %get3A_28 = tpu.vector_load %arg7[%get3A_26, %get3A_27] {strides = array<i32>} : memref<32x80xf32, #tpu.memory_space<vmem>>, vector<1x16xf32>,
      %get3A_29 = vector.shape_cast %get3A_28 : vector<1x16xf32> to vector<16xf32>
      %get3A_30 = arith.index_cast %scan3A_13 : i32 to index
      %get3A_31 = arith.constant 64 : index
      %get3A_32 = tpu.vector_load %arg7[%get3A_30, %get3A_31] {strides = array<i32>} : memref<32x80xf32, #tpu.memory_space<vmem>>, vector<1x16xf32>,
      %get3A_33 = vector.shape_cast %get3A_32 : vector<1x16xf32> to vector<16xf32>
      %get3A_34 = arith.index_cast %scan3A_13 : i32 to index
      %get3A_35 = arith.constant 0 : index
      %get3A_36 = tpu.vector_load %arg8[%get3A_34, %get3A_35] {strides = array<i32>} : memref<32x1024xf32, #tpu.memory_space<vmem>>, vector<1x16xf32>,
      %get3A_37 = vector.shape_cast %get3A_36 : vector<1x16xf32> to vector<16xf32>
      %mul3A_38 = arith.mulf %get3A_17, %get3A_37 : vector<16xf32>
      %get3A_39 = arith.index_cast %scan3A_13 : i32 to index
      %get3A_40 = arith.constant 192 : index
      %get3A_41 = tpu.vector_load %arg8[%get3A_39, %get3A_40] {strides = array<i32>} : memref<32x1024xf32, #tpu.memory_space<vmem>>, vector<1x16xf32>,
      %get3A_42 = vector.shape_cast %get3A_41 : vector<1x16xf32> to vector<16xf32>
      %mul3A_43 = arith.mulf %get3A_21, %get3A_42 : vector<16xf32>
      %add3A_44 = arith.addf %mul3A_38, %mul3A_43 : vector<16xf32>
      %get3A_45 = arith.index_cast %scan3A_13 : i32 to index
      %get3A_46 = arith.constant 384 : index
      %get3A_47 = tpu.vector_load %arg8[%get3A_45, %get3A_46] {strides = array<i32>} : memref<32x1024xf32, #tpu.memory_space<vmem>>, vector<1x16xf32>,
      %get3A_48 = vector.shape_cast %get3A_47 : vector<1x16xf32> to vector<16xf32>
      %mul3A_49 = arith.mulf %get3A_25, %get3A_48 : vector<16xf32>
      %add3A_50 = arith.addf %add3A_44, %mul3A_49 : vector<16xf32>
      %get3A_51 = arith.index_cast %scan3A_13 : i32 to index
      %get3A_52 = arith.constant 576 : index
      %get3A_53 = tpu.vector_load %arg8[%get3A_51, %get3A_52] {strides = array<i32>} : memref<32x1024xf32, #tpu.memory_space<vmem>>, vector<1x16xf32>,
      %get3A_54 = vector.shape_cast %get3A_53 : vector<1x16xf32> to vector<16xf32>
      %mul3A_55 = arith.mulf %get3A_29, %get3A_54 : vector<16xf32>
      %add3A_56 = arith.addf %add3A_50, %mul3A_55 : vector<16xf32>
      %get3A_57 = arith.index_cast %scan3A_13 : i32 to index
      %get3A_58 = arith.constant 768 : index
      %get3A_59 = tpu.vector_load %arg8[%get3A_57, %get3A_58] {strides = array<i32>} : memref<32x1024xf32, #tpu.memory_space<vmem>>, vector<1x16xf32>,
      %get3A_60 = vector.shape_cast %get3A_59 : vector<1x16xf32> to vector<16xf32>
      %mul3A_61 = arith.mulf %get3A_33, %get3A_60 : vector<16xf32>
      %add3A_62 = arith.addf %add3A_56, %mul3A_61 : vector<16xf32>
      %swap3A = arith.index_cast %scan3A_13 : i32 to index
      %swap3A_63 = arith.constant 0 : index
      %swap3A_64 = tpu.vector_load %arg9[%swap3A, %swap3A_63] {strides = array<i32>} : memref<32x192xf32, #tpu.memory_space<vmem>>, vector<1x16xf32>,
      %swap3A_65 = vector.shape_cast %swap3A_64 : vector<1x16xf32> to vector<16xf32>
      %swap3A_66 = vector.shape_cast %add3A_62 : vector<16xf32> to vector<1x16xf32>
      tpu.vector_store %arg9[%swap3A, %swap3A_63], %swap3A_66 {strides = array<i32>} : memref<32x192xf32, #tpu.memory_space<vmem>>, vector<1x16xf32>,
      %get3A_67 = arith.index_cast %scan3A_13 : i32 to index
      %get3A_68 = arith.constant 16 : index
      %get3A_69 = tpu.vector_load %arg8[%get3A_67, %get3A_68] {strides = array<i32>} : memref<32x1024xf32, #tpu.memory_space<vmem>>, vector<1x16xf32>,
      %get3A_70 = vector.shape_cast %get3A_69 : vector<1x16xf32> to vector<16xf32>
      %mul3A_71 = arith.mulf %get3A_17, %get3A_70 : vector<16xf32>
      %get3A_72 = arith.index_cast %scan3A_13 : i32 to index
      %get3A_73 = arith.constant 208 : index
      %get3A_74 = tpu.vector_load %arg8[%get3A_72, %get3A_73] {strides = array<i32>} : memref<32x1024xf32, #tpu.memory_space<vmem>>, vector<1x16xf32>,
      %get3A_75 = vector.shape_cast %get3A_74 : vector<1x16xf32> to vector<16xf32>
      %mul3A_76 = arith.mulf %get3A_21, %get3A_75 : vector<16xf32>
      %add3A_77 = arith.addf %mul3A_71, %mul3A_76 : vector<16xf32>
      %get3A_78 = arith.index_cast %scan3A_13 : i32 to index
      %get3A_79 = arith.constant 400 : index
      %get3A_80 = tpu.vector_load %arg8[%get3A_78, %get3A_79] {strides = array<i32>} : memref<32x1024xf32, #tpu.memory_space<vmem>>, vector<1x16xf32>,
      %get3A_81 = vector.shape_cast %get3A_80 : vector<1x16xf32> to vector<16xf32>
      %mul3A_82 = arith.mulf %get3A_25, %get3A_81 : vector<16xf32>
      %add3A_83 = arith.addf %add3A_77, %mul3A_82 : vector<16xf32>
      %get3A_84 = arith.index_cast %scan3A_13 : i32 to index
      %get3A_85 = arith.constant 592 : index
      %get3A_86 = tpu.vector_load %arg8[%get3A_84, %get3A_85] {strides = array<i32>} : memref<32x1024xf32, #tpu.memory_space<vmem>>, vector<1x16xf32>,
      %get3A_87 = vector.shape_cast %get3A_86 : vector<1x16xf32> to vector<16xf32>
      %mul3A_88 = arith.mulf %get3A_29, %get3A_87 : vector<16xf32>
      %add3A_89 = arith.addf %add3A_83, %mul3A_88 : vector<16xf32>
      %get3A_90 = arith.index_cast %scan3A_13 : i32 to index
      %get3A_91 = arith.constant 784 : index
      %get3A_92 = tpu.vector_load %arg8[%get3A_90, %get3A_91] {strides = array<i32>} : memref<32x1024xf32, #tpu.memory_space<vmem>>, vector<1x16xf32>,
      %get3A_93 = vector.shape_cast %get3A_92 : vector<1x16xf32> to vector<16xf32>
      %mul3A_94 = arith.mulf %get3A_33, %get3A_93 : vector<16xf32>
      %add3A_95 = arith.addf %add3A_89, %mul3A_94 : vector<16xf32>
      %swap3A_96 = arith.index_cast %scan3A_13 : i32 to index
      %swap3A_97 = arith.constant 16 : index
      %swap3A_98 = tpu.vector_load %arg9[%swap3A_96, %swap3A_97] {strides = array<i32>} : memref<32x192xf32, #tpu.memory_space<vmem>>, vector<1x16xf32>,
      %swap3A_99 = vector.shape_cast %swap3A_98 : vector<1x16xf32> to vector<16xf32>
      %swap3A_100 = vector.shape_cast %add3A_95 : vector<16xf32> to vector<1x16xf32>
      tpu.vector_store %arg9[%swap3A_96, %swap3A_97], %swap3A_100 {strides = array<i32>} : memref<32x192xf32, #tpu.memory_space<vmem>>, vector<1x16xf32>,
      %get3A_101 = arith.index_cast %scan3A_13 : i32 to index
      %get3A_102 = arith.constant 32 : index
      %get3A_103 = tpu.vector_load %arg8[%get3A_101, %get3A_102] {strides = array<i32>} : memref<32x1024xf32, #tpu.memory_space<vmem>>, vector<1x16xf32>,
      %get3A_104 = vector.shape_cast %get3A_103 : vector<1x16xf32> to vector<16xf32>
      %mul3A_105 = arith.mulf %get3A_17, %get3A_104 : vector<16xf32>
      %get3A_106 = arith.index_cast %scan3A_13 : i32 to index
      %get3A_107 = arith.constant 224 : index
      %get3A_108 = tpu.vector_load %arg8[%get3A_106, %get3A_107] {strides = array<i32>} : memref<32x1024xf32, #tpu.memory_space<vmem>>, vector<1x16xf32>,
      %get3A_109 = vector.shape_cast %get3A_108 : vector<1x16xf32> to vector<16xf32>
      %mul3A_110 = arith.mulf %get3A_21, %get3A_109 : vector<16xf32>
      %add3A_111 = arith.addf %mul3A_105, %mul3A_110 : vector<16xf32>
      %get3A_112 = arith.index_cast %scan3A_13 : i32 to index
      %get3A_113 = arith.constant 416 : index
      %get3A_114 = tpu.vector_load %arg8[%get3A_112, %get3A_113] {strides = array<i32>} : memref<32x1024xf32, #tpu.memory_space<vmem>>, vector<1x16xf32>,
      %get3A_115 = vector.shape_cast %get3A_114 : vector<1x16xf32> to vector<16xf32>
      %mul3A_116 = arith.mulf %get3A_25, %get3A_115 : vector<16xf32>
      %add3A_117 = arith.addf %add3A_111, %mul3A_116 : vector<16xf32>
      %get3A_118 = arith.index_cast %scan3A_13 : i32 to index
      %get3A_119 = arith.constant 608 : index
      %get3A_120 = tpu.vector_load %arg8[%get3A_118, %get3A_119] {strides = array<i32>} : memref<32x1024xf32, #tpu.memory_space<vmem>>, vector<1x16xf32>,
      %get3A_121 = vector.shape_cast %get3A_120 : vector<1x16xf32> to vector<16xf32>
      %mul3A_122 = arith.mulf %get3A_29, %get3A_121 : vector<16xf32>
      %add3A_123 = arith.addf %add3A_117, %mul3A_122 : vector<16xf32>
      %get3A_124 = arith.index_cast %scan3A_13 : i32 to index
      %get3A_125 = arith.constant 800 : index
      %get3A_126 = tpu.vector_load %arg8[%get3A_124, %get3A_125] {strides = array<i32>} : memref<32x1024xf32, #tpu.memory_space<vmem>>, vector<1x16xf32>,
      %get3A_127 = vector.shape_cast %get3A_126 : vector<1x16xf32> to vector<16xf32>
      %mul3A_128 = arith.mulf %get3A_33, %get3A_127 : vector<16xf32>
      %add3A_129 = arith.addf %add3A_123, %mul3A_128 : vector<16xf32>
      %swap3A_130 = arith.index_cast %scan3A_13 : i32 to index
      %swap3A_131 = arith.constant 32 : index
      %swap3A_132 = tpu.vector_load %arg9[%swap3A_130, %swap3A_131] {strides = array<i32>} : memref<32x192xf32, #tpu.memory_space<vmem>>, vector<1x16xf32>,
      %swap3A_133 = vector.shape_cast %swap3A_132 : vector<1x16xf32> to vector<16xf32>
      %swap3A_134 = vector.shape_cast %add3A_129 : vector<16xf32> to vector<1x16xf32>
      tpu.vector_store %arg9[%swap3A_130, %swap3A_131], %swap3A_134 {strides = array<i32>} : memref<32x192xf32, #tpu.memory_space<vmem>>, vector<1x16xf32>,
      %get3A_135 = arith.index_cast %scan3A_13 : i32 to index
      %get3A_136 = arith.constant 48 : index
      %get3A_137 = tpu.vector_load %arg8[%get3A_135, %get3A_136] {strides = array<i32>} : memref<32x1024xf32, #tpu.memory_space<vmem>>, vector<1x16xf32>,
      %get3A_138 = vector.shape_cast %get3A_137 : vector<1x16xf32> to vector<16xf32>
      %mul3A_139 = arith.mulf %get3A_17, %get3A_138 : vector<16xf32>
      %get3A_140 = arith.index_cast %scan3A_13 : i32 to index
      %get3A_141 = arith.constant 240 : index
      %get3A_142 = tpu.vector_load %arg8[%get3A_140, %get3A_141] {strides = array<i32>} : memref<32x1024xf32, #tpu.memory_space<vmem>>, vector<1x16xf32>,
      %get3A_143 = vector.shape_cast %get3A_142 : vector<1x16xf32> to vector<16xf32>
      %mul3A_144 = arith.mulf %get3A_21, %get3A_143 : vector<16xf32>
      %add3A_145 = arith.addf %mul3A_139, %mul3A_144 : vector<16xf32>
      %get3A_146 = arith.index_cast %scan3A_13 : i32 to index
      %get3A_147 = arith.constant 432 : index
      %get3A_148 = tpu.vector_load %arg8[%get3A_146, %get3A_147] {strides = array<i32>} : memref<32x1024xf32, #tpu.memory_space<vmem>>, vector<1x16xf32>,
      %get3A_149 = vector.shape_cast %get3A_148 : vector<1x16xf32> to vector<16xf32>
      %mul3A_150 = arith.mulf %get3A_25, %get3A_149 : vector<16xf32>
      %add3A_151 = arith.addf %add3A_145, %mul3A_150 : vector<16xf32>
      %get3A_152 = arith.index_cast %scan3A_13 : i32 to index
      %get3A_153 = arith.constant 624 : index
      %get3A_154 = tpu.vector_load %arg8[%get3A_152, %get3A_153] {strides = array<i32>} : memref<32x1024xf32, #tpu.memory_space<vmem>>, vector<1x16xf32>,
      %get3A_155 = vector.shape_cast %get3A_154 : vector<1x16xf32> to vector<16xf32>
      %mul3A_156 = arith.mulf %get3A_29, %get3A_155 : vector<16xf32>
      %add3A_157 = arith.addf %add3A_151, %mul3A_156 : vector<16xf32>
      %get3A_158 = arith.index_cast %scan3A_13 : i32 to index
      %get3A_159 = arith.constant 816 : index
      %get3A_160 = tpu.vector_load %arg8[%get3A_158, %get3A_159] {strides = array<i32>} : memref<32x1024xf32, #tpu.memory_space<vmem>>, vector<1x16xf32>,
      %get3A_161 = vector.shape_cast %get3A_160 : vector<1x16xf32> to vector<16xf32>
      %mul3A_162 = arith.mulf %get3A_33, %get3A_161 : vector<16xf32>
      %add3A_163 = arith.addf %add3A_157, %mul3A_162 : vector<16xf32>
      %swap3A_164 = arith.index_cast %scan3A_13 : i32 to index
      %swap3A_165 = arith.constant 48 : index
      %swap3A_166 = tpu.vector_load %arg9[%swap3A_164, %swap3A_165] {strides = array<i32>} : memref<32x192xf32, #tpu.memory_space<vmem>>, vector<1x16xf32>,
      %swap3A_167 = vector.shape_cast %swap3A_166 : vector<1x16xf32> to vector<16xf32>
      %swap3A_168 = vector.shape_cast %add3A_163 : vector<16xf32> to vector<1x16xf32>
      tpu.vector_store %arg9[%swap3A_164, %swap3A_165], %swap3A_168 {strides = array<i32>} : memref<32x192xf32, #tpu.memory_space<vmem>>, vector<1x16xf32>,
      %get3A_169 = arith.index_cast %scan3A_13 : i32 to index
      %get3A_170 = arith.constant 64 : index
      %get3A_171 = tpu.vector_load %arg8[%get3A_169, %get3A_170] {strides = array<i32>} : memref<32x1024xf32, #tpu.memory_space<vmem>>, vector<1x16xf32>,
      %get3A_172 = vector.shape_cast %get3A_171 : vector<1x16xf32> to vector<16xf32>
      %mul3A_173 = arith.mulf %get3A_17, %get3A_172 : vector<16xf32>
      %get3A_174 = arith.index_cast %scan3A_13 : i32 to index
      %get3A_175 = arith.constant 256 : index
      %get3A_176 = tpu.vector_load %arg8[%get3A_174, %get3A_175] {strides = array<i32>} : memref<32x1024xf32, #tpu.memory_space<vmem>>, vector<1x16xf32>,
      %get3A_177 = vector.shape_cast %get3A_176 : vector<1x16xf32> to vector<16xf32>
      %mul3A_178 = arith.mulf %get3A_21, %get3A_177 : vector<16xf32>
      %add3A_179 = arith.addf %mul3A_173, %mul3A_178 : vector<16xf32>
      %get3A_180 = arith.index_cast %scan3A_13 : i32 to index
      %get3A_181 = arith.constant 448 : index
      %get3A_182 = tpu.vector_load %arg8[%get3A_180, %get3A_181] {strides = array<i32>} : memref<32x1024xf32, #tpu.memory_space<vmem>>, vector<1x16xf32>,
      %get3A_183 = vector.shape_cast %get3A_182 : vector<1x16xf32> to vector<16xf32>
      %mul3A_184 = arith.mulf %get3A_25, %get3A_183 : vector<16xf32>
      %add3A_185 = arith.addf %add3A_179, %mul3A_184 : vector<16xf32>
      %get3A_186 = arith.index_cast %scan3A_13 : i32 to index
      %get3A_187 = arith.constant 640 : index
      %get3A_188 = tpu.vector_load %arg8[%get3A_186, %get3A_187] {strides = array<i32>} : memref<32x1024xf32, #tpu.memory_space<vmem>>, vector<1x16xf32>,
      %get3A_189 = vector.shape_cast %get3A_188 : vector<1x16xf32> to vector<16xf32>
      %mul3A_190 = arith.mulf %get3A_29, %get3A_189 : vector<16xf32>
      %add3A_191 = arith.addf %add3A_185, %mul3A_190 : vector<16xf32>
      %get3A_192 = arith.index_cast %scan3A_13 : i32 to index
      %get3A_193 = arith.constant 832 : index
      %get3A_194 = tpu.vector_load %arg8[%get3A_192, %get3A_193] {strides = array<i32>} : memref<32x1024xf32, #tpu.memory_space<vmem>>, vector<1x16xf32>,
      %get3A_195 = vector.shape_cast %get3A_194 : vector<1x16xf32> to vector<16xf32>
      %mul3A_196 = arith.mulf %get3A_33, %get3A_195 : vector<16xf32>
      %add3A_197 = arith.addf %add3A_191, %mul3A_196 : vector<16xf32>
      %swap3A_198 = arith.index_cast %scan3A_13 : i32 to index
      %swap3A_199 = arith.constant 64 : index
      %swap3A_200 = tpu.vector_load %arg9[%swap3A_198, %swap3A_199] {strides = array<i32>} : memref<32x192xf32, #tpu.memory_space<vmem>>, vector<1x16xf32>,
      %swap3A_201 = vector.shape_cast %swap3A_200 : vector<1x16xf32> to vector<16xf32>
      %swap3A_202 = vector.shape_cast %add3A_197 : vector<16xf32> to vector<1x16xf32>
      tpu.vector_store %arg9[%swap3A_198, %swap3A_199], %swap3A_202 {strides = array<i32>} : memref<32x192xf32, #tpu.memory_space<vmem>>, vector<1x16xf32>,
      %get3A_203 = arith.index_cast %scan3A_13 : i32 to index
      %get3A_204 = arith.constant 80 : index
      %get3A_205 = tpu.vector_load %arg8[%get3A_203, %get3A_204] {strides = array<i32>} : memref<32x1024xf32, #tpu.memory_space<vmem>>, vector<1x16xf32>,
      %get3A_206 = vector.shape_cast %get3A_205 : vector<1x16xf32> to vector<16xf32>
      %mul3A_207 = arith.mulf %get3A_17, %get3A_206 : vector<16xf32>
      %get3A_208 = arith.index_cast %scan3A_13 : i32 to index
      %get3A_209 = arith.constant 272 : index
      %get3A_210 = tpu.vector_load %arg8[%get3A_208, %get3A_209] {strides = array<i32>} : memref<32x1024xf32, #tpu.memory_space<vmem>>, vector<1x16xf32>,
      %get3A_211 = vector.shape_cast %get3A_210 : vector<1x16xf32> to vector<16xf32>
      %mul3A_212 = arith.mulf %get3A_21, %get3A_211 : vector<16xf32>
      %add3A_213 = arith.addf %mul3A_207, %mul3A_212 : vector<16xf32>
      %get3A_214 = arith.index_cast %scan3A_13 : i32 to index
      %get3A_215 = arith.constant 464 : index
      %get3A_216 = tpu.vector_load %arg8[%get3A_214, %get3A_215] {strides = array<i32>} : memref<32x1024xf32, #tpu.memory_space<vmem>>, vector<1x16xf32>,
      %get3A_217 = vector.shape_cast %get3A_216 : vector<1x16xf32> to vector<16xf32>
      %mul3A_218 = arith.mulf %get3A_25, %get3A_217 : vector<16xf32>
      %add3A_219 = arith.addf %add3A_213, %mul3A_218 : vector<16xf32>
      %get3A_220 = arith.index_cast %scan3A_13 : i32 to index
      %get3A_221 = arith.constant 656 : index
      %get3A_222 = tpu.vector_load %arg8[%get3A_220, %get3A_221] {strides = array<i32>} : memref<32x1024xf32, #tpu.memory_space<vmem>>, vector<1x16xf32>,
      %get3A_223 = vector.shape_cast %get3A_222 : vector<1x16xf32> to vector<16xf32>
      %mul3A_224 = arith.mulf %get3A_29, %get3A_223 : vector<16xf32>
      %add3A_225 = arith.addf %add3A_219, %mul3A_224 : vector<16xf32>
      %get3A_226 = arith.index_cast %scan3A_13 : i32 to index
      %get3A_227 = arith.constant 848 : index
      %get3A_228 = tpu.vector_load %arg8[%get3A_226, %get3A_227] {strides = array<i32>} : memref<32x1024xf32, #tpu.memory_space<vmem>>, vector<1x16xf32>,
      %get3A_229 = vector.shape_cast %get3A_228 : vector<1x16xf32> to vector<16xf32>
      %mul3A_230 = arith.mulf %get3A_33, %get3A_229 : vector<16xf32>
      %add3A_231 = arith.addf %add3A_225, %mul3A_230 : vector<16xf32>
      %swap3A_232 = arith.index_cast %scan3A_13 : i32 to index
      %swap3A_233 = arith.constant 80 : index
      %swap3A_234 = tpu.vector_load %arg9[%swap3A_232, %swap3A_233] {strides = array<i32>} : memref<32x192xf32, #tpu.memory_space<vmem>>, vector<1x16xf32>,
      %swap3A_235 = vector.shape_cast %swap3A_234 : vector<1x16xf32> to vector<16xf32>
      %swap3A_236 = vector.shape_cast %add3A_231 : vector<16xf32> to vector<1x16xf32>
      tpu.vector_store %arg9[%swap3A_232, %swap3A_233], %swap3A_236 {strides = array<i32>} : memref<32x192xf32, #tpu.memory_space<vmem>>, vector<1x16xf32>,
      %get3A_237 = arith.index_cast %scan3A_13 : i32 to index
      %get3A_238 = arith.constant 96 : index
      %get3A_239 = tpu.vector_load %arg8[%get3A_237, %get3A_238] {strides = array<i32>} : memref<32x1024xf32, #tpu.memory_space<vmem>>, vector<1x16xf32>,
      %get3A_240 = vector.shape_cast %get3A_239 : vector<1x16xf32> to vector<16xf32>
      %mul3A_241 = arith.mulf %get3A_17, %get3A_240 : vector<16xf32>
      %get3A_242 = arith.index_cast %scan3A_13 : i32 to index
      %get3A_243 = arith.constant 288 : index
      %get3A_244 = tpu.vector_load %arg8[%get3A_242, %get3A_243] {strides = array<i32>} : memref<32x1024xf32, #tpu.memory_space<vmem>>, vector<1x16xf32>,
      %get3A_245 = vector.shape_cast %get3A_244 : vector<1x16xf32> to vector<16xf32>
      %mul3A_246 = arith.mulf %get3A_21, %get3A_245 : vector<16xf32>
      %add3A_247 = arith.addf %mul3A_241, %mul3A_246 : vector<16xf32>
      %get3A_248 = arith.index_cast %scan3A_13 : i32 to index
      %get3A_249 = arith.constant 480 : index
      %get3A_250 = tpu.vector_load %arg8[%get3A_248, %get3A_249] {strides = array<i32>} : memref<32x1024xf32, #tpu.memory_space<vmem>>, vector<1x16xf32>,
      %get3A_251 = vector.shape_cast %get3A_250 : vector<1x16xf32> to vector<16xf32>
      %mul3A_252 = arith.mulf %get3A_25, %get3A_251 : vector<16xf32>
      %add3A_253 = arith.addf %add3A_247, %mul3A_252 : vector<16xf32>
      %get3A_254 = arith.index_cast %scan3A_13 : i32 to index
      %get3A_255 = arith.constant 672 : index
      %get3A_256 = tpu.vector_load %arg8[%get3A_254, %get3A_255] {strides = array<i32>} : memref<32x1024xf32, #tpu.memory_space<vmem>>, vector<1x16xf32>,
      %get3A_257 = vector.shape_cast %get3A_256 : vector<1x16xf32> to vector<16xf32>
      %mul3A_258 = arith.mulf %get3A_29, %get3A_257 : vector<16xf32>
      %add3A_259 = arith.addf %add3A_253, %mul3A_258 : vector<16xf32>
      %get3A_260 = arith.index_cast %scan3A_13 : i32 to index
      %get3A_261 = arith.constant 864 : index
      %get3A_262 = tpu.vector_load %arg8[%get3A_260, %get3A_261] {strides = array<i32>} : memref<32x1024xf32, #tpu.memory_space<vmem>>, vector<1x16xf32>,
      %get3A_263 = vector.shape_cast %get3A_262 : vector<1x16xf32> to vector<16xf32>
      %mul3A_264 = arith.mulf %get3A_33, %get3A_263 : vector<16xf32>
      %add3A_265 = arith.addf %add3A_259, %mul3A_264 : vector<16xf32>
      %swap3A_266 = arith.index_cast %scan3A_13 : i32 to index
      %swap3A_267 = arith.constant 96 : index
      %swap3A_268 = tpu.vector_load %arg9[%swap3A_266, %swap3A_267] {strides = array<i32>} : memref<32x192xf32, #tpu.memory_space<vmem>>, vector<1x16xf32>,
      %swap3A_269 = vector.shape_cast %swap3A_268 : vector<1x16xf32> to vector<16xf32>
      %swap3A_270 = vector.shape_cast %add3A_265 : vector<16xf32> to vector<1x16xf32>
      tpu.vector_store %arg9[%swap3A_266, %swap3A_267], %swap3A_270 {strides = array<i32>} : memref<32x192xf32, #tpu.memory_space<vmem>>, vector<1x16xf32>,
      %get3A_271 = arith.index_cast %scan3A_13 : i32 to index
      %get3A_272 = arith.constant 112 : index
      %get3A_273 = tpu.vector_load %arg8[%get3A_271, %get3A_272] {strides = array<i32>} : memref<32x1024xf32, #tpu.memory_space<vmem>>, vector<1x16xf32>,
      %get3A_274 = vector.shape_cast %get3A_273 : vector<1x16xf32> to vector<16xf32>
      %mul3A_275 = arith.mulf %get3A_17, %get3A_274 : vector<16xf32>
      %get3A_276 = arith.index_cast %scan3A_13 : i32 to index
      %get3A_277 = arith.constant 304 : index
      %get3A_278 = tpu.vector_load %arg8[%get3A_276, %get3A_277] {strides = array<i32>} : memref<32x1024xf32, #tpu.memory_space<vmem>>, vector<1x16xf32>,
      %get3A_279 = vector.shape_cast %get3A_278 : vector<1x16xf32> to vector<16xf32>
      %mul3A_280 = arith.mulf %get3A_21, %get3A_279 : vector<16xf32>
      %add3A_281 = arith.addf %mul3A_275, %mul3A_280 : vector<16xf32>
      %get3A_282 = arith.index_cast %scan3A_13 : i32 to index
      %get3A_283 = arith.constant 496 : index
      %get3A_284 = tpu.vector_load %arg8[%get3A_282, %get3A_283] {strides = array<i32>} : memref<32x1024xf32, #tpu.memory_space<vmem>>, vector<1x16xf32>,
      %get3A_285 = vector.shape_cast %get3A_284 : vector<1x16xf32> to vector<16xf32>
      %mul3A_286 = arith.mulf %get3A_25, %get3A_285 : vector<16xf32>
      %add3A_287 = arith.addf %add3A_281, %mul3A_286 : vector<16xf32>
      %get3A_288 = arith.index_cast %scan3A_13 : i32 to index
      %get3A_289 = arith.constant 688 : index
      %get3A_290 = tpu.vector_load %arg8[%get3A_288, %get3A_289] {strides = array<i32>} : memref<32x1024xf32, #tpu.memory_space<vmem>>, vector<1x16xf32>,
      %get3A_291 = vector.shape_cast %get3A_290 : vector<1x16xf32> to vector<16xf32>
      %mul3A_292 = arith.mulf %get3A_29, %get3A_291 : vector<16xf32>
      %add3A_293 = arith.addf %add3A_287, %mul3A_292 : vector<16xf32>
      %get3A_294 = arith.index_cast %scan3A_13 : i32 to index
      %get3A_295 = arith.constant 880 : index
      %get3A_296 = tpu.vector_load %arg8[%get3A_294, %get3A_295] {strides = array<i32>} : memref<32x1024xf32, #tpu.memory_space<vmem>>, vector<1x16xf32>,
      %get3A_297 = vector.shape_cast %get3A_296 : vector<1x16xf32> to vector<16xf32>
      %mul3A_298 = arith.mulf %get3A_33, %get3A_297 : vector<16xf32>
      %add3A_299 = arith.addf %add3A_293, %mul3A_298 : vector<16xf32>
      %swap3A_300 = arith.index_cast %scan3A_13 : i32 to index
      %swap3A_301 = arith.constant 112 : index
      %swap3A_302 = tpu.vector_load %arg9[%swap3A_300, %swap3A_301] {strides = array<i32>} : memref<32x192xf32, #tpu.memory_space<vmem>>, vector<1x16xf32>,
      %swap3A_303 = vector.shape_cast %swap3A_302 : vector<1x16xf32> to vector<16xf32>
      %swap3A_304 = vector.shape_cast %add3A_299 : vector<16xf32> to vector<1x16xf32>
      tpu.vector_store %arg9[%swap3A_300, %swap3A_301], %swap3A_304 {strides = array<i32>} : memref<32x192xf32, #tpu.memory_space<vmem>>, vector<1x16xf32>,
      %get3A_305 = arith.index_cast %scan3A_13 : i32 to index
      %get3A_306 = arith.constant 128 : index
      %get3A_307 = tpu.vector_load %arg8[%get3A_305, %get3A_306] {strides = array<i32>} : memref<32x1024xf32, #tpu.memory_space<vmem>>, vector<1x16xf32>,
      %get3A_308 = vector.shape_cast %get3A_307 : vector<1x16xf32> to vector<16xf32>
      %mul3A_309 = arith.mulf %get3A_17, %get3A_308 : vector<16xf32>
      %get3A_310 = arith.index_cast %scan3A_13 : i32 to index
      %get3A_311 = arith.constant 320 : index
      %get3A_312 = tpu.vector_load %arg8[%get3A_310, %get3A_311] {strides = array<i32>} : memref<32x1024xf32, #tpu.memory_space<vmem>>, vector<1x16xf32>,
      %get3A_313 = vector.shape_cast %get3A_312 : vector<1x16xf32> to vector<16xf32>
      %mul3A_314 = arith.mulf %get3A_21, %get3A_313 : vector<16xf32>
      %add3A_315 = arith.addf %mul3A_309, %mul3A_314 : vector<16xf32>
      %get3A_316 = arith.index_cast %scan3A_13 : i32 to index
      %get3A_317 = arith.constant 512 : index
      %get3A_318 = tpu.vector_load %arg8[%get3A_316, %get3A_317] {strides = array<i32>} : memref<32x1024xf32, #tpu.memory_space<vmem>>, vector<1x16xf32>,
      %get3A_319 = vector.shape_cast %get3A_318 : vector<1x16xf32> to vector<16xf32>
      %mul3A_320 = arith.mulf %get3A_25, %get3A_319 : vector<16xf32>
      %add3A_321 = arith.addf %add3A_315, %mul3A_320 : vector<16xf32>
      %get3A_322 = arith.index_cast %scan3A_13 : i32 to index
      %get3A_323 = arith.constant 704 : index
      %get3A_324 = tpu.vector_load %arg8[%get3A_322, %get3A_323] {strides = array<i32>} : memref<32x1024xf32, #tpu.memory_space<vmem>>, vector<1x16xf32>,
      %get3A_325 = vector.shape_cast %get3A_324 : vector<1x16xf32> to vector<16xf32>
      %mul3A_326 = arith.mulf %get3A_29, %get3A_325 : vector<16xf32>
      %add3A_327 = arith.addf %add3A_321, %mul3A_326 : vector<16xf32>
      %get3A_328 = arith.index_cast %scan3A_13 : i32 to index
      %get3A_329 = arith.constant 896 : index
      %get3A_330 = tpu.vector_load %arg8[%get3A_328, %get3A_329] {strides = array<i32>} : memref<32x1024xf32, #tpu.memory_space<vmem>>, vector<1x16xf32>,
      %get3A_331 = vector.shape_cast %get3A_330 : vector<1x16xf32> to vector<16xf32>
      %mul3A_332 = arith.mulf %get3A_33, %get3A_331 : vector<16xf32>
      %add3A_333 = arith.addf %add3A_327, %mul3A_332 : vector<16xf32>
      %swap3A_334 = arith.index_cast %scan3A_13 : i32 to index
      %swap3A_335 = arith.constant 128 : index
      %swap3A_336 = tpu.vector_load %arg9[%swap3A_334, %swap3A_335] {strides = array<i32>} : memref<32x192xf32, #tpu.memory_space<vmem>>, vector<1x16xf32>,
      %swap3A_337 = vector.shape_cast %swap3A_336 : vector<1x16xf32> to vector<16xf32>
      %swap3A_338 = vector.shape_cast %add3A_333 : vector<16xf32> to vector<1x16xf32>
      tpu.vector_store %arg9[%swap3A_334, %swap3A_335], %swap3A_338 {strides = array<i32>} : memref<32x192xf32, #tpu.memory_space<vmem>>, vector<1x16xf32>,
      %get3A_339 = arith.index_cast %scan3A_13 : i32 to index
      %get3A_340 = arith.constant 144 : index
      %get3A_341 = tpu.vector_load %arg8[%get3A_339, %get3A_340] {strides = array<i32>} : memref<32x1024xf32, #tpu.memory_space<vmem>>, vector<1x16xf32>,
      %get3A_342 = vector.shape_cast %get3A_341 : vector<1x16xf32> to vector<16xf32>
      %mul3A_343 = arith.mulf %get3A_17, %get3A_342 : vector<16xf32>
      %get3A_344 = arith.index_cast %scan3A_13 : i32 to index
      %get3A_345 = arith.constant 336 : index
      %get3A_346 = tpu.vector_load %arg8[%get3A_344, %get3A_345] {strides = array<i32>} : memref<32x1024xf32, #tpu.memory_space<vmem>>, vector<1x16xf32>,
      %get3A_347 = vector.shape_cast %get3A_346 : vector<1x16xf32> to vector<16xf32>
      %mul3A_348 = arith.mulf %get3A_21, %get3A_347 : vector<16xf32>
      %add3A_349 = arith.addf %mul3A_343, %mul3A_348 : vector<16xf32>
      %get3A_350 = arith.index_cast %scan3A_13 : i32 to index
      %get3A_351 = arith.constant 528 : index
      %get3A_352 = tpu.vector_load %arg8[%get3A_350, %get3A_351] {strides = array<i32>} : memref<32x1024xf32, #tpu.memory_space<vmem>>, vector<1x16xf32>,
      %get3A_353 = vector.shape_cast %get3A_352 : vector<1x16xf32> to vector<16xf32>
      %mul3A_354 = arith.mulf %get3A_25, %get3A_353 : vector<16xf32>
      %add3A_355 = arith.addf %add3A_349, %mul3A_354 : vector<16xf32>
      %get3A_356 = arith.index_cast %scan3A_13 : i32 to index
      %get3A_357 = arith.constant 720 : index
      %get3A_358 = tpu.vector_load %arg8[%get3A_356, %get3A_357] {strides = array<i32>} : memref<32x1024xf32, #tpu.memory_space<vmem>>, vector<1x16xf32>,
      %get3A_359 = vector.shape_cast %get3A_358 : vector<1x16xf32> to vector<16xf32>
      %mul3A_360 = arith.mulf %get3A_29, %get3A_359 : vector<16xf32>
      %add3A_361 = arith.addf %add3A_355, %mul3A_360 : vector<16xf32>
      %get3A_362 = arith.index_cast %scan3A_13 : i32 to index
      %get3A_363 = arith.constant 912 : index
      %get3A_364 = tpu.vector_load %arg8[%get3A_362, %get3A_363] {strides = array<i32>} : memref<32x1024xf32, #tpu.memory_space<vmem>>, vector<1x16xf32>,
      %get3A_365 = vector.shape_cast %get3A_364 : vector<1x16xf32> to vector<16xf32>
      %mul3A_366 = arith.mulf %get3A_33, %get3A_365 : vector<16xf32>
      %add3A_367 = arith.addf %add3A_361, %mul3A_366 : vector<16xf32>
      %swap3A_368 = arith.index_cast %scan3A_13 : i32 to index
      %swap3A_369 = arith.constant 144 : index
      %swap3A_370 = tpu.vector_load %arg9[%swap3A_368, %swap3A_369] {strides = array<i32>} : memref<32x192xf32, #tpu.memory_space<vmem>>, vector<1x16xf32>,
      %swap3A_371 = vector.shape_cast %swap3A_370 : vector<1x16xf32> to vector<16xf32>
      %swap3A_372 = vector.shape_cast %add3A_367 : vector<16xf32> to vector<1x16xf32>
      tpu.vector_store %arg9[%swap3A_368, %swap3A_369], %swap3A_372 {strides = array<i32>} : memref<32x192xf32, #tpu.memory_space<vmem>>, vector<1x16xf32>,
      %get3A_373 = arith.index_cast %scan3A_13 : i32 to index
      %get3A_374 = arith.constant 160 : index
      %get3A_375 = tpu.vector_load %arg8[%get3A_373, %get3A_374] {strides = array<i32>} : memref<32x1024xf32, #tpu.memory_space<vmem>>, vector<1x16xf32>,
      %get3A_376 = vector.shape_cast %get3A_375 : vector<1x16xf32> to vector<16xf32>
      %mul3A_377 = arith.mulf %get3A_17, %get3A_376 : vector<16xf32>
      %get3A_378 = arith.index_cast %scan3A_13 : i32 to index
      %get3A_379 = arith.constant 352 : index
      %get3A_380 = tpu.vector_load %arg8[%get3A_378, %get3A_379] {strides = array<i32>} : memref<32x1024xf32, #tpu.memory_space<vmem>>, vector<1x16xf32>,
      %get3A_381 = vector.shape_cast %get3A_380 : vector<1x16xf32> to vector<16xf32>
      %mul3A_382 = arith.mulf %get3A_21, %get3A_381 : vector<16xf32>
      %add3A_383 = arith.addf %mul3A_377, %mul3A_382 : vector<16xf32>
      %get3A_384 = arith.index_cast %scan3A_13 : i32 to index
      %get3A_385 = arith.constant 544 : index
      %get3A_386 = tpu.vector_load %arg8[%get3A_384, %get3A_385] {strides = array<i32>} : memref<32x1024xf32, #tpu.memory_space<vmem>>, vector<1x16xf32>,
      %get3A_387 = vector.shape_cast %get3A_386 : vector<1x16xf32> to vector<16xf32>
      %mul3A_388 = arith.mulf %get3A_25, %get3A_387 : vector<16xf32>
      %add3A_389 = arith.addf %add3A_383, %mul3A_388 : vector<16xf32>
      %get3A_390 = arith.index_cast %scan3A_13 : i32 to index
      %get3A_391 = arith.constant 736 : index
      %get3A_392 = tpu.vector_load %arg8[%get3A_390, %get3A_391] {strides = array<i32>} : memref<32x1024xf32, #tpu.memory_space<vmem>>, vector<1x16xf32>,
      %get3A_393 = vector.shape_cast %get3A_392 : vector<1x16xf32> to vector<16xf32>
      %mul3A_394 = arith.mulf %get3A_29, %get3A_393 : vector<16xf32>
      %add3A_395 = arith.addf %add3A_389, %mul3A_394 : vector<16xf32>
      %get3A_396 = arith.index_cast %scan3A_13 : i32 to index
      %get3A_397 = arith.constant 928 : index
      %get3A_398 = tpu.vector_load %arg8[%get3A_396, %get3A_397] {strides = array<i32>} : memref<32x1024xf32, #tpu.memory_space<vmem>>, vector<1x16xf32>,
      %get3A_399 = vector.shape_cast %get3A_398 : vector<1x16xf32> to vector<16xf32>
      %mul3A_400 = arith.mulf %get3A_33, %get3A_399 : vector<16xf32>
      %add3A_401 = arith.addf %add3A_395, %mul3A_400 : vector<16xf32>
      %swap3A_402 = arith.index_cast %scan3A_13 : i32 to index
      %swap3A_403 = arith.constant 160 : index
      %swap3A_404 = tpu.vector_load %arg9[%swap3A_402, %swap3A_403] {strides = array<i32>} : memref<32x192xf32, #tpu.memory_space<vmem>>, vector<1x16xf32>,
      %swap3A_405 = vector.shape_cast %swap3A_404 : vector<1x16xf32> to vector<16xf32>
      %swap3A_406 = vector.shape_cast %add3A_401 : vector<16xf32> to vector<1x16xf32>
      tpu.vector_store %arg9[%swap3A_402, %swap3A_403], %swap3A_406 {strides = array<i32>} : memref<32x192xf32, #tpu.memory_space<vmem>>, vector<1x16xf32>,
      %get3A_407 = arith.index_cast %scan3A_13 : i32 to index
      %get3A_408 = arith.constant 176 : index
      %get3A_409 = tpu.vector_load %arg8[%get3A_407, %get3A_408] {strides = array<i32>} : memref<32x1024xf32, #tpu.memory_space<vmem>>, vector<1x16xf32>,
      %get3A_410 = vector.shape_cast %get3A_409 : vector<1x16xf32> to vector<16xf32>
      %mul3A_411 = arith.mulf %get3A_17, %get3A_410 : vector<16xf32>
      %get3A_412 = arith.index_cast %scan3A_13 : i32 to index
      %get3A_413 = arith.constant 368 : index
      %get3A_414 = tpu.vector_load %arg8[%get3A_412, %get3A_413] {strides = array<i32>} : memref<32x1024xf32, #tpu.memory_space<vmem>>, vector<1x16xf32>,
      %get3A_415 = vector.shape_cast %get3A_414 : vector<1x16xf32> to vector<16xf32>
      %mul3A_416 = arith.mulf %get3A_21, %get3A_415 : vector<16xf32>
      %add3A_417 = arith.addf %mul3A_411, %mul3A_416 : vector<16xf32>
      %get3A_418 = arith.index_cast %scan3A_13 : i32 to index
      %get3A_419 = arith.constant 560 : index
      %get3A_420 = tpu.vector_load %arg8[%get3A_418, %get3A_419] {strides = array<i32>} : memref<32x1024xf32, #tpu.memory_space<vmem>>, vector<1x16xf32>,
      %get3A_421 = vector.shape_cast %get3A_420 : vector<1x16xf32> to vector<16xf32>
      %mul3A_422 = arith.mulf %get3A_25, %get3A_421 : vector<16xf32>
      %add3A_423 = arith.addf %add3A_417, %mul3A_422 : vector<16xf32>
      %get3A_424 = arith.index_cast %scan3A_13 : i32 to index
      %get3A_425 = arith.constant 752 : index
      %get3A_426 = tpu.vector_load %arg8[%get3A_424, %get3A_425] {strides = array<i32>} : memref<32x1024xf32, #tpu.memory_space<vmem>>, vector<1x16xf32>,
      %get3A_427 = vector.shape_cast %get3A_426 : vector<1x16xf32> to vector<16xf32>
      %mul3A_428 = arith.mulf %get3A_29, %get3A_427 : vector<16xf32>
      %add3A_429 = arith.addf %add3A_423, %mul3A_428 : vector<16xf32>
      %get3A_430 = arith.index_cast %scan3A_13 : i32 to index
      %get3A_431 = arith.constant 944 : index
      %get3A_432 = tpu.vector_load %arg8[%get3A_430, %get3A_431] {strides = array<i32>} : memref<32x1024xf32, #tpu.memory_space<vmem>>, vector<1x16xf32>,
      %get3A_433 = vector.shape_cast %get3A_432 : vector<1x16xf32> to vector<16xf32>
      %mul3A_434 = arith.mulf %get3A_33, %get3A_433 : vector<16xf32>
      %add3A_435 = arith.addf %add3A_429, %mul3A_434 : vector<16xf32>
      %swap3A_436 = arith.index_cast %scan3A_13 : i32 to index
      %swap3A_437 = arith.constant 176 : index
      %swap3A_438 = tpu.vector_load %arg9[%swap3A_436, %swap3A_437] {strides = array<i32>} : memref<32x192xf32, #tpu.memory_space<vmem>>, vector<1x16xf32>,
      %swap3A_439 = vector.shape_cast %swap3A_438 : vector<1x16xf32> to vector<16xf32>
      %swap3A_440 = vector.shape_cast %add3A_435 : vector<16xf32> to vector<1x16xf32>
      tpu.vector_store %arg9[%swap3A_436, %swap3A_437], %swap3A_440 {strides = array<i32>} : memref<32x192xf32, #tpu.memory_space<vmem>>, vector<1x16xf32>,
      %scan3A_441 = arith.constant 0 : i32
      scf.yield %scan3A_441 : i32
    }
    %scan3A_12 = arith.constant 32 : i32
    "tpu.region"() ({
      %run_scoped3A = tpu.sem_alloc : memref<!tpu.dma_semaphore, #tpu.memory_space<semaphore_mem>>
      %dma_start3A_13 = arith.constant 0 : i32
      %dma_start3A_14 = tpu.memref_slice %arg5[%mul3A_2, %dma_start3A_13] : memref<1024x192xf32, #tpu.memory_space<hbm>> -> memref<32x192xf32, #tpu.memory_space<hbm>>
      %dma_start3A_15 = arith.constant 0 : i32
      %dma_start3A_16 = tpu.memref_slice %arg5[%mul3A_2, %dma_start3A_15] : memref<1024x192xf32, #tpu.memory_space<hbm>> -> memref<32x192xf32, #tpu.memory_space<hbm>>
      tpu.enqueue_dma source(%arg9 : memref<32x192xf32, #tpu.memory_space<vmem>>) target(%dma_start3A_16 : memref<32x192xf32, #tpu.memory_space<hbm>>) target_semaphore(%run_scoped3A : memref<!tpu.dma_semaphore, #tpu.memory_space<semaphore_mem>>)
      %dma_wait3A_17 = arith.constant 0 : i32
      %dma_wait3A_18 = tpu.memref_slice %arg5[%mul3A_2, %dma_wait3A_17] : memref<1024x192xf32, #tpu.memory_space<hbm>> -> memref<32x192xf32, #tpu.memory_space<hbm>>
      %dma_wait3A_19 = arith.constant 0 : i32
      %dma_wait3A_20 = tpu.memref_slice %arg5[%mul3A_2, %dma_wait3A_19] : memref<1024x192xf32, #tpu.memory_space<hbm>> -> memref<32x192xf32, #tpu.memory_space<hbm>>
      tpu.wait_dma2 semaphore(%run_scoped3A : memref<!tpu.dma_semaphore, #tpu.memory_space<semaphore_mem>>) src(%arg9 : memref<32x192xf32, #tpu.memory_space<vmem>>) dst(%dma_wait3A_20 : memref<32x192xf32, #tpu.memory_space<hbm>>)
      tpu.yield
    }) : () -> ()
    return
  }
}

#map = affine_map<(d0, d1) -> (0, 0)>
#map1 = affine_map<(d0, d1) -> (0)>
module attributes {stable_mosaic.version = 14 : i64} {
  func.func @k(%arg0: i32, %arg1: i32, %arg2: memref<1024x1024xf32, #tpu.memory_space<hbm>>, %arg3: memref<1024xi32, #tpu.memory_space<hbm>>, %arg4: memref<1024x80xf32, #tpu.memory_space<hbm>>, %arg5: memref<1024x192xf32, #tpu.memory_space<hbm>>, %arg6: memref<32xi32, #tpu.memory_space<vmem>>, %arg7: memref<32x80xf32, #tpu.memory_space<vmem>>, %arg8: memref<32x1024xf32, #tpu.memory_space<vmem>>, %arg9: memref<32x192xf32, #tpu.memory_space<vmem>>, %arg10: memref<!tpu.dma_semaphore, #tpu.memory_space<semaphore_mem>>) attributes {dimension_semantics = [#tpu.dimension_semantics<core_parallel>, #tpu.dimension_semantics<subcore_parallel>], iteration_bounds = array<i64: 2, 16>, scalar_prefetch = 0 : i64, scratch_operands = 5 : i64, tpu.core_type = #tpu.core_type<sc_vector_subcore>, window_params = [{transform_indices = #map}, {transform_indices = #map1}, {transform_indices = #map}, {transform_indices = #map}]} {
    %mul3A = arith.constant 2 : i32
    %mul3A_0 = arith.muli %arg1, %mul3A : i32
    %add3A = arith.addi %mul3A_0, %arg0 : i32
    %mul3A_1 = arith.constant 32 : i32
    %mul3A_2 = arith.muli %add3A, %mul3A_1 : i32
    "tpu.region"() ({
      %run_scoped3A = tpu.sem_alloc : memref<!tpu.dma_semaphore, #tpu.memory_space<semaphore_mem>>
      %dma_start3A_13 = tpu.memref_slice %arg3[%mul3A_2] : memref<1024xi32, #tpu.memory_space<hbm>> -> memref<32xi32, #tpu.memory_space<hbm>>
      %dma_start3A_14 = tpu.memref_slice %arg3[%mul3A_2] : memref<1024xi32, #tpu.memory_space<hbm>> -> memref<32xi32, #tpu.memory_space<hbm>>
      tpu.enqueue_dma source(%dma_start3A_14 : memref<32xi32, #tpu.memory_space<hbm>>) target(%arg6 : memref<32xi32, #tpu.memory_space<vmem>>) target_semaphore(%run_scoped3A : memref<!tpu.dma_semaphore, #tpu.memory_space<semaphore_mem>>)
      %dma_wait3A_15 = tpu.memref_slice %arg3[%mul3A_2] : memref<1024xi32, #tpu.memory_space<hbm>> -> memref<32xi32, #tpu.memory_space<hbm>>
      %dma_wait3A_16 = tpu.memref_slice %arg3[%mul3A_2] : memref<1024xi32, #tpu.memory_space<hbm>> -> memref<32xi32, #tpu.memory_space<hbm>>
      tpu.wait_dma2 semaphore(%run_scoped3A : memref<!tpu.dma_semaphore, #tpu.memory_space<semaphore_mem>>) src(%dma_wait3A_16 : memref<32xi32, #tpu.memory_space<hbm>>) dst(%arg6 : memref<32xi32, #tpu.memory_space<vmem>>)
      tpu.yield
    }) : () -> ()
    %dma_start3A = arith.constant 0 : i32
    %dma_start3A_3 = arith.constant 0 : i32
    %dma_start3A_4 = tpu.memref_slice %arg2[%dma_start3A, %dma_start3A_3] : memref<1024x1024xf32, #tpu.memory_space<hbm>> -> memref<1024x1024xf32, #tpu.memory_space<hbm>>
    tpu.enqueue_indirect_dma source(%dma_start3A_4 : memref<1024x1024xf32, #tpu.memory_space<hbm>>) target(%arg8 : memref<32x1024xf32, #tpu.memory_space<vmem>>) offsets(%arg6 : memref<32xi32, #tpu.memory_space<vmem>>) semaphore(%arg10 : memref<!tpu.dma_semaphore, #tpu.memory_space<semaphore_mem>>)
    "tpu.region"() ({
      %run_scoped3A = tpu.sem_alloc : memref<!tpu.dma_semaphore, #tpu.memory_space<semaphore_mem>>
      %dma_start3A_13 = arith.constant 0 : i32
      %dma_start3A_14 = tpu.memref_slice %arg4[%mul3A_2, %dma_start3A_13] : memref<1024x80xf32, #tpu.memory_space<hbm>> -> memref<32x80xf32, #tpu.memory_space<hbm>>
      %dma_start3A_15 = arith.constant 0 : i32
      %dma_start3A_16 = tpu.memref_slice %arg4[%mul3A_2, %dma_start3A_15] : memref<1024x80xf32, #tpu.memory_space<hbm>> -> memref<32x80xf32, #tpu.memory_space<hbm>>
      tpu.enqueue_dma source(%dma_start3A_16 : memref<32x80xf32, #tpu.memory_space<hbm>>) target(%arg7 : memref<32x80xf32, #tpu.memory_space<vmem>>) target_semaphore(%run_scoped3A : memref<!tpu.dma_semaphore, #tpu.memory_space<semaphore_mem>>)
      %dma_wait3A_17 = arith.constant 0 : i32
      %dma_wait3A_18 = tpu.memref_slice %arg4[%mul3A_2, %dma_wait3A_17] : memref<1024x80xf32, #tpu.memory_space<hbm>> -> memref<32x80xf32, #tpu.memory_space<hbm>>
      %dma_wait3A_19 = arith.constant 0 : i32
      %dma_wait3A_20 = tpu.memref_slice %arg4[%mul3A_2, %dma_wait3A_19] : memref<1024x80xf32, #tpu.memory_space<hbm>> -> memref<32x80xf32, #tpu.memory_space<hbm>>
      tpu.wait_dma2 semaphore(%run_scoped3A : memref<!tpu.dma_semaphore, #tpu.memory_space<semaphore_mem>>) src(%dma_wait3A_20 : memref<32x80xf32, #tpu.memory_space<hbm>>) dst(%arg7 : memref<32x80xf32, #tpu.memory_space<vmem>>)
      tpu.yield
    }) : () -> ()
    %dma_wait3A = arith.constant 0 : i32
    %dma_wait3A_5 = arith.constant 0 : i32
    %dma_wait3A_6 = tpu.memref_slice %arg2[%dma_wait3A, %dma_wait3A_5] : memref<1024x1024xf32, #tpu.memory_space<hbm>> -> memref<1024x1024xf32, #tpu.memory_space<hbm>>
    tpu.wait_indirect_dma semaphore(%arg10 : memref<!tpu.dma_semaphore, #tpu.memory_space<semaphore_mem>>) src(%dma_wait3A_6 : memref<1024x1024xf32, #tpu.memory_space<hbm>>) dst(%arg8 : memref<32x1024xf32, #tpu.memory_space<vmem>>)
    %scan3A = arith.constant 0 : i32
    %scan3A_7 = arith.constant 0 : i32
    %scan3A_8 = arith.constant 32 : i32
    %scan3A_9 = arith.addi %scan3A_7, %scan3A_8 : i32
    %scan3A_10 = arith.constant 1 : i32
    %scan3A_11 = scf.for %scan3A_13 = %scan3A_7 to %scan3A_9 step %scan3A_10 iter_args(%scan3A_14 = %scan3A) -> (i32)  : i32 {
      %get3A = arith.index_cast %scan3A_13 : i32 to index
      %get3A_15 = arith.constant 0 : index
      %get3A_16 = tpu.vector_load %arg7[%get3A, %get3A_15] {strides = array<i32>} : memref<32x80xf32, #tpu.memory_space<vmem>>, vector<1x16xf32>,
      %get3A_17 = vector.shape_cast %get3A_16 : vector<1x16xf32> to vector<16xf32>
      %get3A_18 = arith.index_cast %scan3A_13 : i32 to index
      %get3A_19 = arith.constant 16 : index
      %get3A_20 = tpu.vector_load %arg7[%get3A_18, %get3A_19] {strides = array<i32>} : memref<32x80xf32, #tpu.memory_space<vmem>>, vector<1x16xf32>,
      %get3A_21 = vector.shape_cast %get3A_20 : vector<1x16xf32> to vector<16xf32>
      %get3A_22 = arith.index_cast %scan3A_13 : i32 to index
      %get3A_23 = arith.constant 32 : index
      %get3A_24 = tpu.vector_load %arg7[%get3A_22, %get3A_23] {strides = array<i32>} : memref<32x80xf32, #tpu.memory_space<vmem>>, vector<1x16xf32>,
      %get3A_25 = vector.shape_cast %get3A_24 : vector<1x16xf32> to vector<16xf32>
      %get3A_26 = arith.index_cast %scan3A_13 : i32 to index
      %get3A_27 = arith.constant 48 : index
      %get3A_28 = tpu.vector_load %arg7[%get3A_26, %get3A_27] {strides = array<i32>} : memref<32x80xf32, #tpu.memory_space<vmem>>, vector<1x16xf32>,
      %get3A_29 = vector.shape_cast %get3A_28 : vector<1x16xf32> to vector<16xf32>
      %get3A_30 = arith.index_cast %scan3A_13 : i32 to index
      %get3A_31 = arith.constant 64 : index
      %get3A_32 = tpu.vector_load %arg7[%get3A_30, %get3A_31] {strides = array<i32>} : memref<32x80xf32, #tpu.memory_space<vmem>>, vector<1x16xf32>,
      %get3A_33 = vector.shape_cast %get3A_32 : vector<1x16xf32> to vector<16xf32>
      %get3A_34 = arith.index_cast %scan3A_13 : i32 to index
      %get3A_35 = arith.constant 0 : index
      %get3A_36 = tpu.vector_load %arg8[%get3A_34, %get3A_35] {strides = array<i32>} : memref<32x1024xf32, #tpu.memory_space<vmem>>, vector<1x16xf32>,
      %get3A_37 = vector.shape_cast %get3A_36 : vector<1x16xf32> to vector<16xf32>
      %mul3A_38 = arith.mulf %get3A_17, %get3A_37 : vector<16xf32>
      %get3A_39 = arith.index_cast %scan3A_13 : i32 to index
      %get3A_40 = arith.constant 192 : index
      %get3A_41 = tpu.vector_load %arg8[%get3A_39, %get3A_40] {strides = array<i32>} : memref<32x1024xf32, #tpu.memory_space<vmem>>, vector<1x16xf32>,
      %get3A_42 = vector.shape_cast %get3A_41 : vector<1x16xf32> to vector<16xf32>
      %mul3A_43 = arith.mulf %get3A_21, %get3A_42 : vector<16xf32>
      %add3A_44 = arith.addf %mul3A_38, %mul3A_43 : vector<16xf32>
      %get3A_45 = arith.index_cast %scan3A_13 : i32 to index
      %get3A_46 = arith.constant 384 : index
      %get3A_47 = tpu.vector_load %arg8[%get3A_45, %get3A_46] {strides = array<i32>} : memref<32x1024xf32, #tpu.memory_space<vmem>>, vector<1x16xf32>,
      %get3A_48 = vector.shape_cast %get3A_47 : vector<1x16xf32> to vector<16xf32>
      %mul3A_49 = arith.mulf %get3A_25, %get3A_48 : vector<16xf32>
      %add3A_50 = arith.addf %add3A_44, %mul3A_49 : vector<16xf32>
      %get3A_51 = arith.index_cast %scan3A_13 : i32 to index
      %get3A_52 = arith.constant 576 : index
      %get3A_53 = tpu.vector_load %arg8[%get3A_51, %get3A_52] {strides = array<i32>} : memref<32x1024xf32, #tpu.memory_space<vmem>>, vector<1x16xf32>,
      %get3A_54 = vector.shape_cast %get3A_53 : vector<1x16xf32> to vector<16xf32>
      %mul3A_55 = arith.mulf %get3A_29, %get3A_54 : vector<16xf32>
      %add3A_56 = arith.addf %add3A_50, %mul3A_55 : vector<16xf32>
      %get3A_57 = arith.index_cast %scan3A_13 : i32 to index
      %get3A_58 = arith.constant 768 : index
      %get3A_59 = tpu.vector_load %arg8[%get3A_57, %get3A_58] {strides = array<i32>} : memref<32x1024xf32, #tpu.memory_space<vmem>>, vector<1x16xf32>,
      %get3A_60 = vector.shape_cast %get3A_59 : vector<1x16xf32> to vector<16xf32>
      %mul3A_61 = arith.mulf %get3A_33, %get3A_60 : vector<16xf32>
      %add3A_62 = arith.addf %add3A_56, %mul3A_61 : vector<16xf32>
      %swap3A = arith.index_cast %scan3A_13 : i32 to index
      %swap3A_63 = arith.constant 0 : index
      %swap3A_64 = tpu.vector_load %arg9[%swap3A, %swap3A_63] {strides = array<i32>} : memref<32x192xf32, #tpu.memory_space<vmem>>, vector<1x16xf32>,
      %swap3A_65 = vector.shape_cast %swap3A_64 : vector<1x16xf32> to vector<16xf32>
      %swap3A_66 = vector.shape_cast %add3A_62 : vector<16xf32> to vector<1x16xf32>
      tpu.vector_store %arg9[%swap3A, %swap3A_63], %swap3A_66 {strides = array<i32>} : memref<32x192xf32, #tpu.memory_space<vmem>>, vector<1x16xf32>,
      %get3A_67 = arith.index_cast %scan3A_13 : i32 to index
      %get3A_68 = arith.constant 16 : index
      %get3A_69 = tpu.vector_load %arg8[%get3A_67, %get3A_68] {strides = array<i32>} : memref<32x1024xf32, #tpu.memory_space<vmem>>, vector<1x16xf32>,
      %get3A_70 = vector.shape_cast %get3A_69 : vector<1x16xf32> to vector<16xf32>
      %mul3A_71 = arith.mulf %get3A_17, %get3A_70 : vector<16xf32>
      %get3A_72 = arith.index_cast %scan3A_13 : i32 to index
      %get3A_73 = arith.constant 208 : index
      %get3A_74 = tpu.vector_load %arg8[%get3A_72, %get3A_73] {strides = array<i32>} : memref<32x1024xf32, #tpu.memory_space<vmem>>, vector<1x16xf32>,
      %get3A_75 = vector.shape_cast %get3A_74 : vector<1x16xf32> to vector<16xf32>
      %mul3A_76 = arith.mulf %get3A_21, %get3A_75 : vector<16xf32>
      %add3A_77 = arith.addf %mul3A_71, %mul3A_76 : vector<16xf32>
      %get3A_78 = arith.index_cast %scan3A_13 : i32 to index
      %get3A_79 = arith.constant 400 : index
      %get3A_80 = tpu.vector_load %arg8[%get3A_78, %get3A_79] {strides = array<i32>} : memref<32x1024xf32, #tpu.memory_space<vmem>>, vector<1x16xf32>,
      %get3A_81 = vector.shape_cast %get3A_80 : vector<1x16xf32> to vector<16xf32>
      %mul3A_82 = arith.mulf %get3A_25, %get3A_81 : vector<16xf32>
      %add3A_83 = arith.addf %add3A_77, %mul3A_82 : vector<16xf32>
      %get3A_84 = arith.index_cast %scan3A_13 : i32 to index
      %get3A_85 = arith.constant 592 : index
      %get3A_86 = tpu.vector_load %arg8[%get3A_84, %get3A_85] {strides = array<i32>} : memref<32x1024xf32, #tpu.memory_space<vmem>>, vector<1x16xf32>,
      %get3A_87 = vector.shape_cast %get3A_86 : vector<1x16xf32> to vector<16xf32>
      %mul3A_88 = arith.mulf %get3A_29, %get3A_87 : vector<16xf32>
      %add3A_89 = arith.addf %add3A_83, %mul3A_88 : vector<16xf32>
      %get3A_90 = arith.index_cast %scan3A_13 : i32 to index
      %get3A_91 = arith.constant 784 : index
      %get3A_92 = tpu.vector_load %arg8[%get3A_90, %get3A_91] {strides = array<i32>} : memref<32x1024xf32, #tpu.memory_space<vmem>>, vector<1x16xf32>,
      %get3A_93 = vector.shape_cast %get3A_92 : vector<1x16xf32> to vector<16xf32>
      %mul3A_94 = arith.mulf %get3A_33, %get3A_93 : vector<16xf32>
      %add3A_95 = arith.addf %add3A_89, %mul3A_94 : vector<16xf32>
      %swap3A_96 = arith.index_cast %scan3A_13 : i32 to index
      %swap3A_97 = arith.constant 16 : index
      %swap3A_98 = tpu.vector_load %arg9[%swap3A_96, %swap3A_97] {strides = array<i32>} : memref<32x192xf32, #tpu.memory_space<vmem>>, vector<1x16xf32>,
      %swap3A_99 = vector.shape_cast %swap3A_98 : vector<1x16xf32> to vector<16xf32>
      %swap3A_100 = vector.shape_cast %add3A_95 : vector<16xf32> to vector<1x16xf32>
      tpu.vector_store %arg9[%swap3A_96, %swap3A_97], %swap3A_100 {strides = array<i32>} : memref<32x192xf32, #tpu.memory_space<vmem>>, vector<1x16xf32>,
      %get3A_101 = arith.index_cast %scan3A_13 : i32 to index
      %get3A_102 = arith.constant 32 : index
      %get3A_103 = tpu.vector_load %arg8[%get3A_101, %get3A_102] {strides = array<i32>} : memref<32x1024xf32, #tpu.memory_space<vmem>>, vector<1x16xf32>,
      %get3A_104 = vector.shape_cast %get3A_103 : vector<1x16xf32> to vector<16xf32>
      %mul3A_105 = arith.mulf %get3A_17, %get3A_104 : vector<16xf32>
      %get3A_106 = arith.index_cast %scan3A_13 : i32 to index
      %get3A_107 = arith.constant 224 : index
      %get3A_108 = tpu.vector_load %arg8[%get3A_106, %get3A_107] {strides = array<i32>} : memref<32x1024xf32, #tpu.memory_space<vmem>>, vector<1x16xf32>,
      %get3A_109 = vector.shape_cast %get3A_108 : vector<1x16xf32> to vector<16xf32>
      %mul3A_110 = arith.mulf %get3A_21, %get3A_109 : vector<16xf32>
      %add3A_111 = arith.addf %mul3A_105, %mul3A_110 : vector<16xf32>
      %get3A_112 = arith.index_cast %scan3A_13 : i32 to index
      %get3A_113 = arith.constant 416 : index
      %get3A_114 = tpu.vector_load %arg8[%get3A_112, %get3A_113] {strides = array<i32>} : memref<32x1024xf32, #tpu.memory_space<vmem>>, vector<1x16xf32>,
      %get3A_115 = vector.shape_cast %get3A_114 : vector<1x16xf32> to vector<16xf32>
      %mul3A_116 = arith.mulf %get3A_25, %get3A_115 : vector<16xf32>
      %add3A_117 = arith.addf %add3A_111, %mul3A_116 : vector<16xf32>
      %get3A_118 = arith.index_cast %scan3A_13 : i32 to index
      %get3A_119 = arith.constant 608 : index
      %get3A_120 = tpu.vector_load %arg8[%get3A_118, %get3A_119] {strides = array<i32>} : memref<32x1024xf32, #tpu.memory_space<vmem>>, vector<1x16xf32>,
      %get3A_121 = vector.shape_cast %get3A_120 : vector<1x16xf32> to vector<16xf32>
      %mul3A_122 = arith.mulf %get3A_29, %get3A_121 : vector<16xf32>
      %add3A_123 = arith.addf %add3A_117, %mul3A_122 : vector<16xf32>
      %get3A_124 = arith.index_cast %scan3A_13 : i32 to index
      %get3A_125 = arith.constant 800 : index
      %get3A_126 = tpu.vector_load %arg8[%get3A_124, %get3A_125] {strides = array<i32>} : memref<32x1024xf32, #tpu.memory_space<vmem>>, vector<1x16xf32>,
      %get3A_127 = vector.shape_cast %get3A_126 : vector<1x16xf32> to vector<16xf32>
      %mul3A_128 = arith.mulf %get3A_33, %get3A_127 : vector<16xf32>
      %add3A_129 = arith.addf %add3A_123, %mul3A_128 : vector<16xf32>
      %swap3A_130 = arith.index_cast %scan3A_13 : i32 to index
      %swap3A_131 = arith.constant 32 : index
      %swap3A_132 = tpu.vector_load %arg9[%swap3A_130, %swap3A_131] {strides = array<i32>} : memref<32x192xf32, #tpu.memory_space<vmem>>, vector<1x16xf32>,
      %swap3A_133 = vector.shape_cast %swap3A_132 : vector<1x16xf32> to vector<16xf32>
      %swap3A_134 = vector.shape_cast %add3A_129 : vector<16xf32> to vector<1x16xf32>
      tpu.vector_store %arg9[%swap3A_130, %swap3A_131], %swap3A_134 {strides = array<i32>} : memref<32x192xf32, #tpu.memory_space<vmem>>, vector<1x16xf32>,
      %get3A_135 = arith.index_cast %scan3A_13 : i32 to index
      %get3A_136 = arith.constant 48 : index
      %get3A_137 = tpu.vector_load %arg8[%get3A_135, %get3A_136] {strides = array<i32>} : memref<32x1024xf32, #tpu.memory_space<vmem>>, vector<1x16xf32>,
      %get3A_138 = vector.shape_cast %get3A_137 : vector<1x16xf32> to vector<16xf32>
      %mul3A_139 = arith.mulf %get3A_17, %get3A_138 : vector<16xf32>
      %get3A_140 = arith.index_cast %scan3A_13 : i32 to index
      %get3A_141 = arith.constant 240 : index
      %get3A_142 = tpu.vector_load %arg8[%get3A_140, %get3A_141] {strides = array<i32>} : memref<32x1024xf32, #tpu.memory_space<vmem>>, vector<1x16xf32>,
      %get3A_143 = vector.shape_cast %get3A_142 : vector<1x16xf32> to vector<16xf32>
      %mul3A_144 = arith.mulf %get3A_21, %get3A_143 : vector<16xf32>
      %add3A_145 = arith.addf %mul3A_139, %mul3A_144 : vector<16xf32>
      %get3A_146 = arith.index_cast %scan3A_13 : i32 to index
      %get3A_147 = arith.constant 432 : index
      %get3A_148 = tpu.vector_load %arg8[%get3A_146, %get3A_147] {strides = array<i32>} : memref<32x1024xf32, #tpu.memory_space<vmem>>, vector<1x16xf32>,
      %get3A_149 = vector.shape_cast %get3A_148 : vector<1x16xf32> to vector<16xf32>
      %mul3A_150 = arith.mulf %get3A_25, %get3A_149 : vector<16xf32>
      %add3A_151 = arith.addf %add3A_145, %mul3A_150 : vector<16xf32>
      %get3A_152 = arith.index_cast %scan3A_13 : i32 to index
      %get3A_153 = arith.constant 624 : index
      %get3A_154 = tpu.vector_load %arg8[%get3A_152, %get3A_153] {strides = array<i32>} : memref<32x1024xf32, #tpu.memory_space<vmem>>, vector<1x16xf32>,
      %get3A_155 = vector.shape_cast %get3A_154 : vector<1x16xf32> to vector<16xf32>
      %mul3A_156 = arith.mulf %get3A_29, %get3A_155 : vector<16xf32>
      %add3A_157 = arith.addf %add3A_151, %mul3A_156 : vector<16xf32>
      %get3A_158 = arith.index_cast %scan3A_13 : i32 to index
      %get3A_159 = arith.constant 816 : index
      %get3A_160 = tpu.vector_load %arg8[%get3A_158, %get3A_159] {strides = array<i32>} : memref<32x1024xf32, #tpu.memory_space<vmem>>, vector<1x16xf32>,
      %get3A_161 = vector.shape_cast %get3A_160 : vector<1x16xf32> to vector<16xf32>
      %mul3A_162 = arith.mulf %get3A_33, %get3A_161 : vector<16xf32>
      %add3A_163 = arith.addf %add3A_157, %mul3A_162 : vector<16xf32>
      %swap3A_164 = arith.index_cast %scan3A_13 : i32 to index
      %swap3A_165 = arith.constant 48 : index
      %swap3A_166 = tpu.vector_load %arg9[%swap3A_164, %swap3A_165] {strides = array<i32>} : memref<32x192xf32, #tpu.memory_space<vmem>>, vector<1x16xf32>,
      %swap3A_167 = vector.shape_cast %swap3A_166 : vector<1x16xf32> to vector<16xf32>
      %swap3A_168 = vector.shape_cast %add3A_163 : vector<16xf32> to vector<1x16xf32>
      tpu.vector_store %arg9[%swap3A_164, %swap3A_165], %swap3A_168 {strides = array<i32>} : memref<32x192xf32, #tpu.memory_space<vmem>>, vector<1x16xf32>,
      %get3A_169 = arith.index_cast %scan3A_13 : i32 to index
      %get3A_170 = arith.constant 64 : index
      %get3A_171 = tpu.vector_load %arg8[%get3A_169, %get3A_170] {strides = array<i32>} : memref<32x1024xf32, #tpu.memory_space<vmem>>, vector<1x16xf32>,
      %get3A_172 = vector.shape_cast %get3A_171 : vector<1x16xf32> to vector<16xf32>
      %mul3A_173 = arith.mulf %get3A_17, %get3A_172 : vector<16xf32>
      %get3A_174 = arith.index_cast %scan3A_13 : i32 to index
      %get3A_175 = arith.constant 256 : index
      %get3A_176 = tpu.vector_load %arg8[%get3A_174, %get3A_175] {strides = array<i32>} : memref<32x1024xf32, #tpu.memory_space<vmem>>, vector<1x16xf32>,
      %get3A_177 = vector.shape_cast %get3A_176 : vector<1x16xf32> to vector<16xf32>
      %mul3A_178 = arith.mulf %get3A_21, %get3A_177 : vector<16xf32>
      %add3A_179 = arith.addf %mul3A_173, %mul3A_178 : vector<16xf32>
      %get3A_180 = arith.index_cast %scan3A_13 : i32 to index
      %get3A_181 = arith.constant 448 : index
      %get3A_182 = tpu.vector_load %arg8[%get3A_180, %get3A_181] {strides = array<i32>} : memref<32x1024xf32, #tpu.memory_space<vmem>>, vector<1x16xf32>,
      %get3A_183 = vector.shape_cast %get3A_182 : vector<1x16xf32> to vector<16xf32>
      %mul3A_184 = arith.mulf %get3A_25, %get3A_183 : vector<16xf32>
      %add3A_185 = arith.addf %add3A_179, %mul3A_184 : vector<16xf32>
      %get3A_186 = arith.index_cast %scan3A_13 : i32 to index
      %get3A_187 = arith.constant 640 : index
      %get3A_188 = tpu.vector_load %arg8[%get3A_186, %get3A_187] {strides = array<i32>} : memref<32x1024xf32, #tpu.memory_space<vmem>>, vector<1x16xf32>,
      %get3A_189 = vector.shape_cast %get3A_188 : vector<1x16xf32> to vector<16xf32>
      %mul3A_190 = arith.mulf %get3A_29, %get3A_189 : vector<16xf32>
      %add3A_191 = arith.addf %add3A_185, %mul3A_190 : vector<16xf32>
      %get3A_192 = arith.index_cast %scan3A_13 : i32 to index
      %get3A_193 = arith.constant 832 : index
      %get3A_194 = tpu.vector_load %arg8[%get3A_192, %get3A_193] {strides = array<i32>} : memref<32x1024xf32, #tpu.memory_space<vmem>>, vector<1x16xf32>,
      %get3A_195 = vector.shape_cast %get3A_194 : vector<1x16xf32> to vector<16xf32>
      %mul3A_196 = arith.mulf %get3A_33, %get3A_195 : vector<16xf32>
      %add3A_197 = arith.addf %add3A_191, %mul3A_196 : vector<16xf32>
      %swap3A_198 = arith.index_cast %scan3A_13 : i32 to index
      %swap3A_199 = arith.constant 64 : index
      %swap3A_200 = tpu.vector_load %arg9[%swap3A_198, %swap3A_199] {strides = array<i32>} : memref<32x192xf32, #tpu.memory_space<vmem>>, vector<1x16xf32>,
      %swap3A_201 = vector.shape_cast %swap3A_200 : vector<1x16xf32> to vector<16xf32>
      %swap3A_202 = vector.shape_cast %add3A_197 : vector<16xf32> to vector<1x16xf32>
      tpu.vector_store %arg9[%swap3A_198, %swap3A_199], %swap3A_202 {strides = array<i32>} : memref<32x192xf32, #tpu.memory_space<vmem>>, vector<1x16xf32>,
      %get3A_203 = arith.index_cast %scan3A_13 : i32 to index
      %get3A_204 = arith.constant 80 : index
      %get3A_205 = tpu.vector_load %arg8[%get3A_203, %get3A_204] {strides = array<i32>} : memref<32x1024xf32, #tpu.memory_space<vmem>>, vector<1x16xf32>,
      %get3A_206 = vector.shape_cast %get3A_205 : vector<1x16xf32> to vector<16xf32>
      %mul3A_207 = arith.mulf %get3A_17, %get3A_206 : vector<16xf32>
      %get3A_208 = arith.index_cast %scan3A_13 : i32 to index
      %get3A_209 = arith.constant 272 : index
      %get3A_210 = tpu.vector_load %arg8[%get3A_208, %get3A_209] {strides = array<i32>} : memref<32x1024xf32, #tpu.memory_space<vmem>>, vector<1x16xf32>,
      %get3A_211 = vector.shape_cast %get3A_210 : vector<1x16xf32> to vector<16xf32>
      %mul3A_212 = arith.mulf %get3A_21, %get3A_211 : vector<16xf32>
      %add3A_213 = arith.addf %mul3A_207, %mul3A_212 : vector<16xf32>
      %get3A_214 = arith.index_cast %scan3A_13 : i32 to index
      %get3A_215 = arith.constant 464 : index
      %get3A_216 = tpu.vector_load %arg8[%get3A_214, %get3A_215] {strides = array<i32>} : memref<32x1024xf32, #tpu.memory_space<vmem>>, vector<1x16xf32>,
      %get3A_217 = vector.shape_cast %get3A_216 : vector<1x16xf32> to vector<16xf32>
      %mul3A_218 = arith.mulf %get3A_25, %get3A_217 : vector<16xf32>
      %add3A_219 = arith.addf %add3A_213, %mul3A_218 : vector<16xf32>
      %get3A_220 = arith.index_cast %scan3A_13 : i32 to index
      %get3A_221 = arith.constant 656 : index
      %get3A_222 = tpu.vector_load %arg8[%get3A_220, %get3A_221] {strides = array<i32>} : memref<32x1024xf32, #tpu.memory_space<vmem>>, vector<1x16xf32>,
      %get3A_223 = vector.shape_cast %get3A_222 : vector<1x16xf32> to vector<16xf32>
      %mul3A_224 = arith.mulf %get3A_29, %get3A_223 : vector<16xf32>
      %add3A_225 = arith.addf %add3A_219, %mul3A_224 : vector<16xf32>
      %get3A_226 = arith.index_cast %scan3A_13 : i32 to index
      %get3A_227 = arith.constant 848 : index
      %get3A_228 = tpu.vector_load %arg8[%get3A_226, %get3A_227] {strides = array<i32>} : memref<32x1024xf32, #tpu.memory_space<vmem>>, vector<1x16xf32>,
      %get3A_229 = vector.shape_cast %get3A_228 : vector<1x16xf32> to vector<16xf32>
      %mul3A_230 = arith.mulf %get3A_33, %get3A_229 : vector<16xf32>
      %add3A_231 = arith.addf %add3A_225, %mul3A_230 : vector<16xf32>
      %swap3A_232 = arith.index_cast %scan3A_13 : i32 to index
      %swap3A_233 = arith.constant 80 : index
      %swap3A_234 = tpu.vector_load %arg9[%swap3A_232, %swap3A_233] {strides = array<i32>} : memref<32x192xf32, #tpu.memory_space<vmem>>, vector<1x16xf32>,
      %swap3A_235 = vector.shape_cast %swap3A_234 : vector<1x16xf32> to vector<16xf32>
      %swap3A_236 = vector.shape_cast %add3A_231 : vector<16xf32> to vector<1x16xf32>
      tpu.vector_store %arg9[%swap3A_232, %swap3A_233], %swap3A_236 {strides = array<i32>} : memref<32x192xf32, #tpu.memory_space<vmem>>, vector<1x16xf32>,
      %get3A_237 = arith.index_cast %scan3A_13 : i32 to index
      %get3A_238 = arith.constant 96 : index
      %get3A_239 = tpu.vector_load %arg8[%get3A_237, %get3A_238] {strides = array<i32>} : memref<32x1024xf32, #tpu.memory_space<vmem>>, vector<1x16xf32>,
      %get3A_240 = vector.shape_cast %get3A_239 : vector<1x16xf32> to vector<16xf32>
      %mul3A_241 = arith.mulf %get3A_17, %get3A_240 : vector<16xf32>
      %get3A_242 = arith.index_cast %scan3A_13 : i32 to index
      %get3A_243 = arith.constant 288 : index
      %get3A_244 = tpu.vector_load %arg8[%get3A_242, %get3A_243] {strides = array<i32>} : memref<32x1024xf32, #tpu.memory_space<vmem>>, vector<1x16xf32>,
      %get3A_245 = vector.shape_cast %get3A_244 : vector<1x16xf32> to vector<16xf32>
      %mul3A_246 = arith.mulf %get3A_21, %get3A_245 : vector<16xf32>
      %add3A_247 = arith.addf %mul3A_241, %mul3A_246 : vector<16xf32>
      %get3A_248 = arith.index_cast %scan3A_13 : i32 to index
      %get3A_249 = arith.constant 480 : index
      %get3A_250 = tpu.vector_load %arg8[%get3A_248, %get3A_249] {strides = array<i32>} : memref<32x1024xf32, #tpu.memory_space<vmem>>, vector<1x16xf32>,
      %get3A_251 = vector.shape_cast %get3A_250 : vector<1x16xf32> to vector<16xf32>
      %mul3A_252 = arith.mulf %get3A_25, %get3A_251 : vector<16xf32>
      %add3A_253 = arith.addf %add3A_247, %mul3A_252 : vector<16xf32>
      %get3A_254 = arith.index_cast %scan3A_13 : i32 to index
      %get3A_255 = arith.constant 672 : index
      %get3A_256 = tpu.vector_load %arg8[%get3A_254, %get3A_255] {strides = array<i32>} : memref<32x1024xf32, #tpu.memory_space<vmem>>, vector<1x16xf32>,
      %get3A_257 = vector.shape_cast %get3A_256 : vector<1x16xf32> to vector<16xf32>
      %mul3A_258 = arith.mulf %get3A_29, %get3A_257 : vector<16xf32>
      %add3A_259 = arith.addf %add3A_253, %mul3A_258 : vector<16xf32>
      %get3A_260 = arith.index_cast %scan3A_13 : i32 to index
      %get3A_261 = arith.constant 864 : index
      %get3A_262 = tpu.vector_load %arg8[%get3A_260, %get3A_261] {strides = array<i32>} : memref<32x1024xf32, #tpu.memory_space<vmem>>, vector<1x16xf32>,
      %get3A_263 = vector.shape_cast %get3A_262 : vector<1x16xf32> to vector<16xf32>
      %mul3A_264 = arith.mulf %get3A_33, %get3A_263 : vector<16xf32>
      %add3A_265 = arith.addf %add3A_259, %mul3A_264 : vector<16xf32>
      %swap3A_266 = arith.index_cast %scan3A_13 : i32 to index
      %swap3A_267 = arith.constant 96 : index
      %swap3A_268 = tpu.vector_load %arg9[%swap3A_266, %swap3A_267] {strides = array<i32>} : memref<32x192xf32, #tpu.memory_space<vmem>>, vector<1x16xf32>,
      %swap3A_269 = vector.shape_cast %swap3A_268 : vector<1x16xf32> to vector<16xf32>
      %swap3A_270 = vector.shape_cast %add3A_265 : vector<16xf32> to vector<1x16xf32>
      tpu.vector_store %arg9[%swap3A_266, %swap3A_267], %swap3A_270 {strides = array<i32>} : memref<32x192xf32, #tpu.memory_space<vmem>>, vector<1x16xf32>,
      %get3A_271 = arith.index_cast %scan3A_13 : i32 to index
      %get3A_272 = arith.constant 112 : index
      %get3A_273 = tpu.vector_load %arg8[%get3A_271, %get3A_272] {strides = array<i32>} : memref<32x1024xf32, #tpu.memory_space<vmem>>, vector<1x16xf32>,
      %get3A_274 = vector.shape_cast %get3A_273 : vector<1x16xf32> to vector<16xf32>
      %mul3A_275 = arith.mulf %get3A_17, %get3A_274 : vector<16xf32>
      %get3A_276 = arith.index_cast %scan3A_13 : i32 to index
      %get3A_277 = arith.constant 304 : index
      %get3A_278 = tpu.vector_load %arg8[%get3A_276, %get3A_277] {strides = array<i32>} : memref<32x1024xf32, #tpu.memory_space<vmem>>, vector<1x16xf32>,
      %get3A_279 = vector.shape_cast %get3A_278 : vector<1x16xf32> to vector<16xf32>
      %mul3A_280 = arith.mulf %get3A_21, %get3A_279 : vector<16xf32>
      %add3A_281 = arith.addf %mul3A_275, %mul3A_280 : vector<16xf32>
      %get3A_282 = arith.index_cast %scan3A_13 : i32 to index
      %get3A_283 = arith.constant 496 : index
      %get3A_284 = tpu.vector_load %arg8[%get3A_282, %get3A_283] {strides = array<i32>} : memref<32x1024xf32, #tpu.memory_space<vmem>>, vector<1x16xf32>,
      %get3A_285 = vector.shape_cast %get3A_284 : vector<1x16xf32> to vector<16xf32>
      %mul3A_286 = arith.mulf %get3A_25, %get3A_285 : vector<16xf32>
      %add3A_287 = arith.addf %add3A_281, %mul3A_286 : vector<16xf32>
      %get3A_288 = arith.index_cast %scan3A_13 : i32 to index
      %get3A_289 = arith.constant 688 : index
      %get3A_290 = tpu.vector_load %arg8[%get3A_288, %get3A_289] {strides = array<i32>} : memref<32x1024xf32, #tpu.memory_space<vmem>>, vector<1x16xf32>,
      %get3A_291 = vector.shape_cast %get3A_290 : vector<1x16xf32> to vector<16xf32>
      %mul3A_292 = arith.mulf %get3A_29, %get3A_291 : vector<16xf32>
      %add3A_293 = arith.addf %add3A_287, %mul3A_292 : vector<16xf32>
      %get3A_294 = arith.index_cast %scan3A_13 : i32 to index
      %get3A_295 = arith.constant 880 : index
      %get3A_296 = tpu.vector_load %arg8[%get3A_294, %get3A_295] {strides = array<i32>} : memref<32x1024xf32, #tpu.memory_space<vmem>>, vector<1x16xf32>,
      %get3A_297 = vector.shape_cast %get3A_296 : vector<1x16xf32> to vector<16xf32>
      %mul3A_298 = arith.mulf %get3A_33, %get3A_297 : vector<16xf32>
      %add3A_299 = arith.addf %add3A_293, %mul3A_298 : vector<16xf32>
      %swap3A_300 = arith.index_cast %scan3A_13 : i32 to index
      %swap3A_301 = arith.constant 112 : index
      %swap3A_302 = tpu.vector_load %arg9[%swap3A_300, %swap3A_301] {strides = array<i32>} : memref<32x192xf32, #tpu.memory_space<vmem>>, vector<1x16xf32>,
      %swap3A_303 = vector.shape_cast %swap3A_302 : vector<1x16xf32> to vector<16xf32>
      %swap3A_304 = vector.shape_cast %add3A_299 : vector<16xf32> to vector<1x16xf32>
      tpu.vector_store %arg9[%swap3A_300, %swap3A_301], %swap3A_304 {strides = array<i32>} : memref<32x192xf32, #tpu.memory_space<vmem>>, vector<1x16xf32>,
      %get3A_305 = arith.index_cast %scan3A_13 : i32 to index
      %get3A_306 = arith.constant 128 : index
      %get3A_307 = tpu.vector_load %arg8[%get3A_305, %get3A_306] {strides = array<i32>} : memref<32x1024xf32, #tpu.memory_space<vmem>>, vector<1x16xf32>,
      %get3A_308 = vector.shape_cast %get3A_307 : vector<1x16xf32> to vector<16xf32>
      %mul3A_309 = arith.mulf %get3A_17, %get3A_308 : vector<16xf32>
      %get3A_310 = arith.index_cast %scan3A_13 : i32 to index
      %get3A_311 = arith.constant 320 : index
      %get3A_312 = tpu.vector_load %arg8[%get3A_310, %get3A_311] {strides = array<i32>} : memref<32x1024xf32, #tpu.memory_space<vmem>>, vector<1x16xf32>,
      %get3A_313 = vector.shape_cast %get3A_312 : vector<1x16xf32> to vector<16xf32>
      %mul3A_314 = arith.mulf %get3A_21, %get3A_313 : vector<16xf32>
      %add3A_315 = arith.addf %mul3A_309, %mul3A_314 : vector<16xf32>
      %get3A_316 = arith.index_cast %scan3A_13 : i32 to index
      %get3A_317 = arith.constant 512 : index
      %get3A_318 = tpu.vector_load %arg8[%get3A_316, %get3A_317] {strides = array<i32>} : memref<32x1024xf32, #tpu.memory_space<vmem>>, vector<1x16xf32>,
      %get3A_319 = vector.shape_cast %get3A_318 : vector<1x16xf32> to vector<16xf32>
      %mul3A_320 = arith.mulf %get3A_25, %get3A_319 : vector<16xf32>
      %add3A_321 = arith.addf %add3A_315, %mul3A_320 : vector<16xf32>
      %get3A_322 = arith.index_cast %scan3A_13 : i32 to index
      %get3A_323 = arith.constant 704 : index
      %get3A_324 = tpu.vector_load %arg8[%get3A_322, %get3A_323] {strides = array<i32>} : memref<32x1024xf32, #tpu.memory_space<vmem>>, vector<1x16xf32>,
      %get3A_325 = vector.shape_cast %get3A_324 : vector<1x16xf32> to vector<16xf32>
      %mul3A_326 = arith.mulf %get3A_29, %get3A_325 : vector<16xf32>
      %add3A_327 = arith.addf %add3A_321, %mul3A_326 : vector<16xf32>
      %get3A_328 = arith.index_cast %scan3A_13 : i32 to index
      %get3A_329 = arith.constant 896 : index
      %get3A_330 = tpu.vector_load %arg8[%get3A_328, %get3A_329] {strides = array<i32>} : memref<32x1024xf32, #tpu.memory_space<vmem>>, vector<1x16xf32>,
      %get3A_331 = vector.shape_cast %get3A_330 : vector<1x16xf32> to vector<16xf32>
      %mul3A_332 = arith.mulf %get3A_33, %get3A_331 : vector<16xf32>
      %add3A_333 = arith.addf %add3A_327, %mul3A_332 : vector<16xf32>
      %swap3A_334 = arith.index_cast %scan3A_13 : i32 to index
      %swap3A_335 = arith.constant 128 : index
      %swap3A_336 = tpu.vector_load %arg9[%swap3A_334, %swap3A_335] {strides = array<i32>} : memref<32x192xf32, #tpu.memory_space<vmem>>, vector<1x16xf32>,
      %swap3A_337 = vector.shape_cast %swap3A_336 : vector<1x16xf32> to vector<16xf32>
      %swap3A_338 = vector.shape_cast %add3A_333 : vector<16xf32> to vector<1x16xf32>
      tpu.vector_store %arg9[%swap3A_334, %swap3A_335], %swap3A_338 {strides = array<i32>} : memref<32x192xf32, #tpu.memory_space<vmem>>, vector<1x16xf32>,
      %get3A_339 = arith.index_cast %scan3A_13 : i32 to index
      %get3A_340 = arith.constant 144 : index
      %get3A_341 = tpu.vector_load %arg8[%get3A_339, %get3A_340] {strides = array<i32>} : memref<32x1024xf32, #tpu.memory_space<vmem>>, vector<1x16xf32>,
      %get3A_342 = vector.shape_cast %get3A_341 : vector<1x16xf32> to vector<16xf32>
      %mul3A_343 = arith.mulf %get3A_17, %get3A_342 : vector<16xf32>
      %get3A_344 = arith.index_cast %scan3A_13 : i32 to index
      %get3A_345 = arith.constant 336 : index
      %get3A_346 = tpu.vector_load %arg8[%get3A_344, %get3A_345] {strides = array<i32>} : memref<32x1024xf32, #tpu.memory_space<vmem>>, vector<1x16xf32>,
      %get3A_347 = vector.shape_cast %get3A_346 : vector<1x16xf32> to vector<16xf32>
      %mul3A_348 = arith.mulf %get3A_21, %get3A_347 : vector<16xf32>
      %add3A_349 = arith.addf %mul3A_343, %mul3A_348 : vector<16xf32>
      %get3A_350 = arith.index_cast %scan3A_13 : i32 to index
      %get3A_351 = arith.constant 528 : index
      %get3A_352 = tpu.vector_load %arg8[%get3A_350, %get3A_351] {strides = array<i32>} : memref<32x1024xf32, #tpu.memory_space<vmem>>, vector<1x16xf32>,
      %get3A_353 = vector.shape_cast %get3A_352 : vector<1x16xf32> to vector<16xf32>
      %mul3A_354 = arith.mulf %get3A_25, %get3A_353 : vector<16xf32>
      %add3A_355 = arith.addf %add3A_349, %mul3A_354 : vector<16xf32>
      %get3A_356 = arith.index_cast %scan3A_13 : i32 to index
      %get3A_357 = arith.constant 720 : index
      %get3A_358 = tpu.vector_load %arg8[%get3A_356, %get3A_357] {strides = array<i32>} : memref<32x1024xf32, #tpu.memory_space<vmem>>, vector<1x16xf32>,
      %get3A_359 = vector.shape_cast %get3A_358 : vector<1x16xf32> to vector<16xf32>
      %mul3A_360 = arith.mulf %get3A_29, %get3A_359 : vector<16xf32>
      %add3A_361 = arith.addf %add3A_355, %mul3A_360 : vector<16xf32>
      %get3A_362 = arith.index_cast %scan3A_13 : i32 to index
      %get3A_363 = arith.constant 912 : index
      %get3A_364 = tpu.vector_load %arg8[%get3A_362, %get3A_363] {strides = array<i32>} : memref<32x1024xf32, #tpu.memory_space<vmem>>, vector<1x16xf32>,
      %get3A_365 = vector.shape_cast %get3A_364 : vector<1x16xf32> to vector<16xf32>
      %mul3A_366 = arith.mulf %get3A_33, %get3A_365 : vector<16xf32>
      %add3A_367 = arith.addf %add3A_361, %mul3A_366 : vector<16xf32>
      %swap3A_368 = arith.index_cast %scan3A_13 : i32 to index
      %swap3A_369 = arith.constant 144 : index
      %swap3A_370 = tpu.vector_load %arg9[%swap3A_368, %swap3A_369] {strides = array<i32>} : memref<32x192xf32, #tpu.memory_space<vmem>>, vector<1x16xf32>,
      %swap3A_371 = vector.shape_cast %swap3A_370 : vector<1x16xf32> to vector<16xf32>
      %swap3A_372 = vector.shape_cast %add3A_367 : vector<16xf32> to vector<1x16xf32>
      tpu.vector_store %arg9[%swap3A_368, %swap3A_369], %swap3A_372 {strides = array<i32>} : memref<32x192xf32, #tpu.memory_space<vmem>>, vector<1x16xf32>,
      %get3A_373 = arith.index_cast %scan3A_13 : i32 to index
      %get3A_374 = arith.constant 160 : index
      %get3A_375 = tpu.vector_load %arg8[%get3A_373, %get3A_374] {strides = array<i32>} : memref<32x1024xf32, #tpu.memory_space<vmem>>, vector<1x16xf32>,
      %get3A_376 = vector.shape_cast %get3A_375 : vector<1x16xf32> to vector<16xf32>
      %mul3A_377 = arith.mulf %get3A_17, %get3A_376 : vector<16xf32>
      %get3A_378 = arith.index_cast %scan3A_13 : i32 to index
      %get3A_379 = arith.constant 352 : index
      %get3A_380 = tpu.vector_load %arg8[%get3A_378, %get3A_379] {strides = array<i32>} : memref<32x1024xf32, #tpu.memory_space<vmem>>, vector<1x16xf32>,
      %get3A_381 = vector.shape_cast %get3A_380 : vector<1x16xf32> to vector<16xf32>
      %mul3A_382 = arith.mulf %get3A_21, %get3A_381 : vector<16xf32>
      %add3A_383 = arith.addf %mul3A_377, %mul3A_382 : vector<16xf32>
      %get3A_384 = arith.index_cast %scan3A_13 : i32 to index
      %get3A_385 = arith.constant 544 : index
      %get3A_386 = tpu.vector_load %arg8[%get3A_384, %get3A_385] {strides = array<i32>} : memref<32x1024xf32, #tpu.memory_space<vmem>>, vector<1x16xf32>,
      %get3A_387 = vector.shape_cast %get3A_386 : vector<1x16xf32> to vector<16xf32>
      %mul3A_388 = arith.mulf %get3A_25, %get3A_387 : vector<16xf32>
      %add3A_389 = arith.addf %add3A_383, %mul3A_388 : vector<16xf32>
      %get3A_390 = arith.index_cast %scan3A_13 : i32 to index
      %get3A_391 = arith.constant 736 : index
      %get3A_392 = tpu.vector_load %arg8[%get3A_390, %get3A_391] {strides = array<i32>} : memref<32x1024xf32, #tpu.memory_space<vmem>>, vector<1x16xf32>,
      %get3A_393 = vector.shape_cast %get3A_392 : vector<1x16xf32> to vector<16xf32>
      %mul3A_394 = arith.mulf %get3A_29, %get3A_393 : vector<16xf32>
      %add3A_395 = arith.addf %add3A_389, %mul3A_394 : vector<16xf32>
      %get3A_396 = arith.index_cast %scan3A_13 : i32 to index
      %get3A_397 = arith.constant 928 : index
      %get3A_398 = tpu.vector_load %arg8[%get3A_396, %get3A_397] {strides = array<i32>} : memref<32x1024xf32, #tpu.memory_space<vmem>>, vector<1x16xf32>,
      %get3A_399 = vector.shape_cast %get3A_398 : vector<1x16xf32> to vector<16xf32>
      %mul3A_400 = arith.mulf %get3A_33, %get3A_399 : vector<16xf32>
      %add3A_401 = arith.addf %add3A_395, %mul3A_400 : vector<16xf32>
      %swap3A_402 = arith.index_cast %scan3A_13 : i32 to index
      %swap3A_403 = arith.constant 160 : index
      %swap3A_404 = tpu.vector_load %arg9[%swap3A_402, %swap3A_403] {strides = array<i32>} : memref<32x192xf32, #tpu.memory_space<vmem>>, vector<1x16xf32>,
      %swap3A_405 = vector.shape_cast %swap3A_404 : vector<1x16xf32> to vector<16xf32>
      %swap3A_406 = vector.shape_cast %add3A_401 : vector<16xf32> to vector<1x16xf32>
      tpu.vector_store %arg9[%swap3A_402, %swap3A_403], %swap3A_406 {strides = array<i32>} : memref<32x192xf32, #tpu.memory_space<vmem>>, vector<1x16xf32>,
      %get3A_407 = arith.index_cast %scan3A_13 : i32 to index
      %get3A_408 = arith.constant 176 : index
      %get3A_409 = tpu.vector_load %arg8[%get3A_407, %get3A_408] {strides = array<i32>} : memref<32x1024xf32, #tpu.memory_space<vmem>>, vector<1x16xf32>,
      %get3A_410 = vector.shape_cast %get3A_409 : vector<1x16xf32> to vector<16xf32>
      %mul3A_411 = arith.mulf %get3A_17, %get3A_410 : vector<16xf32>
      %get3A_412 = arith.index_cast %scan3A_13 : i32 to index
      %get3A_413 = arith.constant 368 : index
      %get3A_414 = tpu.vector_load %arg8[%get3A_412, %get3A_413] {strides = array<i32>} : memref<32x1024xf32, #tpu.memory_space<vmem>>, vector<1x16xf32>,
      %get3A_415 = vector.shape_cast %get3A_414 : vector<1x16xf32> to vector<16xf32>
      %mul3A_416 = arith.mulf %get3A_21, %get3A_415 : vector<16xf32>
      %add3A_417 = arith.addf %mul3A_411, %mul3A_416 : vector<16xf32>
      %get3A_418 = arith.index_cast %scan3A_13 : i32 to index
      %get3A_419 = arith.constant 560 : index
      %get3A_420 = tpu.vector_load %arg8[%get3A_418, %get3A_419] {strides = array<i32>} : memref<32x1024xf32, #tpu.memory_space<vmem>>, vector<1x16xf32>,
      %get3A_421 = vector.shape_cast %get3A_420 : vector<1x16xf32> to vector<16xf32>
      %mul3A_422 = arith.mulf %get3A_25, %get3A_421 : vector<16xf32>
      %add3A_423 = arith.addf %add3A_417, %mul3A_422 : vector<16xf32>
      %get3A_424 = arith.index_cast %scan3A_13 : i32 to index
      %get3A_425 = arith.constant 752 : index
      %get3A_426 = tpu.vector_load %arg8[%get3A_424, %get3A_425] {strides = array<i32>} : memref<32x1024xf32, #tpu.memory_space<vmem>>, vector<1x16xf32>,
      %get3A_427 = vector.shape_cast %get3A_426 : vector<1x16xf32> to vector<16xf32>
      %mul3A_428 = arith.mulf %get3A_29, %get3A_427 : vector<16xf32>
      %add3A_429 = arith.addf %add3A_423, %mul3A_428 : vector<16xf32>
      %get3A_430 = arith.index_cast %scan3A_13 : i32 to index
      %get3A_431 = arith.constant 944 : index
      %get3A_432 = tpu.vector_load %arg8[%get3A_430, %get3A_431] {strides = array<i32>} : memref<32x1024xf32, #tpu.memory_space<vmem>>, vector<1x16xf32>,
      %get3A_433 = vector.shape_cast %get3A_432 : vector<1x16xf32> to vector<16xf32>
      %mul3A_434 = arith.mulf %get3A_33, %get3A_433 : vector<16xf32>
      %add3A_435 = arith.addf %add3A_429, %mul3A_434 : vector<16xf32>
      %swap3A_436 = arith.index_cast %scan3A_13 : i32 to index
      %swap3A_437 = arith.constant 176 : index
      %swap3A_438 = tpu.vector_load %arg9[%swap3A_436, %swap3A_437] {strides = array<i32>} : memref<32x192xf32, #tpu.memory_space<vmem>>, vector<1x16xf32>,
      %swap3A_439 = vector.shape_cast %swap3A_438 : vector<1x16xf32> to vector<16xf32>
      %swap3A_440 = vector.shape_cast %add3A_435 : vector<16xf32> to vector<1x16xf32>
      tpu.vector_store %arg9[%swap3A_436, %swap3A_437], %swap3A_440 {strides = array<i32>} : memref<32x192xf32, #tpu.memory_space<vmem>>, vector<1x16xf32>,
      %scan3A_441 = arith.constant 0 : i32
      scf.yield %scan3A_441 : i32
    }
    %scan3A_12 = arith.constant 32 : i32
    "tpu.region"() ({
      %run_scoped3A = tpu.sem_alloc : memref<!tpu.dma_semaphore, #tpu.memory_space<semaphore_mem>>
      %dma_start3A_13 = arith.constant 0 : i32
      %dma_start3A_14 = tpu.memref_slice %arg5[%mul3A_2, %dma_start3A_13] : memref<1024x192xf32, #tpu.memory_space<hbm>> -> memref<32x192xf32, #tpu.memory_space<hbm>>
      %dma_start3A_15 = arith.constant 0 : i32
      %dma_start3A_16 = tpu.memref_slice %arg5[%mul3A_2, %dma_start3A_15] : memref<1024x192xf32, #tpu.memory_space<hbm>> -> memref<32x192xf32, #tpu.memory_space<hbm>>
      tpu.enqueue_dma source(%arg9 : memref<32x192xf32, #tpu.memory_space<vmem>>) target(%dma_start3A_16 : memref<32x192xf32, #tpu.memory_space<hbm>>) target_semaphore(%run_scoped3A : memref<!tpu.dma_semaphore, #tpu.memory_space<semaphore_mem>>)
      %dma_wait3A_17 = arith.constant 0 : i32
      %dma_wait3A_18 = tpu.memref_slice %arg5[%mul3A_2, %dma_wait3A_17] : memref<1024x192xf32, #tpu.memory_space<hbm>> -> memref<32x192xf32, #tpu.memory_space<hbm>>
      %dma_wait3A_19 = arith.constant 0 : i32
      %dma_wait3A_20 = tpu.memref_slice %arg5[%mul3A_2, %dma_wait3A_19] : memref<1024x192xf32, #tpu.memory_space<hbm>> -> memref<32x192xf32, #tpu.memory_space<hbm>>
      tpu.wait_dma2 semaphore(%run_scoped3A : memref<!tpu.dma_semaphore, #tpu.memory_space<semaphore_mem>>) src(%arg9 : memref<32x192xf32, #tpu.memory_space<vmem>>) dst(%dma_wait3A_20 : memref<32x192xf32, #tpu.memory_space<hbm>>)
      tpu.yield
    }) : () -> ()
    return
  }
}

#map = affine_map<(d0, d1) -> (0, 0)>
#map1 = affine_map<(d0, d1) -> (0)>
module attributes {stable_mosaic.version = 14 : i64} {
  func.func @k(%arg0: i32, %arg1: i32, %arg2: memref<1024x1024xf32, #tpu.memory_space<hbm>>, %arg3: memref<1024xi32, #tpu.memory_space<hbm>>, %arg4: memref<1024x80xf32, #tpu.memory_space<hbm>>, %arg5: memref<1024x192xf32, #tpu.memory_space<hbm>>, %arg6: memref<32xi32, #tpu.memory_space<vmem>>, %arg7: memref<32x80xf32, #tpu.memory_space<vmem>>, %arg8: memref<32x1024xf32, #tpu.memory_space<vmem>>, %arg9: memref<32x192xf32, #tpu.memory_space<vmem>>, %arg10: memref<!tpu.dma_semaphore, #tpu.memory_space<semaphore_mem>>) attributes {dimension_semantics = [#tpu.dimension_semantics<core_parallel>, #tpu.dimension_semantics<subcore_parallel>], iteration_bounds = array<i64: 2, 16>, scalar_prefetch = 0 : i64, scratch_operands = 5 : i64, tpu.core_type = #tpu.core_type<sc_vector_subcore>, window_params = [{transform_indices = #map}, {transform_indices = #map1}, {transform_indices = #map}, {transform_indices = #map}]} {
    %mul3A = arith.constant 2 : i32
    %mul3A_0 = arith.muli %arg1, %mul3A : i32
    %add3A = arith.addi %mul3A_0, %arg0 : i32
    %mul3A_1 = arith.constant 32 : i32
    %mul3A_2 = arith.muli %add3A, %mul3A_1 : i32
    "tpu.region"() ({
      %run_scoped3A = tpu.sem_alloc : memref<!tpu.dma_semaphore, #tpu.memory_space<semaphore_mem>>
      %dma_start3A_13 = tpu.memref_slice %arg3[%mul3A_2] : memref<1024xi32, #tpu.memory_space<hbm>> -> memref<32xi32, #tpu.memory_space<hbm>>
      %dma_start3A_14 = tpu.memref_slice %arg3[%mul3A_2] : memref<1024xi32, #tpu.memory_space<hbm>> -> memref<32xi32, #tpu.memory_space<hbm>>
      tpu.enqueue_dma source(%dma_start3A_14 : memref<32xi32, #tpu.memory_space<hbm>>) target(%arg6 : memref<32xi32, #tpu.memory_space<vmem>>) target_semaphore(%run_scoped3A : memref<!tpu.dma_semaphore, #tpu.memory_space<semaphore_mem>>)
      %dma_wait3A_15 = tpu.memref_slice %arg3[%mul3A_2] : memref<1024xi32, #tpu.memory_space<hbm>> -> memref<32xi32, #tpu.memory_space<hbm>>
      %dma_wait3A_16 = tpu.memref_slice %arg3[%mul3A_2] : memref<1024xi32, #tpu.memory_space<hbm>> -> memref<32xi32, #tpu.memory_space<hbm>>
      tpu.wait_dma2 semaphore(%run_scoped3A : memref<!tpu.dma_semaphore, #tpu.memory_space<semaphore_mem>>) src(%dma_wait3A_16 : memref<32xi32, #tpu.memory_space<hbm>>) dst(%arg6 : memref<32xi32, #tpu.memory_space<vmem>>)
      tpu.yield
    }) : () -> ()
    %dma_start3A = arith.constant 0 : i32
    %dma_start3A_3 = arith.constant 0 : i32
    %dma_start3A_4 = tpu.memref_slice %arg2[%dma_start3A, %dma_start3A_3] : memref<1024x1024xf32, #tpu.memory_space<hbm>> -> memref<1024x1024xf32, #tpu.memory_space<hbm>>
    tpu.enqueue_indirect_dma source(%dma_start3A_4 : memref<1024x1024xf32, #tpu.memory_space<hbm>>) target(%arg8 : memref<32x1024xf32, #tpu.memory_space<vmem>>) offsets(%arg6 : memref<32xi32, #tpu.memory_space<vmem>>) semaphore(%arg10 : memref<!tpu.dma_semaphore, #tpu.memory_space<semaphore_mem>>)
    "tpu.region"() ({
      %run_scoped3A = tpu.sem_alloc : memref<!tpu.dma_semaphore, #tpu.memory_space<semaphore_mem>>
      %dma_start3A_13 = arith.constant 0 : i32
      %dma_start3A_14 = tpu.memref_slice %arg4[%mul3A_2, %dma_start3A_13] : memref<1024x80xf32, #tpu.memory_space<hbm>> -> memref<32x80xf32, #tpu.memory_space<hbm>>
      %dma_start3A_15 = arith.constant 0 : i32
      %dma_start3A_16 = tpu.memref_slice %arg4[%mul3A_2, %dma_start3A_15] : memref<1024x80xf32, #tpu.memory_space<hbm>> -> memref<32x80xf32, #tpu.memory_space<hbm>>
      tpu.enqueue_dma source(%dma_start3A_16 : memref<32x80xf32, #tpu.memory_space<hbm>>) target(%arg7 : memref<32x80xf32, #tpu.memory_space<vmem>>) target_semaphore(%run_scoped3A : memref<!tpu.dma_semaphore, #tpu.memory_space<semaphore_mem>>)
      %dma_wait3A_17 = arith.constant 0 : i32
      %dma_wait3A_18 = tpu.memref_slice %arg4[%mul3A_2, %dma_wait3A_17] : memref<1024x80xf32, #tpu.memory_space<hbm>> -> memref<32x80xf32, #tpu.memory_space<hbm>>
      %dma_wait3A_19 = arith.constant 0 : i32
      %dma_wait3A_20 = tpu.memref_slice %arg4[%mul3A_2, %dma_wait3A_19] : memref<1024x80xf32, #tpu.memory_space<hbm>> -> memref<32x80xf32, #tpu.memory_space<hbm>>
      tpu.wait_dma2 semaphore(%run_scoped3A : memref<!tpu.dma_semaphore, #tpu.memory_space<semaphore_mem>>) src(%dma_wait3A_20 : memref<32x80xf32, #tpu.memory_space<hbm>>) dst(%arg7 : memref<32x80xf32, #tpu.memory_space<vmem>>)
      tpu.yield
    }) : () -> ()
    %dma_wait3A = arith.constant 0 : i32
    %dma_wait3A_5 = arith.constant 0 : i32
    %dma_wait3A_6 = tpu.memref_slice %arg2[%dma_wait3A, %dma_wait3A_5] : memref<1024x1024xf32, #tpu.memory_space<hbm>> -> memref<1024x1024xf32, #tpu.memory_space<hbm>>
    tpu.wait_indirect_dma semaphore(%arg10 : memref<!tpu.dma_semaphore, #tpu.memory_space<semaphore_mem>>) src(%dma_wait3A_6 : memref<1024x1024xf32, #tpu.memory_space<hbm>>) dst(%arg8 : memref<32x1024xf32, #tpu.memory_space<vmem>>)
    %scan3A = arith.constant 0 : i32
    %scan3A_7 = arith.constant 0 : i32
    %scan3A_8 = arith.constant 32 : i32
    %scan3A_9 = arith.addi %scan3A_7, %scan3A_8 : i32
    %scan3A_10 = arith.constant 1 : i32
    %scan3A_11 = scf.for %scan3A_13 = %scan3A_7 to %scan3A_9 step %scan3A_10 iter_args(%scan3A_14 = %scan3A) -> (i32)  : i32 {
      %get3A = arith.index_cast %scan3A_13 : i32 to index
      %get3A_15 = arith.constant 0 : index
      %get3A_16 = tpu.vector_load %arg7[%get3A, %get3A_15] {strides = array<i32>} : memref<32x80xf32, #tpu.memory_space<vmem>>, vector<1x16xf32>,
      %get3A_17 = vector.shape_cast %get3A_16 : vector<1x16xf32> to vector<16xf32>
      %get3A_18 = arith.index_cast %scan3A_13 : i32 to index
      %get3A_19 = arith.constant 16 : index
      %get3A_20 = tpu.vector_load %arg7[%get3A_18, %get3A_19] {strides = array<i32>} : memref<32x80xf32, #tpu.memory_space<vmem>>, vector<1x16xf32>,
      %get3A_21 = vector.shape_cast %get3A_20 : vector<1x16xf32> to vector<16xf32>
      %get3A_22 = arith.index_cast %scan3A_13 : i32 to index
      %get3A_23 = arith.constant 32 : index
      %get3A_24 = tpu.vector_load %arg7[%get3A_22, %get3A_23] {strides = array<i32>} : memref<32x80xf32, #tpu.memory_space<vmem>>, vector<1x16xf32>,
      %get3A_25 = vector.shape_cast %get3A_24 : vector<1x16xf32> to vector<16xf32>
      %get3A_26 = arith.index_cast %scan3A_13 : i32 to index
      %get3A_27 = arith.constant 48 : index
      %get3A_28 = tpu.vector_load %arg7[%get3A_26, %get3A_27] {strides = array<i32>} : memref<32x80xf32, #tpu.memory_space<vmem>>, vector<1x16xf32>,
      %get3A_29 = vector.shape_cast %get3A_28 : vector<1x16xf32> to vector<16xf32>
      %get3A_30 = arith.index_cast %scan3A_13 : i32 to index
      %get3A_31 = arith.constant 64 : index
      %get3A_32 = tpu.vector_load %arg7[%get3A_30, %get3A_31] {strides = array<i32>} : memref<32x80xf32, #tpu.memory_space<vmem>>, vector<1x16xf32>,
      %get3A_33 = vector.shape_cast %get3A_32 : vector<1x16xf32> to vector<16xf32>
      %get3A_34 = arith.index_cast %scan3A_13 : i32 to index
      %get3A_35 = arith.constant 0 : index
      %get3A_36 = tpu.vector_load %arg8[%get3A_34, %get3A_35] {strides = array<i32>} : memref<32x1024xf32, #tpu.memory_space<vmem>>, vector<1x16xf32>,
      %get3A_37 = vector.shape_cast %get3A_36 : vector<1x16xf32> to vector<16xf32>
      %mul3A_38 = arith.mulf %get3A_17, %get3A_37 : vector<16xf32>
      %get3A_39 = arith.index_cast %scan3A_13 : i32 to index
      %get3A_40 = arith.constant 192 : index
      %get3A_41 = tpu.vector_load %arg8[%get3A_39, %get3A_40] {strides = array<i32>} : memref<32x1024xf32, #tpu.memory_space<vmem>>, vector<1x16xf32>,
      %get3A_42 = vector.shape_cast %get3A_41 : vector<1x16xf32> to vector<16xf32>
      %mul3A_43 = arith.mulf %get3A_21, %get3A_42 : vector<16xf32>
      %add3A_44 = arith.addf %mul3A_38, %mul3A_43 : vector<16xf32>
      %get3A_45 = arith.index_cast %scan3A_13 : i32 to index
      %get3A_46 = arith.constant 384 : index
      %get3A_47 = tpu.vector_load %arg8[%get3A_45, %get3A_46] {strides = array<i32>} : memref<32x1024xf32, #tpu.memory_space<vmem>>, vector<1x16xf32>,
      %get3A_48 = vector.shape_cast %get3A_47 : vector<1x16xf32> to vector<16xf32>
      %mul3A_49 = arith.mulf %get3A_25, %get3A_48 : vector<16xf32>
      %add3A_50 = arith.addf %add3A_44, %mul3A_49 : vector<16xf32>
      %get3A_51 = arith.index_cast %scan3A_13 : i32 to index
      %get3A_52 = arith.constant 576 : index
      %get3A_53 = tpu.vector_load %arg8[%get3A_51, %get3A_52] {strides = array<i32>} : memref<32x1024xf32, #tpu.memory_space<vmem>>, vector<1x16xf32>,
      %get3A_54 = vector.shape_cast %get3A_53 : vector<1x16xf32> to vector<16xf32>
      %mul3A_55 = arith.mulf %get3A_29, %get3A_54 : vector<16xf32>
      %add3A_56 = arith.addf %add3A_50, %mul3A_55 : vector<16xf32>
      %get3A_57 = arith.index_cast %scan3A_13 : i32 to index
      %get3A_58 = arith.constant 768 : index
      %get3A_59 = tpu.vector_load %arg8[%get3A_57, %get3A_58] {strides = array<i32>} : memref<32x1024xf32, #tpu.memory_space<vmem>>, vector<1x16xf32>,
      %get3A_60 = vector.shape_cast %get3A_59 : vector<1x16xf32> to vector<16xf32>
      %mul3A_61 = arith.mulf %get3A_33, %get3A_60 : vector<16xf32>
      %add3A_62 = arith.addf %add3A_56, %mul3A_61 : vector<16xf32>
      %swap3A = arith.index_cast %scan3A_13 : i32 to index
      %swap3A_63 = arith.constant 0 : index
      %swap3A_64 = tpu.vector_load %arg9[%swap3A, %swap3A_63] {strides = array<i32>} : memref<32x192xf32, #tpu.memory_space<vmem>>, vector<1x16xf32>,
      %swap3A_65 = vector.shape_cast %swap3A_64 : vector<1x16xf32> to vector<16xf32>
      %swap3A_66 = vector.shape_cast %add3A_62 : vector<16xf32> to vector<1x16xf32>
      tpu.vector_store %arg9[%swap3A, %swap3A_63], %swap3A_66 {strides = array<i32>} : memref<32x192xf32, #tpu.memory_space<vmem>>, vector<1x16xf32>,
      %get3A_67 = arith.index_cast %scan3A_13 : i32 to index
      %get3A_68 = arith.constant 16 : index
      %get3A_69 = tpu.vector_load %arg8[%get3A_67, %get3A_68] {strides = array<i32>} : memref<32x1024xf32, #tpu.memory_space<vmem>>, vector<1x16xf32>,
      %get3A_70 = vector.shape_cast %get3A_69 : vector<1x16xf32> to vector<16xf32>
      %mul3A_71 = arith.mulf %get3A_17, %get3A_70 : vector<16xf32>
      %get3A_72 = arith.index_cast %scan3A_13 : i32 to index
      %get3A_73 = arith.constant 208 : index
      %get3A_74 = tpu.vector_load %arg8[%get3A_72, %get3A_73] {strides = array<i32>} : memref<32x1024xf32, #tpu.memory_space<vmem>>, vector<1x16xf32>,
      %get3A_75 = vector.shape_cast %get3A_74 : vector<1x16xf32> to vector<16xf32>
      %mul3A_76 = arith.mulf %get3A_21, %get3A_75 : vector<16xf32>
      %add3A_77 = arith.addf %mul3A_71, %mul3A_76 : vector<16xf32>
      %get3A_78 = arith.index_cast %scan3A_13 : i32 to index
      %get3A_79 = arith.constant 400 : index
      %get3A_80 = tpu.vector_load %arg8[%get3A_78, %get3A_79] {strides = array<i32>} : memref<32x1024xf32, #tpu.memory_space<vmem>>, vector<1x16xf32>,
      %get3A_81 = vector.shape_cast %get3A_80 : vector<1x16xf32> to vector<16xf32>
      %mul3A_82 = arith.mulf %get3A_25, %get3A_81 : vector<16xf32>
      %add3A_83 = arith.addf %add3A_77, %mul3A_82 : vector<16xf32>
      %get3A_84 = arith.index_cast %scan3A_13 : i32 to index
      %get3A_85 = arith.constant 592 : index
      %get3A_86 = tpu.vector_load %arg8[%get3A_84, %get3A_85] {strides = array<i32>} : memref<32x1024xf32, #tpu.memory_space<vmem>>, vector<1x16xf32>,
      %get3A_87 = vector.shape_cast %get3A_86 : vector<1x16xf32> to vector<16xf32>
      %mul3A_88 = arith.mulf %get3A_29, %get3A_87 : vector<16xf32>
      %add3A_89 = arith.addf %add3A_83, %mul3A_88 : vector<16xf32>
      %get3A_90 = arith.index_cast %scan3A_13 : i32 to index
      %get3A_91 = arith.constant 784 : index
      %get3A_92 = tpu.vector_load %arg8[%get3A_90, %get3A_91] {strides = array<i32>} : memref<32x1024xf32, #tpu.memory_space<vmem>>, vector<1x16xf32>,
      %get3A_93 = vector.shape_cast %get3A_92 : vector<1x16xf32> to vector<16xf32>
      %mul3A_94 = arith.mulf %get3A_33, %get3A_93 : vector<16xf32>
      %add3A_95 = arith.addf %add3A_89, %mul3A_94 : vector<16xf32>
      %swap3A_96 = arith.index_cast %scan3A_13 : i32 to index
      %swap3A_97 = arith.constant 16 : index
      %swap3A_98 = tpu.vector_load %arg9[%swap3A_96, %swap3A_97] {strides = array<i32>} : memref<32x192xf32, #tpu.memory_space<vmem>>, vector<1x16xf32>,
      %swap3A_99 = vector.shape_cast %swap3A_98 : vector<1x16xf32> to vector<16xf32>
      %swap3A_100 = vector.shape_cast %add3A_95 : vector<16xf32> to vector<1x16xf32>
      tpu.vector_store %arg9[%swap3A_96, %swap3A_97], %swap3A_100 {strides = array<i32>} : memref<32x192xf32, #tpu.memory_space<vmem>>, vector<1x16xf32>,
      %get3A_101 = arith.index_cast %scan3A_13 : i32 to index
      %get3A_102 = arith.constant 32 : index
      %get3A_103 = tpu.vector_load %arg8[%get3A_101, %get3A_102] {strides = array<i32>} : memref<32x1024xf32, #tpu.memory_space<vmem>>, vector<1x16xf32>,
      %get3A_104 = vector.shape_cast %get3A_103 : vector<1x16xf32> to vector<16xf32>
      %mul3A_105 = arith.mulf %get3A_17, %get3A_104 : vector<16xf32>
      %get3A_106 = arith.index_cast %scan3A_13 : i32 to index
      %get3A_107 = arith.constant 224 : index
      %get3A_108 = tpu.vector_load %arg8[%get3A_106, %get3A_107] {strides = array<i32>} : memref<32x1024xf32, #tpu.memory_space<vmem>>, vector<1x16xf32>,
      %get3A_109 = vector.shape_cast %get3A_108 : vector<1x16xf32> to vector<16xf32>
      %mul3A_110 = arith.mulf %get3A_21, %get3A_109 : vector<16xf32>
      %add3A_111 = arith.addf %mul3A_105, %mul3A_110 : vector<16xf32>
      %get3A_112 = arith.index_cast %scan3A_13 : i32 to index
      %get3A_113 = arith.constant 416 : index
      %get3A_114 = tpu.vector_load %arg8[%get3A_112, %get3A_113] {strides = array<i32>} : memref<32x1024xf32, #tpu.memory_space<vmem>>, vector<1x16xf32>,
      %get3A_115 = vector.shape_cast %get3A_114 : vector<1x16xf32> to vector<16xf32>
      %mul3A_116 = arith.mulf %get3A_25, %get3A_115 : vector<16xf32>
      %add3A_117 = arith.addf %add3A_111, %mul3A_116 : vector<16xf32>
      %get3A_118 = arith.index_cast %scan3A_13 : i32 to index
      %get3A_119 = arith.constant 608 : index
      %get3A_120 = tpu.vector_load %arg8[%get3A_118, %get3A_119] {strides = array<i32>} : memref<32x1024xf32, #tpu.memory_space<vmem>>, vector<1x16xf32>,
      %get3A_121 = vector.shape_cast %get3A_120 : vector<1x16xf32> to vector<16xf32>
      %mul3A_122 = arith.mulf %get3A_29, %get3A_121 : vector<16xf32>
      %add3A_123 = arith.addf %add3A_117, %mul3A_122 : vector<16xf32>
      %get3A_124 = arith.index_cast %scan3A_13 : i32 to index
      %get3A_125 = arith.constant 800 : index
      %get3A_126 = tpu.vector_load %arg8[%get3A_124, %get3A_125] {strides = array<i32>} : memref<32x1024xf32, #tpu.memory_space<vmem>>, vector<1x16xf32>,
      %get3A_127 = vector.shape_cast %get3A_126 : vector<1x16xf32> to vector<16xf32>
      %mul3A_128 = arith.mulf %get3A_33, %get3A_127 : vector<16xf32>
      %add3A_129 = arith.addf %add3A_123, %mul3A_128 : vector<16xf32>
      %swap3A_130 = arith.index_cast %scan3A_13 : i32 to index
      %swap3A_131 = arith.constant 32 : index
      %swap3A_132 = tpu.vector_load %arg9[%swap3A_130, %swap3A_131] {strides = array<i32>} : memref<32x192xf32, #tpu.memory_space<vmem>>, vector<1x16xf32>,
      %swap3A_133 = vector.shape_cast %swap3A_132 : vector<1x16xf32> to vector<16xf32>
      %swap3A_134 = vector.shape_cast %add3A_129 : vector<16xf32> to vector<1x16xf32>
      tpu.vector_store %arg9[%swap3A_130, %swap3A_131], %swap3A_134 {strides = array<i32>} : memref<32x192xf32, #tpu.memory_space<vmem>>, vector<1x16xf32>,
      %get3A_135 = arith.index_cast %scan3A_13 : i32 to index
      %get3A_136 = arith.constant 48 : index
      %get3A_137 = tpu.vector_load %arg8[%get3A_135, %get3A_136] {strides = array<i32>} : memref<32x1024xf32, #tpu.memory_space<vmem>>, vector<1x16xf32>,
      %get3A_138 = vector.shape_cast %get3A_137 : vector<1x16xf32> to vector<16xf32>
      %mul3A_139 = arith.mulf %get3A_17, %get3A_138 : vector<16xf32>
      %get3A_140 = arith.index_cast %scan3A_13 : i32 to index
      %get3A_141 = arith.constant 240 : index
      %get3A_142 = tpu.vector_load %arg8[%get3A_140, %get3A_141] {strides = array<i32>} : memref<32x1024xf32, #tpu.memory_space<vmem>>, vector<1x16xf32>,
      %get3A_143 = vector.shape_cast %get3A_142 : vector<1x16xf32> to vector<16xf32>
      %mul3A_144 = arith.mulf %get3A_21, %get3A_143 : vector<16xf32>
      %add3A_145 = arith.addf %mul3A_139, %mul3A_144 : vector<16xf32>
      %get3A_146 = arith.index_cast %scan3A_13 : i32 to index
      %get3A_147 = arith.constant 432 : index
      %get3A_148 = tpu.vector_load %arg8[%get3A_146, %get3A_147] {strides = array<i32>} : memref<32x1024xf32, #tpu.memory_space<vmem>>, vector<1x16xf32>,
      %get3A_149 = vector.shape_cast %get3A_148 : vector<1x16xf32> to vector<16xf32>
      %mul3A_150 = arith.mulf %get3A_25, %get3A_149 : vector<16xf32>
      %add3A_151 = arith.addf %add3A_145, %mul3A_150 : vector<16xf32>
      %get3A_152 = arith.index_cast %scan3A_13 : i32 to index
      %get3A_153 = arith.constant 624 : index
      %get3A_154 = tpu.vector_load %arg8[%get3A_152, %get3A_153] {strides = array<i32>} : memref<32x1024xf32, #tpu.memory_space<vmem>>, vector<1x16xf32>,
      %get3A_155 = vector.shape_cast %get3A_154 : vector<1x16xf32> to vector<16xf32>
      %mul3A_156 = arith.mulf %get3A_29, %get3A_155 : vector<16xf32>
      %add3A_157 = arith.addf %add3A_151, %mul3A_156 : vector<16xf32>
      %get3A_158 = arith.index_cast %scan3A_13 : i32 to index
      %get3A_159 = arith.constant 816 : index
      %get3A_160 = tpu.vector_load %arg8[%get3A_158, %get3A_159] {strides = array<i32>} : memref<32x1024xf32, #tpu.memory_space<vmem>>, vector<1x16xf32>,
      %get3A_161 = vector.shape_cast %get3A_160 : vector<1x16xf32> to vector<16xf32>
      %mul3A_162 = arith.mulf %get3A_33, %get3A_161 : vector<16xf32>
      %add3A_163 = arith.addf %add3A_157, %mul3A_162 : vector<16xf32>
      %swap3A_164 = arith.index_cast %scan3A_13 : i32 to index
      %swap3A_165 = arith.constant 48 : index
      %swap3A_166 = tpu.vector_load %arg9[%swap3A_164, %swap3A_165] {strides = array<i32>} : memref<32x192xf32, #tpu.memory_space<vmem>>, vector<1x16xf32>,
      %swap3A_167 = vector.shape_cast %swap3A_166 : vector<1x16xf32> to vector<16xf32>
      %swap3A_168 = vector.shape_cast %add3A_163 : vector<16xf32> to vector<1x16xf32>
      tpu.vector_store %arg9[%swap3A_164, %swap3A_165], %swap3A_168 {strides = array<i32>} : memref<32x192xf32, #tpu.memory_space<vmem>>, vector<1x16xf32>,
      %get3A_169 = arith.index_cast %scan3A_13 : i32 to index
      %get3A_170 = arith.constant 64 : index
      %get3A_171 = tpu.vector_load %arg8[%get3A_169, %get3A_170] {strides = array<i32>} : memref<32x1024xf32, #tpu.memory_space<vmem>>, vector<1x16xf32>,
      %get3A_172 = vector.shape_cast %get3A_171 : vector<1x16xf32> to vector<16xf32>
      %mul3A_173 = arith.mulf %get3A_17, %get3A_172 : vector<16xf32>
      %get3A_174 = arith.index_cast %scan3A_13 : i32 to index
      %get3A_175 = arith.constant 256 : index
      %get3A_176 = tpu.vector_load %arg8[%get3A_174, %get3A_175] {strides = array<i32>} : memref<32x1024xf32, #tpu.memory_space<vmem>>, vector<1x16xf32>,
      %get3A_177 = vector.shape_cast %get3A_176 : vector<1x16xf32> to vector<16xf32>
      %mul3A_178 = arith.mulf %get3A_21, %get3A_177 : vector<16xf32>
      %add3A_179 = arith.addf %mul3A_173, %mul3A_178 : vector<16xf32>
      %get3A_180 = arith.index_cast %scan3A_13 : i32 to index
      %get3A_181 = arith.constant 448 : index
      %get3A_182 = tpu.vector_load %arg8[%get3A_180, %get3A_181] {strides = array<i32>} : memref<32x1024xf32, #tpu.memory_space<vmem>>, vector<1x16xf32>,
      %get3A_183 = vector.shape_cast %get3A_182 : vector<1x16xf32> to vector<16xf32>
      %mul3A_184 = arith.mulf %get3A_25, %get3A_183 : vector<16xf32>
      %add3A_185 = arith.addf %add3A_179, %mul3A_184 : vector<16xf32>
      %get3A_186 = arith.index_cast %scan3A_13 : i32 to index
      %get3A_187 = arith.constant 640 : index
      %get3A_188 = tpu.vector_load %arg8[%get3A_186, %get3A_187] {strides = array<i32>} : memref<32x1024xf32, #tpu.memory_space<vmem>>, vector<1x16xf32>,
      %get3A_189 = vector.shape_cast %get3A_188 : vector<1x16xf32> to vector<16xf32>
      %mul3A_190 = arith.mulf %get3A_29, %get3A_189 : vector<16xf32>
      %add3A_191 = arith.addf %add3A_185, %mul3A_190 : vector<16xf32>
      %get3A_192 = arith.index_cast %scan3A_13 : i32 to index
      %get3A_193 = arith.constant 832 : index
      %get3A_194 = tpu.vector_load %arg8[%get3A_192, %get3A_193] {strides = array<i32>} : memref<32x1024xf32, #tpu.memory_space<vmem>>, vector<1x16xf32>,
      %get3A_195 = vector.shape_cast %get3A_194 : vector<1x16xf32> to vector<16xf32>
      %mul3A_196 = arith.mulf %get3A_33, %get3A_195 : vector<16xf32>
      %add3A_197 = arith.addf %add3A_191, %mul3A_196 : vector<16xf32>
      %swap3A_198 = arith.index_cast %scan3A_13 : i32 to index
      %swap3A_199 = arith.constant 64 : index
      %swap3A_200 = tpu.vector_load %arg9[%swap3A_198, %swap3A_199] {strides = array<i32>} : memref<32x192xf32, #tpu.memory_space<vmem>>, vector<1x16xf32>,
      %swap3A_201 = vector.shape_cast %swap3A_200 : vector<1x16xf32> to vector<16xf32>
      %swap3A_202 = vector.shape_cast %add3A_197 : vector<16xf32> to vector<1x16xf32>
      tpu.vector_store %arg9[%swap3A_198, %swap3A_199], %swap3A_202 {strides = array<i32>} : memref<32x192xf32, #tpu.memory_space<vmem>>, vector<1x16xf32>,
      %get3A_203 = arith.index_cast %scan3A_13 : i32 to index
      %get3A_204 = arith.constant 80 : index
      %get3A_205 = tpu.vector_load %arg8[%get3A_203, %get3A_204] {strides = array<i32>} : memref<32x1024xf32, #tpu.memory_space<vmem>>, vector<1x16xf32>,
      %get3A_206 = vector.shape_cast %get3A_205 : vector<1x16xf32> to vector<16xf32>
      %mul3A_207 = arith.mulf %get3A_17, %get3A_206 : vector<16xf32>
      %get3A_208 = arith.index_cast %scan3A_13 : i32 to index
      %get3A_209 = arith.constant 272 : index
      %get3A_210 = tpu.vector_load %arg8[%get3A_208, %get3A_209] {strides = array<i32>} : memref<32x1024xf32, #tpu.memory_space<vmem>>, vector<1x16xf32>,
      %get3A_211 = vector.shape_cast %get3A_210 : vector<1x16xf32> to vector<16xf32>
      %mul3A_212 = arith.mulf %get3A_21, %get3A_211 : vector<16xf32>
      %add3A_213 = arith.addf %mul3A_207, %mul3A_212 : vector<16xf32>
      %get3A_214 = arith.index_cast %scan3A_13 : i32 to index
      %get3A_215 = arith.constant 464 : index
      %get3A_216 = tpu.vector_load %arg8[%get3A_214, %get3A_215] {strides = array<i32>} : memref<32x1024xf32, #tpu.memory_space<vmem>>, vector<1x16xf32>,
      %get3A_217 = vector.shape_cast %get3A_216 : vector<1x16xf32> to vector<16xf32>
      %mul3A_218 = arith.mulf %get3A_25, %get3A_217 : vector<16xf32>
      %add3A_219 = arith.addf %add3A_213, %mul3A_218 : vector<16xf32>
      %get3A_220 = arith.index_cast %scan3A_13 : i32 to index
      %get3A_221 = arith.constant 656 : index
      %get3A_222 = tpu.vector_load %arg8[%get3A_220, %get3A_221] {strides = array<i32>} : memref<32x1024xf32, #tpu.memory_space<vmem>>, vector<1x16xf32>,
      %get3A_223 = vector.shape_cast %get3A_222 : vector<1x16xf32> to vector<16xf32>
      %mul3A_224 = arith.mulf %get3A_29, %get3A_223 : vector<16xf32>
      %add3A_225 = arith.addf %add3A_219, %mul3A_224 : vector<16xf32>
      %get3A_226 = arith.index_cast %scan3A_13 : i32 to index
      %get3A_227 = arith.constant 848 : index
      %get3A_228 = tpu.vector_load %arg8[%get3A_226, %get3A_227] {strides = array<i32>} : memref<32x1024xf32, #tpu.memory_space<vmem>>, vector<1x16xf32>,
      %get3A_229 = vector.shape_cast %get3A_228 : vector<1x16xf32> to vector<16xf32>
      %mul3A_230 = arith.mulf %get3A_33, %get3A_229 : vector<16xf32>
      %add3A_231 = arith.addf %add3A_225, %mul3A_230 : vector<16xf32>
      %swap3A_232 = arith.index_cast %scan3A_13 : i32 to index
      %swap3A_233 = arith.constant 80 : index
      %swap3A_234 = tpu.vector_load %arg9[%swap3A_232, %swap3A_233] {strides = array<i32>} : memref<32x192xf32, #tpu.memory_space<vmem>>, vector<1x16xf32>,
      %swap3A_235 = vector.shape_cast %swap3A_234 : vector<1x16xf32> to vector<16xf32>
      %swap3A_236 = vector.shape_cast %add3A_231 : vector<16xf32> to vector<1x16xf32>
      tpu.vector_store %arg9[%swap3A_232, %swap3A_233], %swap3A_236 {strides = array<i32>} : memref<32x192xf32, #tpu.memory_space<vmem>>, vector<1x16xf32>,
      %get3A_237 = arith.index_cast %scan3A_13 : i32 to index
      %get3A_238 = arith.constant 96 : index
      %get3A_239 = tpu.vector_load %arg8[%get3A_237, %get3A_238] {strides = array<i32>} : memref<32x1024xf32, #tpu.memory_space<vmem>>, vector<1x16xf32>,
      %get3A_240 = vector.shape_cast %get3A_239 : vector<1x16xf32> to vector<16xf32>
      %mul3A_241 = arith.mulf %get3A_17, %get3A_240 : vector<16xf32>
      %get3A_242 = arith.index_cast %scan3A_13 : i32 to index
      %get3A_243 = arith.constant 288 : index
      %get3A_244 = tpu.vector_load %arg8[%get3A_242, %get3A_243] {strides = array<i32>} : memref<32x1024xf32, #tpu.memory_space<vmem>>, vector<1x16xf32>,
      %get3A_245 = vector.shape_cast %get3A_244 : vector<1x16xf32> to vector<16xf32>
      %mul3A_246 = arith.mulf %get3A_21, %get3A_245 : vector<16xf32>
      %add3A_247 = arith.addf %mul3A_241, %mul3A_246 : vector<16xf32>
      %get3A_248 = arith.index_cast %scan3A_13 : i32 to index
      %get3A_249 = arith.constant 480 : index
      %get3A_250 = tpu.vector_load %arg8[%get3A_248, %get3A_249] {strides = array<i32>} : memref<32x1024xf32, #tpu.memory_space<vmem>>, vector<1x16xf32>,
      %get3A_251 = vector.shape_cast %get3A_250 : vector<1x16xf32> to vector<16xf32>
      %mul3A_252 = arith.mulf %get3A_25, %get3A_251 : vector<16xf32>
      %add3A_253 = arith.addf %add3A_247, %mul3A_252 : vector<16xf32>
      %get3A_254 = arith.index_cast %scan3A_13 : i32 to index
      %get3A_255 = arith.constant 672 : index
      %get3A_256 = tpu.vector_load %arg8[%get3A_254, %get3A_255] {strides = array<i32>} : memref<32x1024xf32, #tpu.memory_space<vmem>>, vector<1x16xf32>,
      %get3A_257 = vector.shape_cast %get3A_256 : vector<1x16xf32> to vector<16xf32>
      %mul3A_258 = arith.mulf %get3A_29, %get3A_257 : vector<16xf32>
      %add3A_259 = arith.addf %add3A_253, %mul3A_258 : vector<16xf32>
      %get3A_260 = arith.index_cast %scan3A_13 : i32 to index
      %get3A_261 = arith.constant 864 : index
      %get3A_262 = tpu.vector_load %arg8[%get3A_260, %get3A_261] {strides = array<i32>} : memref<32x1024xf32, #tpu.memory_space<vmem>>, vector<1x16xf32>,
      %get3A_263 = vector.shape_cast %get3A_262 : vector<1x16xf32> to vector<16xf32>
      %mul3A_264 = arith.mulf %get3A_33, %get3A_263 : vector<16xf32>
      %add3A_265 = arith.addf %add3A_259, %mul3A_264 : vector<16xf32>
      %swap3A_266 = arith.index_cast %scan3A_13 : i32 to index
      %swap3A_267 = arith.constant 96 : index
      %swap3A_268 = tpu.vector_load %arg9[%swap3A_266, %swap3A_267] {strides = array<i32>} : memref<32x192xf32, #tpu.memory_space<vmem>>, vector<1x16xf32>,
      %swap3A_269 = vector.shape_cast %swap3A_268 : vector<1x16xf32> to vector<16xf32>
      %swap3A_270 = vector.shape_cast %add3A_265 : vector<16xf32> to vector<1x16xf32>
      tpu.vector_store %arg9[%swap3A_266, %swap3A_267], %swap3A_270 {strides = array<i32>} : memref<32x192xf32, #tpu.memory_space<vmem>>, vector<1x16xf32>,
      %get3A_271 = arith.index_cast %scan3A_13 : i32 to index
      %get3A_272 = arith.constant 112 : index
      %get3A_273 = tpu.vector_load %arg8[%get3A_271, %get3A_272] {strides = array<i32>} : memref<32x1024xf32, #tpu.memory_space<vmem>>, vector<1x16xf32>,
      %get3A_274 = vector.shape_cast %get3A_273 : vector<1x16xf32> to vector<16xf32>
      %mul3A_275 = arith.mulf %get3A_17, %get3A_274 : vector<16xf32>
      %get3A_276 = arith.index_cast %scan3A_13 : i32 to index
      %get3A_277 = arith.constant 304 : index
      %get3A_278 = tpu.vector_load %arg8[%get3A_276, %get3A_277] {strides = array<i32>} : memref<32x1024xf32, #tpu.memory_space<vmem>>, vector<1x16xf32>,
      %get3A_279 = vector.shape_cast %get3A_278 : vector<1x16xf32> to vector<16xf32>
      %mul3A_280 = arith.mulf %get3A_21, %get3A_279 : vector<16xf32>
      %add3A_281 = arith.addf %mul3A_275, %mul3A_280 : vector<16xf32>
      %get3A_282 = arith.index_cast %scan3A_13 : i32 to index
      %get3A_283 = arith.constant 496 : index
      %get3A_284 = tpu.vector_load %arg8[%get3A_282, %get3A_283] {strides = array<i32>} : memref<32x1024xf32, #tpu.memory_space<vmem>>, vector<1x16xf32>,
      %get3A_285 = vector.shape_cast %get3A_284 : vector<1x16xf32> to vector<16xf32>
      %mul3A_286 = arith.mulf %get3A_25, %get3A_285 : vector<16xf32>
      %add3A_287 = arith.addf %add3A_281, %mul3A_286 : vector<16xf32>
      %get3A_288 = arith.index_cast %scan3A_13 : i32 to index
      %get3A_289 = arith.constant 688 : index
      %get3A_290 = tpu.vector_load %arg8[%get3A_288, %get3A_289] {strides = array<i32>} : memref<32x1024xf32, #tpu.memory_space<vmem>>, vector<1x16xf32>,
      %get3A_291 = vector.shape_cast %get3A_290 : vector<1x16xf32> to vector<16xf32>
      %mul3A_292 = arith.mulf %get3A_29, %get3A_291 : vector<16xf32>
      %add3A_293 = arith.addf %add3A_287, %mul3A_292 : vector<16xf32>
      %get3A_294 = arith.index_cast %scan3A_13 : i32 to index
      %get3A_295 = arith.constant 880 : index
      %get3A_296 = tpu.vector_load %arg8[%get3A_294, %get3A_295] {strides = array<i32>} : memref<32x1024xf32, #tpu.memory_space<vmem>>, vector<1x16xf32>,
      %get3A_297 = vector.shape_cast %get3A_296 : vector<1x16xf32> to vector<16xf32>
      %mul3A_298 = arith.mulf %get3A_33, %get3A_297 : vector<16xf32>
      %add3A_299 = arith.addf %add3A_293, %mul3A_298 : vector<16xf32>
      %swap3A_300 = arith.index_cast %scan3A_13 : i32 to index
      %swap3A_301 = arith.constant 112 : index
      %swap3A_302 = tpu.vector_load %arg9[%swap3A_300, %swap3A_301] {strides = array<i32>} : memref<32x192xf32, #tpu.memory_space<vmem>>, vector<1x16xf32>,
      %swap3A_303 = vector.shape_cast %swap3A_302 : vector<1x16xf32> to vector<16xf32>
      %swap3A_304 = vector.shape_cast %add3A_299 : vector<16xf32> to vector<1x16xf32>
      tpu.vector_store %arg9[%swap3A_300, %swap3A_301], %swap3A_304 {strides = array<i32>} : memref<32x192xf32, #tpu.memory_space<vmem>>, vector<1x16xf32>,
      %get3A_305 = arith.index_cast %scan3A_13 : i32 to index
      %get3A_306 = arith.constant 128 : index
      %get3A_307 = tpu.vector_load %arg8[%get3A_305, %get3A_306] {strides = array<i32>} : memref<32x1024xf32, #tpu.memory_space<vmem>>, vector<1x16xf32>,
      %get3A_308 = vector.shape_cast %get3A_307 : vector<1x16xf32> to vector<16xf32>
      %mul3A_309 = arith.mulf %get3A_17, %get3A_308 : vector<16xf32>
      %get3A_310 = arith.index_cast %scan3A_13 : i32 to index
      %get3A_311 = arith.constant 320 : index
      %get3A_312 = tpu.vector_load %arg8[%get3A_310, %get3A_311] {strides = array<i32>} : memref<32x1024xf32, #tpu.memory_space<vmem>>, vector<1x16xf32>,
      %get3A_313 = vector.shape_cast %get3A_312 : vector<1x16xf32> to vector<16xf32>
      %mul3A_314 = arith.mulf %get3A_21, %get3A_313 : vector<16xf32>
      %add3A_315 = arith.addf %mul3A_309, %mul3A_314 : vector<16xf32>
      %get3A_316 = arith.index_cast %scan3A_13 : i32 to index
      %get3A_317 = arith.constant 512 : index
      %get3A_318 = tpu.vector_load %arg8[%get3A_316, %get3A_317] {strides = array<i32>} : memref<32x1024xf32, #tpu.memory_space<vmem>>, vector<1x16xf32>,
      %get3A_319 = vector.shape_cast %get3A_318 : vector<1x16xf32> to vector<16xf32>
      %mul3A_320 = arith.mulf %get3A_25, %get3A_319 : vector<16xf32>
      %add3A_321 = arith.addf %add3A_315, %mul3A_320 : vector<16xf32>
      %get3A_322 = arith.index_cast %scan3A_13 : i32 to index
      %get3A_323 = arith.constant 704 : index
      %get3A_324 = tpu.vector_load %arg8[%get3A_322, %get3A_323] {strides = array<i32>} : memref<32x1024xf32, #tpu.memory_space<vmem>>, vector<1x16xf32>,
      %get3A_325 = vector.shape_cast %get3A_324 : vector<1x16xf32> to vector<16xf32>
      %mul3A_326 = arith.mulf %get3A_29, %get3A_325 : vector<16xf32>
      %add3A_327 = arith.addf %add3A_321, %mul3A_326 : vector<16xf32>
      %get3A_328 = arith.index_cast %scan3A_13 : i32 to index
      %get3A_329 = arith.constant 896 : index
      %get3A_330 = tpu.vector_load %arg8[%get3A_328, %get3A_329] {strides = array<i32>} : memref<32x1024xf32, #tpu.memory_space<vmem>>, vector<1x16xf32>,
      %get3A_331 = vector.shape_cast %get3A_330 : vector<1x16xf32> to vector<16xf32>
      %mul3A_332 = arith.mulf %get3A_33, %get3A_331 : vector<16xf32>
      %add3A_333 = arith.addf %add3A_327, %mul3A_332 : vector<16xf32>
      %swap3A_334 = arith.index_cast %scan3A_13 : i32 to index
      %swap3A_335 = arith.constant 128 : index
      %swap3A_336 = tpu.vector_load %arg9[%swap3A_334, %swap3A_335] {strides = array<i32>} : memref<32x192xf32, #tpu.memory_space<vmem>>, vector<1x16xf32>,
      %swap3A_337 = vector.shape_cast %swap3A_336 : vector<1x16xf32> to vector<16xf32>
      %swap3A_338 = vector.shape_cast %add3A_333 : vector<16xf32> to vector<1x16xf32>
      tpu.vector_store %arg9[%swap3A_334, %swap3A_335], %swap3A_338 {strides = array<i32>} : memref<32x192xf32, #tpu.memory_space<vmem>>, vector<1x16xf32>,
      %get3A_339 = arith.index_cast %scan3A_13 : i32 to index
      %get3A_340 = arith.constant 144 : index
      %get3A_341 = tpu.vector_load %arg8[%get3A_339, %get3A_340] {strides = array<i32>} : memref<32x1024xf32, #tpu.memory_space<vmem>>, vector<1x16xf32>,
      %get3A_342 = vector.shape_cast %get3A_341 : vector<1x16xf32> to vector<16xf32>
      %mul3A_343 = arith.mulf %get3A_17, %get3A_342 : vector<16xf32>
      %get3A_344 = arith.index_cast %scan3A_13 : i32 to index
      %get3A_345 = arith.constant 336 : index
      %get3A_346 = tpu.vector_load %arg8[%get3A_344, %get3A_345] {strides = array<i32>} : memref<32x1024xf32, #tpu.memory_space<vmem>>, vector<1x16xf32>,
      %get3A_347 = vector.shape_cast %get3A_346 : vector<1x16xf32> to vector<16xf32>
      %mul3A_348 = arith.mulf %get3A_21, %get3A_347 : vector<16xf32>
      %add3A_349 = arith.addf %mul3A_343, %mul3A_348 : vector<16xf32>
      %get3A_350 = arith.index_cast %scan3A_13 : i32 to index
      %get3A_351 = arith.constant 528 : index
      %get3A_352 = tpu.vector_load %arg8[%get3A_350, %get3A_351] {strides = array<i32>} : memref<32x1024xf32, #tpu.memory_space<vmem>>, vector<1x16xf32>,
      %get3A_353 = vector.shape_cast %get3A_352 : vector<1x16xf32> to vector<16xf32>
      %mul3A_354 = arith.mulf %get3A_25, %get3A_353 : vector<16xf32>
      %add3A_355 = arith.addf %add3A_349, %mul3A_354 : vector<16xf32>
      %get3A_356 = arith.index_cast %scan3A_13 : i32 to index
      %get3A_357 = arith.constant 720 : index
      %get3A_358 = tpu.vector_load %arg8[%get3A_356, %get3A_357] {strides = array<i32>} : memref<32x1024xf32, #tpu.memory_space<vmem>>, vector<1x16xf32>,
      %get3A_359 = vector.shape_cast %get3A_358 : vector<1x16xf32> to vector<16xf32>
      %mul3A_360 = arith.mulf %get3A_29, %get3A_359 : vector<16xf32>
      %add3A_361 = arith.addf %add3A_355, %mul3A_360 : vector<16xf32>
      %get3A_362 = arith.index_cast %scan3A_13 : i32 to index
      %get3A_363 = arith.constant 912 : index
      %get3A_364 = tpu.vector_load %arg8[%get3A_362, %get3A_363] {strides = array<i32>} : memref<32x1024xf32, #tpu.memory_space<vmem>>, vector<1x16xf32>,
      %get3A_365 = vector.shape_cast %get3A_364 : vector<1x16xf32> to vector<16xf32>
      %mul3A_366 = arith.mulf %get3A_33, %get3A_365 : vector<16xf32>
      %add3A_367 = arith.addf %add3A_361, %mul3A_366 : vector<16xf32>
      %swap3A_368 = arith.index_cast %scan3A_13 : i32 to index
      %swap3A_369 = arith.constant 144 : index
      %swap3A_370 = tpu.vector_load %arg9[%swap3A_368, %swap3A_369] {strides = array<i32>} : memref<32x192xf32, #tpu.memory_space<vmem>>, vector<1x16xf32>,
      %swap3A_371 = vector.shape_cast %swap3A_370 : vector<1x16xf32> to vector<16xf32>
      %swap3A_372 = vector.shape_cast %add3A_367 : vector<16xf32> to vector<1x16xf32>
      tpu.vector_store %arg9[%swap3A_368, %swap3A_369], %swap3A_372 {strides = array<i32>} : memref<32x192xf32, #tpu.memory_space<vmem>>, vector<1x16xf32>,
      %get3A_373 = arith.index_cast %scan3A_13 : i32 to index
      %get3A_374 = arith.constant 160 : index
      %get3A_375 = tpu.vector_load %arg8[%get3A_373, %get3A_374] {strides = array<i32>} : memref<32x1024xf32, #tpu.memory_space<vmem>>, vector<1x16xf32>,
      %get3A_376 = vector.shape_cast %get3A_375 : vector<1x16xf32> to vector<16xf32>
      %mul3A_377 = arith.mulf %get3A_17, %get3A_376 : vector<16xf32>
      %get3A_378 = arith.index_cast %scan3A_13 : i32 to index
      %get3A_379 = arith.constant 352 : index
      %get3A_380 = tpu.vector_load %arg8[%get3A_378, %get3A_379] {strides = array<i32>} : memref<32x1024xf32, #tpu.memory_space<vmem>>, vector<1x16xf32>,
      %get3A_381 = vector.shape_cast %get3A_380 : vector<1x16xf32> to vector<16xf32>
      %mul3A_382 = arith.mulf %get3A_21, %get3A_381 : vector<16xf32>
      %add3A_383 = arith.addf %mul3A_377, %mul3A_382 : vector<16xf32>
      %get3A_384 = arith.index_cast %scan3A_13 : i32 to index
      %get3A_385 = arith.constant 544 : index
      %get3A_386 = tpu.vector_load %arg8[%get3A_384, %get3A_385] {strides = array<i32>} : memref<32x1024xf32, #tpu.memory_space<vmem>>, vector<1x16xf32>,
      %get3A_387 = vector.shape_cast %get3A_386 : vector<1x16xf32> to vector<16xf32>
      %mul3A_388 = arith.mulf %get3A_25, %get3A_387 : vector<16xf32>
      %add3A_389 = arith.addf %add3A_383, %mul3A_388 : vector<16xf32>
      %get3A_390 = arith.index_cast %scan3A_13 : i32 to index
      %get3A_391 = arith.constant 736 : index
      %get3A_392 = tpu.vector_load %arg8[%get3A_390, %get3A_391] {strides = array<i32>} : memref<32x1024xf32, #tpu.memory_space<vmem>>, vector<1x16xf32>,
      %get3A_393 = vector.shape_cast %get3A_392 : vector<1x16xf32> to vector<16xf32>
      %mul3A_394 = arith.mulf %get3A_29, %get3A_393 : vector<16xf32>
      %add3A_395 = arith.addf %add3A_389, %mul3A_394 : vector<16xf32>
      %get3A_396 = arith.index_cast %scan3A_13 : i32 to index
      %get3A_397 = arith.constant 928 : index
      %get3A_398 = tpu.vector_load %arg8[%get3A_396, %get3A_397] {strides = array<i32>} : memref<32x1024xf32, #tpu.memory_space<vmem>>, vector<1x16xf32>,
      %get3A_399 = vector.shape_cast %get3A_398 : vector<1x16xf32> to vector<16xf32>
      %mul3A_400 = arith.mulf %get3A_33, %get3A_399 : vector<16xf32>
      %add3A_401 = arith.addf %add3A_395, %mul3A_400 : vector<16xf32>
      %swap3A_402 = arith.index_cast %scan3A_13 : i32 to index
      %swap3A_403 = arith.constant 160 : index
      %swap3A_404 = tpu.vector_load %arg9[%swap3A_402, %swap3A_403] {strides = array<i32>} : memref<32x192xf32, #tpu.memory_space<vmem>>, vector<1x16xf32>,
      %swap3A_405 = vector.shape_cast %swap3A_404 : vector<1x16xf32> to vector<16xf32>
      %swap3A_406 = vector.shape_cast %add3A_401 : vector<16xf32> to vector<1x16xf32>
      tpu.vector_store %arg9[%swap3A_402, %swap3A_403], %swap3A_406 {strides = array<i32>} : memref<32x192xf32, #tpu.memory_space<vmem>>, vector<1x16xf32>,
      %get3A_407 = arith.index_cast %scan3A_13 : i32 to index
      %get3A_408 = arith.constant 176 : index
      %get3A_409 = tpu.vector_load %arg8[%get3A_407, %get3A_408] {strides = array<i32>} : memref<32x1024xf32, #tpu.memory_space<vmem>>, vector<1x16xf32>,
      %get3A_410 = vector.shape_cast %get3A_409 : vector<1x16xf32> to vector<16xf32>
      %mul3A_411 = arith.mulf %get3A_17, %get3A_410 : vector<16xf32>
      %get3A_412 = arith.index_cast %scan3A_13 : i32 to index
      %get3A_413 = arith.constant 368 : index
      %get3A_414 = tpu.vector_load %arg8[%get3A_412, %get3A_413] {strides = array<i32>} : memref<32x1024xf32, #tpu.memory_space<vmem>>, vector<1x16xf32>,
      %get3A_415 = vector.shape_cast %get3A_414 : vector<1x16xf32> to vector<16xf32>
      %mul3A_416 = arith.mulf %get3A_21, %get3A_415 : vector<16xf32>
      %add3A_417 = arith.addf %mul3A_411, %mul3A_416 : vector<16xf32>
      %get3A_418 = arith.index_cast %scan3A_13 : i32 to index
      %get3A_419 = arith.constant 560 : index
      %get3A_420 = tpu.vector_load %arg8[%get3A_418, %get3A_419] {strides = array<i32>} : memref<32x1024xf32, #tpu.memory_space<vmem>>, vector<1x16xf32>,
      %get3A_421 = vector.shape_cast %get3A_420 : vector<1x16xf32> to vector<16xf32>
      %mul3A_422 = arith.mulf %get3A_25, %get3A_421 : vector<16xf32>
      %add3A_423 = arith.addf %add3A_417, %mul3A_422 : vector<16xf32>
      %get3A_424 = arith.index_cast %scan3A_13 : i32 to index
      %get3A_425 = arith.constant 752 : index
      %get3A_426 = tpu.vector_load %arg8[%get3A_424, %get3A_425] {strides = array<i32>} : memref<32x1024xf32, #tpu.memory_space<vmem>>, vector<1x16xf32>,
      %get3A_427 = vector.shape_cast %get3A_426 : vector<1x16xf32> to vector<16xf32>
      %mul3A_428 = arith.mulf %get3A_29, %get3A_427 : vector<16xf32>
      %add3A_429 = arith.addf %add3A_423, %mul3A_428 : vector<16xf32>
      %get3A_430 = arith.index_cast %scan3A_13 : i32 to index
      %get3A_431 = arith.constant 944 : index
      %get3A_432 = tpu.vector_load %arg8[%get3A_430, %get3A_431] {strides = array<i32>} : memref<32x1024xf32, #tpu.memory_space<vmem>>, vector<1x16xf32>,
      %get3A_433 = vector.shape_cast %get3A_432 : vector<1x16xf32> to vector<16xf32>
      %mul3A_434 = arith.mulf %get3A_33, %get3A_433 : vector<16xf32>
      %add3A_435 = arith.addf %add3A_429, %mul3A_434 : vector<16xf32>
      %swap3A_436 = arith.index_cast %scan3A_13 : i32 to index
      %swap3A_437 = arith.constant 176 : index
      %swap3A_438 = tpu.vector_load %arg9[%swap3A_436, %swap3A_437] {strides = array<i32>} : memref<32x192xf32, #tpu.memory_space<vmem>>, vector<1x16xf32>,
      %swap3A_439 = vector.shape_cast %swap3A_438 : vector<1x16xf32> to vector<16xf32>
      %swap3A_440 = vector.shape_cast %add3A_435 : vector<16xf32> to vector<1x16xf32>
      tpu.vector_store %arg9[%swap3A_436, %swap3A_437], %swap3A_440 {strides = array<i32>} : memref<32x192xf32, #tpu.memory_space<vmem>>, vector<1x16xf32>,
      %scan3A_441 = arith.constant 0 : i32
      scf.yield %scan3A_441 : i32
    }
    %scan3A_12 = arith.constant 32 : i32
    "tpu.region"() ({
      %run_scoped3A = tpu.sem_alloc : memref<!tpu.dma_semaphore, #tpu.memory_space<semaphore_mem>>
      %dma_start3A_13 = arith.constant 0 : i32
      %dma_start3A_14 = tpu.memref_slice %arg5[%mul3A_2, %dma_start3A_13] : memref<1024x192xf32, #tpu.memory_space<hbm>> -> memref<32x192xf32, #tpu.memory_space<hbm>>
      %dma_start3A_15 = arith.constant 0 : i32
      %dma_start3A_16 = tpu.memref_slice %arg5[%mul3A_2, %dma_start3A_15] : memref<1024x192xf32, #tpu.memory_space<hbm>> -> memref<32x192xf32, #tpu.memory_space<hbm>>
      tpu.enqueue_dma source(%arg9 : memref<32x192xf32, #tpu.memory_space<vmem>>) target(%dma_start3A_16 : memref<32x192xf32, #tpu.memory_space<hbm>>) target_semaphore(%run_scoped3A : memref<!tpu.dma_semaphore, #tpu.memory_space<semaphore_mem>>)
      %dma_wait3A_17 = arith.constant 0 : i32
      %dma_wait3A_18 = tpu.memref_slice %arg5[%mul3A_2, %dma_wait3A_17] : memref<1024x192xf32, #tpu.memory_space<hbm>> -> memref<32x192xf32, #tpu.memory_space<hbm>>
      %dma_wait3A_19 = arith.constant 0 : i32
      %dma_wait3A_20 = tpu.memref_slice %arg5[%mul3A_2, %dma_wait3A_19] : memref<1024x192xf32, #tpu.memory_space<hbm>> -> memref<32x192xf32, #tpu.memory_space<hbm>>
      tpu.wait_dma2 semaphore(%run_scoped3A : memref<!tpu.dma_semaphore, #tpu.memory_space<semaphore_mem>>) src(%arg9 : memref<32x192xf32, #tpu.memory_space<vmem>>) dst(%dma_wait3A_20 : memref<32x192xf32, #tpu.memory_space<hbm>>)
      tpu.yield
    }) : () -> ()
    return
  }
}

module attributes {stable_mosaic.version = 14 : i64} {
  func.func @_prep_body(%arg0: i32, %arg1: memref<8x192xf32, #tpu.memory_space<vmem>>, %arg2: memref<192x192xf32, #tpu.memory_space<vmem>>, %arg3: memref<8x192xf32, #tpu.memory_space<vmem>>, %arg4: memref<8x1xf32, #tpu.memory_space<vmem>>, %arg5: memref<192x9216xf32, #tpu.memory_space<vmem>>, %arg6: memref<1x9216xf32, #tpu.memory_space<vmem>>, %arg7: memref<8x9216xf32, #tpu.memory_space<vmem>>) attributes {dimension_semantics = [#tpu.dimension_semantics<arbitrary>], iteration_bounds = array<i64: 4>, scalar_prefetch = 0 : i64, scratch_operands = 0 : i64, tpu.core_type = #tpu.core_type<tc>, window_params = [{pipeline_mode = #tpu.pipeline_mode<synchronous>, transform_indices = @transform_0, window_bounds = array<i64: 8, 192>}, {pipeline_mode = #tpu.pipeline_mode<synchronous>, transform_indices = @transform_1, window_bounds = array<i64: 192, 192>}, {pipeline_mode = #tpu.pipeline_mode<synchronous>, transform_indices = @transform_2, window_bounds = array<i64: 8, 192>}, {pipeline_mode = #tpu.pipeline_mode<synchronous>, transform_indices = @transform_3, window_bounds = array<i64: 8, 1>}, {transform_indices = @transform_4, window_bounds = array<i64: 192, 9216>}, {transform_indices = @transform_5, window_bounds = array<i64: 1, 9216>}, {transform_indices = @transform_6, window_bounds = array<i64: 8, 9216>}]} {
    %get3A = arith.constant 0 : index
    %get3A_0 = arith.constant 0 : index
    %get3A_1 = vector.load %arg1[%get3A, %get3A_0] : memref<8x192xf32, #tpu.memory_space<vmem>>, vector<8x192xf32>
    %get3A_2 = arith.constant 0 : index
    %get3A_3 = arith.constant 0 : index
    %get3A_4 = vector.load %arg2[%get3A_2, %get3A_3] : memref<192x192xf32, #tpu.memory_space<vmem>>, vector<192x192xf32>
    %dot_general3A = arith.constant dense<0.000000e+00> : vector<8x192xf32>
    %dot_general3A_5 = tpu.matmul %get3A_1, %get3A_4, %dot_general3A {dimension_numbers = #tpu.dot_dimension_numbers<[1], [0], [0], [1], [0, 0, 1, 1], [], []>, transpose_lhs_hint = false} : vector<8x192xf32>, vector<192x192xf32>, vector<8x192xf32> -> vector<8x192xf32>
    %get3A_6 = arith.constant 0 : index
    %get3A_7 = arith.constant 0 : index
    %get3A_8 = vector.load %arg3[%get3A_6, %get3A_7] : memref<8x192xf32, #tpu.memory_space<vmem>>, vector<8x192xf32>
    %add3A = arith.addf %dot_general3A_5, %get3A_8 : vector<8x192xf32>
    %convert_element_type3A = arith.truncf %add3A : vector<8x192xf32> to vector<8x192xbf16>
    %get3A_9 = arith.constant 0 : index
    %get3A_10 = arith.constant 0 : index
    %get3A_11 = vector.load %arg5[%get3A_9, %get3A_10] : memref<192x9216xf32, #tpu.memory_space<vmem>>, vector<192x9216xf32>
    %convert_element_type3A_12 = arith.truncf %get3A_11 : vector<192x9216xf32> to vector<192x9216xbf16>
    %dot_general3A_13 = arith.constant dense<0.000000e+00> : vector<8x9216xf32>
    %dot_general3A_14 = tpu.matmul %convert_element_type3A, %convert_element_type3A_12, %dot_general3A_13 {dimension_numbers = #tpu.dot_dimension_numbers<[1], [0], [0], [1], [0, 0, 1, 1], [], []>, transpose_lhs_hint = false} : vector<8x192xbf16>, vector<192x9216xbf16>, vector<8x9216xf32> -> vector<8x9216xf32>
    %get3A_15 = arith.constant 0 : index
    %get3A_16 = arith.constant 0 : index
    %get3A_17 = vector.load %arg4[%get3A_15, %get3A_16] : memref<8x1xf32, #tpu.memory_space<vmem>>, vector<8x1xf32>
    %get3A_18 = arith.constant 0 : index
    %get3A_19 = arith.constant 0 : index
    %get3A_20 = vector.load %arg6[%get3A_18, %get3A_19] : memref<1x9216xf32, #tpu.memory_space<vmem>>, vector<1x9216xf32>
    %mul3A = vector.broadcast %get3A_17 : vector<8x1xf32> to vector<8x9216xf32>
    %mul3A_21 = vector.broadcast %get3A_20 : vector<1x9216xf32> to vector<8x9216xf32>
    %mul3A_22 = arith.mulf %mul3A, %mul3A_21 : vector<8x9216xf32>
    %add3A_23 = arith.addf %dot_general3A_14, %mul3A_22 : vector<8x9216xf32>
    %swap3A = arith.constant 0 : index
    %swap3A_24 = arith.constant 0 : index
    %swap3A_25 = vector.load %arg7[%swap3A, %swap3A_24] : memref<8x9216xf32, #tpu.memory_space<vmem>>, vector<8x9216xf32>
    tpu.vector_store %arg7[%swap3A, %swap3A_24], %add3A_23 {strides = array<i32>} : memref<8x9216xf32, #tpu.memory_space<vmem>>, vector<8x9216xf32>,
    return
  }
  func.func @transform_0(%arg0: i32) -> (i32, i32) {
    %c0_i32 = arith.constant 0 : i32
    %c0_i32_0 = arith.constant 0 : i32
    %c0_i32_1 = arith.constant 0 : i32
    return %c0_i32, %c0_i32_0 : i32, i32
  }
  func.func @transform_1(%arg0: i32) -> (i32, i32) {
    %c0_i32 = arith.constant 0 : i32
    %c0_i32_0 = arith.constant 0 : i32
    %c0_i32_1 = arith.constant 0 : i32
    return %c0_i32, %c0_i32_0 : i32, i32
  }
  func.func @transform_2(%arg0: i32) -> (i32, i32) {
    %c0_i32 = arith.constant 0 : i32
    %c0_i32_0 = arith.constant 0 : i32
    %c0_i32_1 = arith.constant 0 : i32
    return %c0_i32, %c0_i32_0 : i32, i32
  }
  func.func @transform_3(%arg0: i32) -> (i32, i32) {
    %c0_i32 = arith.constant 0 : i32
    %c0_i32_0 = arith.constant 0 : i32
    %c0_i32_1 = arith.constant 0 : i32
    return %c0_i32, %c0_i32_0 : i32, i32
  }
  func.func @transform_4(%arg0: i32) -> (i32, i32) {
    %c0_i32 = arith.constant 0 : i32
    %c0_i32_0 = arith.constant 0 : i32
    return %c0_i32, %arg0 : i32, i32
  }
  func.func @transform_5(%arg0: i32) -> (i32, i32) {
    %c0_i32 = arith.constant 0 : i32
    %c0_i32_0 = arith.constant 0 : i32
    return %c0_i32, %arg0 : i32, i32
  }
  func.func @transform_6(%arg0: i32) -> (i32, i32) {
    %c0_i32 = arith.constant 0 : i32
    %c0_i32_0 = arith.constant 0 : i32
    return %c0_i32, %arg0 : i32, i32
  }
}

module attributes {stable_mosaic.version = 14 : i64} {
  func.func @_cheb_body(%arg0: memref<1024x4xf32, #tpu.memory_space<vmem>>, %arg1: memref<1024x1xi32, #tpu.memory_space<vmem>>, %arg2: memref<1024x1xi32, #tpu.memory_space<vmem>>, %arg3: memref<1024x5xf32, #tpu.memory_space<vmem>>, %arg4: memref<20x192xf32, #tpu.memory_space<vmem>>, %arg5: memref<1x192xf32, #tpu.memory_space<vmem>>, %arg6: memref<192x1024xf32, #tpu.memory_space<vmem>>, %arg7: memref<192x192xf32, #tpu.memory_space<vmem>>, %arg8: memref<1x192xf32, #tpu.memory_space<vmem>>, %arg9: memref<1024x1024xf32, #tpu.memory_space<vmem>>, %arg10: memref<1024x192xf32, #tpu.memory_space<vmem>>, %arg11: memref<1024x80xf32, #tpu.memory_space<vmem>>) attributes {dimension_semantics = [], scalar_prefetch = 0 : i64, scratch_operands = 0 : i64, tpu.core_type = #tpu.core_type<tc>} {
    %iota3A = tpu.iota {dimensions = array<i32: 1>} : vector<1024x1024xi32>
    %get3A = arith.constant 0 : index
    %get3A_0 = arith.constant 0 : index
    %get3A_1 = vector.load %arg1[%get3A, %get3A_0] : memref<1024x1xi32, #tpu.memory_space<vmem>>, vector<1024x1xi32>
    %eq3A = vector.broadcast %get3A_1 : vector<1024x1xi32> to vector<1024x1024xi32>
    %eq3A_2 = arith.cmpi eq, %eq3A, %iota3A : vector<1024x1024xi32>
    %convert_element_type3A = arith.extui %eq3A_2 : vector<1024x1024xi1> to vector<1024x1024xi32>
    %convert_element_type3A_3 = arith.sitofp %convert_element_type3A : vector<1024x1024xi32> to vector<1024x1024xf32>
    %get3A_4 = arith.constant 0 : index
    %get3A_5 = arith.constant 0 : index
    %get3A_6 = vector.load %arg2[%get3A_4, %get3A_5] : memref<1024x1xi32, #tpu.memory_space<vmem>>, vector<1024x1xi32>
    %eq3A_7 = vector.broadcast %get3A_6 : vector<1024x1xi32> to vector<1024x1024xi32>
    %eq3A_8 = arith.cmpi eq, %eq3A_7, %iota3A : vector<1024x1024xi32>
    %convert_element_type3A_9 = arith.extui %eq3A_8 : vector<1024x1024xi1> to vector<1024x1024xi32>
    %convert_element_type3A_10 = arith.sitofp %convert_element_type3A_9 : vector<1024x1024xi32> to vector<1024x1024xf32>
    %reduce_sum3A = arith.constant dense<0.000000e+00> : vector<1024xf32>
    %reduce_sum3A_11 = vector.multi_reduction <add>, %convert_element_type3A_3, %reduce_sum3A [0] : vector<1024x1024xf32> to vector<1024xf32>
    %reshape3A = vector.shape_cast %reduce_sum3A_11 : vector<1024xf32> to vector<1024x1xf32>
    %gt3A = arith.constant 0.000000e+00 : f32
    %gt3A_12 = vector.broadcast %gt3A : f32 to vector<1024x1xf32>
    %gt3A_13 = arith.cmpf ogt, %reshape3A, %gt3A_12 : vector<1024x1xf32>
    %max3A = arith.constant 9.99999996E-13 : f32
    %max3A_14 = vector.broadcast %max3A : f32 to vector<1024x1xf32>
    %max3A_15 = arith.maximumf %reshape3A, %max3A_14 : vector<1024x1xf32>
    %rsqrt3A = math.rsqrt %max3A_15 : vector<1024x1xf32>
    %jit3A = arith.constant 0.000000e+00 : f32
    %broadcast_in_dim3A = vector.broadcast %jit3A : f32 to vector<1024x1xf32>
    %select_n3A = arith.select %gt3A_13, %rsqrt3A, %broadcast_in_dim3A : vector<1024x1xi1>, vector<1024x1xf32>
    %dot_general3A = arith.constant dense<0.000000e+00> : vector<1024x1xf32>
    %dot_general3A_16 = tpu.matmul %convert_element_type3A_3, %select_n3A, %dot_general3A {dimension_numbers = #tpu.dot_dimension_numbers<[1], [0], [0], [1], [0, 0, 1, 1], [], []>, transpose_lhs_hint = false} : vector<1024x1024xf32>, vector<1024x1xf32>, vector<1024x1xf32> -> vector<1024x1xf32>
    %dot_general3A_17 = arith.constant dense<0.000000e+00> : vector<1024x1xf32>
    %dot_general3A_18 = tpu.matmul %convert_element_type3A_10, %select_n3A, %dot_general3A_17 {dimension_numbers = #tpu.dot_dimension_numbers<[1], [0], [0], [1], [0, 0, 1, 1], [], []>, transpose_lhs_hint = false} : vector<1024x1024xf32>, vector<1024x1xf32>, vector<1024x1xf32> -> vector<1024x1xf32>
    %mul3A = arith.mulf %dot_general3A_16, %dot_general3A_18 : vector<1024x1xf32>
    %neg3A = arith.constant 0.000000e+00 : f32
    %neg3A_19 = vector.broadcast %neg3A : f32 to vector<1024x1xf32>
    %neg3A_20 = arith.subf %neg3A_19, %mul3A : vector<1024x1xf32>
    %convert_element_type3A_21 = arith.truncf %convert_element_type3A_3 : vector<1024x1024xf32> to vector<1024x1024xbf16>
    %convert_element_type3A_22 = arith.truncf %convert_element_type3A_10 : vector<1024x1024xf32> to vector<1024x1024xbf16>
    %get3A_23 = arith.constant 0 : index
    %get3A_24 = arith.constant 0 : index
    %get3A_25 = vector.load %arg0[%get3A_23, %get3A_24] : memref<1024x4xf32, #tpu.memory_space<vmem>>, vector<1024x4xf32>
    %convert_element_type3A_26 = arith.truncf %get3A_25 : vector<1024x4xf32> to vector<1024x4xbf16>
    %dot_general3A_27 = arith.constant dense<0.000000e+00> : vector<1024x4xf32>
    %dot_general3A_28 = tpu.matmul %convert_element_type3A_21, %convert_element_type3A_26, %dot_general3A_27 {dimension_numbers = #tpu.dot_dimension_numbers<[1], [0], [0], [1], [0, 0, 1, 1], [], []>, transpose_lhs_hint = false} : vector<1024x1024xbf16>, vector<1024x4xbf16>, vector<1024x4xf32> -> vector<1024x4xf32>
    %mul3A_29 = vector.broadcast %neg3A_20 : vector<1024x1xf32> to vector<1024x4xf32>
    %mul3A_30 = arith.mulf %mul3A_29, %dot_general3A_28 : vector<1024x4xf32>
    %convert_element_type3A_31 = arith.truncf %mul3A_30 : vector<1024x4xf32> to vector<1024x4xbf16>
    %dot_general3A_32 = arith.constant dense<0.000000e+00> : vector<1024x4xf32>
    %dot_general3A_33 = tpu.matmul %convert_element_type3A_22, %convert_element_type3A_31, %dot_general3A_32 {dimension_numbers = #tpu.dot_dimension_numbers<[0], [0], [1], [1], [0, 1, 1, 1], [], []>, transpose_lhs_hint = false} : vector<1024x1024xbf16>, vector<1024x4xbf16>, vector<1024x4xf32> -> vector<1024x4xf32>
    %convert_element_type3A_34 = arith.truncf %dot_general3A_33 : vector<1024x4xf32> to vector<1024x4xbf16>
    %dot_general3A_35 = arith.constant dense<0.000000e+00> : vector<1024x4xf32>
    %dot_general3A_36 = tpu.matmul %convert_element_type3A_21, %convert_element_type3A_34, %dot_general3A_35 {dimension_numbers = #tpu.dot_dimension_numbers<[1], [0], [0], [1], [0, 0, 1, 1], [], []>, transpose_lhs_hint = false} : vector<1024x1024xbf16>, vector<1024x4xbf16>, vector<1024x4xf32> -> vector<1024x4xf32>
    %mul3A_37 = vector.broadcast %neg3A_20 : vector<1024x1xf32> to vector<1024x4xf32>
    %mul3A_38 = arith.mulf %mul3A_37, %dot_general3A_36 : vector<1024x4xf32>
    %convert_element_type3A_39 = arith.truncf %mul3A_38 : vector<1024x4xf32> to vector<1024x4xbf16>
    %dot_general3A_40 = arith.constant dense<0.000000e+00> : vector<1024x4xf32>
    %dot_general3A_41 = tpu.matmul %convert_element_type3A_22, %convert_element_type3A_39, %dot_general3A_40 {dimension_numbers = #tpu.dot_dimension_numbers<[0], [0], [1], [1], [0, 1, 1, 1], [], []>, transpose_lhs_hint = false} : vector<1024x1024xbf16>, vector<1024x4xbf16>, vector<1024x4xf32> -> vector<1024x4xf32>
    %mul3A_42 = arith.constant 2.000000e+00 : f32
    %mul3A_43 = vector.broadcast %mul3A_42 : f32 to vector<1024x4xf32>
    %mul3A_44 = arith.mulf %mul3A_43, %dot_general3A_41 : vector<1024x4xf32>
    %sub3A = arith.subf %mul3A_44, %get3A_25 : vector<1024x4xf32>
    %convert_element_type3A_45 = arith.truncf %sub3A : vector<1024x4xf32> to vector<1024x4xbf16>
    %dot_general3A_46 = arith.constant dense<0.000000e+00> : vector<1024x4xf32>
    %dot_general3A_47 = tpu.matmul %convert_element_type3A_21, %convert_element_type3A_45, %dot_general3A_46 {dimension_numbers = #tpu.dot_dimension_numbers<[1], [0], [0], [1], [0, 0, 1, 1], [], []>, transpose_lhs_hint = false} : vector<1024x1024xbf16>, vector<1024x4xbf16>, vector<1024x4xf32> -> vector<1024x4xf32>
    %mul3A_48 = vector.broadcast %neg3A_20 : vector<1024x1xf32> to vector<1024x4xf32>
    %mul3A_49 = arith.mulf %mul3A_48, %dot_general3A_47 : vector<1024x4xf32>
    %convert_element_type3A_50 = arith.truncf %mul3A_49 : vector<1024x4xf32> to vector<1024x4xbf16>
    %dot_general3A_51 = arith.constant dense<0.000000e+00> : vector<1024x4xf32>
    %dot_general3A_52 = tpu.matmul %convert_element_type3A_22, %convert_element_type3A_50, %dot_general3A_51 {dimension_numbers = #tpu.dot_dimension_numbers<[0], [0], [1], [1], [0, 1, 1, 1], [], []>, transpose_lhs_hint = false} : vector<1024x1024xbf16>, vector<1024x4xbf16>, vector<1024x4xf32> -> vector<1024x4xf32>
    %mul3A_53 = arith.constant 2.000000e+00 : f32
    %mul3A_54 = vector.broadcast %mul3A_53 : f32 to vector<1024x4xf32>
    %mul3A_55 = arith.mulf %mul3A_54, %dot_general3A_52 : vector<1024x4xf32>
    %sub3A_56 = arith.subf %mul3A_55, %dot_general3A_33 : vector<1024x4xf32>
    %convert_element_type3A_57 = arith.truncf %sub3A_56 : vector<1024x4xf32> to vector<1024x4xbf16>
    %dot_general3A_58 = arith.constant dense<0.000000e+00> : vector<1024x4xf32>
    %dot_general3A_59 = tpu.matmul %convert_element_type3A_21, %convert_element_type3A_57, %dot_general3A_58 {dimension_numbers = #tpu.dot_dimension_numbers<[1], [0], [0], [1], [0, 0, 1, 1], [], []>, transpose_lhs_hint = false} : vector<1024x1024xbf16>, vector<1024x4xbf16>, vector<1024x4xf32> -> vector<1024x4xf32>
    %mul3A_60 = vector.broadcast %neg3A_20 : vector<1024x1xf32> to vector<1024x4xf32>
    %mul3A_61 = arith.mulf %mul3A_60, %dot_general3A_59 : vector<1024x4xf32>
    %convert_element_type3A_62 = arith.truncf %mul3A_61 : vector<1024x4xf32> to vector<1024x4xbf16>
    %dot_general3A_63 = arith.constant dense<0.000000e+00> : vector<1024x4xf32>
    %dot_general3A_64 = tpu.matmul %convert_element_type3A_22, %convert_element_type3A_62, %dot_general3A_63 {dimension_numbers = #tpu.dot_dimension_numbers<[0], [0], [1], [1], [0, 1, 1, 1], [], []>, transpose_lhs_hint = false} : vector<1024x1024xbf16>, vector<1024x4xbf16>, vector<1024x4xf32> -> vector<1024x4xf32>
    %mul3A_65 = arith.constant 2.000000e+00 : f32
    %mul3A_66 = vector.broadcast %mul3A_65 : f32 to vector<1024x4xf32>
    %mul3A_67 = arith.mulf %mul3A_66, %dot_general3A_64 : vector<1024x4xf32>
    %sub3A_68 = arith.subf %mul3A_67, %sub3A : vector<1024x4xf32>
    %concatenate3A = tpu.concatenate %get3A_25, %dot_general3A_33, %sub3A, %sub3A_56, %sub3A_68 in 1 : vector<1024x4xf32>, vector<1024x4xf32>, vector<1024x4xf32>, vector<1024x4xf32>, vector<1024x4xf32> -> vector<1024x20xf32>
    %get3A_69 = arith.constant 0 : index
    %get3A_70 = arith.constant 0 : index
    %get3A_71 = vector.load %arg4[%get3A_69, %get3A_70] : memref<20x192xf32, #tpu.memory_space<vmem>>, vector<20x192xf32>
    %dot_general3A_72 = arith.constant dense<0.000000e+00> : vector<1024x192xf32>
    %dot_general3A_73 = tpu.matmul %concatenate3A, %get3A_71, %dot_general3A_72 {dimension_numbers = #tpu.dot_dimension_numbers<[1], [0], [0], [1], [0, 0, 1, 1], [], []>, transpose_lhs_hint = false} : vector<1024x20xf32>, vector<20x192xf32>, vector<1024x192xf32> -> vector<1024x192xf32>
    %get3A_74 = arith.constant 0 : index
    %get3A_75 = arith.constant 0 : index
    %get3A_76 = vector.load %arg5[%get3A_74, %get3A_75] : memref<1x192xf32, #tpu.memory_space<vmem>>, vector<1x192xf32>
    %add3A = vector.broadcast %get3A_76 : vector<1x192xf32> to vector<1024x192xf32>
    %add3A_77 = arith.addf %dot_general3A_73, %add3A : vector<1024x192xf32>
    %get3A_78 = arith.constant 0 : index
    %get3A_79 = arith.constant 0 : index
    %get3A_80 = vector.load %arg6[%get3A_78, %get3A_79] : memref<192x1024xf32, #tpu.memory_space<vmem>>, vector<192x1024xf32>
    %dot_general3A_81 = arith.constant dense<0.000000e+00> : vector<1024x1024xf32>
    %dot_general3A_82 = tpu.matmul %add3A_77, %get3A_80, %dot_general3A_81 {dimension_numbers = #tpu.dot_dimension_numbers<[1], [0], [0], [1], [0, 0, 1, 1], [], []>, transpose_lhs_hint = false} : vector<1024x192xf32>, vector<192x1024xf32>, vector<1024x1024xf32> -> vector<1024x1024xf32>
    %swap3A = arith.constant 0 : index
    %swap3A_83 = arith.constant 0 : index
    %swap3A_84 = vector.load %arg9[%swap3A, %swap3A_83] : memref<1024x1024xf32, #tpu.memory_space<vmem>>, vector<1024x1024xf32>
    tpu.vector_store %arg9[%swap3A, %swap3A_83], %dot_general3A_82 {strides = array<i32>} : memref<1024x1024xf32, #tpu.memory_space<vmem>>, vector<1024x1024xf32>,
    %get3A_85 = arith.constant 0 : index
    %get3A_86 = arith.constant 0 : index
    %get3A_87 = vector.load %arg7[%get3A_85, %get3A_86] : memref<192x192xf32, #tpu.memory_space<vmem>>, vector<192x192xf32>
    %dot_general3A_88 = arith.constant dense<0.000000e+00> : vector<1024x192xf32>
    %dot_general3A_89 = tpu.matmul %add3A_77, %get3A_87, %dot_general3A_88 {dimension_numbers = #tpu.dot_dimension_numbers<[1], [0], [0], [1], [0, 0, 1, 1], [], []>, transpose_lhs_hint = false} : vector<1024x192xf32>, vector<192x192xf32>, vector<1024x192xf32> -> vector<1024x192xf32>
    %get3A_90 = arith.constant 0 : index
    %get3A_91 = arith.constant 0 : index
    %get3A_92 = vector.load %arg8[%get3A_90, %get3A_91] : memref<1x192xf32, #tpu.memory_space<vmem>>, vector<1x192xf32>
    %add3A_93 = vector.broadcast %get3A_92 : vector<1x192xf32> to vector<1024x192xf32>
    %add3A_94 = arith.addf %dot_general3A_89, %add3A_93 : vector<1024x192xf32>
    %swap3A_95 = arith.constant 0 : index
    %swap3A_96 = arith.constant 0 : index
    %swap3A_97 = vector.load %arg10[%swap3A_95, %swap3A_96] : memref<1024x192xf32, #tpu.memory_space<vmem>>, vector<1024x192xf32>
    tpu.vector_store %arg10[%swap3A_95, %swap3A_96], %add3A_94 {strides = array<i32>} : memref<1024x192xf32, #tpu.memory_space<vmem>>, vector<1024x192xf32>,
    %get3A_98 = arith.constant 0 : index
    %get3A_99 = arith.constant 0 : index
    %get3A_100 = vector.load %arg3[%get3A_98, %get3A_99] : memref<1024x5xf32, #tpu.memory_space<vmem>>, vector<1024x5xf32>
    %slice3A = vector.extract_strided_slice %get3A_100 {offsets = [0, 0], sizes = [1024, 1], strides = [1, 1]} : vector<1024x5xf32> to vector<1024x1xf32>
    %broadcast_in_dim3A_101 = vector.shape_cast %slice3A : vector<1024x1xf32> to vector<1024x1xf32>
    %broadcast_in_dim3A_102 = vector.broadcast %broadcast_in_dim3A_101 : vector<1024x1xf32> to vector<1024x16xf32>
    %slice3A_103 = vector.extract_strided_slice %get3A_100 {offsets = [0, 1], sizes = [1024, 1], strides = [1, 1]} : vector<1024x5xf32> to vector<1024x1xf32>
    %broadcast_in_dim3A_104 = vector.shape_cast %slice3A_103 : vector<1024x1xf32> to vector<1024x1xf32>
    %broadcast_in_dim3A_105 = vector.broadcast %broadcast_in_dim3A_104 : vector<1024x1xf32> to vector<1024x16xf32>
    %slice3A_106 = vector.extract_strided_slice %get3A_100 {offsets = [0, 2], sizes = [1024, 1], strides = [1, 1]} : vector<1024x5xf32> to vector<1024x1xf32>
    %broadcast_in_dim3A_107 = vector.shape_cast %slice3A_106 : vector<1024x1xf32> to vector<1024x1xf32>
    %broadcast_in_dim3A_108 = vector.broadcast %broadcast_in_dim3A_107 : vector<1024x1xf32> to vector<1024x16xf32>
    %slice3A_109 = vector.extract_strided_slice %get3A_100 {offsets = [0, 3], sizes = [1024, 1], strides = [1, 1]} : vector<1024x5xf32> to vector<1024x1xf32>
    %broadcast_in_dim3A_110 = vector.shape_cast %slice3A_109 : vector<1024x1xf32> to vector<1024x1xf32>
    %broadcast_in_dim3A_111 = vector.broadcast %broadcast_in_dim3A_110 : vector<1024x1xf32> to vector<1024x16xf32>
    %slice3A_112 = vector.extract_strided_slice %get3A_100 {offsets = [0, 4], sizes = [1024, 1], strides = [1, 1]} : vector<1024x5xf32> to vector<1024x1xf32>
    %broadcast_in_dim3A_113 = vector.shape_cast %slice3A_112 : vector<1024x1xf32> to vector<1024x1xf32>
    %broadcast_in_dim3A_114 = vector.broadcast %broadcast_in_dim3A_113 : vector<1024x1xf32> to vector<1024x16xf32>
    %concatenate3A_115 = tpu.concatenate %broadcast_in_dim3A_102, %broadcast_in_dim3A_105, %broadcast_in_dim3A_108, %broadcast_in_dim3A_111, %broadcast_in_dim3A_114 in 1 : vector<1024x16xf32>, vector<1024x16xf32>, vector<1024x16xf32>, vector<1024x16xf32>, vector<1024x16xf32> -> vector<1024x80xf32>
    %swap3A_116 = arith.constant 0 : index
    %swap3A_117 = arith.constant 0 : index
    %swap3A_118 = vector.load %arg11[%swap3A_116, %swap3A_117] : memref<1024x80xf32, #tpu.memory_space<vmem>>, vector<1024x80xf32>
    tpu.vector_store %arg11[%swap3A_116, %swap3A_117], %concatenate3A_115 {strides = array<i32>} : memref<1024x80xf32, #tpu.memory_space<vmem>>, vector<1024x80xf32>,
    return
  }
}

module attributes {stable_mosaic.version = 14 : i64} {
  func.func @_mid_body(%arg0: memref<1024x192xf32, #tpu.memory_space<vmem>>, %arg1: memref<1024x192xf32, #tpu.memory_space<vmem>>, %arg2: memref<1024x1xi32, #tpu.memory_space<vmem>>, %arg3: memref<1x192xf32, #tpu.memory_space<vmem>>, %arg4: memref<1x192xf32, #tpu.memory_space<vmem>>, %arg5: memref<192x1024xf32, #tpu.memory_space<vmem>>, %arg6: memref<192x192xf32, #tpu.memory_space<vmem>>, %arg7: memref<1x192xf32, #tpu.memory_space<vmem>>, %arg8: memref<1024x1024xf32, #tpu.memory_space<vmem>>, %arg9: memref<1024x192xf32, #tpu.memory_space<vmem>>) attributes {dimension_semantics = [], scalar_prefetch = 0 : i64, scratch_operands = 0 : i64, tpu.core_type = #tpu.core_type<tc>} {
    %iota3A = tpu.iota {dimensions = array<i32: 1>} : vector<1024x1024xi32>
    %get3A = arith.constant 0 : index
    %get3A_0 = arith.constant 0 : index
    %get3A_1 = vector.load %arg2[%get3A, %get3A_0] : memref<1024x1xi32, #tpu.memory_space<vmem>>, vector<1024x1xi32>
    %eq3A = vector.broadcast %get3A_1 : vector<1024x1xi32> to vector<1024x1024xi32>
    %eq3A_2 = arith.cmpi eq, %eq3A, %iota3A : vector<1024x1024xi32>
    %convert_element_type3A = arith.extui %eq3A_2 : vector<1024x1024xi1> to vector<1024x1024xi32>
    %convert_element_type3A_3 = arith.sitofp %convert_element_type3A : vector<1024x1024xi32> to vector<1024x1024xf32>
    %convert_element_type3A_4 = arith.truncf %convert_element_type3A_3 : vector<1024x1024xf32> to vector<1024x1024xbf16>
    %get3A_5 = arith.constant 0 : index
    %get3A_6 = arith.constant 0 : index
    %get3A_7 = vector.load %arg1[%get3A_5, %get3A_6] : memref<1024x192xf32, #tpu.memory_space<vmem>>, vector<1024x192xf32>
    %convert_element_type3A_8 = arith.truncf %get3A_7 : vector<1024x192xf32> to vector<1024x192xbf16>
    %dot_general3A = arith.constant dense<0.000000e+00> : vector<1024x192xf32>
    %dot_general3A_9 = tpu.matmul %convert_element_type3A_4, %convert_element_type3A_8, %dot_general3A {dimension_numbers = #tpu.dot_dimension_numbers<[0], [0], [1], [1], [0, 1, 1, 1], [], []>, transpose_lhs_hint = false} : vector<1024x1024xbf16>, vector<1024x192xbf16>, vector<1024x192xf32> -> vector<1024x192xf32>
    %get3A_10 = arith.constant 0 : index
    %get3A_11 = arith.constant 0 : index
    %get3A_12 = vector.load %arg0[%get3A_10, %get3A_11] : memref<1024x192xf32, #tpu.memory_space<vmem>>, vector<1024x192xf32>
    %add3A = arith.addf %get3A_12, %dot_general3A_9 : vector<1024x192xf32>
    %reduce_sum3A = arith.constant dense<0.000000e+00> : vector<1024xf32>
    %reduce_sum3A_13 = vector.multi_reduction <add>, %add3A, %reduce_sum3A [1] : vector<1024x192xf32> to vector<1024xf32>
    %broadcast_in_dim3A = vector.shape_cast %reduce_sum3A_13 : vector<1024xf32> to vector<1024x1xf32>
    %div3A = arith.constant 1.920000e+02 : f32
    %div3A_14 = vector.broadcast %div3A : f32 to vector<1024x1xf32>
    %div3A_15 = arith.divf %broadcast_in_dim3A, %div3A_14 : vector<1024x1xf32>
    %sub3A = vector.broadcast %div3A_15 : vector<1024x1xf32> to vector<1024x192xf32>
    %sub3A_16 = arith.subf %add3A, %sub3A : vector<1024x192xf32>
    %integer_pow3A = arith.mulf %sub3A_16, %sub3A_16 : vector<1024x192xf32>
    %reduce_sum3A_17 = arith.constant dense<0.000000e+00> : vector<1024xf32>
    %reduce_sum3A_18 = vector.multi_reduction <add>, %integer_pow3A, %reduce_sum3A_17 [1] : vector<1024x192xf32> to vector<1024xf32>
    %broadcast_in_dim3A_19 = vector.shape_cast %reduce_sum3A_18 : vector<1024xf32> to vector<1024x1xf32>
    %div3A_20 = arith.constant 1.920000e+02 : f32
    %div3A_21 = vector.broadcast %div3A_20 : f32 to vector<1024x1xf32>
    %div3A_22 = arith.divf %broadcast_in_dim3A_19, %div3A_21 : vector<1024x1xf32>
    %sub3A_23 = vector.broadcast %div3A_15 : vector<1024x1xf32> to vector<1024x192xf32>
    %sub3A_24 = arith.subf %add3A, %sub3A_23 : vector<1024x192xf32>
    %add3A_25 = arith.constant 9.99999974E-6 : f32
    %add3A_26 = vector.broadcast %add3A_25 : f32 to vector<1024x1xf32>
    %add3A_27 = arith.addf %div3A_22, %add3A_26 : vector<1024x1xf32>
    %rsqrt3A = math.rsqrt %add3A_27 : vector<1024x1xf32>
    %mul3A = vector.broadcast %rsqrt3A : vector<1024x1xf32> to vector<1024x192xf32>
    %mul3A_28 = arith.mulf %sub3A_24, %mul3A : vector<1024x192xf32>
    %get3A_29 = arith.constant 0 : index
    %get3A_30 = arith.constant 0 : index
    %get3A_31 = vector.load %arg3[%get3A_29, %get3A_30] : memref<1x192xf32, #tpu.memory_space<vmem>>, vector<1x192xf32>
    %mul3A_32 = vector.broadcast %get3A_31 : vector<1x192xf32> to vector<1024x192xf32>
    %mul3A_33 = arith.mulf %mul3A_28, %mul3A_32 : vector<1024x192xf32>
    %get3A_34 = arith.constant 0 : index
    %get3A_35 = arith.constant 0 : index
    %get3A_36 = vector.load %arg4[%get3A_34, %get3A_35] : memref<1x192xf32, #tpu.memory_space<vmem>>, vector<1x192xf32>
    %add3A_37 = vector.broadcast %get3A_36 : vector<1x192xf32> to vector<1024x192xf32>
    %add3A_38 = arith.addf %mul3A_33, %add3A_37 : vector<1024x192xf32>
    %max3A = arith.constant 0.000000e+00 : f32
    %max3A_39 = vector.broadcast %max3A : f32 to vector<1024x192xf32>
    %max3A_40 = arith.maximumf %add3A_38, %max3A_39 : vector<1024x192xf32>
    %get3A_41 = arith.constant 0 : index
    %get3A_42 = arith.constant 0 : index
    %get3A_43 = vector.load %arg5[%get3A_41, %get3A_42] : memref<192x1024xf32, #tpu.memory_space<vmem>>, vector<192x1024xf32>
    %dot_general3A_44 = arith.constant dense<0.000000e+00> : vector<1024x1024xf32>
    %dot_general3A_45 = tpu.matmul %max3A_40, %get3A_43, %dot_general3A_44 {dimension_numbers = #tpu.dot_dimension_numbers<[1], [0], [0], [1], [0, 0, 1, 1], [], []>, transpose_lhs_hint = false} : vector<1024x192xf32>, vector<192x1024xf32>, vector<1024x1024xf32> -> vector<1024x1024xf32>
    %swap3A = arith.constant 0 : index
    %swap3A_46 = arith.constant 0 : index
    %swap3A_47 = vector.load %arg8[%swap3A, %swap3A_46] : memref<1024x1024xf32, #tpu.memory_space<vmem>>, vector<1024x1024xf32>
    tpu.vector_store %arg8[%swap3A, %swap3A_46], %dot_general3A_45 {strides = array<i32>} : memref<1024x1024xf32, #tpu.memory_space<vmem>>, vector<1024x1024xf32>,
    %get3A_48 = arith.constant 0 : index
    %get3A_49 = arith.constant 0 : index
    %get3A_50 = vector.load %arg6[%get3A_48, %get3A_49] : memref<192x192xf32, #tpu.memory_space<vmem>>, vector<192x192xf32>
    %dot_general3A_51 = arith.constant dense<0.000000e+00> : vector<1024x192xf32>
    %dot_general3A_52 = tpu.matmul %max3A_40, %get3A_50, %dot_general3A_51 {dimension_numbers = #tpu.dot_dimension_numbers<[1], [0], [0], [1], [0, 0, 1, 1], [], []>, transpose_lhs_hint = false} : vector<1024x192xf32>, vector<192x192xf32>, vector<1024x192xf32> -> vector<1024x192xf32>
    %add3A_53 = arith.addf %add3A, %dot_general3A_52 : vector<1024x192xf32>
    %get3A_54 = arith.constant 0 : index
    %get3A_55 = arith.constant 0 : index
    %get3A_56 = vector.load %arg7[%get3A_54, %get3A_55] : memref<1x192xf32, #tpu.memory_space<vmem>>, vector<1x192xf32>
    %add3A_57 = vector.broadcast %get3A_56 : vector<1x192xf32> to vector<1024x192xf32>
    %add3A_58 = arith.addf %add3A_53, %add3A_57 : vector<1024x192xf32>
    %swap3A_59 = arith.constant 0 : index
    %swap3A_60 = arith.constant 0 : index
    %swap3A_61 = vector.load %arg9[%swap3A_59, %swap3A_60] : memref<1024x192xf32, #tpu.memory_space<vmem>>, vector<1024x192xf32>
    tpu.vector_store %arg9[%swap3A_59, %swap3A_60], %add3A_58 {strides = array<i32>} : memref<1024x192xf32, #tpu.memory_space<vmem>>, vector<1024x192xf32>,
    return
  }
}

module attributes {stable_mosaic.version = 14 : i64} {
  func.func @_final_body(%arg0: memref<1024x192xf32, #tpu.memory_space<vmem>>, %arg1: memref<1024x192xf32, #tpu.memory_space<vmem>>, %arg2: memref<1024x1xi32, #tpu.memory_space<vmem>>, %arg3: memref<1x192xf32, #tpu.memory_space<vmem>>, %arg4: memref<1x192xf32, #tpu.memory_space<vmem>>, %arg5: memref<192x2xf32, #tpu.memory_space<vmem>>, %arg6: memref<1x2xf32, #tpu.memory_space<vmem>>, %arg7: memref<1024x2xf32, #tpu.memory_space<vmem>>) attributes {dimension_semantics = [], scalar_prefetch = 0 : i64, scratch_operands = 0 : i64, tpu.core_type = #tpu.core_type<tc>} {
    %iota3A = tpu.iota {dimensions = array<i32: 1>} : vector<1024x1024xi32>
    %get3A = arith.constant 0 : index
    %get3A_0 = arith.constant 0 : index
    %get3A_1 = vector.load %arg2[%get3A, %get3A_0] : memref<1024x1xi32, #tpu.memory_space<vmem>>, vector<1024x1xi32>
    %eq3A = vector.broadcast %get3A_1 : vector<1024x1xi32> to vector<1024x1024xi32>
    %eq3A_2 = arith.cmpi eq, %eq3A, %iota3A : vector<1024x1024xi32>
    %convert_element_type3A = arith.extui %eq3A_2 : vector<1024x1024xi1> to vector<1024x1024xi32>
    %convert_element_type3A_3 = arith.sitofp %convert_element_type3A : vector<1024x1024xi32> to vector<1024x1024xf32>
    %convert_element_type3A_4 = arith.truncf %convert_element_type3A_3 : vector<1024x1024xf32> to vector<1024x1024xbf16>
    %get3A_5 = arith.constant 0 : index
    %get3A_6 = arith.constant 0 : index
    %get3A_7 = vector.load %arg1[%get3A_5, %get3A_6] : memref<1024x192xf32, #tpu.memory_space<vmem>>, vector<1024x192xf32>
    %convert_element_type3A_8 = arith.truncf %get3A_7 : vector<1024x192xf32> to vector<1024x192xbf16>
    %dot_general3A = arith.constant dense<0.000000e+00> : vector<1024x192xf32>
    %dot_general3A_9 = tpu.matmul %convert_element_type3A_4, %convert_element_type3A_8, %dot_general3A {dimension_numbers = #tpu.dot_dimension_numbers<[0], [0], [1], [1], [0, 1, 1, 1], [], []>, transpose_lhs_hint = false} : vector<1024x1024xbf16>, vector<1024x192xbf16>, vector<1024x192xf32> -> vector<1024x192xf32>
    %get3A_10 = arith.constant 0 : index
    %get3A_11 = arith.constant 0 : index
    %get3A_12 = vector.load %arg0[%get3A_10, %get3A_11] : memref<1024x192xf32, #tpu.memory_space<vmem>>, vector<1024x192xf32>
    %add3A = arith.addf %get3A_12, %dot_general3A_9 : vector<1024x192xf32>
    %reduce_sum3A = arith.constant dense<0.000000e+00> : vector<1024xf32>
    %reduce_sum3A_13 = vector.multi_reduction <add>, %add3A, %reduce_sum3A [1] : vector<1024x192xf32> to vector<1024xf32>
    %broadcast_in_dim3A = vector.shape_cast %reduce_sum3A_13 : vector<1024xf32> to vector<1024x1xf32>
    %div3A = arith.constant 1.920000e+02 : f32
    %div3A_14 = vector.broadcast %div3A : f32 to vector<1024x1xf32>
    %div3A_15 = arith.divf %broadcast_in_dim3A, %div3A_14 : vector<1024x1xf32>
    %sub3A = vector.broadcast %div3A_15 : vector<1024x1xf32> to vector<1024x192xf32>
    %sub3A_16 = arith.subf %add3A, %sub3A : vector<1024x192xf32>
    %integer_pow3A = arith.mulf %sub3A_16, %sub3A_16 : vector<1024x192xf32>
    %reduce_sum3A_17 = arith.constant dense<0.000000e+00> : vector<1024xf32>
    %reduce_sum3A_18 = vector.multi_reduction <add>, %integer_pow3A, %reduce_sum3A_17 [1] : vector<1024x192xf32> to vector<1024xf32>
    %broadcast_in_dim3A_19 = vector.shape_cast %reduce_sum3A_18 : vector<1024xf32> to vector<1024x1xf32>
    %div3A_20 = arith.constant 1.920000e+02 : f32
    %div3A_21 = vector.broadcast %div3A_20 : f32 to vector<1024x1xf32>
    %div3A_22 = arith.divf %broadcast_in_dim3A_19, %div3A_21 : vector<1024x1xf32>
    %sub3A_23 = vector.broadcast %div3A_15 : vector<1024x1xf32> to vector<1024x192xf32>
    %sub3A_24 = arith.subf %add3A, %sub3A_23 : vector<1024x192xf32>
    %add3A_25 = arith.constant 9.99999974E-6 : f32
    %add3A_26 = vector.broadcast %add3A_25 : f32 to vector<1024x1xf32>
    %add3A_27 = arith.addf %div3A_22, %add3A_26 : vector<1024x1xf32>
    %rsqrt3A = math.rsqrt %add3A_27 : vector<1024x1xf32>
    %mul3A = vector.broadcast %rsqrt3A : vector<1024x1xf32> to vector<1024x192xf32>
    %mul3A_28 = arith.mulf %sub3A_24, %mul3A : vector<1024x192xf32>
    %get3A_29 = arith.constant 0 : index
    %get3A_30 = arith.constant 0 : index
    %get3A_31 = vector.load %arg3[%get3A_29, %get3A_30] : memref<1x192xf32, #tpu.memory_space<vmem>>, vector<1x192xf32>
    %mul3A_32 = vector.broadcast %get3A_31 : vector<1x192xf32> to vector<1024x192xf32>
    %mul3A_33 = arith.mulf %mul3A_28, %mul3A_32 : vector<1024x192xf32>
    %get3A_34 = arith.constant 0 : index
    %get3A_35 = arith.constant 0 : index
    %get3A_36 = vector.load %arg4[%get3A_34, %get3A_35] : memref<1x192xf32, #tpu.memory_space<vmem>>, vector<1x192xf32>
    %add3A_37 = vector.broadcast %get3A_36 : vector<1x192xf32> to vector<1024x192xf32>
    %add3A_38 = arith.addf %mul3A_33, %add3A_37 : vector<1024x192xf32>
    %max3A = arith.constant 0.000000e+00 : f32
    %max3A_39 = vector.broadcast %max3A : f32 to vector<1024x192xf32>
    %max3A_40 = arith.maximumf %add3A_38, %max3A_39 : vector<1024x192xf32>
    %get3A_41 = arith.constant 0 : index
    %get3A_42 = arith.constant 0 : index
    %get3A_43 = vector.load %arg5[%get3A_41, %get3A_42] : memref<192x2xf32, #tpu.memory_space<vmem>>, vector<192x2xf32>
    %dot_general3A_44 = arith.constant dense<0.000000e+00> : vector<1024x2xf32>
    %dot_general3A_45 = tpu.matmul %max3A_40, %get3A_43, %dot_general3A_44 {dimension_numbers = #tpu.dot_dimension_numbers<[1], [0], [0], [1], [0, 0, 1, 1], [], []>, transpose_lhs_hint = false} : vector<1024x192xf32>, vector<192x2xf32>, vector<1024x2xf32> -> vector<1024x2xf32>
    %get3A_46 = arith.constant 0 : index
    %get3A_47 = arith.constant 0 : index
    %get3A_48 = vector.load %arg6[%get3A_46, %get3A_47] : memref<1x2xf32, #tpu.memory_space<vmem>>, vector<1x2xf32>
    %add3A_49 = vector.broadcast %get3A_48 : vector<1x2xf32> to vector<1024x2xf32>
    %add3A_50 = arith.addf %dot_general3A_45, %add3A_49 : vector<1024x2xf32>
    %swap3A = arith.constant 0 : index
    %swap3A_51 = arith.constant 0 : index
    %swap3A_52 = vector.load %arg7[%swap3A, %swap3A_51] : memref<1024x2xf32, #tpu.memory_space<vmem>>, vector<1024x2xf32>
    tpu.vector_store %arg7[%swap3A, %swap3A_51], %add3A_50 {strides = array<i32>} : memref<1024x2xf32, #tpu.memory_space<vmem>>, vector<1024x2xf32>,
    return
  }
}

</mosaic_0001>

<sc_bundles>
// kernel: kernel.15.cloned.1.call-start
scs
__scs_entry_jumppad:
0x0: {  	(pc) =	sbr.rel $0x88, $3  }
0x1: {  	(tag) =	ssettag $0x0;
	lr =	simm.s32 $0x1  }
0x2: {  	[smem:$0x3F78] =	sst lr;
	_ =	strace $0xD0000000  }
0x3: {  	_ = 	snop  }
0x4: {  	_ = 	snop  }
0x5: {  	_ = 	snop  }
0x6: {  	_ = 	snop  }
0x7: {  	_ = 	snop  }
__scs_overlays_trampoline_lowered:
0x8: {  	[smem:$0x3F87] =	sst s0  }
0x9: {  	[smem:$0x3F88] =	sst s1  }
0xa: {  	[smem:$0x3F89] =	sst s2  }
0xb: {  	[smem:$0x3F8A] =	sst s3  }
0xc: {  	[smem:$0x3F8B] =	sst s4  }
0xd: {  	[smem:$0x3F8C] =	sst s5  }
0xe: {  	[smem:$0x3F8D] =	sst s6  }
0xf: {  	[smem:$0x3F8E] =	sst s7  }
0x10: {  	[smem:$0x3F8F] =	sst s8  }
0x11: {  	[smem:$0x3F90] =	sst s9;
	s0 =	simm.s32 @!p0 $0x0  }
0x12: {  	s1 =	sld [smem:$0x3F76];
	s0 =	simm.s32 @p0 $0x1  }
0x13: {  	[smem:$0x3F91] =	sst s0;
	s0 =	simm.s32 @!p1 $0x0  }
0x14: {  	s2 =	sld [smem:$0x3F75];
	s0 =	simm.s32 @p1 $0x1  }
0x15: {  	[smem:$0x3F92] =	sst s0;
	s0 =	simm.s32 @!p2 $0x0  }
0x16: {  	s3 =	sld [smem:$0x3FDB];
	s0 =	simm.s32 @p2 $0x1  }
0x17: {  	s4 =	simm.s32 $0x1BF5;
	[smem:$0x3F94] =	sst s0  }
0x18: {  	s0 =	sld [smem:$0x3F77];
	_ =	swait.ge [sflag:s4], $0x0  }
0x19: {  	s7 =	sld [smem:$0x3F78]  }
0x1a: {  	s8 =	sadd.s32 $0xFFFFE003, lr  }
0x1b: {  	s9 =	sadd.s32 $0xFFFFFEF7, lr;
	s5 =	simm.s32 $0xFFFFFFFF;
	p2 =	slt.u32 s8, $0xFFFFF086  }
0x1c: {  	p1 =	slt.u32 s9, $0xF7A;
	s5 =	simm.s32 @!p2 $0x0  }
0x1d: {  	s5 =	simm.s32 @p1 $0x1;
	p0 =	seq.s32 s7, s2  }
0x1e: {  	s7 =	smul.u32 @!p0 $0xF7A, s2;
	p2 =	seq.s32 @!p0 s5, $0x0  }
0x1f: {  	s9 =	smul.u32 $0xF7A, s1;
	s8 =	simm.s32 @!p0 $0x1BF5;
	p2 =	por !p2, p0  }
0x20: {  	[sflag:s8] =	ssyncset.s32 @!p0 $0xFFFFF086;
	s6 =	sadd.s32 @!p0 s3, s7;
	s7 =	simm.s32 @!p0 $0x108  }
0x21: {  	s3 =	sadd.s32 s3, s9;
	s6 =	sadd.s32 @!p0 $0x88, s6;
	s7 =	simm.s32 @p2 $0x1082  }
0x22: {  	[simem:s7], [sflag:s8] =	dma.local @!p0 [hbm:s6], $0xF7A  }
0x23: {  	s9 =	sor.u32 $0xD0000000, s2;
	s6 =	simm.s32 $0x108;
	_ =	swait.ge @!p0 [sflag:s8], $0x0  }
0x24: {  	s3 =	sadd.s32 $0x88, s3;
	s6 =	simm.s32 @!p1 $0x1082;
	[sflag:s4] =	ssyncset.s32 $0xFFFFF086  }
0x25: {  	[simem:s6], [sflag:s4] =	dma.local [hbm:s3], $0xF7A  }
0x26: {  	[smem:$0x3F78] =	sst s1;
	(tag) =	ssettag s2;
	_ =	strace s9  }
0x27: {  	s1 =	sld [smem:$0x3F88]  }
0x28: {  	s2 =	sld [smem:$0x3F89]  }
0x29: {  	s4 =	sld [smem:$0x3F8B]  }
0x2a: {  	p0 =	seq.s32 s5, $0x0;
	s5 =	sld [smem:$0x3F8C]  }
0x2b: {  	s6 =	sld [smem:$0x3F8D]  }
0x2c: {  	s7 =	sld [smem:$0x3F8E]  }
0x2d: {  	s3 =	simm.s32 $0x108;
	s8 =	sld [smem:$0x3F8F]  }
0x2e: {  	s3 =	simm.s32 @!p0 $0x1082;
	s9 =	sld [smem:$0x3F90]  }
0x2f: {  	lr =	sadd.s32 s0, s3;
	s0 =	sld [smem:$0x3F87]  }
0x30: {  	s3 =	sld [smem:$0x3F8A]  }
0x31: {  	[smem:$0x3F93] =	sst s10  }
0x32: {  	s10 =	sld [smem:$0x3F91];
	_ =	sdelay $0x3  }
0x33: {  	p0 =	seq.s32 s10, $0x1;
	s10 =	sld [smem:$0x3F93];
	_ =	sdelay $0x3  }
0x34: {  	[smem:$0x3F93] =	sst s10  }
0x35: {  	s10 =	sld [smem:$0x3F92];
	_ =	sdelay $0x3  }
0x36: {  	p1 =	seq.s32 s10, $0x1;
	s10 =	sld [smem:$0x3F93];
	_ =	sdelay $0x3  }
0x37: {  	[smem:$0x3F93] =	sst s10  }
0x38: {  	s10 =	sld [smem:$0x3F94]  }
0x39: {  	_ = 	snop;
	(pc) =	sbr.ind lr, $3  }
0x3a: {  	_ = 	snop  }
0x3b: {  	_ = 	snop  }
0x3c: {  	p2 =	seq.s32 s10, $0x1;
	s10 =	sld [smem:$0x3F93]  }
0x3d: {  	_ =	shalt  }
0x3e: {  	_ =	shalt  }
0x3f: {  	_ =	shalt  }
0x40: {  	_ =	shalt  }
0x41: {  	_ =	shalt  }
0x42: {  	_ =	shalt  }
0x43: {  	_ =	shalt  }
0x44: {  	_ =	shalt  }
0x45: {  	_ =	shalt  }
0x46: {  	_ =	shalt  }
0x47: {  	_ =	shalt  }
0x48: {  	_ =	shalt  }
0x49: {  	_ =	shalt  }
0x4a: {  	_ =	shalt  }
0x4b: {  	_ =	shalt  }
0x4c: {  	_ =	shalt  }
0x4d: {  	_ =	shalt  }
0x4e: {  	_ =	shalt  }
0x4f: {  	_ =	shalt  }
0x50: {  	_ =	shalt  }
0x51: {  	_ =	shalt  }
0x52: {  	_ =	shalt  }
0x53: {  	_ =	shalt  }
0x54: {  	_ =	shalt  }
0x55: {  	_ =	shalt  }
0x56: {  	_ =	shalt  }
0x57: {  	_ =	shalt  }
0x58: {  	_ =	shalt  }
0x59: {  	_ =	shalt  }
0x5a: {  	_ =	shalt  }
0x5b: {  	_ =	shalt  }
0x5c: {  	_ =	shalt  }
0x5d: {  	_ =	shalt  }
0x5e: {  	_ =	shalt  }
0x5f: {  	_ =	shalt  }
0x60: {  	_ =	shalt  }
0x61: {  	_ =	shalt  }
0x62: {  	_ =	shalt  }
0x63: {  	_ =	shalt  }
0x64: {  	_ =	shalt  }
0x65: {  	_ =	shalt  }
0x66: {  	_ =	shalt  }
0x67: {  	_ =	shalt  }
0x68: {  	_ =	shalt  }
0x69: {  	_ =	shalt  }
0x6a: {  	_ =	shalt  }
0x6b: {  	_ =	shalt  }
0x6c: {  	_ =	shalt  }
0x6d: {  	_ =	shalt  }
0x6e: {  	_ =	shalt  }
0x6f: {  	_ =	shalt  }
0x70: {  	_ =	shalt  }
0x71: {  	_ =	shalt  }
0x72: {  	_ =	shalt  }
0x73: {  	_ =	shalt  }
0x74: {  	_ =	shalt  }
0x75: {  	_ =	shalt  }
0x76: {  	_ =	shalt  }
0x77: {  	_ =	shalt  }
0x78: {  	_ =	shalt  }
0x79: {  	_ =	shalt  }
0x7a: {  	_ =	shalt  }
0x7b: {  	_ =	shalt  }
0x7c: {  	_ =	shalt  }
0x7d: {  	_ =	shalt  }
0x7e: {  	_ =	shalt  }
0x7f: {  	_ =	shalt  }
0x80: {  	_ =	shalt  }
0x81: {  	_ =	shalt  }
0x82: {  	_ =	shalt  }
0x83: {  	_ =	shalt  }
0x84: {  	_ =	shalt  }
0x85: {  	_ =	shalt  }
0x86: {  	_ =	shalt  }
0x87: {  	_ =	shalt  }
.Lfunc_end0:
.L_simem_size_0:
called_computation_lowered:
.L_overlay_start_0:
0x88: {  	s2 =	sld [smem:$0x3FD9]  }
0x89: {  	s3 =	sld [smem:$0x3FFE];
	_ =	sdelay $0x1  }
0x8a: {  	s1 =	srdreg.scid  }
0x8b: {  	s0 =	sand.u32 $0x1, s1  }
0x8c: {  	s17 =	sshll.u32 s0, $0xA;
	s2 =	sadd.s32 s3, s2  }
0x8d: {  	s2 =	sadd.s32 s2, s17  }
0x8e: {  	[smem:$0x3F9F] =	sst s2  }
0x8f: {  	_ = 	snop  }
0x90: {  	s2 =	sld [smem:$0x3FD0];
	(tm) =	ssettm $0x1  }
0x91: {  	s18 =	sld [smem:$0x3FFB];
	_ =	sdelay $0x3  }
0x92: {  	_ =	strace s18  }
0x93: {  	s3 =	sld [smem:$0x3FFC];
	_ =	sdelay $0x3  }
0x94: {  	_ =	strace s3  }
0x95: {  	s3 =	sld [smem:$0x3FFD];
	_ =	sdelay $0x3  }
0x96: {  	_ =	strace s3  }
0x97: {  	_ =	strace $0x8FFFFFFF  }
0x98: {  	s19 =	sld [smem:$0x3FDB];
	_ =	sdelay $0x1  }
0x99: {  	s4 =	simm.s32 $_scs_section_size  }
0x9a: {  	s5 =	simm.s32 $_size__tile_overlayer_lowered;
	s6 =	simm.s32 $_tile_overlayer_lowered  }
0x9b: {  	s22 =	simm.s32 $0x1BFF;
	s21 =	sshll.u32 s6, $0x1;
	s3 =	sadd.s32 s4, s19  }
0x9c: {  	s7 =	simm.s32 $0x0;
	s20 =	sshll.u32 s5, $0x1;
	s5 =	sadd.s32 s21, s3  }
0x9d: {  	[timem:s7], [sflag:s22] =	dma.local [hbm:s5], s20  }
0x9e: {  	_ =	swait.ge [sflag:s22], s20  }
0x9f: {  	s4 =	ssub.s32 $0x0, s20;
	[sflag:s22] =	ssyncset.done $0x0  }
0xa0: {  	[sflag:s22] =	ssyncadd.s32 s4;
	_ =	sdelay $0x1  }
0xa1: {  	s23 =	simm.s32 $0x1B8B  }
0xa2: {  	_ =	swait.ge [sflag:s23], $0x1  }
0xa3: {  	[sflag:s23] =	ssyncset.done $0x0  }
0xa4: {  	s25 =	simm.s32 $0x1B8E;
	s24 =	sld [smem:$0x3FFE];
	[sflag:s23] =	ssyncadd.s32 $0xFFFFFFFF  }
0xa5: {  	s26 =	simm.s32 $execute0_lowered;
	[smem:$0x3FD2] =	sst s25  }
0xa6: {  	s5 =	sshll.u32 s26, $0x1;
	_ =	strace $0x80000046;
	[dreg:$0x1] =	wrdreg $0xFFFFFFFF  }
0xa7: {  	s28 =	simm.s32 $_size_execute0_lowered;
	s3 =	sadd.s32 s3, s5;
	[dreg:$0x0] =	wrdreg $0x0  }
0xa8: {  	s5 =	sshll.u32 s28, $0x1;
	[dreg:$0x2] =	wrdreg s3  }
0xa9: {  	[dreg:$0x3] =	wrdreg s5  }
0xaa: {  	[dreg:$0x4] =	wrdreg $0xC0  }
0xab: {  	_ =	task [dreg:s7], $0x5FFFF  }
0xac: {  	[dreg:$0x1] =	wrdreg $0xFFFFFFFF  }
0xad: {  	[dreg:$0x0] =	wrdreg $0x60  }
0xae: {  	[dreg:$0x2] =	wrdreg s24  }
0xaf: {  	[dreg:$0x3] =	wrdreg s2  }
0xb0: {  	[dreg:$0x4] =	wrdreg $0x9  }
0xb1: {  	_ =	task.clear_ibuf [dreg:s7], $0x5FFFF;
	_ =	strace $0x90000046  }
0xb2: {  	s29 =	simm.s32 $0x9;
	_ =	strace $0x80000048  }
0xb3: {  	_ =	swait.ge [sflag:s29], $0x1  }
0xb4: {  	[sflag:s29] =	ssyncadd.s32 $0xFFFFFFFF  }
0xb5: {  	_ =	strace $0x90000048  }
0xb6: {  	_ =	sfence  }
0xb7: {  	s30 =	sld [smem:$0x0];
	_ =	sdelay $0x2  }
0xb8: {  	s31 =	sshll.u32 s1, $0xD;
	s1 =	sshrl.u32 s1, $0x2  }
0xb9: {  	s3 =	sand.u32 $0x4000, s31;
	s1 =	sadd.s32 s1, s30  }
0xba: {  	s0 =	sor.u32 s3, s0;
	s1 =	sshll.u32 s1, $0x11  }
0xbb: {  	s0 =	sor.u32 s1, s0  }
0xbc: {  	s0 =	sadd.s32 $0x8F2B, s0  }
0xbd: {  	[sflag:s0] =	ssyncadd.remote.s32 $0x1  }
0xbe: {  	_ =	sfence.sel $0xFFFF  }
0xbf: {  	[dreg:$0x0] =	wrdreg $0xFFFFFFFF;
	(pc) =	sbr.abs _section_cstart, $3  }
0xc0: {  	[dreg:$0x1] =	wrdreg $0xFFFFFFFF  }
0xc1: {  	_ =	task.clear_ibuf [dreg:s7], $0x2FFFF;
	_ =	strace $0x9FFFFFFF  }
0xc2: {  	(tm) =	ssettm $0x7FFFFFFF  }
0xc3: {  	_ =	shalt  }
tec
execute0_lowered:
.L_overlay_start_1:
0x0: {  	(tag) =	ssettag $0x1  }
0x1: {  	s4 =	rddreg [dreg:$0x0]  }
0x2: {  	s5 =	rddreg [dreg:$0x1]  }
0x3: {  	s2 =	srdreg.scid;
	s0 =	rddreg [dreg:$0x2]  }
0x4: {  	s1 =	stileid.u32;
	s11 =	simm.s32 $0x1;
	s6 =	sand.u32 $0x1, s2  }
0x5: {  	s12 =	simm.s32 $0x8A20;
	s3 =	sshll.u32 s1, $0x6;
	s7 =	sshll.u32 s6, $0x5  }
0x6: {  	s13 =	simm.s32 $0x0;
	s2 =	simm.s32 $0x0;
	s7 =	sor.u32 s7, s3  }
0x7: {  	[smem:$0x7FF] =	sst s2;
	s6 =	ssub.s32 $0x2, s6;
	s8 =	smul.u32 $0xA, s7  }
0x8: {  	_ =	strace $0x80000047;
	s10 =	sshrl.u32 s6, $0x1;
	s9 =	smul.u32 $0x18, s7  }
0x9: {  	s3 =	sadd.s32 $0x8800, s4;
	s7 =	sshrl.u32 s7, $0x3;
	s10 =	ssub.s32 s6, s10  }
0xa: {  	s8 =	sadd.s32 s8, s4;
	s9 =	sadd.s32 s9, s4;
	s4 =	sadd.s32 s5, s7  }
0xb: {  	s7 =	smax.u32 s10, $0x1;
	s10 =	simm.s32 $0xA20;
	s5 =	sadd.s32 $0x6000, s8  }
0xc: {  	s6 =	sadd.s32 $0x28800, s9;
	s8 =	simm.s32 $0x2;
	s9 =	simm.s32 $0x20  }
.LBB2_1:
0xd: {  	[tilespmem:s2], [sflag:$0x2] =	stream.linear.gather [hbm4b:s4+s2], $0x20, $0x38;
	[tilespmem:$0xA220] =	vst v63  }
0xe: {  	_ =	swait.ge [sflag:s8], $0x20  }
0xf: {  	[sflag:s8] =	ssyncset.done $0x0  }
0x10: {  	[sflag:s8] =	ssyncadd.s32 $0xFFFFFFE0  }
0x11: {  	[tilespmem:s10], [sflag:$0x1] =	stream.indirect.gather [hbm4b:s3+s9], $0x400, s2, s9, $0xb8;
	[tilespmem:$0xA220] =	vst v63  }
0x12: {  	_ = 	snop  }
0x13: {  	[tilespmem:s9], [sflag:$0x2] =	stream.linear.gather [hbm4b:s5+s2], $0xA00, $0x38;
	[tilespmem:$0xA220] =	vst v63  }
0x14: {  	_ =	swait.ge [sflag:s8], $0xA00  }
0x15: {  	[sflag:s8] =	ssyncset.done $0x0  }
0x16: {  	[sflag:s8] =	ssyncadd.s32 $0xFFFFF600  }
0x17: {  	_ =	swait.ge [sflag:s11], $0x8000  }
0x18: {  	[sflag:s11] =	ssyncset.done $0x0  }
0x19: {  	s14 =	simm.s32 $0xC00;
	[sflag:s11] =	ssyncadd.s32 $0xFFFF8000  }
0x1a: {  	v4 =	vld [tilespmem:s14+$0xFFFFFE20]  }
0x1b: {  	s15 =	simm.s32 $0x40;
	v5 =	vld [tilespmem:s14+$0xFFFFFEE0]  }
0x1c: {  	v1 =	vld [tilespmem:s15+$0xFFFFFFE0]  }
0x1d: {  	v2 =	vld [tilespmem:s15+$0xFFFFFFF0]  }
0x1e: {  	v6 =	vld [tilespmem:s14+$0xFFFFFFA0]  }
0x1f: {  	v0 =	vld [tilespmem:s15+$0x0]  }
0x20: {  	v7 =	vld [tilespmem:s14+$0x60]  }
0x21: {  	v3 =	vld [tilespmem:s15+$0x10]  }
0x22: {  	v9 =	vld [tilespmem:s14+$0x120];
	v8 =	vmul.f32 v4, v1;
	v5 =	vmul.f32 v5, v2  }
0x23: {  	v4 =	vld [tilespmem:s15+$0x20]  }
0x24: {  	v6 =	vmul.f32 v6, v0;
	v5 =	vadd.f32 v5, v8;
	_ =	sdelay $0x1  }
0x25: {  	v5 =	vadd.f32 v6, v5;
	v6 =	vmul.f32 v7, v3;
	_ =	sdelay $0x1  }
0x26: {  	v5 =	vadd.f32 v6, v5;
	v6 =	vmul.f32 v9, v4;
	_ =	sdelay $0x1  }
0x27: {  	v5 =	vadd.f32 v6, v5  }
0x28: {  	s15 =	simm.s32 $0x8A80  }
0x29: {  	[tilespmem:s15+$0xFFFFFFA0] =	vst v5  }
0x2a: {  	v5 =	vld [tilespmem:s14+$0xFFFFFE30]  }
0x2b: {  	v6 =	vld [tilespmem:s14+$0xFFFFFEF0];
	_ =	sdelay $0x1  }
0x2c: {  	v7 =	vld [tilespmem:s14+$0xFFFFFFB0];
	_ =	sdelay $0x1  }
0x2d: {  	v44 =	vld [tilespmem:s14+$0x70]  }
0x2e: {  	v5 =	vmul.f32 v5, v1;
	v6 =	vmul.f32 v6, v2  }
0x2f: {  	v45 =	vld [tilespmem:s14+$0x130]  }
0x30: {  	v5 =	vadd.f32 v6, v5;
	v6 =	vmul.f32 v7, v0;
	_ =	sdelay $0x1  }
0x31: {  	v5 =	vadd.f32 v6, v5;
	v6 =	vmul.f32 v44, v3;
	_ =	sdelay $0x1  }
0x32: {  	v5 =	vadd.f32 v6, v5;
	v6 =	vmul.f32 v45, v4;
	_ =	sdelay $0x1  }
0x33: {  	v5 =	vadd.f32 v6, v5;
	_ =	sdelay $0x1  }
0x34: {  	[tilespmem:s15+$0xFFFFFFB0] =	vst v5  }
0x35: {  	v5 =	vld [tilespmem:s14+$0xFFFFFE40]  }
0x36: {  	v6 =	vld [tilespmem:s14+$0xFFFFFF00];
	_ =	sdelay $0x1  }
0x37: {  	v7 =	vld [tilespmem:s14+$0xFFFFFFC0];
	_ =	sdelay $0x1  }
0x38: {  	v46 =	vld [tilespmem:s14+$0x80]  }
0x39: {  	v5 =	vmul.f32 v5, v1;
	v6 =	vmul.f32 v6, v2  }
0x3a: {  	v47 =	vld [tilespmem:s14+$0x140]  }
0x3b: {  	v5 =	vadd.f32 v6, v5;
	v6 =	vmul.f32 v7, v0;
	_ =	sdelay $0x1  }
0x3c: {  	v5 =	vadd.f32 v6, v5;
	v6 =	vmul.f32 v46, v3;
	_ =	sdelay $0x1  }
0x3d: {  	v5 =	vadd.f32 v6, v5;
	v6 =	vmul.f32 v47, v4;
	_ =	sdelay $0x1  }
0x3e: {  	v5 =	vadd.f32 v6, v5;
	_ =	sdelay $0x1  }
0x3f: {  	[tilespmem:s15+$0xFFFFFFC0] =	vst v5  }
0x40: {  	v5 =	vld [tilespmem:s14+$0xFFFFFE50]  }
0x41: {  	v6 =	vld [tilespmem:s14+$0xFFFFFF10];
	_ =	sdelay $0x1  }
0x42: {  	v7 =	vld [tilespmem:s14+$0xFFFFFFD0];
	_ =	sdelay $0x1  }
0x43: {  	v48 =	vld [tilespmem:s14+$0x90]  }
0x44: {  	v5 =	vmul.f32 v5, v1;
	v6 =	vmul.f32 v6, v2  }
0x45: {  	v49 =	vld [tilespmem:s14+$0x150]  }
0x46: {  	v5 =	vadd.f32 v6, v5;
	v6 =	vmul.f32 v7, v0;
	_ =	sdelay $0x1  }
0x47: {  	v5 =	vadd.f32 v6, v5;
	v6 =	vmul.f32 v48, v3;
	_ =	sdelay $0x1  }
0x48: {  	v5 =	vadd.f32 v6, v5;
	v6 =	vmul.f32 v49, v4;
	_ =	sdelay $0x1  }
0x49: {  	v5 =	vadd.f32 v6, v5;
	_ =	sdelay $0x1  }
0x4a: {  	[tilespmem:s15+$0xFFFFFFD0] =	vst v5  }
0x4b: {  	v5 =	vld [tilespmem:s14+$0xFFFFFE60]  }
0x4c: {  	v6 =	vld [tilespmem:s14+$0xFFFFFF20];
	_ =	sdelay $0x1  }
0x4d: {  	v7 =	vld [tilespmem:s14+$0xFFFFFFE0];
	_ =	sdelay $0x1  }
0x4e: {  	v50 =	vld [tilespmem:s14+$0xA0]  }
0x4f: {  	v5 =	vmul.f32 v5, v1;
	v6 =	vmul.f32 v6, v2  }
0x50: {  	v51 =	vld [tilespmem:s14+$0x160]  }
0x51: {  	v7 =	vmul.f32 v7, v0;
	v5 =	vadd.f32 v6, v5;
	_ =	sdelay $0x1  }
0x52: {  	v6 =	vmul.f32 v50, v3;
	v5 =	vadd.f32 v7, v5;
	_ =	sdelay $0x1  }
0x53: {  	v5 =	vadd.f32 v6, v5;
	v6 =	vmul.f32 v51, v4;
	_ =	sdelay $0x1  }
0x54: {  	v5 =	vadd.f32 v6, v5;
	_ =	sdelay $0x1  }
0x55: {  	[tilespmem:s15+$0xFFFFFFE0] =	vst v5  }
0x56: {  	v5 =	vld [tilespmem:s14+$0xFFFFFE70]  }
0x57: {  	v6 =	vld [tilespmem:s14+$0xFFFFFF30];
	_ =	sdelay $0x1  }
0x58: {  	v7 =	vld [tilespmem:s14+$0xFFFFFFF0];
	_ =	sdelay $0x1  }
0x59: {  	v52 =	vld [tilespmem:s14+$0xB0]  }
0x5a: {  	v5 =	vmul.f32 v5, v1;
	v6 =	vmul.f32 v6, v2  }
0x5b: {  	v53 =	vld [tilespmem:s14+$0x170]  }
0x5c: {  	v7 =	vmul.f32 v7, v0;
	v5 =	vadd.f32 v6, v5;
	_ =	sdelay $0x1  }
0x5d: {  	v6 =	vmul.f32 v52, v3;
	v5 =	vadd.f32 v7, v5;
	_ =	sdelay $0x1  }
0x5e: {  	v5 =	vadd.f32 v6, v5;
	v6 =	vmul.f32 v53, v4;
	_ =	sdelay $0x1  }
0x5f: {  	v5 =	vadd.f32 v6, v5;
	_ =	sdelay $0x1  }
0x60: {  	[tilespmem:s15+$0xFFFFFFF0] =	vst v5  }
0x61: {  	v5 =	vld [tilespmem:s14+$0xFFFFFE80]  }
0x62: {  	v6 =	vld [tilespmem:s14+$0xFFFFFF40];
	_ =	sdelay $0x1  }
0x63: {  	v7 =	vld [tilespmem:s14+$0x0];
	_ =	sdelay $0x1  }
0x64: {  	v54 =	vld [tilespmem:s14+$0xC0]  }
0x65: {  	v5 =	vmul.f32 v5, v1;
	v6 =	vmul.f32 v6, v2  }
0x66: {  	v55 =	vld [tilespmem:s14+$0x180]  }
0x67: {  	v7 =	vmul.f32 v7, v0;
	v5 =	vadd.f32 v6, v5;
	_ =	sdelay $0x1  }
0x68: {  	v6 =	vmul.f32 v54, v3;
	v5 =	vadd.f32 v7, v5;
	_ =	sdelay $0x1  }
0x69: {  	v5 =	vadd.f32 v6, v5;
	v6 =	vmul.f32 v55, v4;
	_ =	sdelay $0x1  }
0x6a: {  	v5 =	vadd.f32 v6, v5;
	_ =	sdelay $0x1  }
0x6b: {  	[tilespmem:s15+$0x0] =	vst v5  }
0x6c: {  	v5 =	vld [tilespmem:s14+$0xFFFFFE90]  }
0x6d: {  	v6 =	vld [tilespmem:s14+$0xFFFFFF50];
	_ =	sdelay $0x1  }
0x6e: {  	v7 =	vld [tilespmem:s14+$0x10];
	_ =	sdelay $0x1  }
0x6f: {  	v56 =	vld [tilespmem:s14+$0xD0]  }
0x70: {  	v5 =	vmul.f32 v5, v1;
	v6 =	vmul.f32 v6, v2  }
0x71: {  	v57 =	vld [tilespmem:s14+$0x190]  }
0x72: {  	v5 =	vadd.f32 v6, v5;
	v6 =	vmul.f32 v7, v0;
	_ =	sdelay $0x1  }
0x73: {  	v7 =	vmul.f32 v56, v3;
	v5 =	vadd.f32 v6, v5;
	_ =	sdelay $0x1  }
0x74: {  	v6 =	vmul.f32 v57, v4;
	v5 =	vadd.f32 v7, v5;
	_ =	sdelay $0x1  }
0x75: {  	v5 =	vadd.f32 v6, v5;
	_ =	sdelay $0x1  }
0x76: {  	[tilespmem:s15+$0x10] =	vst v5  }
0x77: {  	v5 =	vld [tilespmem:s14+$0xFFFFFEA0]  }
0x78: {  	v6 =	vld [tilespmem:s14+$0xFFFFFF60];
	_ =	sdelay $0x1  }
0x79: {  	v7 =	vld [tilespmem:s14+$0x20];
	_ =	sdelay $0x1  }
0x7a: {  	v58 =	vld [tilespmem:s14+$0xE0]  }
0x7b: {  	v5 =	vmul.f32 v5, v1;
	v6 =	vmul.f32 v6, v2  }
0x7c: {  	v59 =	vld [tilespmem:s14+$0x1A0]  }
0x7d: {  	v5 =	vadd.f32 v6, v5;
	v6 =	vmul.f32 v7, v0;
	_ =	sdelay $0x1  }
0x7e: {  	v5 =	vadd.f32 v6, v5;
	v6 =	vmul.f32 v58, v3;
	_ =	sdelay $0x1  }
0x7f: {  	v7 =	vmul.f32 v59, v4;
	v5 =	vadd.f32 v6, v5;
	_ =	sdelay $0x1  }
0x80: {  	v5 =	vadd.f32 v7, v5;
	_ =	sdelay $0x1  }
0x81: {  	[tilespmem:s15+$0x20] =	vst v5  }
0x82: {  	v5 =	vld [tilespmem:s14+$0xFFFFFEB0]  }
0x83: {  	v6 =	vld [tilespmem:s14+$0xFFFFFF70];
	_ =	sdelay $0x1  }
0x84: {  	v7 =	vld [tilespmem:s14+$0x30];
	_ =	sdelay $0x1  }
0x85: {  	v60 =	vld [tilespmem:s14+$0xF0]  }
0x86: {  	v5 =	vmul.f32 v5, v1;
	v6 =	vmul.f32 v6, v2  }
0x87: {  	v61 =	vld [tilespmem:s14+$0x1B0]  }
0x88: {  	v7 =	vmul.f32 v7, v0;
	v5 =	vadd.f32 v6, v5;
	_ =	sdelay $0x1  }
0x89: {  	v6 =	vmul.f32 v60, v3;
	v5 =	vadd.f32 v7, v5;
	_ =	sdelay $0x1  }
0x8a: {  	v7 =	vmul.f32 v61, v4;
	v5 =	vadd.f32 v6, v5;
	_ =	sdelay $0x1  }
0x8b: {  	v5 =	vadd.f32 v7, v5;
	_ =	sdelay $0x1  }
0x8c: {  	[tilespmem:s15+$0x30] =	vst v5  }
0x8d: {  	v5 =	vld [tilespmem:s14+$0xFFFFFEC0]  }
0x8e: {  	v6 =	vld [tilespmem:s14+$0xFFFFFF80];
	_ =	sdelay $0x1  }
0x8f: {  	v7 =	vld [tilespmem:s14+$0x40];
	_ =	sdelay $0x1  }
0x90: {  	v62 =	vld [tilespmem:s14+$0x100]  }
0x91: {  	v5 =	vmul.f32 v5, v1;
	v6 =	vmul.f32 v6, v2  }
0x92: {  	v63 =	vld [tilespmem:s14+$0x1C0]  }
0x93: {  	v7 =	vmul.f32 v7, v0;
	v5 =	vadd.f32 v6, v5;
	_ =	sdelay $0x1  }
0x94: {  	v6 =	vmul.f32 v62, v3;
	v5 =	vadd.f32 v7, v5;
	_ =	sdelay $0x1  }
0x95: {  	v7 =	vmul.f32 v63, v4;
	v5 =	vadd.f32 v6, v5;
	_ =	sdelay $0x1  }
0x96: {  	v5 =	vadd.f32 v7, v5;
	_ =	sdelay $0x1  }
0x97: {  	[tilespmem:s15+$0x40] =	vst v5  }
0x98: {  	s17 =	simm.s32 $0x240;
	s18 =	simm.s32 $0xC00;
	s16 =	simm.s32 $0x8A80;
	v5 =	vld [tilespmem:s14+$0xFFFFFED0]  }
.LBB2_2:
0x99: {  	p0 =	sne.s32 s17, $0x27C0;
	v6 =	vld [tilespmem:s14+$0xFFFFFF90];
	s15 =	sadd.s32 $0xC0, s15;
	s18 =	sadd.s32 $0x400, s18  }
0x9a: {  	s19 =	smov.u32 s17;
	s17 =	sadd.s32 $0x140, s17;
	v7 =	vld [tilespmem:s14+$0x50]  }
0x9b: {  	v8 =	vld [tilespmem:s14+$0x110]  }
0x9c: {  	v9 =	vld [tilespmem:s14+$0x1D0];
	s14 =	smov.u32 s18  }
0x9d: {  	v1 =	vmul.f32 v5, v1  }
0x9e: {  	v2 =	vmul.f32 v6, v2  }
0x9f: {  	v0 =	vmul.f32 v7, v0  }
0xa0: {  	v1 =	vadd.f32 v2, v1;
	v2 =	vmul.f32 v8, v3  }
0xa1: {  	v3 =	vmul.f32 v9, v4  }
0xa2: {  	v0 =	vadd.f32 v0, v1;
	_ =	sdelay $0x1  }
0xa3: {  	v0 =	vadd.f32 v2, v0;
	_ =	sdelay $0x1  }
0xa4: {  	v0 =	vadd.f32 v3, v0;
	_ =	sdelay $0x1  }
0xa5: {  	[tilespmem:s16+$0x50] =	vst v0;
	s16 =	smov.u32 s15  }
0xa6: {  	v4 =	vld [tilespmem:s18+$0xFFFFFFA0]  }
0xa7: {  	s19 =	sshra.s32 s19, $0x2;
	v5 =	vld [tilespmem:s18+$0xFFFFFE20]  }
0xa8: {  	v6 =	vld [tilespmem:s18+$0xFFFFFEE0]  }
0xa9: {  	v0 =	vld [tilespmem:s19+$0x0]  }
0xaa: {  	v1 =	vld [tilespmem:s19+$0xFFFFFFE0]  }
0xab: {  	v2 =	vld [tilespmem:s19+$0xFFFFFFF0];
	_ =	sdelay $0x2  }
0xac: {  	v7 =	vld [tilespmem:s18+$0x60]  }
0xad: {  	v8 =	vmul.f32 v4, v0;
	v3 =	vld [tilespmem:s19+$0x10];
	v5 =	vmul.f32 v5, v1  }
0xae: {  	v4 =	vld [tilespmem:s19+$0x20];
	v6 =	vmul.f32 v6, v2  }
0xaf: {  	v9 =	vld [tilespmem:s18+$0x120]  }
0xb0: {  	v5 =	vadd.f32 v6, v5;
	_ =	sdelay $0x1  }
0xb1: {  	v5 =	vadd.f32 v8, v5;
	v6 =	vmul.f32 v7, v3;
	_ =	sdelay $0x1  }
0xb2: {  	v5 =	vadd.f32 v6, v5;
	v6 =	vmul.f32 v9, v4;
	_ =	sdelay $0x1  }
0xb3: {  	v5 =	vadd.f32 v6, v5;
	_ =	sdelay $0x1  }
0xb4: {  	[tilespmem:s15+$0xFFFFFFA0] =	vst v5  }
0xb5: {  	v5 =	vld [tilespmem:s18+$0xFFFFFE30];
	_ =	sdelay $0x1  }
0xb6: {  	v6 =	vld [tilespmem:s18+$0xFFFFFEF0];
	_ =	sdelay $0x1  }
0xb7: {  	v7 =	vld [tilespmem:s18+$0xFFFFFFB0]  }
0xb8: {  	v5 =	vmul.f32 v5, v1  }
0xb9: {  	v8 =	vld [tilespmem:s18+$0x70]  }
0xba: {  	v6 =	vmul.f32 v6, v2  }
0xbb: {  	v9 =	vld [tilespmem:s18+$0x130]  }
0xbc: {  	v5 =	vadd.f32 v6, v5;
	v6 =	vmul.f32 v7, v0;
	_ =	sdelay $0x1  }
0xbd: {  	v5 =	vadd.f32 v6, v5;
	v6 =	vmul.f32 v8, v3;
	_ =	sdelay $0x1  }
0xbe: {  	v5 =	vadd.f32 v6, v5;
	v6 =	vmul.f32 v9, v4;
	_ =	sdelay $0x1  }
0xbf: {  	v5 =	vadd.f32 v6, v5;
	_ =	sdelay $0x1  }
0xc0: {  	[tilespmem:s15+$0xFFFFFFB0] =	vst v5  }
0xc1: {  	v5 =	vld [tilespmem:s18+$0xFFFFFE40]  }
0xc2: {  	v6 =	vld [tilespmem:s18+$0xFFFFFF00];
	_ =	sdelay $0x1  }
0xc3: {  	v7 =	vld [tilespmem:s18+$0xFFFFFFC0];
	_ =	sdelay $0x1  }
0xc4: {  	v5 =	vmul.f32 v5, v1;
	v8 =	vld [tilespmem:s18+$0x80]  }
0xc5: {  	v6 =	vmul.f32 v6, v2  }
0xc6: {  	v9 =	vld [tilespmem:s18+$0x140]  }
0xc7: {  	v5 =	vadd.f32 v6, v5;
	v6 =	vmul.f32 v7, v0;
	_ =	sdelay $0x1  }
0xc8: {  	v5 =	vadd.f32 v6, v5;
	v6 =	vmul.f32 v8, v3;
	_ =	sdelay $0x1  }
0xc9: {  	v5 =	vadd.f32 v6, v5;
	v6 =	vmul.f32 v9, v4;
	_ =	sdelay $0x1  }
0xca: {  	v5 =	vadd.f32 v6, v5;
	_ =	sdelay $0x1  }
0xcb: {  	[tilespmem:s15+$0xFFFFFFC0] =	vst v5  }
0xcc: {  	v5 =	vld [tilespmem:s18+$0xFFFFFE50]  }
0xcd: {  	v6 =	vld [tilespmem:s18+$0xFFFFFF10];
	_ =	sdelay $0x1  }
0xce: {  	v7 =	vld [tilespmem:s18+$0xFFFFFFD0];
	_ =	sdelay $0x1  }
0xcf: {  	v5 =	vmul.f32 v5, v1;
	v8 =	vld [tilespmem:s18+$0x90]  }
0xd0: {  	v6 =	vmul.f32 v6, v2  }
0xd1: {  	v9 =	vld [tilespmem:s18+$0x150]  }
0xd2: {  	v5 =	vadd.f32 v6, v5;
	v6 =	vmul.f32 v7, v0;
	_ =	sdelay $0x1  }
0xd3: {  	v5 =	vadd.f32 v6, v5;
	v6 =	vmul.f32 v8, v3;
	_ =	sdelay $0x1  }
0xd4: {  	v5 =	vadd.f32 v6, v5;
	v6 =	vmul.f32 v9, v4;
	_ =	sdelay $0x1  }
0xd5: {  	v5 =	vadd.f32 v6, v5;
	_ =	sdelay $0x1  }
0xd6: {  	[tilespmem:s15+$0xFFFFFFD0] =	vst v5  }
0xd7: {  	v5 =	vld [tilespmem:s18+$0xFFFFFE60]  }
0xd8: {  	v6 =	vld [tilespmem:s18+$0xFFFFFF20]  }
0xd9: {  	v7 =	vld [tilespmem:s18+$0xFFFFFFE0]  }
0xda: {  	v8 =	vld [tilespmem:s18+$0xA0];
	_ =	sdelay $0x1  }
0xdb: {  	v5 =	vmul.f32 v5, v1  }
0xdc: {  	v6 =	vmul.f32 v6, v2  }
0xdd: {  	v7 =	vmul.f32 v7, v0;
	v9 =	vld [tilespmem:s18+$0x160]  }
0xde: {  	v5 =	vadd.f32 v6, v5;
	v6 =	vmul.f32 v8, v3;
	_ =	sdelay $0x1  }
0xdf: {  	v5 =	vadd.f32 v7, v5;
	_ =	sdelay $0x1  }
0xe0: {  	v5 =	vadd.f32 v6, v5;
	v6 =	vmul.f32 v9, v4;
	_ =	sdelay $0x1  }
0xe1: {  	v5 =	vadd.f32 v6, v5;
	_ =	sdelay $0x1  }
0xe2: {  	[tilespmem:s15+$0xFFFFFFE0] =	vst v5  }
0xe3: {  	v5 =	vld [tilespmem:s18+$0xFFFFFE70]  }
0xe4: {  	v6 =	vld [tilespmem:s18+$0xFFFFFF30]  }
0xe5: {  	v7 =	vld [tilespmem:s18+$0xFFFFFFF0]  }
0xe6: {  	v8 =	vld [tilespmem:s18+$0xB0];
	_ =	sdelay $0x1  }
0xe7: {  	v5 =	vmul.f32 v5, v1  }
0xe8: {  	v6 =	vmul.f32 v6, v2  }
0xe9: {  	v7 =	vmul.f32 v7, v0;
	v9 =	vld [tilespmem:s18+$0x170]  }
0xea: {  	v5 =	vadd.f32 v6, v5;
	v6 =	vmul.f32 v8, v3;
	_ =	sdelay $0x1  }
0xeb: {  	v5 =	vadd.f32 v7, v5;
	_ =	sdelay $0x1  }
0xec: {  	v5 =	vadd.f32 v6, v5;
	v6 =	vmul.f32 v9, v4;
	_ =	sdelay $0x1  }
0xed: {  	v5 =	vadd.f32 v6, v5;
	_ =	sdelay $0x1  }
0xee: {  	[tilespmem:s15+$0xFFFFFFF0] =	vst v5  }
0xef: {  	v5 =	vld [tilespmem:s18+$0xFFFFFE80]  }
0xf0: {  	v6 =	vld [tilespmem:s18+$0xFFFFFF40]  }
0xf1: {  	v7 =	vld [tilespmem:s18+$0x0];
	_ =	sdelay $0x2  }
0xf2: {  	v5 =	vmul.f32 v5, v1;
	v8 =	vld [tilespmem:s18+$0xC0]  }
0xf3: {  	v6 =	vmul.f32 v6, v2  }
0xf4: {  	v7 =	vmul.f32 v7, v0;
	v9 =	vld [tilespmem:s18+$0x180]  }
0xf5: {  	v5 =	vadd.f32 v6, v5;
	_ =	sdelay $0x1  }
0xf6: {  	v5 =	vadd.f32 v7, v5;
	v6 =	vmul.f32 v8, v3;
	_ =	sdelay $0x1  }
0xf7: {  	v5 =	vadd.f32 v6, v5;
	v6 =	vmul.f32 v9, v4;
	_ =	sdelay $0x1  }
0xf8: {  	v5 =	vadd.f32 v6, v5;
	_ =	sdelay $0x1  }
0xf9: {  	[tilespmem:s15+$0x0] =	vst v5  }
0xfa: {  	v5 =	vld [tilespmem:s18+$0xFFFFFE90]  }
0xfb: {  	v6 =	vld [tilespmem:s18+$0xFFFFFF50]  }
0xfc: {  	v7 =	vld [tilespmem:s18+$0xD0]  }
0xfd: {  	v8 =	vld [tilespmem:s18+$0x10]  }
0xfe: {  	v9 =	vld [tilespmem:s18+$0x190]  }
0xff: {  	v5 =	vmul.f32 v5, v1  }
0x100: {  	v6 =	vmul.f32 v6, v2  }
0x101: {  	v7 =	vmul.f32 v7, v3  }
0x102: {  	v5 =	vadd.f32 v6, v5;
	v6 =	vmul.f32 v8, v0  }
0x103: {  	v8 =	vmul.f32 v9, v4  }
0x104: {  	v5 =	vadd.f32 v6, v5;
	_ =	sdelay $0x1  }
0x105: {  	v5 =	vadd.f32 v7, v5;
	_ =	sdelay $0x1  }
0x106: {  	v5 =	vadd.f32 v8, v5;
	_ =	sdelay $0x1  }
0x107: {  	[tilespmem:s15+$0x10] =	vst v5  }
0x108: {  	v5 =	vld [tilespmem:s18+$0xFFFFFEA0]  }
0x109: {  	v6 =	vld [tilespmem:s18+$0xFFFFFF60]  }
0x10a: {  	v7 =	vld [tilespmem:s18+$0xE0]  }
0x10b: {  	v8 =	vld [tilespmem:s18+$0x20]  }
0x10c: {  	v9 =	vld [tilespmem:s18+$0x1A0]  }
0x10d: {  	v5 =	vmul.f32 v5, v1  }
0x10e: {  	v6 =	vmul.f32 v6, v2;
	_ =	sdelay $0x1  }
0x10f: {  	v5 =	vadd.f32 v6, v5;
	v6 =	vmul.f32 v8, v0  }
0x110: {  	v8 =	vmul.f32 v9, v4  }
0x111: {  	v5 =	vadd.f32 v6, v5;
	v6 =	vmul.f32 v7, v3;
	_ =	sdelay $0x1  }
0x112: {  	v5 =	vadd.f32 v6, v5;
	_ =	sdelay $0x1  }
0x113: {  	v5 =	vadd.f32 v8, v5;
	_ =	sdelay $0x1  }
0x114: {  	[tilespmem:s15+$0x20] =	vst v5  }
0x115: {  	v5 =	vld [tilespmem:s18+$0xFFFFFEB0]  }
0x116: {  	v6 =	vld [tilespmem:s18+$0xFFFFFF70]  }
0x117: {  	v7 =	vld [tilespmem:s18+$0x30]  }
0x118: {  	v8 =	vld [tilespmem:s18+$0xF0]  }
0x119: {  	v9 =	vld [tilespmem:s18+$0x1B0]  }
0x11a: {  	v5 =	vmul.f32 v5, v1  }
0x11b: {  	v6 =	vmul.f32 v6, v2  }
0x11c: {  	v7 =	vmul.f32 v7, v0  }
0x11d: {  	v5 =	vadd.f32 v6, v5;
	v6 =	vmul.f32 v8, v3  }
0x11e: {  	v8 =	vmul.f32 v9, v4  }
0x11f: {  	v5 =	vadd.f32 v7, v5;
	_ =	sdelay $0x1  }
0x120: {  	v5 =	vadd.f32 v6, v5;
	_ =	sdelay $0x1  }
0x121: {  	v5 =	vadd.f32 v8, v5;
	_ =	sdelay $0x1  }
0x122: {  	[tilespmem:s15+$0x30] =	vst v5  }
0x123: {  	v5 =	vld [tilespmem:s18+$0xFFFFFEC0]  }
0x124: {  	v6 =	vld [tilespmem:s18+$0xFFFFFF80]  }
0x125: {  	v7 =	vld [tilespmem:s18+$0x40]  }
0x126: {  	v8 =	vld [tilespmem:s18+$0x100]  }
0x127: {  	v9 =	vld [tilespmem:s18+$0x1C0]  }
0x128: {  	v5 =	vmul.f32 v5, v1  }
0x129: {  	v6 =	vmul.f32 v6, v2  }
0x12a: {  	v7 =	vmul.f32 v7, v0  }
0x12b: {  	v5 =	vadd.f32 v6, v5;
	v6 =	vmul.f32 v8, v3  }
0x12c: {  	v8 =	vmul.f32 v9, v4  }
0x12d: {  	v5 =	vadd.f32 v7, v5;
	_ =	sdelay $0x1  }
0x12e: {  	v5 =	vadd.f32 v6, v5  }
.Ltmp0:
0x12f: {  	(pc) =	sbr.rel @p0 .LBB2_2-.Ltmp0, $3  }
0x130: {  	v5 =	vadd.f32 v8, v5;
	_ =	sdelay $0x1  }
0x131: {  	[tilespmem:s15+$0x40] =	vst v5  }
0x132: {  	v5 =	vld [tilespmem:s18+$0xFFFFFED0]  }
0x133: {  	v6 =	vld [tilespmem:s14+$0xFFFFFF90];
	_ =	sdelay $0x1  }
0x134: {  	v7 =	vld [tilespmem:s14+$0x50];
	_ =	sdelay $0x1  }
0x135: {  	v8 =	vld [tilespmem:s14+$0x110]  }
0x136: {  	v1 =	vmul.f32 v5, v1;
	v2 =	vmul.f32 v6, v2  }
0x137: {  	v61 =	vld [tilespmem:s14+$0x1D0]  }
0x138: {  	v0 =	vmul.f32 v7, v0;
	v1 =	vadd.f32 v2, v1;
	_ =	sdelay $0x1  }
0x139: {  	v62 =	vmul.f32 v8, v3;
	v0 =	vadd.f32 v0, v1;
	_ =	sdelay $0x1  }
0x13a: {  	v63 =	vmul.f32 v61, v4;
	v0 =	vadd.f32 v62, v0;
	_ =	sdelay $0x1  }
0x13b: {  	s13 =	sadd.s32 $0x1, s13;
	v0 =	vadd.f32 v63, v0  }
0x13c: {  	p0 =	sne.s32 s13, s7  }
.Ltmp1:
0x13d: {  	[tilespmem:s16+$0x50] =	vst v0;
	(pc) =	sbr.rel @p0 .LBB2_1-.Ltmp1, $4  }
0x13e: {  	[hbm4b:s6+s2] =	stream.linear.scatter [tilespmem:s12], [sflag:$0x2], $0x1800, $0x38;
	[tilespmem:$0xA220] =	vst v63  }
0x13f: {  	_ =	swait.ge [sflag:s8], $0x1800  }
0x140: {  	[sflag:s8] =	ssyncset.done $0x0  }
0x141: {  	[sflag:s8] =	ssyncadd.s32 $0xFFFFE800  }
0x142: {  	_ =	sfence.sel $0x180000  }
0x143: {  	[bflag:$0x0] =	sbarrier.arrive $0xFFFF  }
0x144: {  	p0 =	sne.s32 s1, $0x0;
	_ =	strace $0x90000047  }
0x145: {  	s0 =	sadd.s32 @!p0 $0x100000, s0;
	[bflag:$0x2] =	sbarrier.arrive $0xFFFF  }
0x146: {  	[sflag:s0] =	ssyncadd.tile.s32 @!p0 $0x1;
	_ =	shalt  }
.Lfunc_end2:
_tile_overlayer_lowered:
.L_overlay_start_2:
0x147: {  	(tag) =	ssettag $0x2  }
0x148: {  	s0 =	rddreg [dreg:$0x0];
	s2 =	stileid.u32  }
0x149: {  	s1 =	rddreg [dreg:$0x1];
	p0 =	sne.s32 s2, $0x0  }
0x14a: {  	s3 =	rddreg [dreg:$0x2];
	[bflag:$0x3] =	sbarrier.arrive $0xFFFF;
	s2 =	simm.s32 @!p0 $0x1C02  }
0x14b: {  	[timem:s3], [sflag:s2] =	dma.local @!p0 [hbm:s0], s1  }
0x14c: {  	s0 =	simm.s32 @!p0 $0x2  }
0x14d: {  	_ =	swait.ge @!p0 [sflag:s0], s1  }
0x14e: {  	s1 =	ssub.s32 @!p0 $0x0, s1;
	[sflag:s0] =	ssyncset.done @!p0 $0x0  }
0x14f: {  	[sflag:s0] =	ssyncadd.s32 @!p0 s1  }
0x150: {  	[bflag:$0x3] =	sbarrier.arrive $0xFFFF  }
0x151: {  	_ =	shalt  }

// kernel: kernel.18.cloned.1.call-start
scs
__scs_entry_jumppad:
0x0: {  	(pc) =	sbr.rel $0x88, $3  }
0x1: {  	(tag) =	ssettag $0x0;
	lr =	simm.s32 $0x1  }
0x2: {  	[smem:$0x3F78] =	sst lr;
	_ =	strace $0xD0000000  }
0x3: {  	_ = 	snop  }
0x4: {  	_ = 	snop  }
0x5: {  	_ = 	snop  }
0x6: {  	_ = 	snop  }
0x7: {  	_ = 	snop  }
__scs_overlays_trampoline_lowered:
0x8: {  	[smem:$0x3F87] =	sst s0  }
0x9: {  	[smem:$0x3F88] =	sst s1  }
0xa: {  	[smem:$0x3F89] =	sst s2  }
0xb: {  	[smem:$0x3F8A] =	sst s3  }
0xc: {  	[smem:$0x3F8B] =	sst s4  }
0xd: {  	[smem:$0x3F8C] =	sst s5  }
0xe: {  	[smem:$0x3F8D] =	sst s6  }
0xf: {  	[smem:$0x3F8E] =	sst s7  }
0x10: {  	[smem:$0x3F8F] =	sst s8  }
0x11: {  	[smem:$0x3F90] =	sst s9;
	s0 =	simm.s32 @!p0 $0x0  }
0x12: {  	s1 =	sld [smem:$0x3F76];
	s0 =	simm.s32 @p0 $0x1  }
0x13: {  	[smem:$0x3F91] =	sst s0;
	s0 =	simm.s32 @!p1 $0x0  }
0x14: {  	s2 =	sld [smem:$0x3F75];
	s0 =	simm.s32 @p1 $0x1  }
0x15: {  	[smem:$0x3F92] =	sst s0;
	s0 =	simm.s32 @!p2 $0x0  }
0x16: {  	s3 =	sld [smem:$0x3FDB];
	s0 =	simm.s32 @p2 $0x1  }
0x17: {  	s4 =	simm.s32 $0x1BF5;
	[smem:$0x3F94] =	sst s0  }
0x18: {  	s0 =	sld [smem:$0x3F77];
	_ =	swait.ge [sflag:s4], $0x0  }
0x19: {  	s7 =	sld [smem:$0x3F78]  }
0x1a: {  	s8 =	sadd.s32 $0xFFFFE003, lr  }
0x1b: {  	s9 =	sadd.s32 $0xFFFFFEF7, lr;
	s5 =	simm.s32 $0xFFFFFFFF;
	p2 =	slt.u32 s8, $0xFFFFF086  }
0x1c: {  	p1 =	slt.u32 s9, $0xF7A;
	s5 =	simm.s32 @!p2 $0x0  }
0x1d: {  	s5 =	simm.s32 @p1 $0x1;
	p0 =	seq.s32 s7, s2  }
0x1e: {  	s7 =	smul.u32 @!p0 $0xF7A, s2;
	p2 =	seq.s32 @!p0 s5, $0x0  }
0x1f: {  	s9 =	smul.u32 $0xF7A, s1;
	s8 =	simm.s32 @!p0 $0x1BF5;
	p2 =	por !p2, p0  }
0x20: {  	[sflag:s8] =	ssyncset.s32 @!p0 $0xFFFFF086;
	s6 =	sadd.s32 @!p0 s3, s7;
	s7 =	simm.s32 @!p0 $0x108  }
0x21: {  	s3 =	sadd.s32 s3, s9;
	s6 =	sadd.s32 @!p0 $0x88, s6;
	s7 =	simm.s32 @p2 $0x1082  }
0x22: {  	[simem:s7], [sflag:s8] =	dma.local @!p0 [hbm:s6], $0xF7A  }
0x23: {  	s9 =	sor.u32 $0xD0000000, s2;
	s6 =	simm.s32 $0x108;
	_ =	swait.ge @!p0 [sflag:s8], $0x0  }
0x24: {  	s3 =	sadd.s32 $0x88, s3;
	s6 =	simm.s32 @!p1 $0x1082;
	[sflag:s4] =	ssyncset.s32 $0xFFFFF086  }
0x25: {  	[simem:s6], [sflag:s4] =	dma.local [hbm:s3], $0xF7A  }
0x26: {  	[smem:$0x3F78] =	sst s1;
	(tag) =	ssettag s2;
	_ =	strace s9  }
0x27: {  	s1 =	sld [smem:$0x3F88]  }
0x28: {  	s2 =	sld [smem:$0x3F89]  }
0x29: {  	s4 =	sld [smem:$0x3F8B]  }
0x2a: {  	p0 =	seq.s32 s5, $0x0;
	s5 =	sld [smem:$0x3F8C]  }
0x2b: {  	s6 =	sld [smem:$0x3F8D]  }
0x2c: {  	s7 =	sld [smem:$0x3F8E]  }
0x2d: {  	s3 =	simm.s32 $0x108;
	s8 =	sld [smem:$0x3F8F]  }
0x2e: {  	s3 =	simm.s32 @!p0 $0x1082;
	s9 =	sld [smem:$0x3F90]  }
0x2f: {  	lr =	sadd.s32 s0, s3;
	s0 =	sld [smem:$0x3F87]  }
0x30: {  	s3 =	sld [smem:$0x3F8A]  }
0x31: {  	[smem:$0x3F93] =	sst s10  }
0x32: {  	s10 =	sld [smem:$0x3F91];
	_ =	sdelay $0x3  }
0x33: {  	p0 =	seq.s32 s10, $0x1;
	s10 =	sld [smem:$0x3F93];
	_ =	sdelay $0x3  }
0x34: {  	[smem:$0x3F93] =	sst s10  }
0x35: {  	s10 =	sld [smem:$0x3F92];
	_ =	sdelay $0x3  }
0x36: {  	p1 =	seq.s32 s10, $0x1;
	s10 =	sld [smem:$0x3F93];
	_ =	sdelay $0x3  }
0x37: {  	[smem:$0x3F93] =	sst s10  }
0x38: {  	s10 =	sld [smem:$0x3F94]  }
0x39: {  	_ = 	snop;
	(pc) =	sbr.ind lr, $3  }
0x3a: {  	_ = 	snop  }
0x3b: {  	_ = 	snop  }
0x3c: {  	p2 =	seq.s32 s10, $0x1;
	s10 =	sld [smem:$0x3F93]  }
0x3d: {  	_ =	shalt  }
0x3e: {  	_ =	shalt  }
0x3f: {  	_ =	shalt  }
0x40: {  	_ =	shalt  }
0x41: {  	_ =	shalt  }
0x42: {  	_ =	shalt  }
0x43: {  	_ =	shalt  }
0x44: {  	_ =	shalt  }
0x45: {  	_ =	shalt  }
0x46: {  	_ =	shalt  }
0x47: {  	_ =	shalt  }
0x48: {  	_ =	shalt  }
0x49: {  	_ =	shalt  }
0x4a: {  	_ =	shalt  }
0x4b: {  	_ =	shalt  }
0x4c: {  	_ =	shalt  }
0x4d: {  	_ =	shalt  }
0x4e: {  	_ =	shalt  }
0x4f: {  	_ =	shalt  }
0x50: {  	_ =	shalt  }
0x51: {  	_ =	shalt  }
0x52: {  	_ =	shalt  }
0x53: {  	_ =	shalt  }
0x54: {  	_ =	shalt  }
0x55: {  	_ =	shalt  }
0x56: {  	_ =	shalt  }
0x57: {  	_ =	shalt  }
0x58: {  	_ =	shalt  }
0x59: {  	_ =	shalt  }
0x5a: {  	_ =	shalt  }
0x5b: {  	_ =	shalt  }
0x5c: {  	_ =	shalt  }
0x5d: {  	_ =	shalt  }
0x5e: {  	_ =	shalt  }
0x5f: {  	_ =	shalt  }
0x60: {  	_ =	shalt  }
0x61: {  	_ =	shalt  }
0x62: {  	_ =	shalt  }
0x63: {  	_ =	shalt  }
0x64: {  	_ =	shalt  }
0x65: {  	_ =	shalt  }
0x66: {  	_ =	shalt  }
0x67: {  	_ =	shalt  }
0x68: {  	_ =	shalt  }
0x69: {  	_ =	shalt  }
0x6a: {  	_ =	shalt  }
0x6b: {  	_ =	shalt  }
0x6c: {  	_ =	shalt  }
0x6d: {  	_ =	shalt  }
0x6e: {  	_ =	shalt  }
0x6f: {  	_ =	shalt  }
0x70: {  	_ =	shalt  }
0x71: {  	_ =	shalt  }
0x72: {  	_ =	shalt  }
0x73: {  	_ =	shalt  }
0x74: {  	_ =	shalt  }
0x75: {  	_ =	shalt  }
0x76: {  	_ =	shalt  }
0x77: {  	_ =	shalt  }
0x78: {  	_ =	shalt  }
0x79: {  	_ =	shalt  }
0x7a: {  	_ =	shalt  }
0x7b: {  	_ =	shalt  }
0x7c: {  	_ =	shalt  }
0x7d: {  	_ =	shalt  }
0x7e: {  	_ =	shalt  }
0x7f: {  	_ =	shalt  }
0x80: {  	_ =	shalt  }
0x81: {  	_ =	shalt  }
0x82: {  	_ =	shalt  }
0x83: {  	_ =	shalt  }
0x84: {  	_ =	shalt  }
0x85: {  	_ =	shalt  }
0x86: {  	_ =	shalt  }
0x87: {  	_ =	shalt  }
.Lfunc_end0:
.L_simem_size_0:
called_computation.1_lowered:
.L_overlay_start_0:
0x88: {  	s2 =	sld [smem:$0x3FD9]  }
0x89: {  	s3 =	sld [smem:$0x3FFE];
	_ =	sdelay $0x1  }
0x8a: {  	s1 =	srdreg.scid  }
0x8b: {  	s0 =	sand.u32 $0x1, s1  }
0x8c: {  	s17 =	sshll.u32 s0, $0xA;
	s2 =	sadd.s32 s3, s2  }
0x8d: {  	s2 =	sadd.s32 s2, s17  }
0x8e: {  	[smem:$0x3F9F] =	sst s2  }
0x8f: {  	_ = 	snop  }
0x90: {  	s2 =	sld [smem:$0x3FD0];
	(tm) =	ssettm $0x1  }
0x91: {  	s18 =	sld [smem:$0x3FFB];
	_ =	sdelay $0x3  }
0x92: {  	_ =	strace s18  }
0x93: {  	s3 =	sld [smem:$0x3FFC];
	_ =	sdelay $0x3  }
0x94: {  	_ =	strace s3  }
0x95: {  	s3 =	sld [smem:$0x3FFD];
	_ =	sdelay $0x3  }
0x96: {  	_ =	strace s3  }
0x97: {  	_ =	strace $0x8FFFFFFF  }
0x98: {  	s19 =	sld [smem:$0x3FDB];
	_ =	sdelay $0x1  }
0x99: {  	s4 =	simm.s32 $_scs_section_size  }
0x9a: {  	s5 =	simm.s32 $_size__tile_overlayer_lowered;
	s6 =	simm.s32 $_tile_overlayer_lowered  }
0x9b: {  	s22 =	simm.s32 $0x1BFF;
	s21 =	sshll.u32 s6, $0x1;
	s3 =	sadd.s32 s4, s19  }
0x9c: {  	s7 =	simm.s32 $0x0;
	s20 =	sshll.u32 s5, $0x1;
	s5 =	sadd.s32 s21, s3  }
0x9d: {  	[timem:s7], [sflag:s22] =	dma.local [hbm:s5], s20  }
0x9e: {  	_ =	swait.ge [sflag:s22], s20  }
0x9f: {  	s4 =	ssub.s32 $0x0, s20;
	[sflag:s22] =	ssyncset.done $0x0  }
0xa0: {  	[sflag:s22] =	ssyncadd.s32 s4;
	_ =	sdelay $0x1  }
0xa1: {  	s23 =	simm.s32 $0x1B8B  }
0xa2: {  	_ =	swait.ge [sflag:s23], $0x1  }
0xa3: {  	[sflag:s23] =	ssyncset.done $0x0  }
0xa4: {  	s25 =	simm.s32 $0x1B8E;
	s24 =	sld [smem:$0x3FFE];
	[sflag:s23] =	ssyncadd.s32 $0xFFFFFFFF  }
0xa5: {  	s26 =	simm.s32 $execute0_lowered;
	[smem:$0x3FD2] =	sst s25  }
0xa6: {  	s5 =	sshll.u32 s26, $0x1;
	_ =	strace $0x80000049;
	[dreg:$0x1] =	wrdreg $0xFFFFFFFF  }
0xa7: {  	s28 =	simm.s32 $_size_execute0_lowered;
	s3 =	sadd.s32 s3, s5;
	[dreg:$0x0] =	wrdreg $0x0  }
0xa8: {  	s5 =	sshll.u32 s28, $0x1;
	[dreg:$0x2] =	wrdreg s3  }
0xa9: {  	[dreg:$0x3] =	wrdreg s5  }
0xaa: {  	[dreg:$0x4] =	wrdreg $0xC0  }
0xab: {  	_ =	task [dreg:s7], $0x5FFFF  }
0xac: {  	[dreg:$0x1] =	wrdreg $0xFFFFFFFF  }
0xad: {  	[dreg:$0x0] =	wrdreg $0x60  }
0xae: {  	[dreg:$0x2] =	wrdreg s24  }
0xaf: {  	[dreg:$0x3] =	wrdreg s2  }
0xb0: {  	[dreg:$0x4] =	wrdreg $0x9  }
0xb1: {  	_ =	task.clear_ibuf [dreg:s7], $0x5FFFF;
	_ =	strace $0x90000049  }
0xb2: {  	s29 =	simm.s32 $0x9;
	_ =	strace $0x8000004B  }
0xb3: {  	_ =	swait.ge [sflag:s29], $0x1  }
0xb4: {  	[sflag:s29] =	ssyncadd.s32 $0xFFFFFFFF  }
0xb5: {  	_ =	strace $0x9000004B  }
0xb6: {  	_ =	sfence  }
0xb7: {  	s30 =	sld [smem:$0x0];
	_ =	sdelay $0x2  }
0xb8: {  	s31 =	sshll.u32 s1, $0xD;
	s1 =	sshrl.u32 s1, $0x2  }
0xb9: {  	s3 =	sand.u32 $0x4000, s31;
	s1 =	sadd.s32 s1, s30  }
0xba: {  	s0 =	sor.u32 s3, s0;
	s1 =	sshll.u32 s1, $0x11  }
0xbb: {  	s0 =	sor.u32 s1, s0  }
0xbc: {  	s0 =	sadd.s32 $0x8F2B, s0  }
0xbd: {  	[sflag:s0] =	ssyncadd.remote.s32 $0x1  }
0xbe: {  	_ =	sfence.sel $0xFFFF  }
0xbf: {  	[dreg:$0x0] =	wrdreg $0xFFFFFFFF;
	(pc) =	sbr.abs _section_cstart, $3  }
0xc0: {  	[dreg:$0x1] =	wrdreg $0xFFFFFFFF  }
0xc1: {  	_ =	task.clear_ibuf [dreg:s7], $0x2FFFF;
	_ =	strace $0x9FFFFFFF  }
0xc2: {  	(tm) =	ssettm $0x7FFFFFFF  }
0xc3: {  	_ =	shalt  }
tec
execute0_lowered:
.L_overlay_start_1:
0x0: {  	(tag) =	ssettag $0x1  }
0x1: {  	s4 =	rddreg [dreg:$0x0]  }
0x2: {  	s5 =	rddreg [dreg:$0x1]  }
0x3: {  	s2 =	srdreg.scid;
	s0 =	rddreg [dreg:$0x2]  }
0x4: {  	s1 =	stileid.u32;
	s11 =	simm.s32 $0x1;
	s6 =	sand.u32 $0x1, s2  }
0x5: {  	s12 =	simm.s32 $0x8A20;
	s3 =	sshll.u32 s1, $0x6;
	s7 =	sshll.u32 s6, $0x5  }
0x6: {  	s13 =	simm.s32 $0x0;
	s2 =	simm.s32 $0x0;
	s7 =	sor.u32 s7, s3  }
0x7: {  	[smem:$0x7FF] =	sst s2;
	s6 =	ssub.s32 $0x2, s6;
	s8 =	smul.u32 $0xA, s7  }
0x8: {  	_ =	strace $0x8000004A;
	s10 =	sshrl.u32 s6, $0x1;
	s9 =	smul.u32 $0x18, s7  }
0x9: {  	s3 =	sadd.s32 $0x8800, s4;
	s7 =	sshrl.u32 s7, $0x3;
	s10 =	ssub.s32 s6, s10  }
0xa: {  	s8 =	sadd.s32 s8, s4;
	s9 =	sadd.s32 s9, s4;
	s4 =	sadd.s32 s5, s7  }
0xb: {  	s7 =	smax.u32 s10, $0x1;
	s10 =	simm.s32 $0xA20;
	s5 =	sadd.s32 $0x6000, s8  }
0xc: {  	s6 =	sadd.s32 $0x28800, s9;
	s8 =	simm.s32 $0x2;
	s9 =	simm.s32 $0x20  }
.LBB2_1:
0xd: {  	[tilespmem:s2], [sflag:$0x2] =	stream.linear.gather [hbm4b:s4+s2], $0x20, $0x38;
	[tilespmem:$0xA220] =	vst v63  }
0xe: {  	_ =	swait.ge [sflag:s8], $0x20  }
0xf: {  	[sflag:s8] =	ssyncset.done $0x0  }
0x10: {  	[sflag:s8] =	ssyncadd.s32 $0xFFFFFFE0  }
0x11: {  	[tilespmem:s10], [sflag:$0x1] =	stream.indirect.gather [hbm4b:s3+s9], $0x400, s2, s9, $0xb8;
	[tilespmem:$0xA220] =	vst v63  }
0x12: {  	_ = 	snop  }
0x13: {  	[tilespmem:s9], [sflag:$0x2] =	stream.linear.gather [hbm4b:s5+s2], $0xA00, $0x38;
	[tilespmem:$0xA220] =	vst v63  }
0x14: {  	_ =	swait.ge [sflag:s8], $0xA00  }
0x15: {  	[sflag:s8] =	ssyncset.done $0x0  }
0x16: {  	[sflag:s8] =	ssyncadd.s32 $0xFFFFF600  }
0x17: {  	_ =	swait.ge [sflag:s11], $0x8000  }
0x18: {  	[sflag:s11] =	ssyncset.done $0x0  }
0x19: {  	s14 =	simm.s32 $0xC00;
	[sflag:s11] =	ssyncadd.s32 $0xFFFF8000  }
0x1a: {  	v4 =	vld [tilespmem:s14+$0xFFFFFE20]  }
0x1b: {  	s15 =	simm.s32 $0x40;
	v5 =	vld [tilespmem:s14+$0xFFFFFEE0]  }
0x1c: {  	v1 =	vld [tilespmem:s15+$0xFFFFFFE0]  }
0x1d: {  	v2 =	vld [tilespmem:s15+$0xFFFFFFF0]  }
0x1e: {  	v6 =	vld [tilespmem:s14+$0xFFFFFFA0]  }
0x1f: {  	v0 =	vld [tilespmem:s15+$0x0]  }
0x20: {  	v7 =	vld [tilespmem:s14+$0x60]  }
0x21: {  	v3 =	vld [tilespmem:s15+$0x10]  }
0x22: {  	v9 =	vld [tilespmem:s14+$0x120];
	v8 =	vmul.f32 v4, v1;
	v5 =	vmul.f32 v5, v2  }
0x23: {  	v4 =	vld [tilespmem:s15+$0x20]  }
0x24: {  	v6 =	vmul.f32 v6, v0;
	v5 =	vadd.f32 v5, v8;
	_ =	sdelay $0x1  }
0x25: {  	v5 =	vadd.f32 v6, v5;
	v6 =	vmul.f32 v7, v3;
	_ =	sdelay $0x1  }
0x26: {  	v5 =	vadd.f32 v6, v5;
	v6 =	vmul.f32 v9, v4;
	_ =	sdelay $0x1  }
0x27: {  	v5 =	vadd.f32 v6, v5  }
0x28: {  	s15 =	simm.s32 $0x8A80  }
0x29: {  	[tilespmem:s15+$0xFFFFFFA0] =	vst v5  }
0x2a: {  	v5 =	vld [tilespmem:s14+$0xFFFFFE30]  }
0x2b: {  	v6 =	vld [tilespmem:s14+$0xFFFFFEF0];
	_ =	sdelay $0x1  }
0x2c: {  	v7 =	vld [tilespmem:s14+$0xFFFFFFB0];
	_ =	sdelay $0x1  }
0x2d: {  	v44 =	vld [tilespmem:s14+$0x70]  }
0x2e: {  	v5 =	vmul.f32 v5, v1;
	v6 =	vmul.f32 v6, v2  }
0x2f: {  	v45 =	vld [tilespmem:s14+$0x130]  }
0x30: {  	v5 =	vadd.f32 v6, v5;
	v6 =	vmul.f32 v7, v0;
	_ =	sdelay $0x1  }
0x31: {  	v5 =	vadd.f32 v6, v5;
	v6 =	vmul.f32 v44, v3;
	_ =	sdelay $0x1  }
0x32: {  	v5 =	vadd.f32 v6, v5;
	v6 =	vmul.f32 v45, v4;
	_ =	sdelay $0x1  }
0x33: {  	v5 =	vadd.f32 v6, v5;
	_ =	sdelay $0x1  }
0x34: {  	[tilespmem:s15+$0xFFFFFFB0] =	vst v5  }
0x35: {  	v5 =	vld [tilespmem:s14+$0xFFFFFE40]  }
0x36: {  	v6 =	vld [tilespmem:s14+$0xFFFFFF00];
	_ =	sdelay $0x1  }
0x37: {  	v7 =	vld [tilespmem:s14+$0xFFFFFFC0];
	_ =	sdelay $0x1  }
0x38: {  	v46 =	vld [tilespmem:s14+$0x80]  }
0x39: {  	v5 =	vmul.f32 v5, v1;
	v6 =	vmul.f32 v6, v2  }
0x3a: {  	v47 =	vld [tilespmem:s14+$0x140]  }
0x3b: {  	v5 =	vadd.f32 v6, v5;
	v6 =	vmul.f32 v7, v0;
	_ =	sdelay $0x1  }
0x3c: {  	v5 =	vadd.f32 v6, v5;
	v6 =	vmul.f32 v46, v3;
	_ =	sdelay $0x1  }
0x3d: {  	v5 =	vadd.f32 v6, v5;
	v6 =	vmul.f32 v47, v4;
	_ =	sdelay $0x1  }
0x3e: {  	v5 =	vadd.f32 v6, v5;
	_ =	sdelay $0x1  }
0x3f: {  	[tilespmem:s15+$0xFFFFFFC0] =	vst v5  }
0x40: {  	v5 =	vld [tilespmem:s14+$0xFFFFFE50]  }
0x41: {  	v6 =	vld [tilespmem:s14+$0xFFFFFF10];
	_ =	sdelay $0x1  }
0x42: {  	v7 =	vld [tilespmem:s14+$0xFFFFFFD0];
	_ =	sdelay $0x1  }
0x43: {  	v48 =	vld [tilespmem:s14+$0x90]  }
0x44: {  	v5 =	vmul.f32 v5, v1;
	v6 =	vmul.f32 v6, v2  }
0x45: {  	v49 =	vld [tilespmem:s14+$0x150]  }
0x46: {  	v5 =	vadd.f32 v6, v5;
	v6 =	vmul.f32 v7, v0;
	_ =	sdelay $0x1  }
0x47: {  	v5 =	vadd.f32 v6, v5;
	v6 =	vmul.f32 v48, v3;
	_ =	sdelay $0x1  }
0x48: {  	v5 =	vadd.f32 v6, v5;
	v6 =	vmul.f32 v49, v4;
	_ =	sdelay $0x1  }
0x49: {  	v5 =	vadd.f32 v6, v5;
	_ =	sdelay $0x1  }
0x4a: {  	[tilespmem:s15+$0xFFFFFFD0] =	vst v5  }
0x4b: {  	v5 =	vld [tilespmem:s14+$0xFFFFFE60]  }
0x4c: {  	v6 =	vld [tilespmem:s14+$0xFFFFFF20];
	_ =	sdelay $0x1  }
0x4d: {  	v7 =	vld [tilespmem:s14+$0xFFFFFFE0];
	_ =	sdelay $0x1  }
0x4e: {  	v50 =	vld [tilespmem:s14+$0xA0]  }
0x4f: {  	v5 =	vmul.f32 v5, v1;
	v6 =	vmul.f32 v6, v2  }
0x50: {  	v51 =	vld [tilespmem:s14+$0x160]  }
0x51: {  	v7 =	vmul.f32 v7, v0;
	v5 =	vadd.f32 v6, v5;
	_ =	sdelay $0x1  }
0x52: {  	v6 =	vmul.f32 v50, v3;
	v5 =	vadd.f32 v7, v5;
	_ =	sdelay $0x1  }
0x53: {  	v5 =	vadd.f32 v6, v5;
	v6 =	vmul.f32 v51, v4;
	_ =	sdelay $0x1  }
0x54: {  	v5 =	vadd.f32 v6, v5;
	_ =	sdelay $0x1  }
0x55: {  	[tilespmem:s15+$0xFFFFFFE0] =	vst v5  }
0x56: {  	v5 =	vld [tilespmem:s14+$0xFFFFFE70]  }
0x57: {  	v6 =	vld [tilespmem:s14+$0xFFFFFF30];
	_ =	sdelay $0x1  }
0x58: {  	v7 =	vld [tilespmem:s14+$0xFFFFFFF0];
	_ =	sdelay $0x1  }
0x59: {  	v52 =	vld [tilespmem:s14+$0xB0]  }
0x5a: {  	v5 =	vmul.f32 v5, v1;
	v6 =	vmul.f32 v6, v2  }
0x5b: {  	v53 =	vld [tilespmem:s14+$0x170]  }
0x5c: {  	v7 =	vmul.f32 v7, v0;
	v5 =	vadd.f32 v6, v5;
	_ =	sdelay $0x1  }
0x5d: {  	v6 =	vmul.f32 v52, v3;
	v5 =	vadd.f32 v7, v5;
	_ =	sdelay $0x1  }
0x5e: {  	v5 =	vadd.f32 v6, v5;
	v6 =	vmul.f32 v53, v4;
	_ =	sdelay $0x1  }
0x5f: {  	v5 =	vadd.f32 v6, v5;
	_ =	sdelay $0x1  }
0x60: {  	[tilespmem:s15+$0xFFFFFFF0] =	vst v5  }
0x61: {  	v5 =	vld [tilespmem:s14+$0xFFFFFE80]  }
0x62: {  	v6 =	vld [tilespmem:s14+$0xFFFFFF40];
	_ =	sdelay $0x1  }
0x63: {  	v7 =	vld [tilespmem:s14+$0x0];
	_ =	sdelay $0x1  }
0x64: {  	v54 =	vld [tilespmem:s14+$0xC0]  }
0x65: {  	v5 =	vmul.f32 v5, v1;
	v6 =	vmul.f32 v6, v2  }
0x66: {  	v55 =	vld [tilespmem:s14+$0x180]  }
0x67: {  	v7 =	vmul.f32 v7, v0;
	v5 =	vadd.f32 v6, v5;
	_ =	sdelay $0x1  }
0x68: {  	v6 =	vmul.f32 v54, v3;
	v5 =	vadd.f32 v7, v5;
	_ =	sdelay $0x1  }
0x69: {  	v5 =	vadd.f32 v6, v5;
	v6 =	vmul.f32 v55, v4;
	_ =	sdelay $0x1  }
0x6a: {  	v5 =	vadd.f32 v6, v5;
	_ =	sdelay $0x1  }
0x6b: {  	[tilespmem:s15+$0x0] =	vst v5  }
0x6c: {  	v5 =	vld [tilespmem:s14+$0xFFFFFE90]  }
0x6d: {  	v6 =	vld [tilespmem:s14+$0xFFFFFF50];
	_ =	sdelay $0x1  }
0x6e: {  	v7 =	vld [tilespmem:s14+$0x10];
	_ =	sdelay $0x1  }
0x6f: {  	v56 =	vld [tilespmem:s14+$0xD0]  }
0x70: {  	v5 =	vmul.f32 v5, v1;
	v6 =	vmul.f32 v6, v2  }
0x71: {  	v57 =	vld [tilespmem:s14+$0x190]  }
0x72: {  	v5 =	vadd.f32 v6, v5;
	v6 =	vmul.f32 v7, v0;
	_ =	sdelay $0x1  }
0x73: {  	v7 =	vmul.f32 v56, v3;
	v5 =	vadd.f32 v6, v5;
	_ =	sdelay $0x1  }
0x74: {  	v6 =	vmul.f32 v57, v4;
	v5 =	vadd.f32 v7, v5;
	_ =	sdelay $0x1  }
0x75: {  	v5 =	vadd.f32 v6, v5;
	_ =	sdelay $0x1  }
0x76: {  	[tilespmem:s15+$0x10] =	vst v5  }
0x77: {  	v5 =	vld [tilespmem:s14+$0xFFFFFEA0]  }
0x78: {  	v6 =	vld [tilespmem:s14+$0xFFFFFF60];
	_ =	sdelay $0x1  }
0x79: {  	v7 =	vld [tilespmem:s14+$0x20];
	_ =	sdelay $0x1  }
0x7a: {  	v58 =	vld [tilespmem:s14+$0xE0]  }
0x7b: {  	v5 =	vmul.f32 v5, v1;
	v6 =	vmul.f32 v6, v2  }
0x7c: {  	v59 =	vld [tilespmem:s14+$0x1A0]  }
0x7d: {  	v5 =	vadd.f32 v6, v5;
	v6 =	vmul.f32 v7, v0;
	_ =	sdelay $0x1  }
0x7e: {  	v5 =	vadd.f32 v6, v5;
	v6 =	vmul.f32 v58, v3;
	_ =	sdelay $0x1  }
0x7f: {  	v7 =	vmul.f32 v59, v4;
	v5 =	vadd.f32 v6, v5;
	_ =	sdelay $0x1  }
0x80: {  	v5 =	vadd.f32 v7, v5;
	_ =	sdelay $0x1  }
0x81: {  	[tilespmem:s15+$0x20] =	vst v5  }
0x82: {  	v5 =	vld [tilespmem:s14+$0xFFFFFEB0]  }
0x83: {  	v6 =	vld [tilespmem:s14+$0xFFFFFF70];
	_ =	sdelay $0x1  }
0x84: {  	v7 =	vld [tilespmem:s14+$0x30];
	_ =	sdelay $0x1  }
0x85: {  	v60 =	vld [tilespmem:s14+$0xF0]  }
0x86: {  	v5 =	vmul.f32 v5, v1;
	v6 =	vmul.f32 v6, v2  }
0x87: {  	v61 =	vld [tilespmem:s14+$0x1B0]  }
0x88: {  	v7 =	vmul.f32 v7, v0;
	v5 =	vadd.f32 v6, v5;
	_ =	sdelay $0x1  }
0x89: {  	v6 =	vmul.f32 v60, v3;
	v5 =	vadd.f32 v7, v5;
	_ =	sdelay $0x1  }
0x8a: {  	v7 =	vmul.f32 v61, v4;
	v5 =	vadd.f32 v6, v5;
	_ =	sdelay $0x1  }
0x8b: {  	v5 =	vadd.f32 v7, v5;
	_ =	sdelay $0x1  }
0x8c: {  	[tilespmem:s15+$0x30] =	vst v5  }
0x8d: {  	v5 =	vld [tilespmem:s14+$0xFFFFFEC0]  }
0x8e: {  	v6 =	vld [tilespmem:s14+$0xFFFFFF80];
	_ =	sdelay $0x1  }
0x8f: {  	v7 =	vld [tilespmem:s14+$0x40];
	_ =	sdelay $0x1  }
0x90: {  	v62 =	vld [tilespmem:s14+$0x100]  }
0x91: {  	v5 =	vmul.f32 v5, v1;
	v6 =	vmul.f32 v6, v2  }
0x92: {  	v63 =	vld [tilespmem:s14+$0x1C0]  }
0x93: {  	v7 =	vmul.f32 v7, v0;
	v5 =	vadd.f32 v6, v5;
	_ =	sdelay $0x1  }
0x94: {  	v6 =	vmul.f32 v62, v3;
	v5 =	vadd.f32 v7, v5;
	_ =	sdelay $0x1  }
0x95: {  	v7 =	vmul.f32 v63, v4;
	v5 =	vadd.f32 v6, v5;
	_ =	sdelay $0x1  }
0x96: {  	v5 =	vadd.f32 v7, v5;
	_ =	sdelay $0x1  }
0x97: {  	[tilespmem:s15+$0x40] =	vst v5  }
0x98: {  	s17 =	simm.s32 $0x240;
	s18 =	simm.s32 $0xC00;
	s16 =	simm.s32 $0x8A80;
	v5 =	vld [tilespmem:s14+$0xFFFFFED0]  }
.LBB2_2:
0x99: {  	p0 =	sne.s32 s17, $0x27C0;
	v6 =	vld [tilespmem:s14+$0xFFFFFF90];
	s15 =	sadd.s32 $0xC0, s15;
	s18 =	sadd.s32 $0x400, s18  }
0x9a: {  	s19 =	smov.u32 s17;
	s17 =	sadd.s32 $0x140, s17;
	v7 =	vld [tilespmem:s14+$0x50]  }
0x9b: {  	v8 =	vld [tilespmem:s14+$0x110]  }
0x9c: {  	v9 =	vld [tilespmem:s14+$0x1D0];
	s14 =	smov.u32 s18  }
0x9d: {  	v1 =	vmul.f32 v5, v1  }
0x9e: {  	v2 =	vmul.f32 v6, v2  }
0x9f: {  	v0 =	vmul.f32 v7, v0  }
0xa0: {  	v1 =	vadd.f32 v2, v1;
	v2 =	vmul.f32 v8, v3  }
0xa1: {  	v3 =	vmul.f32 v9, v4  }
0xa2: {  	v0 =	vadd.f32 v0, v1;
	_ =	sdelay $0x1  }
0xa3: {  	v0 =	vadd.f32 v2, v0;
	_ =	sdelay $0x1  }
0xa4: {  	v0 =	vadd.f32 v3, v0;
	_ =	sdelay $0x1  }
0xa5: {  	[tilespmem:s16+$0x50] =	vst v0;
	s16 =	smov.u32 s15  }
0xa6: {  	v4 =	vld [tilespmem:s18+$0xFFFFFFA0]  }
0xa7: {  	s19 =	sshra.s32 s19, $0x2;
	v5 =	vld [tilespmem:s18+$0xFFFFFE20]  }
0xa8: {  	v6 =	vld [tilespmem:s18+$0xFFFFFEE0]  }
0xa9: {  	v0 =	vld [tilespmem:s19+$0x0]  }
0xaa: {  	v1 =	vld [tilespmem:s19+$0xFFFFFFE0]  }
0xab: {  	v2 =	vld [tilespmem:s19+$0xFFFFFFF0];
	_ =	sdelay $0x2  }
0xac: {  	v7 =	vld [tilespmem:s18+$0x60]  }
0xad: {  	v8 =	vmul.f32 v4, v0;
	v3 =	vld [tilespmem:s19+$0x10];
	v5 =	vmul.f32 v5, v1  }
0xae: {  	v4 =	vld [tilespmem:s19+$0x20];
	v6 =	vmul.f32 v6, v2  }
0xaf: {  	v9 =	vld [tilespmem:s18+$0x120]  }
0xb0: {  	v5 =	vadd.f32 v6, v5;
	_ =	sdelay $0x1  }
0xb1: {  	v5 =	vadd.f32 v8, v5;
	v6 =	vmul.f32 v7, v3;
	_ =	sdelay $0x1  }
0xb2: {  	v5 =	vadd.f32 v6, v5;
	v6 =	vmul.f32 v9, v4;
	_ =	sdelay $0x1  }
0xb3: {  	v5 =	vadd.f32 v6, v5;
	_ =	sdelay $0x1  }
0xb4: {  	[tilespmem:s15+$0xFFFFFFA0] =	vst v5  }
0xb5: {  	v5 =	vld [tilespmem:s18+$0xFFFFFE30];
	_ =	sdelay $0x1  }
0xb6: {  	v6 =	vld [tilespmem:s18+$0xFFFFFEF0];
	_ =	sdelay $0x1  }
0xb7: {  	v7 =	vld [tilespmem:s18+$0xFFFFFFB0]  }
0xb8: {  	v5 =	vmul.f32 v5, v1  }
0xb9: {  	v8 =	vld [tilespmem:s18+$0x70]  }
0xba: {  	v6 =	vmul.f32 v6, v2  }
0xbb: {  	v9 =	vld [tilespmem:s18+$0x130]  }
0xbc: {  	v5 =	vadd.f32 v6, v5;
	v6 =	vmul.f32 v7, v0;
	_ =	sdelay $0x1  }
0xbd: {  	v5 =	vadd.f32 v6, v5;
	v6 =	vmul.f32 v8, v3;
	_ =	sdelay $0x1  }
0xbe: {  	v5 =	vadd.f32 v6, v5;
	v6 =	vmul.f32 v9, v4;
	_ =	sdelay $0x1  }
0xbf: {  	v5 =	vadd.f32 v6, v5;
	_ =	sdelay $0x1  }
0xc0: {  	[tilespmem:s15+$0xFFFFFFB0] =	vst v5  }
0xc1: {  	v5 =	vld [tilespmem:s18+$0xFFFFFE40]  }
0xc2: {  	v6 =	vld [tilespmem:s18+$0xFFFFFF00];
	_ =	sdelay $0x1  }
0xc3: {  	v7 =	vld [tilespmem:s18+$0xFFFFFFC0];
	_ =	sdelay $0x1  }
0xc4: {  	v5 =	vmul.f32 v5, v1;
	v8 =	vld [tilespmem:s18+$0x80]  }
0xc5: {  	v6 =	vmul.f32 v6, v2  }
0xc6: {  	v9 =	vld [tilespmem:s18+$0x140]  }
0xc7: {  	v5 =	vadd.f32 v6, v5;
	v6 =	vmul.f32 v7, v0;
	_ =	sdelay $0x1  }
0xc8: {  	v5 =	vadd.f32 v6, v5;
	v6 =	vmul.f32 v8, v3;
	_ =	sdelay $0x1  }
0xc9: {  	v5 =	vadd.f32 v6, v5;
	v6 =	vmul.f32 v9, v4;
	_ =	sdelay $0x1  }
0xca: {  	v5 =	vadd.f32 v6, v5;
	_ =	sdelay $0x1  }
0xcb: {  	[tilespmem:s15+$0xFFFFFFC0] =	vst v5  }
0xcc: {  	v5 =	vld [tilespmem:s18+$0xFFFFFE50]  }
0xcd: {  	v6 =	vld [tilespmem:s18+$0xFFFFFF10];
	_ =	sdelay $0x1  }
0xce: {  	v7 =	vld [tilespmem:s18+$0xFFFFFFD0];
	_ =	sdelay $0x1  }
0xcf: {  	v5 =	vmul.f32 v5, v1;
	v8 =	vld [tilespmem:s18+$0x90]  }
0xd0: {  	v6 =	vmul.f32 v6, v2  }
0xd1: {  	v9 =	vld [tilespmem:s18+$0x150]  }
0xd2: {  	v5 =	vadd.f32 v6, v5;
	v6 =	vmul.f32 v7, v0;
	_ =	sdelay $0x1  }
0xd3: {  	v5 =	vadd.f32 v6, v5;
	v6 =	vmul.f32 v8, v3;
	_ =	sdelay $0x1  }
0xd4: {  	v5 =	vadd.f32 v6, v5;
	v6 =	vmul.f32 v9, v4;
	_ =	sdelay $0x1  }
0xd5: {  	v5 =	vadd.f32 v6, v5;
	_ =	sdelay $0x1  }
0xd6: {  	[tilespmem:s15+$0xFFFFFFD0] =	vst v5  }
0xd7: {  	v5 =	vld [tilespmem:s18+$0xFFFFFE60]  }
0xd8: {  	v6 =	vld [tilespmem:s18+$0xFFFFFF20]  }
0xd9: {  	v7 =	vld [tilespmem:s18+$0xFFFFFFE0]  }
0xda: {  	v8 =	vld [tilespmem:s18+$0xA0];
	_ =	sdelay $0x1  }
0xdb: {  	v5 =	vmul.f32 v5, v1  }
0xdc: {  	v6 =	vmul.f32 v6, v2  }
0xdd: {  	v7 =	vmul.f32 v7, v0;
	v9 =	vld [tilespmem:s18+$0x160]  }
0xde: {  	v5 =	vadd.f32 v6, v5;
	v6 =	vmul.f32 v8, v3;
	_ =	sdelay $0x1  }
0xdf: {  	v5 =	vadd.f32 v7, v5;
	_ =	sdelay $0x1  }
0xe0: {  	v5 =	vadd.f32 v6, v5;
	v6 =	vmul.f32 v9, v4;
	_ =	sdelay $0x1  }
0xe1: {  	v5 =	vadd.f32 v6, v5;
	_ =	sdelay $0x1  }
0xe2: {  	[tilespmem:s15+$0xFFFFFFE0] =	vst v5  }
0xe3: {  	v5 =	vld [tilespmem:s18+$0xFFFFFE70]  }
0xe4: {  	v6 =	vld [tilespmem:s18+$0xFFFFFF30]  }
0xe5: {  	v7 =	vld [tilespmem:s18+$0xFFFFFFF0]  }
0xe6: {  	v8 =	vld [tilespmem:s18+$0xB0];
	_ =	sdelay $0x1  }
0xe7: {  	v5 =	vmul.f32 v5, v1  }
0xe8: {  	v6 =	vmul.f32 v6, v2  }
0xe9: {  	v7 =	vmul.f32 v7, v0;
	v9 =	vld [tilespmem:s18+$0x170]  }
0xea: {  	v5 =	vadd.f32 v6, v5;
	v6 =	vmul.f32 v8, v3;
	_ =	sdelay $0x1  }
0xeb: {  	v5 =	vadd.f32 v7, v5;
	_ =	sdelay $0x1  }
0xec: {  	v5 =	vadd.f32 v6, v5;
	v6 =	vmul.f32 v9, v4;
	_ =	sdelay $0x1  }
0xed: {  	v5 =	vadd.f32 v6, v5;
	_ =	sdelay $0x1  }
0xee: {  	[tilespmem:s15+$0xFFFFFFF0] =	vst v5  }
0xef: {  	v5 =	vld [tilespmem:s18+$0xFFFFFE80]  }
0xf0: {  	v6 =	vld [tilespmem:s18+$0xFFFFFF40]  }
0xf1: {  	v7 =	vld [tilespmem:s18+$0x0];
	_ =	sdelay $0x2  }
0xf2: {  	v5 =	vmul.f32 v5, v1;
	v8 =	vld [tilespmem:s18+$0xC0]  }
0xf3: {  	v6 =	vmul.f32 v6, v2  }
0xf4: {  	v7 =	vmul.f32 v7, v0;
	v9 =	vld [tilespmem:s18+$0x180]  }
0xf5: {  	v5 =	vadd.f32 v6, v5;
	_ =	sdelay $0x1  }
0xf6: {  	v5 =	vadd.f32 v7, v5;
	v6 =	vmul.f32 v8, v3;
	_ =	sdelay $0x1  }
0xf7: {  	v5 =	vadd.f32 v6, v5;
	v6 =	vmul.f32 v9, v4;
	_ =	sdelay $0x1  }
0xf8: {  	v5 =	vadd.f32 v6, v5;
	_ =	sdelay $0x1  }
0xf9: {  	[tilespmem:s15+$0x0] =	vst v5  }
0xfa: {  	v5 =	vld [tilespmem:s18+$0xFFFFFE90]  }
0xfb: {  	v6 =	vld [tilespmem:s18+$0xFFFFFF50]  }
0xfc: {  	v7 =	vld [tilespmem:s18+$0xD0]  }
0xfd: {  	v8 =	vld [tilespmem:s18+$0x10]  }
0xfe: {  	v9 =	vld [tilespmem:s18+$0x190]  }
0xff: {  	v5 =	vmul.f32 v5, v1  }
0x100: {  	v6 =	vmul.f32 v6, v2  }
0x101: {  	v7 =	vmul.f32 v7, v3  }
0x102: {  	v5 =	vadd.f32 v6, v5;
	v6 =	vmul.f32 v8, v0  }
0x103: {  	v8 =	vmul.f32 v9, v4  }
0x104: {  	v5 =	vadd.f32 v6, v5;
	_ =	sdelay $0x1  }
0x105: {  	v5 =	vadd.f32 v7, v5;
	_ =	sdelay $0x1  }
0x106: {  	v5 =	vadd.f32 v8, v5;
	_ =	sdelay $0x1  }
0x107: {  	[tilespmem:s15+$0x10] =	vst v5  }
0x108: {  	v5 =	vld [tilespmem:s18+$0xFFFFFEA0]  }
0x109: {  	v6 =	vld [tilespmem:s18+$0xFFFFFF60]  }
0x10a: {  	v7 =	vld [tilespmem:s18+$0xE0]  }
0x10b: {  	v8 =	vld [tilespmem:s18+$0x20]  }
0x10c: {  	v9 =	vld [tilespmem:s18+$0x1A0]  }
0x10d: {  	v5 =	vmul.f32 v5, v1  }
0x10e: {  	v6 =	vmul.f32 v6, v2;
	_ =	sdelay $0x1  }
0x10f: {  	v5 =	vadd.f32 v6, v5;
	v6 =	vmul.f32 v8, v0  }
0x110: {  	v8 =	vmul.f32 v9, v4  }
0x111: {  	v5 =	vadd.f32 v6, v5;
	v6 =	vmul.f32 v7, v3;
	_ =	sdelay $0x1  }
0x112: {  	v5 =	vadd.f32 v6, v5;
	_ =	sdelay $0x1  }
0x113: {  	v5 =	vadd.f32 v8, v5;
	_ =	sdelay $0x1  }
0x114: {  	[tilespmem:s15+$0x20] =	vst v5  }
0x115: {  	v5 =	vld [tilespmem:s18+$0xFFFFFEB0]  }
0x116: {  	v6 =	vld [tilespmem:s18+$0xFFFFFF70]  }
0x117: {  	v7 =	vld [tilespmem:s18+$0x30]  }
0x118: {  	v8 =	vld [tilespmem:s18+$0xF0]  }
0x119: {  	v9 =	vld [tilespmem:s18+$0x1B0]  }
0x11a: {  	v5 =	vmul.f32 v5, v1  }
0x11b: {  	v6 =	vmul.f32 v6, v2  }
0x11c: {  	v7 =	vmul.f32 v7, v0  }
0x11d: {  	v5 =	vadd.f32 v6, v5;
	v6 =	vmul.f32 v8, v3  }
0x11e: {  	v8 =	vmul.f32 v9, v4  }
0x11f: {  	v5 =	vadd.f32 v7, v5;
	_ =	sdelay $0x1  }
0x120: {  	v5 =	vadd.f32 v6, v5;
	_ =	sdelay $0x1  }
0x121: {  	v5 =	vadd.f32 v8, v5;
	_ =	sdelay $0x1  }
0x122: {  	[tilespmem:s15+$0x30] =	vst v5  }
0x123: {  	v5 =	vld [tilespmem:s18+$0xFFFFFEC0]  }
0x124: {  	v6 =	vld [tilespmem:s18+$0xFFFFFF80]  }
0x125: {  	v7 =	vld [tilespmem:s18+$0x40]  }
0x126: {  	v8 =	vld [tilespmem:s18+$0x100]  }
0x127: {  	v9 =	vld [tilespmem:s18+$0x1C0]  }
0x128: {  	v5 =	vmul.f32 v5, v1  }
0x129: {  	v6 =	vmul.f32 v6, v2  }
0x12a: {  	v7 =	vmul.f32 v7, v0  }
0x12b: {  	v5 =	vadd.f32 v6, v5;
	v6 =	vmul.f32 v8, v3  }
0x12c: {  	v8 =	vmul.f32 v9, v4  }
0x12d: {  	v5 =	vadd.f32 v7, v5;
	_ =	sdelay $0x1  }
0x12e: {  	v5 =	vadd.f32 v6, v5  }
.Ltmp0:
0x12f: {  	(pc) =	sbr.rel @p0 .LBB2_2-.Ltmp0, $3  }
0x130: {  	v5 =	vadd.f32 v8, v5;
	_ =	sdelay $0x1  }
0x131: {  	[tilespmem:s15+$0x40] =	vst v5  }
0x132: {  	v5 =	vld [tilespmem:s18+$0xFFFFFED0]  }
0x133: {  	v6 =	vld [tilespmem:s14+$0xFFFFFF90];
	_ =	sdelay $0x1  }
0x134: {  	v7 =	vld [tilespmem:s14+$0x50];
	_ =	sdelay $0x1  }
0x135: {  	v8 =	vld [tilespmem:s14+$0x110]  }
0x136: {  	v1 =	vmul.f32 v5, v1;
	v2 =	vmul.f32 v6, v2  }
0x137: {  	v61 =	vld [tilespmem:s14+$0x1D0]  }
0x138: {  	v0 =	vmul.f32 v7, v0;
	v1 =	vadd.f32 v2, v1;
	_ =	sdelay $0x1  }
0x139: {  	v62 =	vmul.f32 v8, v3;
	v0 =	vadd.f32 v0, v1;
	_ =	sdelay $0x1  }
0x13a: {  	v63 =	vmul.f32 v61, v4;
	v0 =	vadd.f32 v62, v0;
	_ =	sdelay $0x1  }
0x13b: {  	s13 =	sadd.s32 $0x1, s13;
	v0 =	vadd.f32 v63, v0  }
0x13c: {  	p0 =	sne.s32 s13, s7  }
.Ltmp1:
0x13d: {  	[tilespmem:s16+$0x50] =	vst v0;
	(pc) =	sbr.rel @p0 .LBB2_1-.Ltmp1, $4  }
0x13e: {  	[hbm4b:s6+s2] =	stream.linear.scatter [tilespmem:s12], [sflag:$0x2], $0x1800, $0x38;
	[tilespmem:$0xA220] =	vst v63  }
0x13f: {  	_ =	swait.ge [sflag:s8], $0x1800  }
0x140: {  	[sflag:s8] =	ssyncset.done $0x0  }
0x141: {  	[sflag:s8] =	ssyncadd.s32 $0xFFFFE800  }
0x142: {  	_ =	sfence.sel $0x180000  }
0x143: {  	[bflag:$0x0] =	sbarrier.arrive $0xFFFF  }
0x144: {  	p0 =	sne.s32 s1, $0x0;
	_ =	strace $0x9000004A  }
0x145: {  	s0 =	sadd.s32 @!p0 $0x100000, s0;
	[bflag:$0x2] =	sbarrier.arrive $0xFFFF  }
0x146: {  	[sflag:s0] =	ssyncadd.tile.s32 @!p0 $0x1;
	_ =	shalt  }
.Lfunc_end2:
_tile_overlayer_lowered:
.L_overlay_start_2:
0x147: {  	(tag) =	ssettag $0x2  }
0x148: {  	s0 =	rddreg [dreg:$0x0];
	s2 =	stileid.u32  }
0x149: {  	s1 =	rddreg [dreg:$0x1];
	p0 =	sne.s32 s2, $0x0  }
0x14a: {  	s3 =	rddreg [dreg:$0x2];
	[bflag:$0x3] =	sbarrier.arrive $0xFFFF;
	s2 =	simm.s32 @!p0 $0x1C02  }
0x14b: {  	[timem:s3], [sflag:s2] =	dma.local @!p0 [hbm:s0], s1  }
0x14c: {  	s0 =	simm.s32 @!p0 $0x2  }
0x14d: {  	_ =	swait.ge @!p0 [sflag:s0], s1  }
0x14e: {  	s1 =	ssub.s32 @!p0 $0x0, s1;
	[sflag:s0] =	ssyncset.done @!p0 $0x0  }
0x14f: {  	[sflag:s0] =	ssyncadd.s32 @!p0 s1  }
0x150: {  	[bflag:$0x3] =	sbarrier.arrive $0xFFFF  }
0x151: {  	_ =	shalt  }

// kernel: kernel.21.cloned.1.call-start
scs
__scs_entry_jumppad:
0x0: {  	(pc) =	sbr.rel $0x88, $3  }
0x1: {  	(tag) =	ssettag $0x0;
	lr =	simm.s32 $0x1  }
0x2: {  	[smem:$0x3F78] =	sst lr;
	_ =	strace $0xD0000000  }
0x3: {  	_ = 	snop  }
0x4: {  	_ = 	snop  }
0x5: {  	_ = 	snop  }
0x6: {  	_ = 	snop  }
0x7: {  	_ = 	snop  }
__scs_overlays_trampoline_lowered:
0x8: {  	[smem:$0x3F87] =	sst s0  }
0x9: {  	[smem:$0x3F88] =	sst s1  }
0xa: {  	[smem:$0x3F89] =	sst s2  }
0xb: {  	[smem:$0x3F8A] =	sst s3  }
0xc: {  	[smem:$0x3F8B] =	sst s4  }
0xd: {  	[smem:$0x3F8C] =	sst s5  }
0xe: {  	[smem:$0x3F8D] =	sst s6  }
0xf: {  	[smem:$0x3F8E] =	sst s7  }
0x10: {  	[smem:$0x3F8F] =	sst s8  }
0x11: {  	[smem:$0x3F90] =	sst s9;
	s0 =	simm.s32 @!p0 $0x0  }
0x12: {  	s1 =	sld [smem:$0x3F76];
	s0 =	simm.s32 @p0 $0x1  }
0x13: {  	[smem:$0x3F91] =	sst s0;
	s0 =	simm.s32 @!p1 $0x0  }
0x14: {  	s2 =	sld [smem:$0x3F75];
	s0 =	simm.s32 @p1 $0x1  }
0x15: {  	[smem:$0x3F92] =	sst s0;
	s0 =	simm.s32 @!p2 $0x0  }
0x16: {  	s3 =	sld [smem:$0x3FDB];
	s0 =	simm.s32 @p2 $0x1  }
0x17: {  	s4 =	simm.s32 $0x1BF5;
	[smem:$0x3F94] =	sst s0  }
0x18: {  	s0 =	sld [smem:$0x3F77];
	_ =	swait.ge [sflag:s4], $0x0  }
0x19: {  	s7 =	sld [smem:$0x3F78]  }
0x1a: {  	s8 =	sadd.s32 $0xFFFFE003, lr  }
0x1b: {  	s9 =	sadd.s32 $0xFFFFFEF7, lr;
	s5 =	simm.s32 $0xFFFFFFFF;
	p2 =	slt.u32 s8, $0xFFFFF086  }
0x1c: {  	p1 =	slt.u32 s9, $0xF7A;
	s5 =	simm.s32 @!p2 $0x0  }
0x1d: {  	s5 =	simm.s32 @p1 $0x1;
	p0 =	seq.s32 s7, s2  }
0x1e: {  	s7 =	smul.u32 @!p0 $0xF7A, s2;
	p2 =	seq.s32 @!p0 s5, $0x0  }
0x1f: {  	s9 =	smul.u32 $0xF7A, s1;
	s8 =	simm.s32 @!p0 $0x1BF5;
	p2 =	por !p2, p0  }
0x20: {  	[sflag:s8] =	ssyncset.s32 @!p0 $0xFFFFF086;
	s6 =	sadd.s32 @!p0 s3, s7;
	s7 =	simm.s32 @!p0 $0x108  }
0x21: {  	s3 =	sadd.s32 s3, s9;
	s6 =	sadd.s32 @!p0 $0x88, s6;
	s7 =	simm.s32 @p2 $0x1082  }
0x22: {  	[simem:s7], [sflag:s8] =	dma.local @!p0 [hbm:s6], $0xF7A  }
0x23: {  	s9 =	sor.u32 $0xD0000000, s2;
	s6 =	simm.s32 $0x108;
	_ =	swait.ge @!p0 [sflag:s8], $0x0  }
0x24: {  	s3 =	sadd.s32 $0x88, s3;
	s6 =	simm.s32 @!p1 $0x1082;
	[sflag:s4] =	ssyncset.s32 $0xFFFFF086  }
0x25: {  	[simem:s6], [sflag:s4] =	dma.local [hbm:s3], $0xF7A  }
0x26: {  	[smem:$0x3F78] =	sst s1;
	(tag) =	ssettag s2;
	_ =	strace s9  }
0x27: {  	s1 =	sld [smem:$0x3F88]  }
0x28: {  	s2 =	sld [smem:$0x3F89]  }
0x29: {  	s4 =	sld [smem:$0x3F8B]  }
0x2a: {  	p0 =	seq.s32 s5, $0x0;
	s5 =	sld [smem:$0x3F8C]  }
0x2b: {  	s6 =	sld [smem:$0x3F8D]  }
0x2c: {  	s7 =	sld [smem:$0x3F8E]  }
0x2d: {  	s3 =	simm.s32 $0x108;
	s8 =	sld [smem:$0x3F8F]  }
0x2e: {  	s3 =	simm.s32 @!p0 $0x1082;
	s9 =	sld [smem:$0x3F90]  }
0x2f: {  	lr =	sadd.s32 s0, s3;
	s0 =	sld [smem:$0x3F87]  }
0x30: {  	s3 =	sld [smem:$0x3F8A]  }
0x31: {  	[smem:$0x3F93] =	sst s10  }
0x32: {  	s10 =	sld [smem:$0x3F91];
	_ =	sdelay $0x3  }
0x33: {  	p0 =	seq.s32 s10, $0x1;
	s10 =	sld [smem:$0x3F93];
	_ =	sdelay $0x3  }
0x34: {  	[smem:$0x3F93] =	sst s10  }
0x35: {  	s10 =	sld [smem:$0x3F92];
	_ =	sdelay $0x3  }
0x36: {  	p1 =	seq.s32 s10, $0x1;
	s10 =	sld [smem:$0x3F93];
	_ =	sdelay $0x3  }
0x37: {  	[smem:$0x3F93] =	sst s10  }
0x38: {  	s10 =	sld [smem:$0x3F94]  }
0x39: {  	_ = 	snop;
	(pc) =	sbr.ind lr, $3  }
0x3a: {  	_ = 	snop  }
0x3b: {  	_ = 	snop  }
0x3c: {  	p2 =	seq.s32 s10, $0x1;
	s10 =	sld [smem:$0x3F93]  }
0x3d: {  	_ =	shalt  }
0x3e: {  	_ =	shalt  }
0x3f: {  	_ =	shalt  }
0x40: {  	_ =	shalt  }
0x41: {  	_ =	shalt  }
0x42: {  	_ =	shalt  }
0x43: {  	_ =	shalt  }
0x44: {  	_ =	shalt  }
0x45: {  	_ =	shalt  }
0x46: {  	_ =	shalt  }
0x47: {  	_ =	shalt  }
0x48: {  	_ =	shalt  }
0x49: {  	_ =	shalt  }
0x4a: {  	_ =	shalt  }
0x4b: {  	_ =	shalt  }
0x4c: {  	_ =	shalt  }
0x4d: {  	_ =	shalt  }
0x4e: {  	_ =	shalt  }
0x4f: {  	_ =	shalt  }
0x50: {  	_ =	shalt  }
0x51: {  	_ =	shalt  }
0x52: {  	_ =	shalt  }
0x53: {  	_ =	shalt  }
0x54: {  	_ =	shalt  }
0x55: {  	_ =	shalt  }
0x56: {  	_ =	shalt  }
0x57: {  	_ =	shalt  }
0x58: {  	_ =	shalt  }
0x59: {  	_ =	shalt  }
0x5a: {  	_ =	shalt  }
0x5b: {  	_ =	shalt  }
0x5c: {  	_ =	shalt  }
0x5d: {  	_ =	shalt  }
0x5e: {  	_ =	shalt  }
0x5f: {  	_ =	shalt  }
0x60: {  	_ =	shalt  }
0x61: {  	_ =	shalt  }
0x62: {  	_ =	shalt  }
0x63: {  	_ =	shalt  }
0x64: {  	_ =	shalt  }
0x65: {  	_ =	shalt  }
0x66: {  	_ =	shalt  }
0x67: {  	_ =	shalt  }
0x68: {  	_ =	shalt  }
0x69: {  	_ =	shalt  }
0x6a: {  	_ =	shalt  }
0x6b: {  	_ =	shalt  }
0x6c: {  	_ =	shalt  }
0x6d: {  	_ =	shalt  }
0x6e: {  	_ =	shalt  }
0x6f: {  	_ =	shalt  }
0x70: {  	_ =	shalt  }
0x71: {  	_ =	shalt  }
0x72: {  	_ =	shalt  }
0x73: {  	_ =	shalt  }
0x74: {  	_ =	shalt  }
0x75: {  	_ =	shalt  }
0x76: {  	_ =	shalt  }
0x77: {  	_ =	shalt  }
0x78: {  	_ =	shalt  }
0x79: {  	_ =	shalt  }
0x7a: {  	_ =	shalt  }
0x7b: {  	_ =	shalt  }
0x7c: {  	_ =	shalt  }
0x7d: {  	_ =	shalt  }
0x7e: {  	_ =	shalt  }
0x7f: {  	_ =	shalt  }
0x80: {  	_ =	shalt  }
0x81: {  	_ =	shalt  }
0x82: {  	_ =	shalt  }
0x83: {  	_ =	shalt  }
0x84: {  	_ =	shalt  }
0x85: {  	_ =	shalt  }
0x86: {  	_ =	shalt  }
0x87: {  	_ =	shalt  }
.Lfunc_end0:
.L_simem_size_0:
called_computation.2_lowered:
.L_overlay_start_0:
0x88: {  	s2 =	sld [smem:$0x3FD9]  }
0x89: {  	s3 =	sld [smem:$0x3FFE];
	_ =	sdelay $0x1  }
0x8a: {  	s1 =	srdreg.scid  }
0x8b: {  	s0 =	sand.u32 $0x1, s1  }
0x8c: {  	s17 =	sshll.u32 s0, $0xA;
	s2 =	sadd.s32 s3, s2  }
0x8d: {  	s2 =	sadd.s32 s2, s17  }
0x8e: {  	[smem:$0x3F9F] =	sst s2  }
0x8f: {  	_ = 	snop  }
0x90: {  	s2 =	sld [smem:$0x3FD0];
	(tm) =	ssettm $0x1  }
0x91: {  	s18 =	sld [smem:$0x3FFB];
	_ =	sdelay $0x3  }
0x92: {  	_ =	strace s18  }
0x93: {  	s3 =	sld [smem:$0x3FFC];
	_ =	sdelay $0x3  }
0x94: {  	_ =	strace s3  }
0x95: {  	s3 =	sld [smem:$0x3FFD];
	_ =	sdelay $0x3  }
0x96: {  	_ =	strace s3  }
0x97: {  	_ =	strace $0x8FFFFFFF  }
0x98: {  	s19 =	sld [smem:$0x3FDB];
	_ =	sdelay $0x1  }
0x99: {  	s4 =	simm.s32 $_scs_section_size  }
0x9a: {  	s5 =	simm.s32 $_size__tile_overlayer_lowered;
	s6 =	simm.s32 $_tile_overlayer_lowered  }
0x9b: {  	s22 =	simm.s32 $0x1BFF;
	s21 =	sshll.u32 s6, $0x1;
	s3 =	sadd.s32 s4, s19  }
0x9c: {  	s7 =	simm.s32 $0x0;
	s20 =	sshll.u32 s5, $0x1;
	s5 =	sadd.s32 s21, s3  }
0x9d: {  	[timem:s7], [sflag:s22] =	dma.local [hbm:s5], s20  }
0x9e: {  	_ =	swait.ge [sflag:s22], s20  }
0x9f: {  	s4 =	ssub.s32 $0x0, s20;
	[sflag:s22] =	ssyncset.done $0x0  }
0xa0: {  	[sflag:s22] =	ssyncadd.s32 s4;
	_ =	sdelay $0x1  }
0xa1: {  	s23 =	simm.s32 $0x1B8B  }
0xa2: {  	_ =	swait.ge [sflag:s23], $0x1  }
0xa3: {  	[sflag:s23] =	ssyncset.done $0x0  }
0xa4: {  	s25 =	simm.s32 $0x1B8E;
	s24 =	sld [smem:$0x3FFE];
	[sflag:s23] =	ssyncadd.s32 $0xFFFFFFFF  }
0xa5: {  	s26 =	simm.s32 $execute0_lowered;
	[smem:$0x3FD2] =	sst s25  }
0xa6: {  	s5 =	sshll.u32 s26, $0x1;
	_ =	strace $0x8000004C;
	[dreg:$0x1] =	wrdreg $0xFFFFFFFF  }
0xa7: {  	s28 =	simm.s32 $_size_execute0_lowered;
	s3 =	sadd.s32 s3, s5;
	[dreg:$0x0] =	wrdreg $0x0  }
0xa8: {  	s5 =	sshll.u32 s28, $0x1;
	[dreg:$0x2] =	wrdreg s3  }
0xa9: {  	[dreg:$0x3] =	wrdreg s5  }
0xaa: {  	[dreg:$0x4] =	wrdreg $0xC0  }
0xab: {  	_ =	task [dreg:s7], $0x5FFFF  }
0xac: {  	[dreg:$0x1] =	wrdreg $0xFFFFFFFF  }
0xad: {  	[dreg:$0x0] =	wrdreg $0x60  }
0xae: {  	[dreg:$0x2] =	wrdreg s24  }
0xaf: {  	[dreg:$0x3] =	wrdreg s2  }
0xb0: {  	[dreg:$0x4] =	wrdreg $0x9  }
0xb1: {  	_ =	task.clear_ibuf [dreg:s7], $0x5FFFF;
	_ =	strace $0x9000004C  }
0xb2: {  	s29 =	simm.s32 $0x9;
	_ =	strace $0x8000004E  }
0xb3: {  	_ =	swait.ge [sflag:s29], $0x1  }
0xb4: {  	[sflag:s29] =	ssyncadd.s32 $0xFFFFFFFF  }
0xb5: {  	_ =	strace $0x9000004E  }
0xb6: {  	_ =	sfence  }
0xb7: {  	s30 =	sld [smem:$0x0];
	_ =	sdelay $0x2  }
0xb8: {  	s31 =	sshll.u32 s1, $0xD;
	s1 =	sshrl.u32 s1, $0x2  }
0xb9: {  	s3 =	sand.u32 $0x4000, s31;
	s1 =	sadd.s32 s1, s30  }
0xba: {  	s0 =	sor.u32 s3, s0;
	s1 =	sshll.u32 s1, $0x11  }
0xbb: {  	s0 =	sor.u32 s1, s0  }
0xbc: {  	s0 =	sadd.s32 $0x8F2B, s0  }
0xbd: {  	[sflag:s0] =	ssyncadd.remote.s32 $0x1  }
0xbe: {  	_ =	sfence.sel $0xFFFF  }
0xbf: {  	[dreg:$0x0] =	wrdreg $0xFFFFFFFF;
	(pc) =	sbr.abs _section_cstart, $3  }
0xc0: {  	[dreg:$0x1] =	wrdreg $0xFFFFFFFF  }
0xc1: {  	_ =	task.clear_ibuf [dreg:s7], $0x2FFFF;
	_ =	strace $0x9FFFFFFF  }
0xc2: {  	(tm) =	ssettm $0x7FFFFFFF  }
0xc3: {  	_ =	shalt  }
tec
execute0_lowered:
.L_overlay_start_1:
0x0: {  	(tag) =	ssettag $0x1  }
0x1: {  	s4 =	rddreg [dreg:$0x0]  }
0x2: {  	s5 =	rddreg [dreg:$0x1]  }
0x3: {  	s2 =	srdreg.scid;
	s0 =	rddreg [dreg:$0x2]  }
0x4: {  	s1 =	stileid.u32;
	s11 =	simm.s32 $0x1;
	s6 =	sand.u32 $0x1, s2  }
0x5: {  	s12 =	simm.s32 $0x8A20;
	s3 =	sshll.u32 s1, $0x6;
	s7 =	sshll.u32 s6, $0x5  }
0x6: {  	s13 =	simm.s32 $0x0;
	s2 =	simm.s32 $0x0;
	s7 =	sor.u32 s7, s3  }
0x7: {  	[smem:$0x7FF] =	sst s2;
	s6 =	ssub.s32 $0x2, s6;
	s8 =	smul.u32 $0xA, s7  }
0x8: {  	_ =	strace $0x8000004D;
	s10 =	sshrl.u32 s6, $0x1;
	s9 =	smul.u32 $0x18, s7  }
0x9: {  	s3 =	sadd.s32 $0x8800, s4;
	s7 =	sshrl.u32 s7, $0x3;
	s10 =	ssub.s32 s6, s10  }
0xa: {  	s8 =	sadd.s32 s8, s4;
	s9 =	sadd.s32 s9, s4;
	s4 =	sadd.s32 s5, s7  }
0xb: {  	s7 =	smax.u32 s10, $0x1;
	s10 =	simm.s32 $0xA20;
	s5 =	sadd.s32 $0x6000, s8  }
0xc: {  	s6 =	sadd.s32 $0x28800, s9;
	s8 =	simm.s32 $0x2;
	s9 =	simm.s32 $0x20  }
.LBB2_1:
0xd: {  	[tilespmem:s2], [sflag:$0x2] =	stream.linear.gather [hbm4b:s4+s2], $0x20, $0x38;
	[tilespmem:$0xA220] =	vst v63  }
0xe: {  	_ =	swait.ge [sflag:s8], $0x20  }
0xf: {  	[sflag:s8] =	ssyncset.done $0x0  }
0x10: {  	[sflag:s8] =	ssyncadd.s32 $0xFFFFFFE0  }
0x11: {  	[tilespmem:s10], [sflag:$0x1] =	stream.indirect.gather [hbm4b:s3+s9], $0x400, s2, s9, $0xb8;
	[tilespmem:$0xA220] =	vst v63  }
0x12: {  	_ = 	snop  }
0x13: {  	[tilespmem:s9], [sflag:$0x2] =	stream.linear.gather [hbm4b:s5+s2], $0xA00, $0x38;
	[tilespmem:$0xA220] =	vst v63  }
0x14: {  	_ =	swait.ge [sflag:s8], $0xA00  }
0x15: {  	[sflag:s8] =	ssyncset.done $0x0  }
0x16: {  	[sflag:s8] =	ssyncadd.s32 $0xFFFFF600  }
0x17: {  	_ =	swait.ge [sflag:s11], $0x8000  }
0x18: {  	[sflag:s11] =	ssyncset.done $0x0  }
0x19: {  	s14 =	simm.s32 $0xC00;
	[sflag:s11] =	ssyncadd.s32 $0xFFFF8000  }
0x1a: {  	v4 =	vld [tilespmem:s14+$0xFFFFFE20]  }
0x1b: {  	s15 =	simm.s32 $0x40;
	v5 =	vld [tilespmem:s14+$0xFFFFFEE0]  }
0x1c: {  	v1 =	vld [tilespmem:s15+$0xFFFFFFE0]  }
0x1d: {  	v2 =	vld [tilespmem:s15+$0xFFFFFFF0]  }
0x1e: {  	v6 =	vld [tilespmem:s14+$0xFFFFFFA0]  }
0x1f: {  	v0 =	vld [tilespmem:s15+$0x0]  }
0x20: {  	v7 =	vld [tilespmem:s14+$0x60]  }
0x21: {  	v3 =	vld [tilespmem:s15+$0x10]  }
0x22: {  	v9 =	vld [tilespmem:s14+$0x120];
	v8 =	vmul.f32 v4, v1;
	v5 =	vmul.f32 v5, v2  }
0x23: {  	v4 =	vld [tilespmem:s15+$0x20]  }
0x24: {  	v6 =	vmul.f32 v6, v0;
	v5 =	vadd.f32 v5, v8;
	_ =	sdelay $0x1  }
0x25: {  	v5 =	vadd.f32 v6, v5;
	v6 =	vmul.f32 v7, v3;
	_ =	sdelay $0x1  }
0x26: {  	v5 =	vadd.f32 v6, v5;
	v6 =	vmul.f32 v9, v4;
	_ =	sdelay $0x1  }
0x27: {  	v5 =	vadd.f32 v6, v5  }
0x28: {  	s15 =	simm.s32 $0x8A80  }
0x29: {  	[tilespmem:s15+$0xFFFFFFA0] =	vst v5  }
0x2a: {  	v5 =	vld [tilespmem:s14+$0xFFFFFE30]  }
0x2b: {  	v6 =	vld [tilespmem:s14+$0xFFFFFEF0];
	_ =	sdelay $0x1  }
0x2c: {  	v7 =	vld [tilespmem:s14+$0xFFFFFFB0];
	_ =	sdelay $0x1  }
0x2d: {  	v44 =	vld [tilespmem:s14+$0x70]  }
0x2e: {  	v5 =	vmul.f32 v5, v1;
	v6 =	vmul.f32 v6, v2  }
0x2f: {  	v45 =	vld [tilespmem:s14+$0x130]  }
0x30: {  	v5 =	vadd.f32 v6, v5;
	v6 =	vmul.f32 v7, v0;
	_ =	sdelay $0x1  }
0x31: {  	v5 =	vadd.f32 v6, v5;
	v6 =	vmul.f32 v44, v3;
	_ =	sdelay $0x1  }
0x32: {  	v5 =	vadd.f32 v6, v5;
	v6 =	vmul.f32 v45, v4;
	_ =	sdelay $0x1  }
0x33: {  	v5 =	vadd.f32 v6, v5;
	_ =	sdelay $0x1  }
0x34: {  	[tilespmem:s15+$0xFFFFFFB0] =	vst v5  }
0x35: {  	v5 =	vld [tilespmem:s14+$0xFFFFFE40]  }
0x36: {  	v6 =	vld [tilespmem:s14+$0xFFFFFF00];
	_ =	sdelay $0x1  }
0x37: {  	v7 =	vld [tilespmem:s14+$0xFFFFFFC0];
	_ =	sdelay $0x1  }
0x38: {  	v46 =	vld [tilespmem:s14+$0x80]  }
0x39: {  	v5 =	vmul.f32 v5, v1;
	v6 =	vmul.f32 v6, v2  }
0x3a: {  	v47 =	vld [tilespmem:s14+$0x140]  }
0x3b: {  	v5 =	vadd.f32 v6, v5;
	v6 =	vmul.f32 v7, v0;
	_ =	sdelay $0x1  }
0x3c: {  	v5 =	vadd.f32 v6, v5;
	v6 =	vmul.f32 v46, v3;
	_ =	sdelay $0x1  }
0x3d: {  	v5 =	vadd.f32 v6, v5;
	v6 =	vmul.f32 v47, v4;
	_ =	sdelay $0x1  }
0x3e: {  	v5 =	vadd.f32 v6, v5;
	_ =	sdelay $0x1  }
0x3f: {  	[tilespmem:s15+$0xFFFFFFC0] =	vst v5  }
0x40: {  	v5 =	vld [tilespmem:s14+$0xFFFFFE50]  }
0x41: {  	v6 =	vld [tilespmem:s14+$0xFFFFFF10];
	_ =	sdelay $0x1  }
0x42: {  	v7 =	vld [tilespmem:s14+$0xFFFFFFD0];
	_ =	sdelay $0x1  }
0x43: {  	v48 =	vld [tilespmem:s14+$0x90]  }
0x44: {  	v5 =	vmul.f32 v5, v1;
	v6 =	vmul.f32 v6, v2  }
0x45: {  	v49 =	vld [tilespmem:s14+$0x150]  }
0x46: {  	v5 =	vadd.f32 v6, v5;
	v6 =	vmul.f32 v7, v0;
	_ =	sdelay $0x1  }
0x47: {  	v5 =	vadd.f32 v6, v5;
	v6 =	vmul.f32 v48, v3;
	_ =	sdelay $0x1  }
0x48: {  	v5 =	vadd.f32 v6, v5;
	v6 =	vmul.f32 v49, v4;
	_ =	sdelay $0x1  }
0x49: {  	v5 =	vadd.f32 v6, v5;
	_ =	sdelay $0x1  }
0x4a: {  	[tilespmem:s15+$0xFFFFFFD0] =	vst v5  }
0x4b: {  	v5 =	vld [tilespmem:s14+$0xFFFFFE60]  }
0x4c: {  	v6 =	vld [tilespmem:s14+$0xFFFFFF20];
	_ =	sdelay $0x1  }
0x4d: {  	v7 =	vld [tilespmem:s14+$0xFFFFFFE0];
	_ =	sdelay $0x1  }
0x4e: {  	v50 =	vld [tilespmem:s14+$0xA0]  }
0x4f: {  	v5 =	vmul.f32 v5, v1;
	v6 =	vmul.f32 v6, v2  }
0x50: {  	v51 =	vld [tilespmem:s14+$0x160]  }
0x51: {  	v7 =	vmul.f32 v7, v0;
	v5 =	vadd.f32 v6, v5;
	_ =	sdelay $0x1  }
0x52: {  	v6 =	vmul.f32 v50, v3;
	v5 =	vadd.f32 v7, v5;
	_ =	sdelay $0x1  }
0x53: {  	v5 =	vadd.f32 v6, v5;
	v6 =	vmul.f32 v51, v4;
	_ =	sdelay $0x1  }
0x54: {  	v5 =	vadd.f32 v6, v5;
	_ =	sdelay $0x1  }
0x55: {  	[tilespmem:s15+$0xFFFFFFE0] =	vst v5  }
0x56: {  	v5 =	vld [tilespmem:s14+$0xFFFFFE70]  }
0x57: {  	v6 =	vld [tilespmem:s14+$0xFFFFFF30];
	_ =	sdelay $0x1  }
0x58: {  	v7 =	vld [tilespmem:s14+$0xFFFFFFF0];
	_ =	sdelay $0x1  }
0x59: {  	v52 =	vld [tilespmem:s14+$0xB0]  }
0x5a: {  	v5 =	vmul.f32 v5, v1;
	v6 =	vmul.f32 v6, v2  }
0x5b: {  	v53 =	vld [tilespmem:s14+$0x170]  }
0x5c: {  	v7 =	vmul.f32 v7, v0;
	v5 =	vadd.f32 v6, v5;
	_ =	sdelay $0x1  }
0x5d: {  	v6 =	vmul.f32 v52, v3;
	v5 =	vadd.f32 v7, v5;
	_ =	sdelay $0x1  }
0x5e: {  	v5 =	vadd.f32 v6, v5;
	v6 =	vmul.f32 v53, v4;
	_ =	sdelay $0x1  }
0x5f: {  	v5 =	vadd.f32 v6, v5;
	_ =	sdelay $0x1  }
0x60: {  	[tilespmem:s15+$0xFFFFFFF0] =	vst v5  }
0x61: {  	v5 =	vld [tilespmem:s14+$0xFFFFFE80]  }
0x62: {  	v6 =	vld [tilespmem:s14+$0xFFFFFF40];
	_ =	sdelay $0x1  }
0x63: {  	v7 =	vld [tilespmem:s14+$0x0];
	_ =	sdelay $0x1  }
0x64: {  	v54 =	vld [tilespmem:s14+$0xC0]  }
0x65: {  	v5 =	vmul.f32 v5, v1;
	v6 =	vmul.f32 v6, v2  }
0x66: {  	v55 =	vld [tilespmem:s14+$0x180]  }
0x67: {  	v7 =	vmul.f32 v7, v0;
	v5 =	vadd.f32 v6, v5;
	_ =	sdelay $0x1  }
0x68: {  	v6 =	vmul.f32 v54, v3;
	v5 =	vadd.f32 v7, v5;
	_ =	sdelay $0x1  }
0x69: {  	v5 =	vadd.f32 v6, v5;
	v6 =	vmul.f32 v55, v4;
	_ =	sdelay $0x1  }
0x6a: {  	v5 =	vadd.f32 v6, v5;
	_ =	sdelay $0x1  }
0x6b: {  	[tilespmem:s15+$0x0] =	vst v5  }
0x6c: {  	v5 =	vld [tilespmem:s14+$0xFFFFFE90]  }
0x6d: {  	v6 =	vld [tilespmem:s14+$0xFFFFFF50];
	_ =	sdelay $0x1  }
0x6e: {  	v7 =	vld [tilespmem:s14+$0x10];
	_ =	sdelay $0x1  }
0x6f: {  	v56 =	vld [tilespmem:s14+$0xD0]  }
0x70: {  	v5 =	vmul.f32 v5, v1;
	v6 =	vmul.f32 v6, v2  }
0x71: {  	v57 =	vld [tilespmem:s14+$0x190]  }
0x72: {  	v5 =	vadd.f32 v6, v5;
	v6 =	vmul.f32 v7, v0;
	_ =	sdelay $0x1  }
0x73: {  	v7 =	vmul.f32 v56, v3;
	v5 =	vadd.f32 v6, v5;
	_ =	sdelay $0x1  }
0x74: {  	v6 =	vmul.f32 v57, v4;
	v5 =	vadd.f32 v7, v5;
	_ =	sdelay $0x1  }
0x75: {  	v5 =	vadd.f32 v6, v5;
	_ =	sdelay $0x1  }
0x76: {  	[tilespmem:s15+$0x10] =	vst v5  }
0x77: {  	v5 =	vld [tilespmem:s14+$0xFFFFFEA0]  }
0x78: {  	v6 =	vld [tilespmem:s14+$0xFFFFFF60];
	_ =	sdelay $0x1  }
0x79: {  	v7 =	vld [tilespmem:s14+$0x20];
	_ =	sdelay $0x1  }
0x7a: {  	v58 =	vld [tilespmem:s14+$0xE0]  }
0x7b: {  	v5 =	vmul.f32 v5, v1;
	v6 =	vmul.f32 v6, v2  }
0x7c: {  	v59 =	vld [tilespmem:s14+$0x1A0]  }
0x7d: {  	v5 =	vadd.f32 v6, v5;
	v6 =	vmul.f32 v7, v0;
	_ =	sdelay $0x1  }
0x7e: {  	v5 =	vadd.f32 v6, v5;
	v6 =	vmul.f32 v58, v3;
	_ =	sdelay $0x1  }
0x7f: {  	v7 =	vmul.f32 v59, v4;
	v5 =	vadd.f32 v6, v5;
	_ =	sdelay $0x1  }
0x80: {  	v5 =	vadd.f32 v7, v5;
	_ =	sdelay $0x1  }
0x81: {  	[tilespmem:s15+$0x20] =	vst v5  }
0x82: {  	v5 =	vld [tilespmem:s14+$0xFFFFFEB0]  }
0x83: {  	v6 =	vld [tilespmem:s14+$0xFFFFFF70];
	_ =	sdelay $0x1  }
0x84: {  	v7 =	vld [tilespmem:s14+$0x30];
	_ =	sdelay $0x1  }
0x85: {  	v60 =	vld [tilespmem:s14+$0xF0]  }
0x86: {  	v5 =	vmul.f32 v5, v1;
	v6 =	vmul.f32 v6, v2  }
0x87: {  	v61 =	vld [tilespmem:s14+$0x1B0]  }
0x88: {  	v7 =	vmul.f32 v7, v0;
	v5 =	vadd.f32 v6, v5;
	_ =	sdelay $0x1  }
0x89: {  	v6 =	vmul.f32 v60, v3;
	v5 =	vadd.f32 v7, v5;
	_ =	sdelay $0x1  }
0x8a: {  	v7 =	vmul.f32 v61, v4;
	v5 =	vadd.f32 v6, v5;
	_ =	sdelay $0x1  }
0x8b: {  	v5 =	vadd.f32 v7, v5;
	_ =	sdelay $0x1  }
0x8c: {  	[tilespmem:s15+$0x30] =	vst v5  }
0x8d: {  	v5 =	vld [tilespmem:s14+$0xFFFFFEC0]  }
0x8e: {  	v6 =	vld [tilespmem:s14+$0xFFFFFF80];
	_ =	sdelay $0x1  }
0x8f: {  	v7 =	vld [tilespmem:s14+$0x40];
	_ =	sdelay $0x1  }
0x90: {  	v62 =	vld [tilespmem:s14+$0x100]  }
0x91: {  	v5 =	vmul.f32 v5, v1;
	v6 =	vmul.f32 v6, v2  }
0x92: {  	v63 =	vld [tilespmem:s14+$0x1C0]  }
0x93: {  	v7 =	vmul.f32 v7, v0;
	v5 =	vadd.f32 v6, v5;
	_ =	sdelay $0x1  }
0x94: {  	v6 =	vmul.f32 v62, v3;
	v5 =	vadd.f32 v7, v5;
	_ =	sdelay $0x1  }
0x95: {  	v7 =	vmul.f32 v63, v4;
	v5 =	vadd.f32 v6, v5;
	_ =	sdelay $0x1  }
0x96: {  	v5 =	vadd.f32 v7, v5;
	_ =	sdelay $0x1  }
0x97: {  	[tilespmem:s15+$0x40] =	vst v5  }
0x98: {  	s17 =	simm.s32 $0x240;
	s18 =	simm.s32 $0xC00;
	s16 =	simm.s32 $0x8A80;
	v5 =	vld [tilespmem:s14+$0xFFFFFED0]  }
.LBB2_2:
0x99: {  	p0 =	sne.s32 s17, $0x27C0;
	v6 =	vld [tilespmem:s14+$0xFFFFFF90];
	s15 =	sadd.s32 $0xC0, s15;
	s18 =	sadd.s32 $0x400, s18  }
0x9a: {  	s19 =	smov.u32 s17;
	s17 =	sadd.s32 $0x140, s17;
	v7 =	vld [tilespmem:s14+$0x50]  }
0x9b: {  	v8 =	vld [tilespmem:s14+$0x110]  }
0x9c: {  	v9 =	vld [tilespmem:s14+$0x1D0];
	s14 =	smov.u32 s18  }
0x9d: {  	v1 =	vmul.f32 v5, v1  }
0x9e: {  	v2 =	vmul.f32 v6, v2  }
0x9f: {  	v0 =	vmul.f32 v7, v0  }
0xa0: {  	v1 =	vadd.f32 v2, v1;
	v2 =	vmul.f32 v8, v3  }
0xa1: {  	v3 =	vmul.f32 v9, v4  }
0xa2: {  	v0 =	vadd.f32 v0, v1;
	_ =	sdelay $0x1  }
0xa3: {  	v0 =	vadd.f32 v2, v0;
	_ =	sdelay $0x1  }
0xa4: {  	v0 =	vadd.f32 v3, v0;
	_ =	sdelay $0x1  }
0xa5: {  	[tilespmem:s16+$0x50] =	vst v0;
	s16 =	smov.u32 s15  }
0xa6: {  	v4 =	vld [tilespmem:s18+$0xFFFFFFA0]  }
0xa7: {  	s19 =	sshra.s32 s19, $0x2;
	v5 =	vld [tilespmem:s18+$0xFFFFFE20]  }
0xa8: {  	v6 =	vld [tilespmem:s18+$0xFFFFFEE0]  }
0xa9: {  	v0 =	vld [tilespmem:s19+$0x0]  }
0xaa: {  	v1 =	vld [tilespmem:s19+$0xFFFFFFE0]  }
0xab: {  	v2 =	vld [tilespmem:s19+$0xFFFFFFF0];
	_ =	sdelay $0x2  }
0xac: {  	v7 =	vld [tilespmem:s18+$0x60]  }
0xad: {  	v8 =	vmul.f32 v4, v0;
	v3 =	vld [tilespmem:s19+$0x10];
	v5 =	vmul.f32 v5, v1  }
0xae: {  	v4 =	vld [tilespmem:s19+$0x20];
	v6 =	vmul.f32 v6, v2  }
0xaf: {  	v9 =	vld [tilespmem:s18+$0x120]  }
0xb0: {  	v5 =	vadd.f32 v6, v5;
	_ =	sdelay $0x1  }
0xb1: {  	v5 =	vadd.f32 v8, v5;
	v6 =	vmul.f32 v7, v3;
	_ =	sdelay $0x1  }
0xb2: {  	v5 =	vadd.f32 v6, v5;
	v6 =	vmul.f32 v9, v4;
	_ =	sdelay $0x1  }
0xb3: {  	v5 =	vadd.f32 v6, v5;
	_ =	sdelay $0x1  }
0xb4: {  	[tilespmem:s15+$0xFFFFFFA0] =	vst v5  }
0xb5: {  	v5 =	vld [tilespmem:s18+$0xFFFFFE30];
	_ =	sdelay $0x1  }
0xb6: {  	v6 =	vld [tilespmem:s18+$0xFFFFFEF0];
	_ =	sdelay $0x1  }
0xb7: {  	v7 =	vld [tilespmem:s18+$0xFFFFFFB0]  }
0xb8: {  	v5 =	vmul.f32 v5, v1  }
0xb9: {  	v8 =	vld [tilespmem:s18+$0x70]  }
0xba: {  	v6 =	vmul.f32 v6, v2  }
0xbb: {  	v9 =	vld [tilespmem:s18+$0x130]  }
0xbc: {  	v5 =	vadd.f32 v6, v5;
	v6 =	vmul.f32 v7, v0;
	_ =	sdelay $0x1  }
0xbd: {  	v5 =	vadd.f32 v6, v5;
	v6 =	vmul.f32 v8, v3;
	_ =	sdelay $0x1  }
0xbe: {  	v5 =	vadd.f32 v6, v5;
	v6 =	vmul.f32 v9, v4;
	_ =	sdelay $0x1  }
0xbf: {  	v5 =	vadd.f32 v6, v5;
	_ =	sdelay $0x1  }
0xc0: {  	[tilespmem:s15+$0xFFFFFFB0] =	vst v5  }
0xc1: {  	v5 =	vld [tilespmem:s18+$0xFFFFFE40]  }
0xc2: {  	v6 =	vld [tilespmem:s18+$0xFFFFFF00];
	_ =	sdelay $0x1  }
0xc3: {  	v7 =	vld [tilespmem:s18+$0xFFFFFFC0];
	_ =	sdelay $0x1  }
0xc4: {  	v5 =	vmul.f32 v5, v1;
	v8 =	vld [tilespmem:s18+$0x80]  }
0xc5: {  	v6 =	vmul.f32 v6, v2  }
0xc6: {  	v9 =	vld [tilespmem:s18+$0x140]  }
0xc7: {  	v5 =	vadd.f32 v6, v5;
	v6 =	vmul.f32 v7, v0;
	_ =	sdelay $0x1  }
0xc8: {  	v5 =	vadd.f32 v6, v5;
	v6 =	vmul.f32 v8, v3;
	_ =	sdelay $0x1  }
0xc9: {  	v5 =	vadd.f32 v6, v5;
	v6 =	vmul.f32 v9, v4;
	_ =	sdelay $0x1  }
0xca: {  	v5 =	vadd.f32 v6, v5;
	_ =	sdelay $0x1  }
0xcb: {  	[tilespmem:s15+$0xFFFFFFC0] =	vst v5  }
0xcc: {  	v5 =	vld [tilespmem:s18+$0xFFFFFE50]  }
0xcd: {  	v6 =	vld [tilespmem:s18+$0xFFFFFF10];
	_ =	sdelay $0x1  }
0xce: {  	v7 =	vld [tilespmem:s18+$0xFFFFFFD0];
	_ =	sdelay $0x1  }
0xcf: {  	v5 =	vmul.f32 v5, v1;
	v8 =	vld [tilespmem:s18+$0x90]  }
0xd0: {  	v6 =	vmul.f32 v6, v2  }
0xd1: {  	v9 =	vld [tilespmem:s18+$0x150]  }
0xd2: {  	v5 =	vadd.f32 v6, v5;
	v6 =	vmul.f32 v7, v0;
	_ =	sdelay $0x1  }
0xd3: {  	v5 =	vadd.f32 v6, v5;
	v6 =	vmul.f32 v8, v3;
	_ =	sdelay $0x1  }
0xd4: {  	v5 =	vadd.f32 v6, v5;
	v6 =	vmul.f32 v9, v4;
	_ =	sdelay $0x1  }
0xd5: {  	v5 =	vadd.f32 v6, v5;
	_ =	sdelay $0x1  }
0xd6: {  	[tilespmem:s15+$0xFFFFFFD0] =	vst v5  }
0xd7: {  	v5 =	vld [tilespmem:s18+$0xFFFFFE60]  }
0xd8: {  	v6 =	vld [tilespmem:s18+$0xFFFFFF20]  }
0xd9: {  	v7 =	vld [tilespmem:s18+$0xFFFFFFE0]  }
0xda: {  	v8 =	vld [tilespmem:s18+$0xA0];
	_ =	sdelay $0x1  }
0xdb: {  	v5 =	vmul.f32 v5, v1  }
0xdc: {  	v6 =	vmul.f32 v6, v2  }
0xdd: {  	v7 =	vmul.f32 v7, v0;
	v9 =	vld [tilespmem:s18+$0x160]  }
0xde: {  	v5 =	vadd.f32 v6, v5;
	v6 =	vmul.f32 v8, v3;
	_ =	sdelay $0x1  }
0xdf: {  	v5 =	vadd.f32 v7, v5;
	_ =	sdelay $0x1  }
0xe0: {  	v5 =	vadd.f32 v6, v5;
	v6 =	vmul.f32 v9, v4;
	_ =	sdelay $0x1  }
0xe1: {  	v5 =	vadd.f32 v6, v5;
	_ =	sdelay $0x1  }
0xe2: {  	[tilespmem:s15+$0xFFFFFFE0] =	vst v5  }
0xe3: {  	v5 =	vld [tilespmem:s18+$0xFFFFFE70]  }
0xe4: {  	v6 =	vld [tilespmem:s18+$0xFFFFFF30]  }
0xe5: {  	v7 =	vld [tilespmem:s18+$0xFFFFFFF0]  }
0xe6: {  	v8 =	vld [tilespmem:s18+$0xB0];
	_ =	sdelay $0x1  }
0xe7: {  	v5 =	vmul.f32 v5, v1  }
0xe8: {  	v6 =	vmul.f32 v6, v2  }
0xe9: {  	v7 =	vmul.f32 v7, v0;
	v9 =	vld [tilespmem:s18+$0x170]  }
0xea: {  	v5 =	vadd.f32 v6, v5;
	v6 =	vmul.f32 v8, v3;
	_ =	sdelay $0x1  }
0xeb: {  	v5 =	vadd.f32 v7, v5;
	_ =	sdelay $0x1  }
0xec: {  	v5 =	vadd.f32 v6, v5;
	v6 =	vmul.f32 v9, v4;
	_ =	sdelay $0x1  }
0xed: {  	v5 =	vadd.f32 v6, v5;
	_ =	sdelay $0x1  }
0xee: {  	[tilespmem:s15+$0xFFFFFFF0] =	vst v5  }
0xef: {  	v5 =	vld [tilespmem:s18+$0xFFFFFE80]  }
0xf0: {  	v6 =	vld [tilespmem:s18+$0xFFFFFF40]  }
0xf1: {  	v7 =	vld [tilespmem:s18+$0x0];
	_ =	sdelay $0x2  }
0xf2: {  	v5 =	vmul.f32 v5, v1;
	v8 =	vld [tilespmem:s18+$0xC0]  }
0xf3: {  	v6 =	vmul.f32 v6, v2  }
0xf4: {  	v7 =	vmul.f32 v7, v0;
	v9 =	vld [tilespmem:s18+$0x180]  }
0xf5: {  	v5 =	vadd.f32 v6, v5;
	_ =	sdelay $0x1  }
0xf6: {  	v5 =	vadd.f32 v7, v5;
	v6 =	vmul.f32 v8, v3;
	_ =	sdelay $0x1  }
0xf7: {  	v5 =	vadd.f32 v6, v5;
	v6 =	vmul.f32 v9, v4;
	_ =	sdelay $0x1  }
0xf8: {  	v5 =	vadd.f32 v6, v5;
	_ =	sdelay $0x1  }
0xf9: {  	[tilespmem:s15+$0x0] =	vst v5  }
0xfa: {  	v5 =	vld [tilespmem:s18+$0xFFFFFE90]  }
0xfb: {  	v6 =	vld [tilespmem:s18+$0xFFFFFF50]  }
0xfc: {  	v7 =	vld [tilespmem:s18+$0xD0]  }
0xfd: {  	v8 =	vld [tilespmem:s18+$0x10]  }
0xfe: {  	v9 =	vld [tilespmem:s18+$0x190]  }
0xff: {  	v5 =	vmul.f32 v5, v1  }
0x100: {  	v6 =	vmul.f32 v6, v2  }
0x101: {  	v7 =	vmul.f32 v7, v3  }
0x102: {  	v5 =	vadd.f32 v6, v5;
	v6 =	vmul.f32 v8, v0  }
0x103: {  	v8 =	vmul.f32 v9, v4  }
0x104: {  	v5 =	vadd.f32 v6, v5;
	_ =	sdelay $0x1  }
0x105: {  	v5 =	vadd.f32 v7, v5;
	_ =	sdelay $0x1  }
0x106: {  	v5 =	vadd.f32 v8, v5;
	_ =	sdelay $0x1  }
0x107: {  	[tilespmem:s15+$0x10] =	vst v5  }
0x108: {  	v5 =	vld [tilespmem:s18+$0xFFFFFEA0]  }
0x109: {  	v6 =	vld [tilespmem:s18+$0xFFFFFF60]  }
0x10a: {  	v7 =	vld [tilespmem:s18+$0xE0]  }
0x10b: {  	v8 =	vld [tilespmem:s18+$0x20]  }
0x10c: {  	v9 =	vld [tilespmem:s18+$0x1A0]  }
0x10d: {  	v5 =	vmul.f32 v5, v1  }
0x10e: {  	v6 =	vmul.f32 v6, v2;
	_ =	sdelay $0x1  }
0x10f: {  	v5 =	vadd.f32 v6, v5;
	v6 =	vmul.f32 v8, v0  }
0x110: {  	v8 =	vmul.f32 v9, v4  }
0x111: {  	v5 =	vadd.f32 v6, v5;
	v6 =	vmul.f32 v7, v3;
	_ =	sdelay $0x1  }
0x112: {  	v5 =	vadd.f32 v6, v5;
	_ =	sdelay $0x1  }
0x113: {  	v5 =	vadd.f32 v8, v5;
	_ =	sdelay $0x1  }
0x114: {  	[tilespmem:s15+$0x20] =	vst v5  }
0x115: {  	v5 =	vld [tilespmem:s18+$0xFFFFFEB0]  }
0x116: {  	v6 =	vld [tilespmem:s18+$0xFFFFFF70]  }
0x117: {  	v7 =	vld [tilespmem:s18+$0x30]  }
0x118: {  	v8 =	vld [tilespmem:s18+$0xF0]  }
0x119: {  	v9 =	vld [tilespmem:s18+$0x1B0]  }
0x11a: {  	v5 =	vmul.f32 v5, v1  }
0x11b: {  	v6 =	vmul.f32 v6, v2  }
0x11c: {  	v7 =	vmul.f32 v7, v0  }
0x11d: {  	v5 =	vadd.f32 v6, v5;
	v6 =	vmul.f32 v8, v3  }
0x11e: {  	v8 =	vmul.f32 v9, v4  }
0x11f: {  	v5 =	vadd.f32 v7, v5;
	_ =	sdelay $0x1  }
0x120: {  	v5 =	vadd.f32 v6, v5;
	_ =	sdelay $0x1  }
0x121: {  	v5 =	vadd.f32 v8, v5;
	_ =	sdelay $0x1  }
0x122: {  	[tilespmem:s15+$0x30] =	vst v5  }
0x123: {  	v5 =	vld [tilespmem:s18+$0xFFFFFEC0]  }
0x124: {  	v6 =	vld [tilespmem:s18+$0xFFFFFF80]  }
0x125: {  	v7 =	vld [tilespmem:s18+$0x40]  }
0x126: {  	v8 =	vld [tilespmem:s18+$0x100]  }
0x127: {  	v9 =	vld [tilespmem:s18+$0x1C0]  }
0x128: {  	v5 =	vmul.f32 v5, v1  }
0x129: {  	v6 =	vmul.f32 v6, v2  }
0x12a: {  	v7 =	vmul.f32 v7, v0  }
0x12b: {  	v5 =	vadd.f32 v6, v5;
	v6 =	vmul.f32 v8, v3  }
0x12c: {  	v8 =	vmul.f32 v9, v4  }
0x12d: {  	v5 =	vadd.f32 v7, v5;
	_ =	sdelay $0x1  }
0x12e: {  	v5 =	vadd.f32 v6, v5  }
.Ltmp0:
0x12f: {  	(pc) =	sbr.rel @p0 .LBB2_2-.Ltmp0, $3  }
0x130: {  	v5 =	vadd.f32 v8, v5;
	_ =	sdelay $0x1  }
0x131: {  	[tilespmem:s15+$0x40] =	vst v5  }
0x132: {  	v5 =	vld [tilespmem:s18+$0xFFFFFED0]  }
0x133: {  	v6 =	vld [tilespmem:s14+$0xFFFFFF90];
	_ =	sdelay $0x1  }
0x134: {  	v7 =	vld [tilespmem:s14+$0x50];
	_ =	sdelay $0x1  }
0x135: {  	v8 =	vld [tilespmem:s14+$0x110]  }
0x136: {  	v1 =	vmul.f32 v5, v1;
	v2 =	vmul.f32 v6, v2  }
0x137: {  	v61 =	vld [tilespmem:s14+$0x1D0]  }
0x138: {  	v0 =	vmul.f32 v7, v0;
	v1 =	vadd.f32 v2, v1;
	_ =	sdelay $0x1  }
0x139: {  	v62 =	vmul.f32 v8, v3;
	v0 =	vadd.f32 v0, v1;
	_ =	sdelay $0x1  }
0x13a: {  	v63 =	vmul.f32 v61, v4;
	v0 =	vadd.f32 v62, v0;
	_ =	sdelay $0x1  }
0x13b: {  	s13 =	sadd.s32 $0x1, s13;
	v0 =	vadd.f32 v63, v0  }
0x13c: {  	p0 =	sne.s32 s13, s7  }
.Ltmp1:
0x13d: {  	[tilespmem:s16+$0x50] =	vst v0;
	(pc) =	sbr.rel @p0 .LBB2_1-.Ltmp1, $4  }
0x13e: {  	[hbm4b:s6+s2] =	stream.linear.scatter [tilespmem:s12], [sflag:$0x2], $0x1800, $0x38;
	[tilespmem:$0xA220] =	vst v63  }
0x13f: {  	_ =	swait.ge [sflag:s8], $0x1800  }
0x140: {  	[sflag:s8] =	ssyncset.done $0x0  }
0x141: {  	[sflag:s8] =	ssyncadd.s32 $0xFFFFE800  }
0x142: {  	_ =	sfence.sel $0x180000  }
0x143: {  	[bflag:$0x0] =	sbarrier.arrive $0xFFFF  }
0x144: {  	p0 =	sne.s32 s1, $0x0;
	_ =	strace $0x9000004D  }
0x145: {  	s0 =	sadd.s32 @!p0 $0x100000, s0;
	[bflag:$0x2] =	sbarrier.arrive $0xFFFF  }
0x146: {  	[sflag:s0] =	ssyncadd.tile.s32 @!p0 $0x1;
	_ =	shalt  }
.Lfunc_end2:
_tile_overlayer_lowered:
.L_overlay_start_2:
0x147: {  	(tag) =	ssettag $0x2  }
0x148: {  	s0 =	rddreg [dreg:$0x0];
	s2 =	stileid.u32  }
0x149: {  	s1 =	rddreg [dreg:$0x1];
	p0 =	sne.s32 s2, $0x0  }
0x14a: {  	s3 =	rddreg [dreg:$0x2];
	[bflag:$0x3] =	sbarrier.arrive $0xFFFF;
	s2 =	simm.s32 @!p0 $0x1C02  }
0x14b: {  	[timem:s3], [sflag:s2] =	dma.local @!p0 [hbm:s0], s1  }
0x14c: {  	s0 =	simm.s32 @!p0 $0x2  }
0x14d: {  	_ =	swait.ge @!p0 [sflag:s0], s1  }
0x14e: {  	s1 =	ssub.s32 @!p0 $0x0, s1;
	[sflag:s0] =	ssyncset.done @!p0 $0x0  }
0x14f: {  	[sflag:s0] =	ssyncadd.s32 @!p0 s1  }
0x150: {  	[bflag:$0x3] =	sbarrier.arrive $0xFFFF  }
0x151: {  	_ =	shalt  }

// kernel: kernel.24.cloned.1.call-start
scs
__scs_entry_jumppad:
0x0: {  	(pc) =	sbr.rel $0x88, $3  }
0x1: {  	(tag) =	ssettag $0x0;
	lr =	simm.s32 $0x1  }
0x2: {  	[smem:$0x3F78] =	sst lr;
	_ =	strace $0xD0000000  }
0x3: {  	_ = 	snop  }
0x4: {  	_ = 	snop  }
0x5: {  	_ = 	snop  }
0x6: {  	_ = 	snop  }
0x7: {  	_ = 	snop  }
__scs_overlays_trampoline_lowered:
0x8: {  	[smem:$0x3F87] =	sst s0  }
0x9: {  	[smem:$0x3F88] =	sst s1  }
0xa: {  	[smem:$0x3F89] =	sst s2  }
0xb: {  	[smem:$0x3F8A] =	sst s3  }
0xc: {  	[smem:$0x3F8B] =	sst s4  }
0xd: {  	[smem:$0x3F8C] =	sst s5  }
0xe: {  	[smem:$0x3F8D] =	sst s6  }
0xf: {  	[smem:$0x3F8E] =	sst s7  }
0x10: {  	[smem:$0x3F8F] =	sst s8  }
0x11: {  	[smem:$0x3F90] =	sst s9;
	s0 =	simm.s32 @!p0 $0x0  }
0x12: {  	s1 =	sld [smem:$0x3F76];
	s0 =	simm.s32 @p0 $0x1  }
0x13: {  	[smem:$0x3F91] =	sst s0;
	s0 =	simm.s32 @!p1 $0x0  }
0x14: {  	s2 =	sld [smem:$0x3F75];
	s0 =	simm.s32 @p1 $0x1  }
0x15: {  	[smem:$0x3F92] =	sst s0;
	s0 =	simm.s32 @!p2 $0x0  }
0x16: {  	s3 =	sld [smem:$0x3FDB];
	s0 =	simm.s32 @p2 $0x1  }
0x17: {  	s4 =	simm.s32 $0x1BF5;
	[smem:$0x3F94] =	sst s0  }
0x18: {  	s0 =	sld [smem:$0x3F77];
	_ =	swait.ge [sflag:s4], $0x0  }
0x19: {  	s7 =	sld [smem:$0x3F78]  }
0x1a: {  	s8 =	sadd.s32 $0xFFFFE003, lr  }
0x1b: {  	s9 =	sadd.s32 $0xFFFFFEF7, lr;
	s5 =	simm.s32 $0xFFFFFFFF;
	p2 =	slt.u32 s8, $0xFFFFF086  }
0x1c: {  	p1 =	slt.u32 s9, $0xF7A;
	s5 =	simm.s32 @!p2 $0x0  }
0x1d: {  	s5 =	simm.s32 @p1 $0x1;
	p0 =	seq.s32 s7, s2  }
0x1e: {  	s7 =	smul.u32 @!p0 $0xF7A, s2;
	p2 =	seq.s32 @!p0 s5, $0x0  }
0x1f: {  	s9 =	smul.u32 $0xF7A, s1;
	s8 =	simm.s32 @!p0 $0x1BF5;
	p2 =	por !p2, p0  }
0x20: {  	[sflag:s8] =	ssyncset.s32 @!p0 $0xFFFFF086;
	s6 =	sadd.s32 @!p0 s3, s7;
	s7 =	simm.s32 @!p0 $0x108  }
0x21: {  	s3 =	sadd.s32 s3, s9;
	s6 =	sadd.s32 @!p0 $0x88, s6;
	s7 =	simm.s32 @p2 $0x1082  }
0x22: {  	[simem:s7], [sflag:s8] =	dma.local @!p0 [hbm:s6], $0xF7A  }
0x23: {  	s9 =	sor.u32 $0xD0000000, s2;
	s6 =	simm.s32 $0x108;
	_ =	swait.ge @!p0 [sflag:s8], $0x0  }
0x24: {  	s3 =	sadd.s32 $0x88, s3;
	s6 =	simm.s32 @!p1 $0x1082;
	[sflag:s4] =	ssyncset.s32 $0xFFFFF086  }
0x25: {  	[simem:s6], [sflag:s4] =	dma.local [hbm:s3], $0xF7A  }
0x26: {  	[smem:$0x3F78] =	sst s1;
	(tag) =	ssettag s2;
	_ =	strace s9  }
0x27: {  	s1 =	sld [smem:$0x3F88]  }
0x28: {  	s2 =	sld [smem:$0x3F89]  }
0x29: {  	s4 =	sld [smem:$0x3F8B]  }
0x2a: {  	p0 =	seq.s32 s5, $0x0;
	s5 =	sld [smem:$0x3F8C]  }
0x2b: {  	s6 =	sld [smem:$0x3F8D]  }
0x2c: {  	s7 =	sld [smem:$0x3F8E]  }
0x2d: {  	s3 =	simm.s32 $0x108;
	s8 =	sld [smem:$0x3F8F]  }
0x2e: {  	s3 =	simm.s32 @!p0 $0x1082;
	s9 =	sld [smem:$0x3F90]  }
0x2f: {  	lr =	sadd.s32 s0, s3;
	s0 =	sld [smem:$0x3F87]  }
0x30: {  	s3 =	sld [smem:$0x3F8A]  }
0x31: {  	[smem:$0x3F93] =	sst s10  }
0x32: {  	s10 =	sld [smem:$0x3F91];
	_ =	sdelay $0x3  }
0x33: {  	p0 =	seq.s32 s10, $0x1;
	s10 =	sld [smem:$0x3F93];
	_ =	sdelay $0x3  }
0x34: {  	[smem:$0x3F93] =	sst s10  }
0x35: {  	s10 =	sld [smem:$0x3F92];
	_ =	sdelay $0x3  }
0x36: {  	p1 =	seq.s32 s10, $0x1;
	s10 =	sld [smem:$0x3F93];
	_ =	sdelay $0x3  }
0x37: {  	[smem:$0x3F93] =	sst s10  }
0x38: {  	s10 =	sld [smem:$0x3F94]  }
0x39: {  	_ = 	snop;
	(pc) =	sbr.ind lr, $3  }
0x3a: {  	_ = 	snop  }
0x3b: {  	_ = 	snop  }
0x3c: {  	p2 =	seq.s32 s10, $0x1;
	s10 =	sld [smem:$0x3F93]  }
0x3d: {  	_ =	shalt  }
0x3e: {  	_ =	shalt  }
0x3f: {  	_ =	shalt  }
0x40: {  	_ =	shalt  }
0x41: {  	_ =	shalt  }
0x42: {  	_ =	shalt  }
0x43: {  	_ =	shalt  }
0x44: {  	_ =	shalt  }
0x45: {  	_ =	shalt  }
0x46: {  	_ =	shalt  }
0x47: {  	_ =	shalt  }
0x48: {  	_ =	shalt  }
0x49: {  	_ =	shalt  }
0x4a: {  	_ =	shalt  }
0x4b: {  	_ =	shalt  }
0x4c: {  	_ =	shalt  }
0x4d: {  	_ =	shalt  }
0x4e: {  	_ =	shalt  }
0x4f: {  	_ =	shalt  }
0x50: {  	_ =	shalt  }
0x51: {  	_ =	shalt  }
0x52: {  	_ =	shalt  }
0x53: {  	_ =	shalt  }
0x54: {  	_ =	shalt  }
0x55: {  	_ =	shalt  }
0x56: {  	_ =	shalt  }
0x57: {  	_ =	shalt  }
0x58: {  	_ =	shalt  }
0x59: {  	_ =	shalt  }
0x5a: {  	_ =	shalt  }
0x5b: {  	_ =	shalt  }
0x5c: {  	_ =	shalt  }
0x5d: {  	_ =	shalt  }
0x5e: {  	_ =	shalt  }
0x5f: {  	_ =	shalt  }
0x60: {  	_ =	shalt  }
0x61: {  	_ =	shalt  }
0x62: {  	_ =	shalt  }
0x63: {  	_ =	shalt  }
0x64: {  	_ =	shalt  }
0x65: {  	_ =	shalt  }
0x66: {  	_ =	shalt  }
0x67: {  	_ =	shalt  }
0x68: {  	_ =	shalt  }
0x69: {  	_ =	shalt  }
0x6a: {  	_ =	shalt  }
0x6b: {  	_ =	shalt  }
0x6c: {  	_ =	shalt  }
0x6d: {  	_ =	shalt  }
0x6e: {  	_ =	shalt  }
0x6f: {  	_ =	shalt  }
0x70: {  	_ =	shalt  }
0x71: {  	_ =	shalt  }
0x72: {  	_ =	shalt  }
0x73: {  	_ =	shalt  }
0x74: {  	_ =	shalt  }
0x75: {  	_ =	shalt  }
0x76: {  	_ =	shalt  }
0x77: {  	_ =	shalt  }
0x78: {  	_ =	shalt  }
0x79: {  	_ =	shalt  }
0x7a: {  	_ =	shalt  }
0x7b: {  	_ =	shalt  }
0x7c: {  	_ =	shalt  }
0x7d: {  	_ =	shalt  }
0x7e: {  	_ =	shalt  }
0x7f: {  	_ =	shalt  }
0x80: {  	_ =	shalt  }
0x81: {  	_ =	shalt  }
0x82: {  	_ =	shalt  }
0x83: {  	_ =	shalt  }
0x84: {  	_ =	shalt  }
0x85: {  	_ =	shalt  }
0x86: {  	_ =	shalt  }
0x87: {  	_ =	shalt  }
.Lfunc_end0:
.L_simem_size_0:
called_computation.3_lowered:
.L_overlay_start_0:
0x88: {  	s2 =	sld [smem:$0x3FD9]  }
0x89: {  	s3 =	sld [smem:$0x3FFE];
	_ =	sdelay $0x1  }
0x8a: {  	s1 =	srdreg.scid  }
0x8b: {  	s0 =	sand.u32 $0x1, s1  }
0x8c: {  	s17 =	sshll.u32 s0, $0xA;
	s2 =	sadd.s32 s3, s2  }
0x8d: {  	s2 =	sadd.s32 s2, s17  }
0x8e: {  	[smem:$0x3F9F] =	sst s2  }
0x8f: {  	_ = 	snop  }
0x90: {  	s2 =	sld [smem:$0x3FD0];
	(tm) =	ssettm $0x1  }
0x91: {  	s18 =	sld [smem:$0x3FFB];
	_ =	sdelay $0x3  }
0x92: {  	_ =	strace s18  }
0x93: {  	s3 =	sld [smem:$0x3FFC];
	_ =	sdelay $0x3  }
0x94: {  	_ =	strace s3  }
0x95: {  	s3 =	sld [smem:$0x3FFD];
	_ =	sdelay $0x3  }
0x96: {  	_ =	strace s3  }
0x97: {  	_ =	strace $0x8FFFFFFF  }
0x98: {  	s19 =	sld [smem:$0x3FDB];
	_ =	sdelay $0x1  }
0x99: {  	s4 =	simm.s32 $_scs_section_size  }
0x9a: {  	s5 =	simm.s32 $_size__tile_overlayer_lowered;
	s6 =	simm.s32 $_tile_overlayer_lowered  }
0x9b: {  	s22 =	simm.s32 $0x1BFF;
	s21 =	sshll.u32 s6, $0x1;
	s3 =	sadd.s32 s4, s19  }
0x9c: {  	s7 =	simm.s32 $0x0;
	s20 =	sshll.u32 s5, $0x1;
	s5 =	sadd.s32 s21, s3  }
0x9d: {  	[timem:s7], [sflag:s22] =	dma.local [hbm:s5], s20  }
0x9e: {  	_ =	swait.ge [sflag:s22], s20  }
0x9f: {  	s4 =	ssub.s32 $0x0, s20;
	[sflag:s22] =	ssyncset.done $0x0  }
0xa0: {  	[sflag:s22] =	ssyncadd.s32 s4;
	_ =	sdelay $0x1  }
0xa1: {  	s23 =	simm.s32 $0x1B8B  }
0xa2: {  	_ =	swait.ge [sflag:s23], $0x1  }
0xa3: {  	[sflag:s23] =	ssyncset.done $0x0  }
0xa4: {  	s25 =	simm.s32 $0x1B8E;
	s24 =	sld [smem:$0x3FFE];
	[sflag:s23] =	ssyncadd.s32 $0xFFFFFFFF  }
0xa5: {  	s26 =	simm.s32 $execute0_lowered;
	[smem:$0x3FD2] =	sst s25  }
0xa6: {  	s5 =	sshll.u32 s26, $0x1;
	_ =	strace $0x8000004F;
	[dreg:$0x1] =	wrdreg $0xFFFFFFFF  }
0xa7: {  	s28 =	simm.s32 $_size_execute0_lowered;
	s3 =	sadd.s32 s3, s5;
	[dreg:$0x0] =	wrdreg $0x0  }
0xa8: {  	s5 =	sshll.u32 s28, $0x1;
	[dreg:$0x2] =	wrdreg s3  }
0xa9: {  	[dreg:$0x3] =	wrdreg s5  }
0xaa: {  	[dreg:$0x4] =	wrdreg $0xC0  }
0xab: {  	_ =	task [dreg:s7], $0x5FFFF  }
0xac: {  	[dreg:$0x1] =	wrdreg $0xFFFFFFFF  }
0xad: {  	[dreg:$0x0] =	wrdreg $0x60  }
0xae: {  	[dreg:$0x2] =	wrdreg s24  }
0xaf: {  	[dreg:$0x3] =	wrdreg s2  }
0xb0: {  	[dreg:$0x4] =	wrdreg $0x9  }
0xb1: {  	_ =	task.clear_ibuf [dreg:s7], $0x5FFFF;
	_ =	strace $0x9000004F  }
0xb2: {  	s29 =	simm.s32 $0x9;
	_ =	strace $0x80000051  }
0xb3: {  	_ =	swait.ge [sflag:s29], $0x1  }
0xb4: {  	[sflag:s29] =	ssyncadd.s32 $0xFFFFFFFF  }
0xb5: {  	_ =	strace $0x90000051  }
0xb6: {  	_ =	sfence  }
0xb7: {  	s30 =	sld [smem:$0x0];
	_ =	sdelay $0x2  }
0xb8: {  	s31 =	sshll.u32 s1, $0xD;
	s1 =	sshrl.u32 s1, $0x2  }
0xb9: {  	s3 =	sand.u32 $0x4000, s31;
	s1 =	sadd.s32 s1, s30  }
0xba: {  	s0 =	sor.u32 s3, s0;
	s1 =	sshll.u32 s1, $0x11  }
0xbb: {  	s0 =	sor.u32 s1, s0  }
0xbc: {  	s0 =	sadd.s32 $0x8F2B, s0  }
0xbd: {  	[sflag:s0] =	ssyncadd.remote.s32 $0x1  }
0xbe: {  	_ =	sfence.sel $0xFFFF  }
0xbf: {  	[dreg:$0x0] =	wrdreg $0xFFFFFFFF;
	(pc) =	sbr.abs _section_cstart, $3  }
0xc0: {  	[dreg:$0x1] =	wrdreg $0xFFFFFFFF  }
0xc1: {  	_ =	task.clear_ibuf [dreg:s7], $0x2FFFF;
	_ =	strace $0x9FFFFFFF  }
0xc2: {  	(tm) =	ssettm $0x7FFFFFFF  }
0xc3: {  	_ =	shalt  }
tec
execute0_lowered:
.L_overlay_start_1:
0x0: {  	(tag) =	ssettag $0x1  }
0x1: {  	s4 =	rddreg [dreg:$0x0]  }
0x2: {  	s5 =	rddreg [dreg:$0x1]  }
0x3: {  	s2 =	srdreg.scid;
	s0 =	rddreg [dreg:$0x2]  }
0x4: {  	s1 =	stileid.u32;
	s11 =	simm.s32 $0x1;
	s6 =	sand.u32 $0x1, s2  }
0x5: {  	s12 =	simm.s32 $0x8A20;
	s3 =	sshll.u32 s1, $0x6;
	s7 =	sshll.u32 s6, $0x5  }
0x6: {  	s13 =	simm.s32 $0x0;
	s2 =	simm.s32 $0x0;
	s7 =	sor.u32 s7, s3  }
0x7: {  	[smem:$0x7FF] =	sst s2;
	s6 =	ssub.s32 $0x2, s6;
	s8 =	smul.u32 $0xA, s7  }
0x8: {  	_ =	strace $0x80000050;
	s10 =	sshrl.u32 s6, $0x1;
	s9 =	smul.u32 $0x18, s7  }
0x9: {  	s3 =	sadd.s32 $0x8800, s4;
	s7 =	sshrl.u32 s7, $0x3;
	s10 =	ssub.s32 s6, s10  }
0xa: {  	s8 =	sadd.s32 s8, s4;
	s9 =	sadd.s32 s9, s4;
	s4 =	sadd.s32 s5, s7  }
0xb: {  	s7 =	smax.u32 s10, $0x1;
	s10 =	simm.s32 $0xA20;
	s5 =	sadd.s32 $0x6000, s8  }
0xc: {  	s6 =	sadd.s32 $0x28800, s9;
	s8 =	simm.s32 $0x2;
	s9 =	simm.s32 $0x20  }
.LBB2_1:
0xd: {  	[tilespmem:s2], [sflag:$0x2] =	stream.linear.gather [hbm4b:s4+s2], $0x20, $0x38;
	[tilespmem:$0xA220] =	vst v63  }
0xe: {  	_ =	swait.ge [sflag:s8], $0x20  }
0xf: {  	[sflag:s8] =	ssyncset.done $0x0  }
0x10: {  	[sflag:s8] =	ssyncadd.s32 $0xFFFFFFE0  }
0x11: {  	[tilespmem:s10], [sflag:$0x1] =	stream.indirect.gather [hbm4b:s3+s9], $0x400, s2, s9, $0xb8;
	[tilespmem:$0xA220] =	vst v63  }
0x12: {  	_ = 	snop  }
0x13: {  	[tilespmem:s9], [sflag:$0x2] =	stream.linear.gather [hbm4b:s5+s2], $0xA00, $0x38;
	[tilespmem:$0xA220] =	vst v63  }
0x14: {  	_ =	swait.ge [sflag:s8], $0xA00  }
0x15: {  	[sflag:s8] =	ssyncset.done $0x0  }
0x16: {  	[sflag:s8] =	ssyncadd.s32 $0xFFFFF600  }
0x17: {  	_ =	swait.ge [sflag:s11], $0x8000  }
0x18: {  	[sflag:s11] =	ssyncset.done $0x0  }
0x19: {  	s14 =	simm.s32 $0xC00;
	[sflag:s11] =	ssyncadd.s32 $0xFFFF8000  }
0x1a: {  	v4 =	vld [tilespmem:s14+$0xFFFFFE20]  }
0x1b: {  	s15 =	simm.s32 $0x40;
	v5 =	vld [tilespmem:s14+$0xFFFFFEE0]  }
0x1c: {  	v1 =	vld [tilespmem:s15+$0xFFFFFFE0]  }
0x1d: {  	v2 =	vld [tilespmem:s15+$0xFFFFFFF0]  }
0x1e: {  	v6 =	vld [tilespmem:s14+$0xFFFFFFA0]  }
0x1f: {  	v0 =	vld [tilespmem:s15+$0x0]  }
0x20: {  	v7 =	vld [tilespmem:s14+$0x60]  }
0x21: {  	v3 =	vld [tilespmem:s15+$0x10]  }
0x22: {  	v9 =	vld [tilespmem:s14+$0x120];
	v8 =	vmul.f32 v4, v1;
	v5 =	vmul.f32 v5, v2  }
0x23: {  	v4 =	vld [tilespmem:s15+$0x20]  }
0x24: {  	v6 =	vmul.f32 v6, v0;
	v5 =	vadd.f32 v5, v8;
	_ =	sdelay $0x1  }
0x25: {  	v5 =	vadd.f32 v6, v5;
	v6 =	vmul.f32 v7, v3;
	_ =	sdelay $0x1  }
0x26: {  	v5 =	vadd.f32 v6, v5;
	v6 =	vmul.f32 v9, v4;
	_ =	sdelay $0x1  }
0x27: {  	v5 =	vadd.f32 v6, v5  }
0x28: {  	s15 =	simm.s32 $0x8A80  }
0x29: {  	[tilespmem:s15+$0xFFFFFFA0] =	vst v5  }
0x2a: {  	v5 =	vld [tilespmem:s14+$0xFFFFFE30]  }
0x2b: {  	v6 =	vld [tilespmem:s14+$0xFFFFFEF0];
	_ =	sdelay $0x1  }
0x2c: {  	v7 =	vld [tilespmem:s14+$0xFFFFFFB0];
	_ =	sdelay $0x1  }
0x2d: {  	v44 =	vld [tilespmem:s14+$0x70]  }
0x2e: {  	v5 =	vmul.f32 v5, v1;
	v6 =	vmul.f32 v6, v2  }
0x2f: {  	v45 =	vld [tilespmem:s14+$0x130]  }
0x30: {  	v5 =	vadd.f32 v6, v5;
	v6 =	vmul.f32 v7, v0;
	_ =	sdelay $0x1  }
0x31: {  	v5 =	vadd.f32 v6, v5;
	v6 =	vmul.f32 v44, v3;
	_ =	sdelay $0x1  }
0x32: {  	v5 =	vadd.f32 v6, v5;
	v6 =	vmul.f32 v45, v4;
	_ =	sdelay $0x1  }
0x33: {  	v5 =	vadd.f32 v6, v5;
	_ =	sdelay $0x1  }
0x34: {  	[tilespmem:s15+$0xFFFFFFB0] =	vst v5  }
0x35: {  	v5 =	vld [tilespmem:s14+$0xFFFFFE40]  }
0x36: {  	v6 =	vld [tilespmem:s14+$0xFFFFFF00];
	_ =	sdelay $0x1  }
0x37: {  	v7 =	vld [tilespmem:s14+$0xFFFFFFC0];
	_ =	sdelay $0x1  }
0x38: {  	v46 =	vld [tilespmem:s14+$0x80]  }
0x39: {  	v5 =	vmul.f32 v5, v1;
	v6 =	vmul.f32 v6, v2  }
0x3a: {  	v47 =	vld [tilespmem:s14+$0x140]  }
0x3b: {  	v5 =	vadd.f32 v6, v5;
	v6 =	vmul.f32 v7, v0;
	_ =	sdelay $0x1  }
0x3c: {  	v5 =	vadd.f32 v6, v5;
	v6 =	vmul.f32 v46, v3;
	_ =	sdelay $0x1  }
0x3d: {  	v5 =	vadd.f32 v6, v5;
	v6 =	vmul.f32 v47, v4;
	_ =	sdelay $0x1  }
0x3e: {  	v5 =	vadd.f32 v6, v5;
	_ =	sdelay $0x1  }
0x3f: {  	[tilespmem:s15+$0xFFFFFFC0] =	vst v5  }
0x40: {  	v5 =	vld [tilespmem:s14+$0xFFFFFE50]  }
0x41: {  	v6 =	vld [tilespmem:s14+$0xFFFFFF10];
	_ =	sdelay $0x1  }
0x42: {  	v7 =	vld [tilespmem:s14+$0xFFFFFFD0];
	_ =	sdelay $0x1  }
0x43: {  	v48 =	vld [tilespmem:s14+$0x90]  }
0x44: {  	v5 =	vmul.f32 v5, v1;
	v6 =	vmul.f32 v6, v2  }
0x45: {  	v49 =	vld [tilespmem:s14+$0x150]  }
0x46: {  	v5 =	vadd.f32 v6, v5;
	v6 =	vmul.f32 v7, v0;
	_ =	sdelay $0x1  }
0x47: {  	v5 =	vadd.f32 v6, v5;
	v6 =	vmul.f32 v48, v3;
	_ =	sdelay $0x1  }
0x48: {  	v5 =	vadd.f32 v6, v5;
	v6 =	vmul.f32 v49, v4;
	_ =	sdelay $0x1  }
0x49: {  	v5 =	vadd.f32 v6, v5;
	_ =	sdelay $0x1  }
0x4a: {  	[tilespmem:s15+$0xFFFFFFD0] =	vst v5  }
0x4b: {  	v5 =	vld [tilespmem:s14+$0xFFFFFE60]  }
0x4c: {  	v6 =	vld [tilespmem:s14+$0xFFFFFF20];
	_ =	sdelay $0x1  }
0x4d: {  	v7 =	vld [tilespmem:s14+$0xFFFFFFE0];
	_ =	sdelay $0x1  }
0x4e: {  	v50 =	vld [tilespmem:s14+$0xA0]  }
0x4f: {  	v5 =	vmul.f32 v5, v1;
	v6 =	vmul.f32 v6, v2  }
0x50: {  	v51 =	vld [tilespmem:s14+$0x160]  }
0x51: {  	v7 =	vmul.f32 v7, v0;
	v5 =	vadd.f32 v6, v5;
	_ =	sdelay $0x1  }
0x52: {  	v6 =	vmul.f32 v50, v3;
	v5 =	vadd.f32 v7, v5;
	_ =	sdelay $0x1  }
0x53: {  	v5 =	vadd.f32 v6, v5;
	v6 =	vmul.f32 v51, v4;
	_ =	sdelay $0x1  }
0x54: {  	v5 =	vadd.f32 v6, v5;
	_ =	sdelay $0x1  }
0x55: {  	[tilespmem:s15+$0xFFFFFFE0] =	vst v5  }
0x56: {  	v5 =	vld [tilespmem:s14+$0xFFFFFE70]  }
0x57: {  	v6 =	vld [tilespmem:s14+$0xFFFFFF30];
	_ =	sdelay $0x1  }
0x58: {  	v7 =	vld [tilespmem:s14+$0xFFFFFFF0];
	_ =	sdelay $0x1  }
0x59: {  	v52 =	vld [tilespmem:s14+$0xB0]  }
0x5a: {  	v5 =	vmul.f32 v5, v1;
	v6 =	vmul.f32 v6, v2  }
0x5b: {  	v53 =	vld [tilespmem:s14+$0x170]  }
0x5c: {  	v7 =	vmul.f32 v7, v0;
	v5 =	vadd.f32 v6, v5;
	_ =	sdelay $0x1  }
0x5d: {  	v6 =	vmul.f32 v52, v3;
	v5 =	vadd.f32 v7, v5;
	_ =	sdelay $0x1  }
0x5e: {  	v5 =	vadd.f32 v6, v5;
	v6 =	vmul.f32 v53, v4;
	_ =	sdelay $0x1  }
0x5f: {  	v5 =	vadd.f32 v6, v5;
	_ =	sdelay $0x1  }
0x60: {  	[tilespmem:s15+$0xFFFFFFF0] =	vst v5  }
0x61: {  	v5 =	vld [tilespmem:s14+$0xFFFFFE80]  }
0x62: {  	v6 =	vld [tilespmem:s14+$0xFFFFFF40];
	_ =	sdelay $0x1  }
0x63: {  	v7 =	vld [tilespmem:s14+$0x0];
	_ =	sdelay $0x1  }
0x64: {  	v54 =	vld [tilespmem:s14+$0xC0]  }
0x65: {  	v5 =	vmul.f32 v5, v1;
	v6 =	vmul.f32 v6, v2  }
0x66: {  	v55 =	vld [tilespmem:s14+$0x180]  }
0x67: {  	v7 =	vmul.f32 v7, v0;
	v5 =	vadd.f32 v6, v5;
	_ =	sdelay $0x1  }
0x68: {  	v6 =	vmul.f32 v54, v3;
	v5 =	vadd.f32 v7, v5;
	_ =	sdelay $0x1  }
0x69: {  	v5 =	vadd.f32 v6, v5;
	v6 =	vmul.f32 v55, v4;
	_ =	sdelay $0x1  }
0x6a: {  	v5 =	vadd.f32 v6, v5;
	_ =	sdelay $0x1  }
0x6b: {  	[tilespmem:s15+$0x0] =	vst v5  }
0x6c: {  	v5 =	vld [tilespmem:s14+$0xFFFFFE90]  }
0x6d: {  	v6 =	vld [tilespmem:s14+$0xFFFFFF50];
	_ =	sdelay $0x1  }
0x6e: {  	v7 =	vld [tilespmem:s14+$0x10];
	_ =	sdelay $0x1  }
0x6f: {  	v56 =	vld [tilespmem:s14+$0xD0]  }
0x70: {  	v5 =	vmul.f32 v5, v1;
	v6 =	vmul.f32 v6, v2  }
0x71: {  	v57 =	vld [tilespmem:s14+$0x190]  }
0x72: {  	v5 =	vadd.f32 v6, v5;
	v6 =	vmul.f32 v7, v0;
	_ =	sdelay $0x1  }
0x73: {  	v7 =	vmul.f32 v56, v3;
	v5 =	vadd.f32 v6, v5;
	_ =	sdelay $0x1  }
0x74: {  	v6 =	vmul.f32 v57, v4;
	v5 =	vadd.f32 v7, v5;
	_ =	sdelay $0x1  }
0x75: {  	v5 =	vadd.f32 v6, v5;
	_ =	sdelay $0x1  }
0x76: {  	[tilespmem:s15+$0x10] =	vst v5  }
0x77: {  	v5 =	vld [tilespmem:s14+$0xFFFFFEA0]  }
0x78: {  	v6 =	vld [tilespmem:s14+$0xFFFFFF60];
	_ =	sdelay $0x1  }
0x79: {  	v7 =	vld [tilespmem:s14+$0x20];
	_ =	sdelay $0x1  }
0x7a: {  	v58 =	vld [tilespmem:s14+$0xE0]  }
0x7b: {  	v5 =	vmul.f32 v5, v1;
	v6 =	vmul.f32 v6, v2  }
0x7c: {  	v59 =	vld [tilespmem:s14+$0x1A0]  }
0x7d: {  	v5 =	vadd.f32 v6, v5;
	v6 =	vmul.f32 v7, v0;
	_ =	sdelay $0x1  }
0x7e: {  	v5 =	vadd.f32 v6, v5;
	v6 =	vmul.f32 v58, v3;
	_ =	sdelay $0x1  }
0x7f: {  	v7 =	vmul.f32 v59, v4;
	v5 =	vadd.f32 v6, v5;
	_ =	sdelay $0x1  }
0x80: {  	v5 =	vadd.f32 v7, v5;
	_ =	sdelay $0x1  }
0x81: {  	[tilespmem:s15+$0x20] =	vst v5  }
0x82: {  	v5 =	vld [tilespmem:s14+$0xFFFFFEB0]  }
0x83: {  	v6 =	vld [tilespmem:s14+$0xFFFFFF70];
	_ =	sdelay $0x1  }
0x84: {  	v7 =	vld [tilespmem:s14+$0x30];
	_ =	sdelay $0x1  }
0x85: {  	v60 =	vld [tilespmem:s14+$0xF0]  }
0x86: {  	v5 =	vmul.f32 v5, v1;
	v6 =	vmul.f32 v6, v2  }
0x87: {  	v61 =	vld [tilespmem:s14+$0x1B0]  }
0x88: {  	v7 =	vmul.f32 v7, v0;
	v5 =	vadd.f32 v6, v5;
	_ =	sdelay $0x1  }
0x89: {  	v6 =	vmul.f32 v60, v3;
	v5 =	vadd.f32 v7, v5;
	_ =	sdelay $0x1  }
0x8a: {  	v7 =	vmul.f32 v61, v4;
	v5 =	vadd.f32 v6, v5;
	_ =	sdelay $0x1  }
0x8b: {  	v5 =	vadd.f32 v7, v5;
	_ =	sdelay $0x1  }
0x8c: {  	[tilespmem:s15+$0x30] =	vst v5  }
0x8d: {  	v5 =	vld [tilespmem:s14+$0xFFFFFEC0]  }
0x8e: {  	v6 =	vld [tilespmem:s14+$0xFFFFFF80];
	_ =	sdelay $0x1  }
0x8f: {  	v7 =	vld [tilespmem:s14+$0x40];
	_ =	sdelay $0x1  }
0x90: {  	v62 =	vld [tilespmem:s14+$0x100]  }
0x91: {  	v5 =	vmul.f32 v5, v1;
	v6 =	vmul.f32 v6, v2  }
0x92: {  	v63 =	vld [tilespmem:s14+$0x1C0]  }
0x93: {  	v7 =	vmul.f32 v7, v0;
	v5 =	vadd.f32 v6, v5;
	_ =	sdelay $0x1  }
0x94: {  	v6 =	vmul.f32 v62, v3;
	v5 =	vadd.f32 v7, v5;
	_ =	sdelay $0x1  }
0x95: {  	v7 =	vmul.f32 v63, v4;
	v5 =	vadd.f32 v6, v5;
	_ =	sdelay $0x1  }
0x96: {  	v5 =	vadd.f32 v7, v5;
	_ =	sdelay $0x1  }
0x97: {  	[tilespmem:s15+$0x40] =	vst v5  }
0x98: {  	s17 =	simm.s32 $0x240;
	s18 =	simm.s32 $0xC00;
	s16 =	simm.s32 $0x8A80;
	v5 =	vld [tilespmem:s14+$0xFFFFFED0]  }
.LBB2_2:
0x99: {  	p0 =	sne.s32 s17, $0x27C0;
	v6 =	vld [tilespmem:s14+$0xFFFFFF90];
	s15 =	sadd.s32 $0xC0, s15;
	s18 =	sadd.s32 $0x400, s18  }
0x9a: {  	s19 =	smov.u32 s17;
	s17 =	sadd.s32 $0x140, s17;
	v7 =	vld [tilespmem:s14+$0x50]  }
0x9b: {  	v8 =	vld [tilespmem:s14+$0x110]  }
0x9c: {  	v9 =	vld [tilespmem:s14+$0x1D0];
	s14 =	smov.u32 s18  }
0x9d: {  	v1 =	vmul.f32 v5, v1  }
0x9e: {  	v2 =	vmul.f32 v6, v2  }
0x9f: {  	v0 =	vmul.f32 v7, v0  }
0xa0: {  	v1 =	vadd.f32 v2, v1;
	v2 =	vmul.f32 v8, v3  }
0xa1: {  	v3 =	vmul.f32 v9, v4  }
0xa2: {  	v0 =	vadd.f32 v0, v1;
	_ =	sdelay $0x1  }
0xa3: {  	v0 =	vadd.f32 v2, v0;
	_ =	sdelay $0x1  }
0xa4: {  	v0 =	vadd.f32 v3, v0;
	_ =	sdelay $0x1  }
0xa5: {  	[tilespmem:s16+$0x50] =	vst v0;
	s16 =	smov.u32 s15  }
0xa6: {  	v4 =	vld [tilespmem:s18+$0xFFFFFFA0]  }
0xa7: {  	s19 =	sshra.s32 s19, $0x2;
	v5 =	vld [tilespmem:s18+$0xFFFFFE20]  }
0xa8: {  	v6 =	vld [tilespmem:s18+$0xFFFFFEE0]  }
0xa9: {  	v0 =	vld [tilespmem:s19+$0x0]  }
0xaa: {  	v1 =	vld [tilespmem:s19+$0xFFFFFFE0]  }
0xab: {  	v2 =	vld [tilespmem:s19+$0xFFFFFFF0];
	_ =	sdelay $0x2  }
0xac: {  	v7 =	vld [tilespmem:s18+$0x60]  }
0xad: {  	v8 =	vmul.f32 v4, v0;
	v3 =	vld [tilespmem:s19+$0x10];
	v5 =	vmul.f32 v5, v1  }
0xae: {  	v4 =	vld [tilespmem:s19+$0x20];
	v6 =	vmul.f32 v6, v2  }
0xaf: {  	v9 =	vld [tilespmem:s18+$0x120]  }
0xb0: {  	v5 =	vadd.f32 v6, v5;
	_ =	sdelay $0x1  }
0xb1: {  	v5 =	vadd.f32 v8, v5;
	v6 =	vmul.f32 v7, v3;
	_ =	sdelay $0x1  }
0xb2: {  	v5 =	vadd.f32 v6, v5;
	v6 =	vmul.f32 v9, v4;
	_ =	sdelay $0x1  }
0xb3: {  	v5 =	vadd.f32 v6, v5;
	_ =	sdelay $0x1  }
0xb4: {  	[tilespmem:s15+$0xFFFFFFA0] =	vst v5  }
0xb5: {  	v5 =	vld [tilespmem:s18+$0xFFFFFE30];
	_ =	sdelay $0x1  }
0xb6: {  	v6 =	vld [tilespmem:s18+$0xFFFFFEF0];
	_ =	sdelay $0x1  }
0xb7: {  	v7 =	vld [tilespmem:s18+$0xFFFFFFB0]  }
0xb8: {  	v5 =	vmul.f32 v5, v1  }
0xb9: {  	v8 =	vld [tilespmem:s18+$0x70]  }
0xba: {  	v6 =	vmul.f32 v6, v2  }
0xbb: {  	v9 =	vld [tilespmem:s18+$0x130]  }
0xbc: {  	v5 =	vadd.f32 v6, v5;
	v6 =	vmul.f32 v7, v0;
	_ =	sdelay $0x1  }
0xbd: {  	v5 =	vadd.f32 v6, v5;
	v6 =	vmul.f32 v8, v3;
	_ =	sdelay $0x1  }
0xbe: {  	v5 =	vadd.f32 v6, v5;
	v6 =	vmul.f32 v9, v4;
	_ =	sdelay $0x1  }
0xbf: {  	v5 =	vadd.f32 v6, v5;
	_ =	sdelay $0x1  }
0xc0: {  	[tilespmem:s15+$0xFFFFFFB0] =	vst v5  }
0xc1: {  	v5 =	vld [tilespmem:s18+$0xFFFFFE40]  }
0xc2: {  	v6 =	vld [tilespmem:s18+$0xFFFFFF00];
	_ =	sdelay $0x1  }
0xc3: {  	v7 =	vld [tilespmem:s18+$0xFFFFFFC0];
	_ =	sdelay $0x1  }
0xc4: {  	v5 =	vmul.f32 v5, v1;
	v8 =	vld [tilespmem:s18+$0x80]  }
0xc5: {  	v6 =	vmul.f32 v6, v2  }
0xc6: {  	v9 =	vld [tilespmem:s18+$0x140]  }
0xc7: {  	v5 =	vadd.f32 v6, v5;
	v6 =	vmul.f32 v7, v0;
	_ =	sdelay $0x1  }
0xc8: {  	v5 =	vadd.f32 v6, v5;
	v6 =	vmul.f32 v8, v3;
	_ =	sdelay $0x1  }
0xc9: {  	v5 =	vadd.f32 v6, v5;
	v6 =	vmul.f32 v9, v4;
	_ =	sdelay $0x1  }
0xca: {  	v5 =	vadd.f32 v6, v5;
	_ =	sdelay $0x1  }
0xcb: {  	[tilespmem:s15+$0xFFFFFFC0] =	vst v5  }
0xcc: {  	v5 =	vld [tilespmem:s18+$0xFFFFFE50]  }
0xcd: {  	v6 =	vld [tilespmem:s18+$0xFFFFFF10];
	_ =	sdelay $0x1  }
0xce: {  	v7 =	vld [tilespmem:s18+$0xFFFFFFD0];
	_ =	sdelay $0x1  }
0xcf: {  	v5 =	vmul.f32 v5, v1;
	v8 =	vld [tilespmem:s18+$0x90]  }
0xd0: {  	v6 =	vmul.f32 v6, v2  }
0xd1: {  	v9 =	vld [tilespmem:s18+$0x150]  }
0xd2: {  	v5 =	vadd.f32 v6, v5;
	v6 =	vmul.f32 v7, v0;
	_ =	sdelay $0x1  }
0xd3: {  	v5 =	vadd.f32 v6, v5;
	v6 =	vmul.f32 v8, v3;
	_ =	sdelay $0x1  }
0xd4: {  	v5 =	vadd.f32 v6, v5;
	v6 =	vmul.f32 v9, v4;
	_ =	sdelay $0x1  }
0xd5: {  	v5 =	vadd.f32 v6, v5;
	_ =	sdelay $0x1  }
0xd6: {  	[tilespmem:s15+$0xFFFFFFD0] =	vst v5  }
0xd7: {  	v5 =	vld [tilespmem:s18+$0xFFFFFE60]  }
0xd8: {  	v6 =	vld [tilespmem:s18+$0xFFFFFF20]  }
0xd9: {  	v7 =	vld [tilespmem:s18+$0xFFFFFFE0]  }
0xda: {  	v8 =	vld [tilespmem:s18+$0xA0];
	_ =	sdelay $0x1  }
0xdb: {  	v5 =	vmul.f32 v5, v1  }
0xdc: {  	v6 =	vmul.f32 v6, v2  }
0xdd: {  	v7 =	vmul.f32 v7, v0;
	v9 =	vld [tilespmem:s18+$0x160]  }
0xde: {  	v5 =	vadd.f32 v6, v5;
	v6 =	vmul.f32 v8, v3;
	_ =	sdelay $0x1  }
0xdf: {  	v5 =	vadd.f32 v7, v5;
	_ =	sdelay $0x1  }
0xe0: {  	v5 =	vadd.f32 v6, v5;
	v6 =	vmul.f32 v9, v4;
	_ =	sdelay $0x1  }
0xe1: {  	v5 =	vadd.f32 v6, v5;
	_ =	sdelay $0x1  }
0xe2: {  	[tilespmem:s15+$0xFFFFFFE0] =	vst v5  }
0xe3: {  	v5 =	vld [tilespmem:s18+$0xFFFFFE70]  }
0xe4: {  	v6 =	vld [tilespmem:s18+$0xFFFFFF30]  }
0xe5: {  	v7 =	vld [tilespmem:s18+$0xFFFFFFF0]  }
0xe6: {  	v8 =	vld [tilespmem:s18+$0xB0];
	_ =	sdelay $0x1  }
0xe7: {  	v5 =	vmul.f32 v5, v1  }
0xe8: {  	v6 =	vmul.f32 v6, v2  }
0xe9: {  	v7 =	vmul.f32 v7, v0;
	v9 =	vld [tilespmem:s18+$0x170]  }
0xea: {  	v5 =	vadd.f32 v6, v5;
	v6 =	vmul.f32 v8, v3;
	_ =	sdelay $0x1  }
0xeb: {  	v5 =	vadd.f32 v7, v5;
	_ =	sdelay $0x1  }
0xec: {  	v5 =	vadd.f32 v6, v5;
	v6 =	vmul.f32 v9, v4;
	_ =	sdelay $0x1  }
0xed: {  	v5 =	vadd.f32 v6, v5;
	_ =	sdelay $0x1  }
0xee: {  	[tilespmem:s15+$0xFFFFFFF0] =	vst v5  }
0xef: {  	v5 =	vld [tilespmem:s18+$0xFFFFFE80]  }
0xf0: {  	v6 =	vld [tilespmem:s18+$0xFFFFFF40]  }
0xf1: {  	v7 =	vld [tilespmem:s18+$0x0];
	_ =	sdelay $0x2  }
0xf2: {  	v5 =	vmul.f32 v5, v1;
	v8 =	vld [tilespmem:s18+$0xC0]  }
0xf3: {  	v6 =	vmul.f32 v6, v2  }
0xf4: {  	v7 =	vmul.f32 v7, v0;
	v9 =	vld [tilespmem:s18+$0x180]  }
0xf5: {  	v5 =	vadd.f32 v6, v5;
	_ =	sdelay $0x1  }
0xf6: {  	v5 =	vadd.f32 v7, v5;
	v6 =	vmul.f32 v8, v3;
	_ =	sdelay $0x1  }
0xf7: {  	v5 =	vadd.f32 v6, v5;
	v6 =	vmul.f32 v9, v4;
	_ =	sdelay $0x1  }
0xf8: {  	v5 =	vadd.f32 v6, v5;
	_ =	sdelay $0x1  }
0xf9: {  	[tilespmem:s15+$0x0] =	vst v5  }
0xfa: {  	v5 =	vld [tilespmem:s18+$0xFFFFFE90]  }
0xfb: {  	v6 =	vld [tilespmem:s18+$0xFFFFFF50]  }
0xfc: {  	v7 =	vld [tilespmem:s18+$0xD0]  }
0xfd: {  	v8 =	vld [tilespmem:s18+$0x10]  }
0xfe: {  	v9 =	vld [tilespmem:s18+$0x190]  }
0xff: {  	v5 =	vmul.f32 v5, v1  }
0x100: {  	v6 =	vmul.f32 v6, v2  }
0x101: {  	v7 =	vmul.f32 v7, v3  }
0x102: {  	v5 =	vadd.f32 v6, v5;
	v6 =	vmul.f32 v8, v0  }
0x103: {  	v8 =	vmul.f32 v9, v4  }
0x104: {  	v5 =	vadd.f32 v6, v5;
	_ =	sdelay $0x1  }
0x105: {  	v5 =	vadd.f32 v7, v5;
	_ =	sdelay $0x1  }
0x106: {  	v5 =	vadd.f32 v8, v5;
	_ =	sdelay $0x1  }
0x107: {  	[tilespmem:s15+$0x10] =	vst v5  }
0x108: {  	v5 =	vld [tilespmem:s18+$0xFFFFFEA0]  }
0x109: {  	v6 =	vld [tilespmem:s18+$0xFFFFFF60]  }
0x10a: {  	v7 =	vld [tilespmem:s18+$0xE0]  }
0x10b: {  	v8 =	vld [tilespmem:s18+$0x20]  }
0x10c: {  	v9 =	vld [tilespmem:s18+$0x1A0]  }
0x10d: {  	v5 =	vmul.f32 v5, v1  }
0x10e: {  	v6 =	vmul.f32 v6, v2;
	_ =	sdelay $0x1  }
0x10f: {  	v5 =	vadd.f32 v6, v5;
	v6 =	vmul.f32 v8, v0  }
0x110: {  	v8 =	vmul.f32 v9, v4  }
0x111: {  	v5 =	vadd.f32 v6, v5;
	v6 =	vmul.f32 v7, v3;
	_ =	sdelay $0x1  }
0x112: {  	v5 =	vadd.f32 v6, v5;
	_ =	sdelay $0x1  }
0x113: {  	v5 =	vadd.f32 v8, v5;
	_ =	sdelay $0x1  }
0x114: {  	[tilespmem:s15+$0x20] =	vst v5  }
0x115: {  	v5 =	vld [tilespmem:s18+$0xFFFFFEB0]  }
0x116: {  	v6 =	vld [tilespmem:s18+$0xFFFFFF70]  }
0x117: {  	v7 =	vld [tilespmem:s18+$0x30]  }
0x118: {  	v8 =	vld [tilespmem:s18+$0xF0]  }
0x119: {  	v9 =	vld [tilespmem:s18+$0x1B0]  }
0x11a: {  	v5 =	vmul.f32 v5, v1  }
0x11b: {  	v6 =	vmul.f32 v6, v2  }
0x11c: {  	v7 =	vmul.f32 v7, v0  }
0x11d: {  	v5 =	vadd.f32 v6, v5;
	v6 =	vmul.f32 v8, v3  }
0x11e: {  	v8 =	vmul.f32 v9, v4  }
0x11f: {  	v5 =	vadd.f32 v7, v5;
	_ =	sdelay $0x1  }
0x120: {  	v5 =	vadd.f32 v6, v5;
	_ =	sdelay $0x1  }
0x121: {  	v5 =	vadd.f32 v8, v5;
	_ =	sdelay $0x1  }
0x122: {  	[tilespmem:s15+$0x30] =	vst v5  }
0x123: {  	v5 =	vld [tilespmem:s18+$0xFFFFFEC0]  }
0x124: {  	v6 =	vld [tilespmem:s18+$0xFFFFFF80]  }
0x125: {  	v7 =	vld [tilespmem:s18+$0x40]  }
0x126: {  	v8 =	vld [tilespmem:s18+$0x100]  }
0x127: {  	v9 =	vld [tilespmem:s18+$0x1C0]  }
0x128: {  	v5 =	vmul.f32 v5, v1  }
0x129: {  	v6 =	vmul.f32 v6, v2  }
0x12a: {  	v7 =	vmul.f32 v7, v0  }
0x12b: {  	v5 =	vadd.f32 v6, v5;
	v6 =	vmul.f32 v8, v3  }
0x12c: {  	v8 =	vmul.f32 v9, v4  }
0x12d: {  	v5 =	vadd.f32 v7, v5;
	_ =	sdelay $0x1  }
0x12e: {  	v5 =	vadd.f32 v6, v5  }
.Ltmp0:
0x12f: {  	(pc) =	sbr.rel @p0 .LBB2_2-.Ltmp0, $3  }
0x130: {  	v5 =	vadd.f32 v8, v5;
	_ =	sdelay $0x1  }
0x131: {  	[tilespmem:s15+$0x40] =	vst v5  }
0x132: {  	v5 =	vld [tilespmem:s18+$0xFFFFFED0]  }
0x133: {  	v6 =	vld [tilespmem:s14+$0xFFFFFF90];
	_ =	sdelay $0x1  }
0x134: {  	v7 =	vld [tilespmem:s14+$0x50];
	_ =	sdelay $0x1  }
0x135: {  	v8 =	vld [tilespmem:s14+$0x110]  }
0x136: {  	v1 =	vmul.f32 v5, v1;
	v2 =	vmul.f32 v6, v2  }
0x137: {  	v61 =	vld [tilespmem:s14+$0x1D0]  }
0x138: {  	v0 =	vmul.f32 v7, v0;
	v1 =	vadd.f32 v2, v1;
	_ =	sdelay $0x1  }
0x139: {  	v62 =	vmul.f32 v8, v3;
	v0 =	vadd.f32 v0, v1;
	_ =	sdelay $0x1  }
0x13a: {  	v63 =	vmul.f32 v61, v4;
	v0 =	vadd.f32 v62, v0;
	_ =	sdelay $0x1  }
0x13b: {  	s13 =	sadd.s32 $0x1, s13;
	v0 =	vadd.f32 v63, v0  }
0x13c: {  	p0 =	sne.s32 s13, s7  }
.Ltmp1:
0x13d: {  	[tilespmem:s16+$0x50] =	vst v0;
	(pc) =	sbr.rel @p0 .LBB2_1-.Ltmp1, $4  }
0x13e: {  	[hbm4b:s6+s2] =	stream.linear.scatter [tilespmem:s12], [sflag:$0x2], $0x1800, $0x38;
	[tilespmem:$0xA220] =	vst v63  }
0x13f: {  	_ =	swait.ge [sflag:s8], $0x1800  }
0x140: {  	[sflag:s8] =	ssyncset.done $0x0  }
0x141: {  	[sflag:s8] =	ssyncadd.s32 $0xFFFFE800  }
0x142: {  	_ =	sfence.sel $0x180000  }
0x143: {  	[bflag:$0x0] =	sbarrier.arrive $0xFFFF  }
0x144: {  	p0 =	sne.s32 s1, $0x0;
	_ =	strace $0x90000050  }
0x145: {  	s0 =	sadd.s32 @!p0 $0x100000, s0;
	[bflag:$0x2] =	sbarrier.arrive $0xFFFF  }
0x146: {  	[sflag:s0] =	ssyncadd.tile.s32 @!p0 $0x1;
	_ =	shalt  }
.Lfunc_end2:
_tile_overlayer_lowered:
.L_overlay_start_2:
0x147: {  	(tag) =	ssettag $0x2  }
0x148: {  	s0 =	rddreg [dreg:$0x0];
	s2 =	stileid.u32  }
0x149: {  	s1 =	rddreg [dreg:$0x1];
	p0 =	sne.s32 s2, $0x0  }
0x14a: {  	s3 =	rddreg [dreg:$0x2];
	[bflag:$0x3] =	sbarrier.arrive $0xFFFF;
	s2 =	simm.s32 @!p0 $0x1C02  }
0x14b: {  	[timem:s3], [sflag:s2] =	dma.local @!p0 [hbm:s0], s1  }
0x14c: {  	s0 =	simm.s32 @!p0 $0x2  }
0x14d: {  	_ =	swait.ge @!p0 [sflag:s0], s1  }
0x14e: {  	s1 =	ssub.s32 @!p0 $0x0, s1;
	[sflag:s0] =	ssyncset.done @!p0 $0x0  }
0x14f: {  	[sflag:s0] =	ssyncadd.s32 @!p0 s1  }
0x150: {  	[bflag:$0x3] =	sbarrier.arrive $0xFFFF  }
0x151: {  	_ =	shalt  }

</sc_bundles>
